<compile_context>
chip_gen: v7x
topology: tpu7x:2x2x1
jax: 0.10.2.dev20260603
libtpu: 0.0.44.dev20260713+nightly
codegen_flags: <defaults>
</compile_context>

<pallas_src>
import functools

import jax
import jax.numpy as jnp
from jax import lax
from jax.experimental import pallas as pl
from jax.experimental.pallas import tpu as pltpu
from jax.experimental.pallas import tpu_sc as plsc

N = 10000
E = 160000
ELG = 640000
EMB = 128
DEA = 16
DLGA = 16
C = 16

_PREC = lax.Precision.DEFAULT


def _mm(a, b):
    return lax.dot_general(a, b, (((1,), (0,)), ((), ())),
                           preferred_element_type=jnp.float32,
                           precision=_PREC)



def _k1_body(x_ref, wf_ref, bf_ref, wma_ref, wmb_ref,
             vf_ref, a_ref, b_ref):
    vf = jnp.maximum(_mm(x_ref[...], wf_ref[...]) + bf_ref[...], 0.0)
    vf_ref[...] = vf
    a_ref[...] = _mm(vf, wma_ref[...])
    b_ref[...] = _mm(vf, wmb_ref[...])


def _k1(x, Wf, bf, Wm_a, Wm_b, blk=1000):
    grid = (N // blk,)
    w_spec = pl.BlockSpec((EMB, EMB), lambda i: (0, 0))
    return pl.pallas_call(
        _k1_body,
        grid=grid,
        in_specs=[
            pl.BlockSpec((blk, EMB), lambda i: (i, 0)),
            w_spec,
            pl.BlockSpec((1, EMB), lambda i: (0, 0)),
            w_spec,
            w_spec,
        ],
        out_specs=[
            pl.BlockSpec((blk, EMB), lambda i: (i, 0)),
            pl.BlockSpec((blk, EMB), lambda i: (i, 0)),
            pl.BlockSpec((blk, EMB), lambda i: (i, 0)),
        ],
        out_shape=[
            jax.ShapeDtypeStruct((N, EMB), jnp.float32),
            jax.ShapeDtypeStruct((N, EMB), jnp.float32),
            jax.ShapeDtypeStruct((N, EMB), jnp.float32),
        ],
    )(x, Wf, bf.reshape(1, EMB), Wm_a, Wm_b)



def _k3_body(ab_ref, ea_ref, wme_ref, bm_ref, w1_ref, b1_ref, wmm_ref,
             prev_ref, m_ref):
    me = (ab_ref[...] + _mm(jnp.maximum(ea_ref[...], 0.0), wme_ref[...])
          + bm_ref[...])
    prev_ref[...] = jnp.maximum(_mm(me, w1_ref[...]) + b1_ref[...], 0.0)
    m_ref[...] = _mm(me, wmm_ref[...])


def _k3(ab, edge_attr, Wm_e, bm, W1, b1, Wmsg_m, blk=2000):
    grid = (E // blk,)
    w_spec = pl.BlockSpec((EMB, EMB), lambda i: (0, 0))
    b_spec = pl.BlockSpec((1, EMB), lambda i: (0, 0))
    return pl.pallas_call(
        _k3_body,
        grid=grid,
        in_specs=[
            pl.BlockSpec((blk, EMB), lambda i: (i, 0)),
            pl.BlockSpec((blk, DEA), lambda i: (i, 0)),
            pl.BlockSpec((DEA, EMB), lambda i: (0, 0)),
            b_spec,
            w_spec,
            b_spec,
            w_spec,
        ],
        out_specs=[
            pl.BlockSpec((blk, EMB), lambda i: (i, 0)),
            pl.BlockSpec((blk, EMB), lambda i: (i, 0)),
        ],
        out_shape=[
            jax.ShapeDtypeStruct((E, EMB), jnp.float32),
            jax.ShapeDtypeStruct((E, EMB), jnp.float32),
        ],
    )(ab, edge_attr, Wm_e, bm.reshape(1, EMB), W1, b1.reshape(1, EMB), Wmsg_m)



def _k4_body(lga_ref, wme_ref, g_ref):
    g_ref[...] = _mm(lga_ref[...], wme_ref[...])


def _k4(lg_edge_attr, Wmsg_e, blk=4000):
    grid = (ELG // blk,)
    return pl.pallas_call(
        _k4_body,
        grid=grid,
        in_specs=[
            pl.BlockSpec((blk, DLGA), lambda i: (i, 0)),
            pl.BlockSpec((DLGA, EMB), lambda i: (0, 0)),
        ],
        out_specs=pl.BlockSpec((blk, EMB), lambda i: (i, 0)),
        out_shape=jax.ShapeDtypeStruct((ELG, EMB), jnp.float32),
    )(lg_edge_attr, Wmsg_e)



def _k7_body(prev_ref, nm_ref, ea_ref,
             wr0a_ref, br0a_ref, wr0b_ref, br0b_ref,
             w2_ref, b2_ref,
             wr1a_ref, br1a_ref, wr1b_ref, br1b_ref,
             wr2a_ref, br2a_ref, wr2b_ref, br2b_ref,
             we_ref, be_ref,
             p_ref):
    def res(h, wa, ba, wb, bb):
        h1 = jnp.maximum(_mm(h, wa[...]) + ba[...], 0.0)
        h2 = jnp.maximum(_mm(h1, wb[...]) + bb[...], 0.0)
        return h + h2

    h0 = prev_ref[...] + nm_ref[...]
    xh = res(h0, wr0a_ref, br0a_ref, wr0b_ref, br0b_ref)
    x1 = jnp.maximum(_mm(xh, w2_ref[...]) + b2_ref[...], 0.0)
    x3 = res(x1, wr1a_ref, br1a_ref, wr1b_ref, br1b_ref)
    x4 = res(x3, wr2a_ref, br2a_ref, wr2b_ref, br2b_ref)
    e_emb = _mm(ea_ref[...], we_ref[...]) + be_ref[...]
    p_ref[...] = e_emb * x4


def _k7(prev, new_msg, edge_attr,
        Wr0a, br0a, Wr0b, br0b, W2, b2,
        Wr1a, br1a, Wr1b, br1b, Wr2a, br2a, Wr2b, br2b,
        We, be, blk=2000):
    grid = (E // blk,)
    w_spec = pl.BlockSpec((EMB, EMB), lambda i: (0, 0))
    b_spec = pl.BlockSpec((1, EMB), lambda i: (0, 0))
    return pl.pallas_call(
        _k7_body,
        grid=grid,
        in_specs=[
            pl.BlockSpec((blk, EMB), lambda i: (i, 0)),
            pl.BlockSpec((blk, EMB), lambda i: (i, 0)),
            pl.BlockSpec((blk, DEA), lambda i: (i, 0)),
            w_spec, b_spec, w_spec, b_spec,
            w_spec, b_spec,
            w_spec, b_spec, w_spec, b_spec,
            w_spec, b_spec, w_spec, b_spec,
            pl.BlockSpec((DEA, EMB), lambda i: (0, 0)), b_spec,
        ],
        out_specs=pl.BlockSpec((blk, EMB), lambda i: (i, 0)),
        out_shape=jax.ShapeDtypeStruct((E, EMB), jnp.float32),
    )(prev, new_msg, edge_attr,
      Wr0a, br0a.reshape(1, EMB), Wr0b, br0b.reshape(1, EMB),
      W2, b2.reshape(1, EMB),
      Wr1a, br1a.reshape(1, EMB), Wr1b, br1b.reshape(1, EMB),
      Wr2a, br2a.reshape(1, EMB), Wr2b, br2b.reshape(1, EMB),
      We, be.reshape(1, EMB))



def _k9_body(ne0_ref, ne1_ref, vf_ref, wl0_ref, bl0_ref, w4_ref, w_ref,
             wout_ref, bout_ref, out_ref):
    ne = ne0_ref[...] + ne1_ref[...]
    o1 = jnp.maximum(_mm(ne, wl0_ref[...]) + bl0_ref[...], 0.0)
    o2 = jnp.maximum(_mm(o1, wl0_ref[...]) + bl0_ref[...], 0.0)
    o3 = jnp.maximum(_mm(o2, wl0_ref[...]) + bl0_ref[...], 0.0)
    x5 = _mm(o3, w4_ref[...])
    w0 = w_ref[0, 0]
    w1 = w_ref[0, 1]
    agg = w0 * vf_ref[...] + w1 * x5
    logits = _mm(agg, wout_ref[...]) + bout_ref[...]
    m = jnp.max(logits, axis=-1, keepdims=True)
    s = logits - m
    lse = jnp.log(jnp.sum(jnp.exp(s), axis=-1, keepdims=True))
    out_ref[...] = s - lse


def _k9(ne0, ne1, vf, Wl0, bl0, W4, w01, Wout, bout, blk=1000):
    grid = (N // blk,)
    w_spec = pl.BlockSpec((EMB, EMB), lambda i: (0, 0))
    b_spec = pl.BlockSpec((1, EMB), lambda i: (0, 0))
    return pl.pallas_call(
        _k9_body,
        grid=grid,
        in_specs=[
            pl.BlockSpec((blk, EMB), lambda i: (i, 0)),
            pl.BlockSpec((blk, EMB), lambda i: (i, 0)),
            pl.BlockSpec((blk, EMB), lambda i: (i, 0)),
            w_spec, b_spec, w_spec,
            pl.BlockSpec((1, 2), lambda i: (0, 0)),
            pl.BlockSpec((EMB, C), lambda i: (0, 0)),
            pl.BlockSpec((1, C), lambda i: (0, 0)),
        ],
        out_specs=pl.BlockSpec((blk, C), lambda i: (i, 0)),
        out_shape=jax.ShapeDtypeStruct((N, C), jnp.float32),
    )(ne0, ne1, vf, Wl0, bl0.reshape(1, EMB), W4, w01,
      Wout, bout.reshape(1, C))



_NC = 2
_NS = 16
_NW = _NC * _NS


def _k2_sc(A, B, src, dst):
    per_w = E // _NW
    ch = 128
    nfull = per_w // ch
    tail = per_w - nfull * ch
    mesh = plsc.VectorSubcoreMesh(core_axis_name="c", subcore_axis_name="s")

    @functools.partial(
        pl.kernel,
        out_type=jax.ShapeDtypeStruct((E, EMB), jnp.float32),
        mesh=mesh,
        scratch_types=[
            pltpu.VMEM((ch,), jnp.int32),
            pltpu.VMEM((ch,), jnp.int32),
            pltpu.VMEM((ch, EMB), jnp.float32),
            pltpu.VMEM((ch, EMB), jnp.float32),
            pltpu.SemaphoreType.DMA,
            pltpu.SemaphoreType.DMA,
        ],
    )
    def k(a_hbm, b_hbm, src_hbm, dst_hbm, out_hbm,
          sidx, didx, bufa, bufb, sema, semb):
        wid = lax.axis_index("s") * _NC + lax.axis_index("c")
        base = wid * per_w

        def do_chunk(off, n):
            off = pl.multiple_of(off, 8)
            si = sidx if n == ch else sidx.at[pl.ds(0, n)]
            di = didx if n == ch else didx.at[pl.ds(0, n)]
            ba = bufa if n == ch else bufa.at[pl.ds(0, n)]
            bb = bufb if n == ch else bufb.at[pl.ds(0, n)]
            pltpu.sync_copy(src_hbm.at[pl.ds(off, n)], si)
            pltpu.sync_copy(dst_hbm.at[pl.ds(off, n)], di)
            da = pltpu.async_copy(a_hbm.at[si], ba, sema)
            db = pltpu.async_copy(b_hbm.at[di], bb, semb)
            da.wait()
            db.wait()

            def addrow(r, carry):
                for col in range(EMB // 16):
                    sl = pl.ds(col * 16, 16)
                    bufa[r, sl] = bufa[r, sl] + bufb[r, sl]
                return carry

            lax.fori_loop(0, n, addrow, 0)
            pltpu.sync_copy(ba, out_hbm.at[pl.ds(off, n)])

        def body(kk, carry):
            do_chunk(base + kk * ch, ch)
            return carry

        lax.fori_loop(0, nfull, body, 0)
        if tail:
            do_chunk(base + nfull * ch, tail)

    return k(A, B, src, dst)


def _k8_sc(P, dst):
    per_w = E // _NW
    ch = 128
    nfull = per_w // ch
    tail = per_w - nfull * ch
    rows_per_tile = N // _NS
    zch = 125
    mesh = plsc.VectorSubcoreMesh(core_axis_name="c", subcore_axis_name="s")

    @functools.partial(
        pl.kernel,
        out_type=jax.ShapeDtypeStruct((_NC, N, EMB), jnp.float32),
        mesh=mesh,
        scratch_types=[
            pltpu.VMEM((ch,), jnp.int32),
            pltpu.VMEM((ch, EMB), jnp.float32),
            pltpu.VMEM((zch, EMB), jnp.float32),
            pltpu.VMEM_SHARED((N, EMB), jnp.float32),
            pltpu.SemaphoreType.DMA,
        ],
    )
    def k(p_hbm, dst_hbm, out_hbm, didx, rows, zbuf, accum, sem):
        c = lax.axis_index("c")
        s = lax.axis_index("s")
        wid = s * _NC + c
        base = wid * per_w
        tbase = s * rows_per_tile

        def zrow(r, carry):
            for col in range(EMB // 16):
                zbuf[r, pl.ds(col * 16, 16)] = jnp.zeros((16,), jnp.float32)
            return carry

        lax.fori_loop(0, zch, zrow, 0)

        def zcopy(kk, carry):
            pltpu.sync_copy(zbuf, accum.at[pl.ds(tbase + kk * zch, zch)])
            return carry

        lax.fori_loop(0, rows_per_tile // zch, zcopy, 0)
        plsc.subcore_barrier()

        def do_chunk(off, n):
            off = pl.multiple_of(off, 8)
            di = didx if n == ch else didx.at[pl.ds(0, n)]
            rw = rows if n == ch else rows.at[pl.ds(0, n)]
            pltpu.sync_copy(dst_hbm.at[pl.ds(off, n)], di)
            pltpu.sync_copy(p_hbm.at[pl.ds(off, n)], rw)
            pltpu.sync_copy(rw, accum.at[di], add=True)

        def body(kk, carry):
            do_chunk(base + kk * ch, ch)
            return carry

        lax.fori_loop(0, nfull, body, 0)
        if tail:
            do_chunk(base + nfull * ch, tail)
        plsc.subcore_barrier()

        @pl.when(s < _NS - 1)
        def _copy_main():
            o = pl.multiple_of(s * 632, 8)
            pltpu.sync_copy(accum.at[pl.ds(o, 632)],
                            out_hbm.at[c, pl.ds(o, 632)])

        @pl.when(s == _NS - 1)
        def _copy_tail():
            pltpu.sync_copy(accum.at[pl.ds(9480, 520)],
                            out_hbm.at[c, pl.ds(9480, 520)])

    return k(P, dst)



def _k5g_sc(M, G, lsrc):
    per_w = ELG // _NW
    ch = 192
    nfull = per_w // ch
    tail = per_w - nfull * ch
    npairs = nfull // 2
    mesh = plsc.VectorSubcoreMesh(core_axis_name="c", subcore_axis_name="s")

    @functools.partial(
        pl.kernel,
        out_type=jax.ShapeDtypeStruct((ELG, EMB), jnp.float32),
        mesh=mesh,
        scratch_types=[
            pltpu.VMEM((ch,), jnp.int32),
            pltpu.VMEM((ch,), jnp.int32),
            pltpu.VMEM((ch, EMB), jnp.float32),
            pltpu.VMEM((ch, EMB), jnp.float32),
            pltpu.VMEM((ch, EMB), jnp.float32),
            pltpu.VMEM((ch, EMB), jnp.float32),
            pltpu.SemaphoreType.DMA,
            pltpu.SemaphoreType.DMA,
            pltpu.SemaphoreType.DMA,
            pltpu.SemaphoreType.DMA,
            pltpu.SemaphoreType.DMA,
            pltpu.SemaphoreType.DMA,
        ],
    )
    def k(m_hbm, g_hbm, lsrc_hbm, out_hbm,
          sia, sib, mba, gba, mbb, gbb,
          semma, semga, semoa, semmb, semgb, semob):
        wid = lax.axis_index("s") * _NC + lax.axis_index("c")
        base = wid * per_w

        def stage_issue(off, si, mb, gb, semm, semg):
            pltpu.async_copy(g_hbm.at[pl.ds(off, ch)], gb, semg)
            pltpu.sync_copy(lsrc_hbm.at[pl.ds(off, ch)], si)
            pltpu.async_copy(m_hbm.at[si], mb, semm)

        def wait_gathers(off, si, mb, gb, semm, semg):
            pltpu.make_async_copy(m_hbm.at[si], mb, semm).wait()
            pltpu.make_async_copy(g_hbm.at[pl.ds(off, ch)], gb, semg).wait()

        def compute(mb, gb):
            def addrow(r, carry):
                for col in range(EMB // 16):
                    sl = pl.ds(col * 16, 16)
                    mb[r, sl] = jnp.maximum(mb[r, sl] + gb[r, sl], 0.0)
                return carry

            lax.fori_loop(0, ch, addrow, 0)

        stage_issue(pl.multiple_of(base, 8), sia, mba, gba, semma, semga)
        stage_issue(pl.multiple_of(base + ch, 8), sib, mbb, gbb, semmb, semgb)

        def body(i, carry):
            offa = pl.multiple_of(base + (2 * i) * ch, 8)
            offb = pl.multiple_of(base + (2 * i + 1) * ch, 8)
            wait_gathers(offa, sia, mba, gba, semma, semga)
            compute(mba, gba)
            pltpu.async_copy(mba, out_hbm.at[pl.ds(offa, ch)], semoa)

            @pl.when(i < npairs - 1)
            def _refill_a():
                pltpu.make_async_copy(mba, out_hbm.at[pl.ds(offa, ch)],
                                      semoa).wait()
                stage_issue(pl.multiple_of(base + (2 * i + 2) * ch, 8),
                            sia, mba, gba, semma, semga)

            wait_gathers(offb, sib, mbb, gbb, semmb, semgb)
            compute(mbb, gbb)
            pltpu.async_copy(mbb, out_hbm.at[pl.ds(offb, ch)], semob)

            @pl.when(i < npairs - 1)
            def _refill_b():
                pltpu.make_async_copy(mbb, out_hbm.at[pl.ds(offb, ch)],
                                      semob).wait()
                stage_issue(pl.multiple_of(base + (2 * i + 3) * ch, 8),
                            sib, mbb, gbb, semmb, semgb)

            return carry

        lax.fori_loop(0, npairs, body, 0)
        o_last_a = pl.multiple_of(base + (nfull - 2) * ch, 8)
        o_last_b = pl.multiple_of(base + (nfull - 1) * ch, 8)
        pltpu.make_async_copy(mba, out_hbm.at[pl.ds(o_last_a, ch)],
                              semoa).wait()
        pltpu.make_async_copy(mbb, out_hbm.at[pl.ds(o_last_b, ch)],
                              semob).wait()

        if tail:
            toff = pl.multiple_of(base + nfull * ch, 8)
            sit = sia.at[pl.ds(0, tail)]
            mbt = mba.at[pl.ds(0, tail)]
            gbt = gba.at[pl.ds(0, tail)]
            pltpu.sync_copy(lsrc_hbm.at[pl.ds(toff, tail)], sit)
            da = pltpu.async_copy(m_hbm.at[sit], mbt, semma)
            db = pltpu.async_copy(g_hbm.at[pl.ds(toff, tail)], gbt, semga)
            da.wait()
            db.wait()

            def addrow_t(r, carry):
                for col in range(EMB // 16):
                    sl = pl.ds(col * 16, 16)
                    mba[r, sl] = jnp.maximum(mba[r, sl] + gba[r, sl], 0.0)
                return carry

            lax.fori_loop(0, tail, addrow_t, 0)
            pltpu.sync_copy(mbt, out_hbm.at[pl.ds(toff, tail)])

    return k(M, G, lsrc)



def kernel(x, edge_index, edge_attr, lg_edge_index, lg_edge_attr,
           Wf, bf, Wm, bm, W1, b1, Wmsg,
           Wr0a, br0a, Wr0b, br0b, Wr1a, br1a, Wr1b, br1b,
           Wr2a, br2a, Wr2b, br2b,
           W2, b2, We, be, Wl0, bl0, W4, aggr, Wout, bout):
    src = edge_index[0]
    dst = edge_index[1]
    lsrc = lg_edge_index[0]
    ldst = lg_edge_index[1]

    Wm_a = Wm[:EMB]
    Wm_b = Wm[EMB:2 * EMB]
    Wm_e = Wm[2 * EMB:]
    Wmsg_m = Wmsg[:EMB]
    Wmsg_e = Wmsg[EMB:]

    vf, A, B = _k1(x, Wf, bf, Wm_a, Wm_b)

    ab = _k2_sc(A, B, src, dst)
    prev, M = _k3(ab, edge_attr, Wm_e, bm, W1, b1, Wmsg_m)

    G = _k4(lg_edge_attr, Wmsg_e)
    lm = _k5g_sc(M, G, lsrc)
    new_msg = jax.ops.segment_sum(lm, ldst, num_segments=E)

    P = _k7(prev, new_msg, edge_attr,
            Wr0a, br0a, Wr0b, br0b, W2, b2,
            Wr1a, br1a, Wr1b, br1b, Wr2a, br2a, Wr2b, br2b,
            We, be)
    ne = _k8_sc(P, dst)

    w = jax.nn.softmax(aggr, axis=0).reshape(1, 2)
    return _k9(ne[0], ne[1], vf, Wl0, bl0, W4, w, Wout, bout)

# --- scband reference (transcript-rebuilt; emitter-appended) ---
"""Pipeline reference for scband-icdime-net-695784702037 (READ-ONLY COPY).

The authoritative reference and input builder live on the scoring server;
editing this copy changes nothing except your own understanding.
"""

import jax, jax.numpy as jnp
import numpy as np

N = 10000
E = 160000
ELG = 640000
DX = 128
DEA = 16
DLGA = 16
EMB = 128
C = 16

FLOAT_ORDER = ["x", "edge_attr", "lg_edge_attr", "Wf", "bf", "Wm", "bm", "W1", "b1", "Wmsg",
               "Wr0a", "br0a", "Wr0b", "br0b", "Wr1a", "br1a", "Wr1b", "br1b", "Wr2a", "br2a", "Wr2b", "br2b",
               "W2", "b2", "We", "be", "Wl0", "bl0", "W4", "aggr", "Wout", "bout"]


def _params(key):
    ks = jax.random.split(key, 20)
    s = 0.05
    p = {}
    p["Wf"] = jax.random.normal(ks[0], (DX, EMB), jnp.float32) * s
    p["bf"] = jnp.zeros((EMB,), jnp.float32)
    p["Wm"] = jax.random.normal(ks[1], (2 * EMB + DEA, EMB), jnp.float32) * s
    p["bm"] = jnp.zeros((EMB,), jnp.float32)
    p["W1"] = jax.random.normal(ks[2], (EMB, EMB), jnp.float32) * s
    p["b1"] = jnp.zeros((EMB,), jnp.float32)
    p["Wmsg"] = jax.random.normal(ks[3], (EMB + DLGA, EMB), jnp.float32) * s
    for i in range(3):
        p["Wr%da" % i] = jax.random.normal(ks[4 + 2 * i], (EMB, EMB), jnp.float32) * s
        p["br%da" % i] = jnp.zeros((EMB,), jnp.float32)
        p["Wr%db" % i] = jax.random.normal(ks[5 + 2 * i], (EMB, EMB), jnp.float32) * s
        p["br%db" % i] = jnp.zeros((EMB,), jnp.float32)
    p["W2"] = jax.random.normal(ks[10], (EMB, EMB), jnp.float32) * s
    p["b2"] = jnp.zeros((EMB,), jnp.float32)
    p["We"] = jax.random.normal(ks[11], (DEA, EMB), jnp.float32) * s
    p["be"] = jnp.zeros((EMB,), jnp.float32)
    p["Wl0"] = jax.random.normal(ks[12], (EMB, EMB), jnp.float32) * s
    p["bl0"] = jnp.zeros((EMB,), jnp.float32)
    p["W4"] = jax.random.normal(ks[13], (EMB, EMB), jnp.float32) * s
    p["aggr"] = jnp.ones((2, 1, 1), jnp.float32)
    p["Wout"] = jax.random.normal(ks[14], (EMB, C), jnp.float32) * s
    p["bout"] = jnp.zeros((C,), jnp.float32)
    return p


def setup_inputs(seed: int = 0):
    key = jax.random.key(seed)
    ks = jax.random.split(key, 8)
    inp = {
        "x": jax.random.normal(ks[0], (N, DX), jnp.float32),
        "edge_index": jax.random.randint(ks[1], (2, E), 0, N, jnp.int32),
        "edge_attr": jax.random.normal(ks[2], (E, DEA), jnp.float32),
        "lg_edge_index": jax.random.randint(ks[3], (2, ELG), 0, E, jnp.int32),
        "lg_edge_attr": jax.random.normal(ks[4], (ELG, DLGA), jnp.float32),
    }
    inp.update(_params(ks[5]))
    return inp


def _forward(x, edge_attr, lg_edge_attr, Wf, bf, Wm, bm, W1, b1, Wmsg,
             Wr0a, br0a, Wr0b, br0b, Wr1a, br1a, Wr1b, br1b, Wr2a, br2a, Wr2b, br2b,
             W2, b2, We, be, Wl0, bl0, W4, aggr, Wout, bout,
             edge_index, lg_edge_index):
    relu = jax.nn.relu
    # DimeNetEmbedding (dropout identity in eval mode)
    vertex_feat = relu(x @ Wf + bf)
    src = edge_index[0]
    dst = edge_index[1]
    msg = relu(jnp.concatenate([vertex_feat[src], vertex_feat[dst], edge_attr], axis=-1))
    msg_emb = msg @ Wm + bm

    def res_block(h, Wa, ba, Wb, bb):
        h1 = relu(h @ Wa + ba)
        h2 = relu(h1 @ Wb + bb)
        return h + h2

    # DimeNetInteraction
    prev = relu(msg_emb @ W1 + b1)
    lsrc = lg_edge_index[0]
    ldst = lg_edge_index[1]
    # MessageLayer on line graph: transform gathered src embedding + edge attr, relu, scatter-add to dst
    lm = relu(jnp.concatenate([msg_emb[lsrc], lg_edge_attr], axis=-1) @ Wmsg)
    new_msg = jax.ops.segment_sum(lm, ldst, num_segments=E)
    xh = res_block(prev + new_msg, Wr0a, br0a, Wr0b, br0b)
    x1 = relu(xh @ W2 + b2)
    x3 = res_block(x1, Wr1a, br1a, Wr1b, br1b)
    x4 = res_block(x3, Wr2a, br2a, Wr2b, br2b)

    # DimeNetOutput (note: original code reuses linears[0] three times)
    e_emb = edge_attr @ We + be
    node_emb = jax.ops.segment_sum(e_emb * x4, dst, num_segments=N)
    o1 = relu(node_emb @ Wl0 + bl0)
    o2 = relu(o1 @ Wl0 + bl0)
    o3 = relu(o2 @ Wl0 + bl0)
    x5 = o3 @ W4  # no bias; dropout identity in eval

    outputs = jnp.stack([vertex_feat, x5])  # [2, N, EMB]
    w = jax.nn.softmax(aggr, axis=0)
    aggr_out = jnp.sum(w * outputs, axis=0)
    return jax.nn.log_softmax(aggr_out @ Wout + bout, axis=-1)


def reference(x, edge_index, edge_attr, lg_edge_index, lg_edge_attr,
              Wf, bf, Wm, bm, W1, b1, Wmsg,
              Wr0a, br0a, Wr0b, br0b, Wr1a, br1a, Wr1b, br1b, Wr2a, br2a, Wr2b, br2b,
              W2, b2, We, be, Wl0, bl0, W4, aggr, Wout, bout):
    inp = {
        "x": x, "edge_index": edge_index, "edge_attr": edge_attr,
        "lg_edge_index": lg_edge_index, "lg_edge_attr": lg_edge_attr,
        "Wf": Wf, "bf": bf, "Wm": Wm, "bm": bm, "W1": W1, "b1": b1, "Wmsg": Wmsg,
        "Wr0a": Wr0a, "br0a": br0a, "Wr0b": Wr0b, "br0b": br0b,
        "Wr1a": Wr1a, "br1a": br1a, "Wr1b": Wr1b, "br1b": br1b,
        "Wr2a": Wr2a, "br2a": br2a, "Wr2b": Wr2b, "br2b": br2b,
        "W2": W2, "b2": b2, "We": We, "be": be, "Wl0": Wl0, "bl0": bl0,
        "W4": W4, "aggr": aggr, "Wout": Wout, "bout": bout,
    }
    floats = [inp[k] for k in FLOAT_ORDER]
    return _forward(*floats, inp["edge_index"], inp["lg_edge_index"])

if __name__ == "__main__":
    import jax
    _d = setup_inputs()
    print(jax.jit(kernel)(*tuple(_d.values())))

</pallas_src>

<mosaic_0001>
#map = affine_map<(d0, d1) -> (0, 0)>
#map1 = affine_map<(d0, d1) -> (0)>
#map2 = affine_map<(d0, d1) -> (0, 0, 0)>
module attributes {stable_mosaic.version = 14 : i64} {
  func.func @k(%arg0: i32, %arg1: i32, %arg2: memref<160000x128xf32, #tpu.memory_space<hbm>>, %arg3: memref<160000xi32, #tpu.memory_space<hbm>>, %arg4: memref<2x10000x128xf32, #tpu.memory_space<hbm>>, %arg5: memref<128xi32, #tpu.memory_space<vmem>>, %arg6: memref<128x128xf32, #tpu.memory_space<vmem>>, %arg7: memref<125x128xf32, #tpu.memory_space<vmem>>, %arg8: memref<10000x128xf32, #tpu.memory_space<vmem_shared>>, %arg9: memref<!tpu.dma_semaphore, #tpu.memory_space<semaphore_mem>>) attributes {dimension_semantics = [#tpu.dimension_semantics<core_parallel>, #tpu.dimension_semantics<subcore_parallel>], iteration_bounds = array<i64: 2, 16>, scalar_prefetch = 0 : i64, scratch_operands = 5 : i64, tpu.core_type = #tpu.core_type<sc_vector_subcore>, window_params = [{transform_indices = #map}, {transform_indices = #map1}, {transform_indices = #map2}]} {
    %mul3A = arith.constant 2 : i32
    %mul3A_0 = arith.muli %arg1, %mul3A : i32
    %add3A = arith.addi %mul3A_0, %arg0 : i32
    %mul3A_1 = arith.constant 5000 : i32
    %mul3A_2 = arith.muli %add3A, %mul3A_1 : i32
    %mul3A_3 = arith.constant 625 : i32
    %mul3A_4 = arith.muli %arg1, %mul3A_3 : i32
    %scan3A = arith.constant 0 : i32
    %scan3A_5 = arith.constant 0 : i32
    %scan3A_6 = arith.constant 125 : i32
    %scan3A_7 = arith.addi %scan3A_5, %scan3A_6 : i32
    %scan3A_8 = arith.constant 1 : i32
    scf.for %scan3A_31 = %scan3A_5 to %scan3A_7 step %scan3A_8  : i32 {
      %broadcast_in_dim3A = arith.constant 0.000000e+00 : f32
      %broadcast_in_dim3A_32 = vector.broadcast %broadcast_in_dim3A : f32 to vector<16xf32>
      %swap3A = arith.index_cast %scan3A_31 : i32 to index
      %swap3A_33 = arith.constant 0 : index
      %swap3A_34 = tpu.vector_load %arg7[%swap3A, %swap3A_33] {strides = array<i32>} : memref<125x128xf32, #tpu.memory_space<vmem>>, vector<1x16xf32>,
      %swap3A_35 = vector.shape_cast %swap3A_34 : vector<1x16xf32> to vector<16xf32>
      %swap3A_36 = vector.shape_cast %broadcast_in_dim3A_32 : vector<16xf32> to vector<1x16xf32>
      tpu.vector_store %arg7[%swap3A, %swap3A_33], %swap3A_36 {strides = array<i32>} : memref<125x128xf32, #tpu.memory_space<vmem>>, vector<1x16xf32>,
      %broadcast_in_dim3A_37 = arith.constant 0.000000e+00 : f32
      %broadcast_in_dim3A_38 = vector.broadcast %broadcast_in_dim3A_37 : f32 to vector<16xf32>
      %swap3A_39 = arith.index_cast %scan3A_31 : i32 to index
      %swap3A_40 = arith.constant 16 : index
      %swap3A_41 = tpu.vector_load %arg7[%swap3A_39, %swap3A_40] {strides = array<i32>} : memref<125x128xf32, #tpu.memory_space<vmem>>, vector<1x16xf32>,
      %swap3A_42 = vector.shape_cast %swap3A_41 : vector<1x16xf32> to vector<16xf32>
      %swap3A_43 = vector.shape_cast %broadcast_in_dim3A_38 : vector<16xf32> to vector<1x16xf32>
      tpu.vector_store %arg7[%swap3A_39, %swap3A_40], %swap3A_43 {strides = array<i32>} : memref<125x128xf32, #tpu.memory_space<vmem>>, vector<1x16xf32>,
      %broadcast_in_dim3A_44 = arith.constant 0.000000e+00 : f32
      %broadcast_in_dim3A_45 = vector.broadcast %broadcast_in_dim3A_44 : f32 to vector<16xf32>
      %swap3A_46 = arith.index_cast %scan3A_31 : i32 to index
      %swap3A_47 = arith.constant 32 : index
      %swap3A_48 = tpu.vector_load %arg7[%swap3A_46, %swap3A_47] {strides = array<i32>} : memref<125x128xf32, #tpu.memory_space<vmem>>, vector<1x16xf32>,
      %swap3A_49 = vector.shape_cast %swap3A_48 : vector<1x16xf32> to vector<16xf32>
      %swap3A_50 = vector.shape_cast %broadcast_in_dim3A_45 : vector<16xf32> to vector<1x16xf32>
      tpu.vector_store %arg7[%swap3A_46, %swap3A_47], %swap3A_50 {strides = array<i32>} : memref<125x128xf32, #tpu.memory_space<vmem>>, vector<1x16xf32>,
      %broadcast_in_dim3A_51 = arith.constant 0.000000e+00 : f32
      %broadcast_in_dim3A_52 = vector.broadcast %broadcast_in_dim3A_51 : f32 to vector<16xf32>
      %swap3A_53 = arith.index_cast %scan3A_31 : i32 to index
      %swap3A_54 = arith.constant 48 : index
      %swap3A_55 = tpu.vector_load %arg7[%swap3A_53, %swap3A_54] {strides = array<i32>} : memref<125x128xf32, #tpu.memory_space<vmem>>, vector<1x16xf32>,
      %swap3A_56 = vector.shape_cast %swap3A_55 : vector<1x16xf32> to vector<16xf32>
      %swap3A_57 = vector.shape_cast %broadcast_in_dim3A_52 : vector<16xf32> to vector<1x16xf32>
      tpu.vector_store %arg7[%swap3A_53, %swap3A_54], %swap3A_57 {strides = array<i32>} : memref<125x128xf32, #tpu.memory_space<vmem>>, vector<1x16xf32>,
      %broadcast_in_dim3A_58 = arith.constant 0.000000e+00 : f32
      %broadcast_in_dim3A_59 = vector.broadcast %broadcast_in_dim3A_58 : f32 to vector<16xf32>
      %swap3A_60 = arith.index_cast %scan3A_31 : i32 to index
      %swap3A_61 = arith.constant 64 : index
      %swap3A_62 = tpu.vector_load %arg7[%swap3A_60, %swap3A_61] {strides = array<i32>} : memref<125x128xf32, #tpu.memory_space<vmem>>, vector<1x16xf32>,
      %swap3A_63 = vector.shape_cast %swap3A_62 : vector<1x16xf32> to vector<16xf32>
      %swap3A_64 = vector.shape_cast %broadcast_in_dim3A_59 : vector<16xf32> to vector<1x16xf32>
      tpu.vector_store %arg7[%swap3A_60, %swap3A_61], %swap3A_64 {strides = array<i32>} : memref<125x128xf32, #tpu.memory_space<vmem>>, vector<1x16xf32>,
      %broadcast_in_dim3A_65 = arith.constant 0.000000e+00 : f32
      %broadcast_in_dim3A_66 = vector.broadcast %broadcast_in_dim3A_65 : f32 to vector<16xf32>
      %swap3A_67 = arith.index_cast %scan3A_31 : i32 to index
      %swap3A_68 = arith.constant 80 : index
      %swap3A_69 = tpu.vector_load %arg7[%swap3A_67, %swap3A_68] {strides = array<i32>} : memref<125x128xf32, #tpu.memory_space<vmem>>, vector<1x16xf32>,
      %swap3A_70 = vector.shape_cast %swap3A_69 : vector<1x16xf32> to vector<16xf32>
      %swap3A_71 = vector.shape_cast %broadcast_in_dim3A_66 : vector<16xf32> to vector<1x16xf32>
      tpu.vector_store %arg7[%swap3A_67, %swap3A_68], %swap3A_71 {strides = array<i32>} : memref<125x128xf32, #tpu.memory_space<vmem>>, vector<1x16xf32>,
      %broadcast_in_dim3A_72 = arith.constant 0.000000e+00 : f32
      %broadcast_in_dim3A_73 = vector.broadcast %broadcast_in_dim3A_72 : f32 to vector<16xf32>
      %swap3A_74 = arith.index_cast %scan3A_31 : i32 to index
      %swap3A_75 = arith.constant 96 : index
      %swap3A_76 = tpu.vector_load %arg7[%swap3A_74, %swap3A_75] {strides = array<i32>} : memref<125x128xf32, #tpu.memory_space<vmem>>, vector<1x16xf32>,
      %swap3A_77 = vector.shape_cast %swap3A_76 : vector<1x16xf32> to vector<16xf32>
      %swap3A_78 = vector.shape_cast %broadcast_in_dim3A_73 : vector<16xf32> to vector<1x16xf32>
      tpu.vector_store %arg7[%swap3A_74, %swap3A_75], %swap3A_78 {strides = array<i32>} : memref<125x128xf32, #tpu.memory_space<vmem>>, vector<1x16xf32>,
      %broadcast_in_dim3A_79 = arith.constant 0.000000e+00 : f32
      %broadcast_in_dim3A_80 = vector.broadcast %broadcast_in_dim3A_79 : f32 to vector<16xf32>
      %swap3A_81 = arith.index_cast %scan3A_31 : i32 to index
      %swap3A_82 = arith.constant 112 : index
      %swap3A_83 = tpu.vector_load %arg7[%swap3A_81, %swap3A_82] {strides = array<i32>} : memref<125x128xf32, #tpu.memory_space<vmem>>, vector<1x16xf32>,
      %swap3A_84 = vector.shape_cast %swap3A_83 : vector<1x16xf32> to vector<16xf32>
      %swap3A_85 = vector.shape_cast %broadcast_in_dim3A_80 : vector<16xf32> to vector<1x16xf32>
      tpu.vector_store %arg7[%swap3A_81, %swap3A_82], %swap3A_85 {strides = array<i32>} : memref<125x128xf32, #tpu.memory_space<vmem>>, vector<1x16xf32>,
    }
    %scan3A_9 = arith.constant 125 : i32
    %scan3A_10 = arith.constant 0 : i32
    %scan3A_11 = arith.constant 0 : i32
    %scan3A_12 = arith.constant 5 : i32
    %scan3A_13 = arith.addi %scan3A_11, %scan3A_12 : i32
    %scan3A_14 = arith.constant 1 : i32
    scf.for %scan3A_31 = %scan3A_11 to %scan3A_13 step %scan3A_14  : i32 {
      %mul3A_32 = arith.constant 125 : i32
      %mul3A_33 = arith.muli %scan3A_31, %mul3A_32 : i32
      %add3A_34 = arith.addi %mul3A_4, %mul3A_33 : i32
      "tpu.region"() ({
        %run_scoped3A = tpu.sem_alloc : memref<!tpu.dma_semaphore, #tpu.memory_space<semaphore_mem>>
        %dma_start3A = arith.constant 0 : i32
        %dma_start3A_35 = tpu.memref_slice %arg8[%add3A_34, %dma_start3A] : memref<10000x128xf32, #tpu.memory_space<vmem_shared>> -> memref<125x128xf32, #tpu.memory_space<vmem_shared>>
        %dma_start3A_36 = arith.constant 0 : i32
        %dma_start3A_37 = tpu.memref_slice %arg8[%add3A_34, %dma_start3A_36] : memref<10000x128xf32, #tpu.memory_space<vmem_shared>> -> memref<125x128xf32, #tpu.memory_space<vmem_shared>>
        tpu.enqueue_dma source(%arg7 : memref<125x128xf32, #tpu.memory_space<vmem>>) target(%dma_start3A_37 : memref<125x128xf32, #tpu.memory_space<vmem_shared>>) target_semaphore(%run_scoped3A : memref<!tpu.dma_semaphore, #tpu.memory_space<semaphore_mem>>)
        %dma_wait3A = arith.constant 0 : i32
        %dma_wait3A_38 = tpu.memref_slice %arg8[%add3A_34, %dma_wait3A] : memref<10000x128xf32, #tpu.memory_space<vmem_shared>> -> memref<125x128xf32, #tpu.memory_space<vmem_shared>>
        %dma_wait3A_39 = arith.constant 0 : i32
        %dma_wait3A_40 = tpu.memref_slice %arg8[%add3A_34, %dma_wait3A_39] : memref<10000x128xf32, #tpu.memory_space<vmem_shared>> -> memref<125x128xf32, #tpu.memory_space<vmem_shared>>
        tpu.wait_dma2 semaphore(%run_scoped3A : memref<!tpu.dma_semaphore, #tpu.memory_space<semaphore_mem>>) src(%arg7 : memref<125x128xf32, #tpu.memory_space<vmem>>) dst(%dma_wait3A_40 : memref<125x128xf32, #tpu.memory_space<vmem_shared>>)
        tpu.yield
      }) : () -> ()
    }
    %scan3A_15 = arith.constant 5 : i32
    %barrier3A = arith.constant 0 : index
    tpu.barrier barrier_id(%barrier3A)
    %scan3A_16 = arith.constant 0 : i32
    %scan3A_17 = arith.constant 0 : i32
    %scan3A_18 = arith.constant 39 : i32
    %scan3A_19 = arith.addi %scan3A_17, %scan3A_18 : i32
    %scan3A_20 = arith.constant 1 : i32
    scf.for %scan3A_31 = %scan3A_17 to %scan3A_19 step %scan3A_20  : i32 {
      %mul3A_32 = arith.constant 128 : i32
      %mul3A_33 = arith.muli %scan3A_31, %mul3A_32 : i32
      %add3A_34 = arith.addi %mul3A_2, %mul3A_33 : i32
      %multiple_of3A_35 = tpu.assume_multiple %add3A_34, 8 : i32
      "tpu.region"() ({
        %run_scoped3A = tpu.sem_alloc : memref<!tpu.dma_semaphore, #tpu.memory_space<semaphore_mem>>
        %dma_start3A = tpu.memref_slice %arg3[%multiple_of3A_35] : memref<160000xi32, #tpu.memory_space<hbm>> -> memref<128xi32, #tpu.memory_space<hbm>>
        %dma_start3A_36 = tpu.memref_slice %arg3[%multiple_of3A_35] : memref<160000xi32, #tpu.memory_space<hbm>> -> memref<128xi32, #tpu.memory_space<hbm>>
        tpu.enqueue_dma source(%dma_start3A_36 : memref<128xi32, #tpu.memory_space<hbm>>) target(%arg5 : memref<128xi32, #tpu.memory_space<vmem>>) target_semaphore(%run_scoped3A : memref<!tpu.dma_semaphore, #tpu.memory_space<semaphore_mem>>)
        %dma_wait3A = tpu.memref_slice %arg3[%multiple_of3A_35] : memref<160000xi32, #tpu.memory_space<hbm>> -> memref<128xi32, #tpu.memory_space<hbm>>
        %dma_wait3A_37 = tpu.memref_slice %arg3[%multiple_of3A_35] : memref<160000xi32, #tpu.memory_space<hbm>> -> memref<128xi32, #tpu.memory_space<hbm>>
        tpu.wait_dma2 semaphore(%run_scoped3A : memref<!tpu.dma_semaphore, #tpu.memory_space<semaphore_mem>>) src(%dma_wait3A_37 : memref<128xi32, #tpu.memory_space<hbm>>) dst(%arg5 : memref<128xi32, #tpu.memory_space<vmem>>)
        tpu.yield
      }) : () -> ()
      "tpu.region"() ({
        %run_scoped3A = tpu.sem_alloc : memref<!tpu.dma_semaphore, #tpu.memory_space<semaphore_mem>>
        %dma_start3A = arith.constant 0 : i32
        %dma_start3A_36 = tpu.memref_slice %arg2[%multiple_of3A_35, %dma_start3A] : memref<160000x128xf32, #tpu.memory_space<hbm>> -> memref<128x128xf32, #tpu.memory_space<hbm>>
        %dma_start3A_37 = arith.constant 0 : i32
        %dma_start3A_38 = tpu.memref_slice %arg2[%multiple_of3A_35, %dma_start3A_37] : memref<160000x128xf32, #tpu.memory_space<hbm>> -> memref<128x128xf32, #tpu.memory_space<hbm>>
        tpu.enqueue_dma source(%dma_start3A_38 : memref<128x128xf32, #tpu.memory_space<hbm>>) target(%arg6 : memref<128x128xf32, #tpu.memory_space<vmem>>) target_semaphore(%run_scoped3A : memref<!tpu.dma_semaphore, #tpu.memory_space<semaphore_mem>>)
        %dma_wait3A = arith.constant 0 : i32
        %dma_wait3A_39 = tpu.memref_slice %arg2[%multiple_of3A_35, %dma_wait3A] : memref<160000x128xf32, #tpu.memory_space<hbm>> -> memref<128x128xf32, #tpu.memory_space<hbm>>
        %dma_wait3A_40 = arith.constant 0 : i32
        %dma_wait3A_41 = tpu.memref_slice %arg2[%multiple_of3A_35, %dma_wait3A_40] : memref<160000x128xf32, #tpu.memory_space<hbm>> -> memref<128x128xf32, #tpu.memory_space<hbm>>
        tpu.wait_dma2 semaphore(%run_scoped3A : memref<!tpu.dma_semaphore, #tpu.memory_space<semaphore_mem>>) src(%dma_wait3A_41 : memref<128x128xf32, #tpu.memory_space<hbm>>) dst(%arg6 : memref<128x128xf32, #tpu.memory_space<vmem>>)
        tpu.yield
      }) : () -> ()
      "tpu.region"() ({
        %run_scoped3A = tpu.sem_alloc : memref<!tpu.dma_semaphore, #tpu.memory_space<semaphore_mem>>
        %dma_start3A = arith.constant 0 : i32
        %dma_start3A_36 = arith.constant 0 : i32
        %dma_start3A_37 = tpu.memref_slice %arg8[%dma_start3A, %dma_start3A_36] : memref<10000x128xf32, #tpu.memory_space<vmem_shared>> -> memref<10000x128xf32, #tpu.memory_space<vmem_shared>>
        tpu.enqueue_indirect_dma source(%arg6 : memref<128x128xf32, #tpu.memory_space<vmem>>) target(%dma_start3A_37 : memref<10000x128xf32, #tpu.memory_space<vmem_shared>>) offsets(%arg5 : memref<128xi32, #tpu.memory_space<vmem>>) semaphore(%run_scoped3A : memref<!tpu.dma_semaphore, #tpu.memory_space<semaphore_mem>>) {add = true}
        %dma_wait3A = arith.constant 0 : i32
        %dma_wait3A_38 = arith.constant 0 : i32
        %dma_wait3A_39 = tpu.memref_slice %arg8[%dma_wait3A, %dma_wait3A_38] : memref<10000x128xf32, #tpu.memory_space<vmem_shared>> -> memref<10000x128xf32, #tpu.memory_space<vmem_shared>>
        tpu.wait_indirect_dma semaphore(%run_scoped3A : memref<!tpu.dma_semaphore, #tpu.memory_space<semaphore_mem>>) src(%arg6 : memref<128x128xf32, #tpu.memory_space<vmem>>) dst(%dma_wait3A_39 : memref<10000x128xf32, #tpu.memory_space<vmem_shared>>)
        tpu.yield
      }) : () -> ()
    }
    %scan3A_21 = arith.constant 39 : i32
    %add3A_22 = arith.constant 4992 : i32
    %add3A_23 = arith.addi %mul3A_2, %add3A_22 : i32
    %multiple_of3A = tpu.assume_multiple %add3A_23, 8 : i32
    "tpu.region"() ({
      %run_scoped3A = tpu.sem_alloc : memref<!tpu.dma_semaphore, #tpu.memory_space<semaphore_mem>>
      %dma_start3A = arith.constant 0 : i32
      %dma_start3A_31 = tpu.memref_slice %arg5[%dma_start3A] : memref<128xi32, #tpu.memory_space<vmem>> -> memref<8xi32, #tpu.memory_space<vmem>>
      %dma_start3A_32 = tpu.memref_slice %arg3[%multiple_of3A] : memref<160000xi32, #tpu.memory_space<hbm>> -> memref<8xi32, #tpu.memory_space<hbm>>
      %dma_start3A_33 = arith.constant 0 : i32
      %dma_start3A_34 = tpu.memref_slice %arg5[%dma_start3A_33] : memref<128xi32, #tpu.memory_space<vmem>> -> memref<8xi32, #tpu.memory_space<vmem>>
      %dma_start3A_35 = tpu.memref_slice %arg3[%multiple_of3A] : memref<160000xi32, #tpu.memory_space<hbm>> -> memref<8xi32, #tpu.memory_space<hbm>>
      tpu.enqueue_dma source(%dma_start3A_35 : memref<8xi32, #tpu.memory_space<hbm>>) target(%dma_start3A_34 : memref<8xi32, #tpu.memory_space<vmem>>) target_semaphore(%run_scoped3A : memref<!tpu.dma_semaphore, #tpu.memory_space<semaphore_mem>>)
      %dma_wait3A = arith.constant 0 : i32
      %dma_wait3A_36 = tpu.memref_slice %arg5[%dma_wait3A] : memref<128xi32, #tpu.memory_space<vmem>> -> memref<8xi32, #tpu.memory_space<vmem>>
      %dma_wait3A_37 = tpu.memref_slice %arg3[%multiple_of3A] : memref<160000xi32, #tpu.memory_space<hbm>> -> memref<8xi32, #tpu.memory_space<hbm>>
      %dma_wait3A_38 = arith.constant 0 : i32
      %dma_wait3A_39 = tpu.memref_slice %arg5[%dma_wait3A_38] : memref<128xi32, #tpu.memory_space<vmem>> -> memref<8xi32, #tpu.memory_space<vmem>>
      %dma_wait3A_40 = tpu.memref_slice %arg3[%multiple_of3A] : memref<160000xi32, #tpu.memory_space<hbm>> -> memref<8xi32, #tpu.memory_space<hbm>>
      tpu.wait_dma2 semaphore(%run_scoped3A : memref<!tpu.dma_semaphore, #tpu.memory_space<semaphore_mem>>) src(%dma_wait3A_40 : memref<8xi32, #tpu.memory_space<hbm>>) dst(%dma_wait3A_39 : memref<8xi32, #tpu.memory_space<vmem>>)
      tpu.yield
    }) : () -> ()
    "tpu.region"() ({
      %run_scoped3A = tpu.sem_alloc : memref<!tpu.dma_semaphore, #tpu.memory_space<semaphore_mem>>
      %dma_start3A = arith.constant 0 : i32
      %dma_start3A_31 = arith.constant 0 : i32
      %dma_start3A_32 = tpu.memref_slice %arg6[%dma_start3A, %dma_start3A_31] : memref<128x128xf32, #tpu.memory_space<vmem>> -> memref<8x128xf32, #tpu.memory_space<vmem>>
      %dma_start3A_33 = arith.constant 0 : i32
      %dma_start3A_34 = tpu.memref_slice %arg2[%multiple_of3A, %dma_start3A_33] : memref<160000x128xf32, #tpu.memory_space<hbm>> -> memref<8x128xf32, #tpu.memory_space<hbm>>
      %dma_start3A_35 = arith.constant 0 : i32
      %dma_start3A_36 = arith.constant 0 : i32
      %dma_start3A_37 = tpu.memref_slice %arg6[%dma_start3A_35, %dma_start3A_36] : memref<128x128xf32, #tpu.memory_space<vmem>> -> memref<8x128xf32, #tpu.memory_space<vmem>>
      %dma_start3A_38 = arith.constant 0 : i32
      %dma_start3A_39 = tpu.memref_slice %arg2[%multiple_of3A, %dma_start3A_38] : memref<160000x128xf32, #tpu.memory_space<hbm>> -> memref<8x128xf32, #tpu.memory_space<hbm>>
      tpu.enqueue_dma source(%dma_start3A_39 : memref<8x128xf32, #tpu.memory_space<hbm>>) target(%dma_start3A_37 : memref<8x128xf32, #tpu.memory_space<vmem>>) target_semaphore(%run_scoped3A : memref<!tpu.dma_semaphore, #tpu.memory_space<semaphore_mem>>)
      %dma_wait3A = arith.constant 0 : i32
      %dma_wait3A_40 = arith.constant 0 : i32
      %dma_wait3A_41 = tpu.memref_slice %arg6[%dma_wait3A, %dma_wait3A_40] : memref<128x128xf32, #tpu.memory_space<vmem>> -> memref<8x128xf32, #tpu.memory_space<vmem>>
      %dma_wait3A_42 = arith.constant 0 : i32
      %dma_wait3A_43 = tpu.memref_slice %arg2[%multiple_of3A, %dma_wait3A_42] : memref<160000x128xf32, #tpu.memory_space<hbm>> -> memref<8x128xf32, #tpu.memory_space<hbm>>
      %dma_wait3A_44 = arith.constant 0 : i32
      %dma_wait3A_45 = arith.constant 0 : i32
      %dma_wait3A_46 = tpu.memref_slice %arg6[%dma_wait3A_44, %dma_wait3A_45] : memref<128x128xf32, #tpu.memory_space<vmem>> -> memref<8x128xf32, #tpu.memory_space<vmem>>
      %dma_wait3A_47 = arith.constant 0 : i32
      %dma_wait3A_48 = tpu.memref_slice %arg2[%multiple_of3A, %dma_wait3A_47] : memref<160000x128xf32, #tpu.memory_space<hbm>> -> memref<8x128xf32, #tpu.memory_space<hbm>>
      tpu.wait_dma2 semaphore(%run_scoped3A : memref<!tpu.dma_semaphore, #tpu.memory_space<semaphore_mem>>) src(%dma_wait3A_48 : memref<8x128xf32, #tpu.memory_space<hbm>>) dst(%dma_wait3A_46 : memref<8x128xf32, #tpu.memory_space<vmem>>)
      tpu.yield
    }) : () -> ()
    "tpu.region"() ({
      %run_scoped3A = tpu.sem_alloc : memref<!tpu.dma_semaphore, #tpu.memory_space<semaphore_mem>>
      %dma_start3A = arith.constant 0 : i32
      %dma_start3A_31 = arith.constant 0 : i32
      %dma_start3A_32 = tpu.memref_slice %arg6[%dma_start3A, %dma_start3A_31] : memref<128x128xf32, #tpu.memory_space<vmem>> -> memref<8x128xf32, #tpu.memory_space<vmem>>
      %dma_start3A_33 = arith.constant 0 : i32
      %dma_start3A_34 = tpu.memref_slice %arg5[%dma_start3A_33] : memref<128xi32, #tpu.memory_space<vmem>> -> memref<8xi32, #tpu.memory_space<vmem>>
      %dma_start3A_35 = arith.constant 0 : i32
      %dma_start3A_36 = arith.constant 0 : i32
      %dma_start3A_37 = tpu.memref_slice %arg8[%dma_start3A_35, %dma_start3A_36] : memref<10000x128xf32, #tpu.memory_space<vmem_shared>> -> memref<10000x128xf32, #tpu.memory_space<vmem_shared>>
      tpu.enqueue_indirect_dma source(%dma_start3A_32 : memref<8x128xf32, #tpu.memory_space<vmem>>) target(%dma_start3A_37 : memref<10000x128xf32, #tpu.memory_space<vmem_shared>>) offsets(%dma_start3A_34 : memref<8xi32, #tpu.memory_space<vmem>>) semaphore(%run_scoped3A : memref<!tpu.dma_semaphore, #tpu.memory_space<semaphore_mem>>) {add = true}
      %dma_wait3A = arith.constant 0 : i32
      %dma_wait3A_38 = arith.constant 0 : i32
      %dma_wait3A_39 = tpu.memref_slice %arg6[%dma_wait3A, %dma_wait3A_38] : memref<128x128xf32, #tpu.memory_space<vmem>> -> memref<8x128xf32, #tpu.memory_space<vmem>>
      %dma_wait3A_40 = arith.constant 0 : i32
      %dma_wait3A_41 = tpu.memref_slice %arg5[%dma_wait3A_40] : memref<128xi32, #tpu.memory_space<vmem>> -> memref<8xi32, #tpu.memory_space<vmem>>
      %dma_wait3A_42 = arith.constant 0 : i32
      %dma_wait3A_43 = arith.constant 0 : i32
      %dma_wait3A_44 = tpu.memref_slice %arg8[%dma_wait3A_42, %dma_wait3A_43] : memref<10000x128xf32, #tpu.memory_space<vmem_shared>> -> memref<10000x128xf32, #tpu.memory_space<vmem_shared>>
      tpu.wait_indirect_dma semaphore(%run_scoped3A : memref<!tpu.dma_semaphore, #tpu.memory_space<semaphore_mem>>) src(%dma_wait3A_39 : memref<8x128xf32, #tpu.memory_space<vmem>>) dst(%dma_wait3A_44 : memref<10000x128xf32, #tpu.memory_space<vmem_shared>>)
      tpu.yield
    }) : () -> ()
    %barrier3A_24 = arith.constant 0 : index
    tpu.barrier barrier_id(%barrier3A_24)
    %lt3A = arith.constant 15 : i32
    %lt3A_25 = arith.cmpi slt, %arg1, %lt3A : i32
    %convert_element_type3A = arith.extui %lt3A_25 : i1 to i32
    %cond3A = arith.constant 0 : i32
    %cond3A_26 = arith.cmpi ne, %convert_element_type3A, %cond3A : i32
    scf.if %cond3A_26 {
      %mul3A_31 = arith.constant 632 : i32
      %mul3A_32 = arith.muli %arg1, %mul3A_31 : i32
      %multiple_of3A_33 = tpu.assume_multiple %mul3A_32, 8 : i32
      "tpu.region"() ({
        %run_scoped3A = tpu.sem_alloc : memref<!tpu.dma_semaphore, #tpu.memory_space<semaphore_mem>>
        %dma_start3A = arith.constant 0 : i32
        %dma_start3A_34 = tpu.memref_slice %arg4[%arg0, %multiple_of3A_33, %dma_start3A] : memref<2x10000x128xf32, #tpu.memory_space<hbm>> -> memref<1x632x128xf32, #tpu.memory_space<hbm>>
        %dma_start3A_35 = tpu.memref_squeeze %dma_start3A_34 : memref<1x632x128xf32, #tpu.memory_space<hbm>> -> memref<632x128xf32, #tpu.memory_space<hbm>>
        %dma_start3A_36 = arith.constant 0 : i32
        %dma_start3A_37 = tpu.memref_slice %arg8[%multiple_of3A_33, %dma_start3A_36] : memref<10000x128xf32, #tpu.memory_space<vmem_shared>> -> memref<632x128xf32, #tpu.memory_space<vmem_shared>>
        tpu.enqueue_dma source(%dma_start3A_37 : memref<632x128xf32, #tpu.memory_space<vmem_shared>>) target(%dma_start3A_35 : memref<632x128xf32, #tpu.memory_space<hbm>>) target_semaphore(%run_scoped3A : memref<!tpu.dma_semaphore, #tpu.memory_space<semaphore_mem>>)
        %dma_wait3A = arith.constant 0 : i32
        %dma_wait3A_38 = tpu.memref_slice %arg4[%arg0, %multiple_of3A_33, %dma_wait3A] : memref<2x10000x128xf32, #tpu.memory_space<hbm>> -> memref<1x632x128xf32, #tpu.memory_space<hbm>>
        %dma_wait3A_39 = tpu.memref_squeeze %dma_wait3A_38 : memref<1x632x128xf32, #tpu.memory_space<hbm>> -> memref<632x128xf32, #tpu.memory_space<hbm>>
        %dma_wait3A_40 = arith.constant 0 : i32
        %dma_wait3A_41 = tpu.memref_slice %arg8[%multiple_of3A_33, %dma_wait3A_40] : memref<10000x128xf32, #tpu.memory_space<vmem_shared>> -> memref<632x128xf32, #tpu.memory_space<vmem_shared>>
        tpu.wait_dma2 semaphore(%run_scoped3A : memref<!tpu.dma_semaphore, #tpu.memory_space<semaphore_mem>>) src(%dma_wait3A_41 : memref<632x128xf32, #tpu.memory_space<vmem_shared>>) dst(%dma_wait3A_39 : memref<632x128xf32, #tpu.memory_space<hbm>>)
        tpu.yield
      }) : () -> ()
    } else {
    }
    %eq3A = arith.constant 15 : i32
    %eq3A_27 = arith.cmpi eq, %arg1, %eq3A : i32
    %convert_element_type3A_28 = arith.extui %eq3A_27 : i1 to i32
    %cond3A_29 = arith.constant 0 : i32
    %cond3A_30 = arith.cmpi ne, %convert_element_type3A_28, %cond3A_29 : i32
    scf.if %cond3A_30 {
      "tpu.region"() ({
        %run_scoped3A = tpu.sem_alloc : memref<!tpu.dma_semaphore, #tpu.memory_space<semaphore_mem>>
        %dma_start3A = arith.constant 9480 : i32
        %dma_start3A_31 = arith.constant 0 : i32
        %dma_start3A_32 = tpu.memref_slice %arg4[%arg0, %dma_start3A, %dma_start3A_31] : memref<2x10000x128xf32, #tpu.memory_space<hbm>> -> memref<1x520x128xf32, #tpu.memory_space<hbm>>
        %dma_start3A_33 = tpu.memref_squeeze %dma_start3A_32 : memref<1x520x128xf32, #tpu.memory_space<hbm>> -> memref<520x128xf32, #tpu.memory_space<hbm>>
        %dma_start3A_34 = arith.constant 9480 : i32
        %dma_start3A_35 = arith.constant 0 : i32
        %dma_start3A_36 = tpu.memref_slice %arg8[%dma_start3A_34, %dma_start3A_35] : memref<10000x128xf32, #tpu.memory_space<vmem_shared>> -> memref<520x128xf32, #tpu.memory_space<vmem_shared>>
        tpu.enqueue_dma source(%dma_start3A_36 : memref<520x128xf32, #tpu.memory_space<vmem_shared>>) target(%dma_start3A_33 : memref<520x128xf32, #tpu.memory_space<hbm>>) target_semaphore(%run_scoped3A : memref<!tpu.dma_semaphore, #tpu.memory_space<semaphore_mem>>)
        %dma_wait3A = arith.constant 9480 : i32
        %dma_wait3A_37 = arith.constant 0 : i32
        %dma_wait3A_38 = tpu.memref_slice %arg4[%arg0, %dma_wait3A, %dma_wait3A_37] : memref<2x10000x128xf32, #tpu.memory_space<hbm>> -> memref<1x520x128xf32, #tpu.memory_space<hbm>>
        %dma_wait3A_39 = tpu.memref_squeeze %dma_wait3A_38 : memref<1x520x128xf32, #tpu.memory_space<hbm>> -> memref<520x128xf32, #tpu.memory_space<hbm>>
        %dma_wait3A_40 = arith.constant 9480 : i32
        %dma_wait3A_41 = arith.constant 0 : i32
        %dma_wait3A_42 = tpu.memref_slice %arg8[%dma_wait3A_40, %dma_wait3A_41] : memref<10000x128xf32, #tpu.memory_space<vmem_shared>> -> memref<520x128xf32, #tpu.memory_space<vmem_shared>>
        tpu.wait_dma2 semaphore(%run_scoped3A : memref<!tpu.dma_semaphore, #tpu.memory_space<semaphore_mem>>) src(%dma_wait3A_42 : memref<520x128xf32, #tpu.memory_space<vmem_shared>>) dst(%dma_wait3A_39 : memref<520x128xf32, #tpu.memory_space<hbm>>)
        tpu.yield
      }) : () -> ()
    } else {
    }
    return
  }
}

#map = affine_map<(d0, d1) -> (0, 0)>
#map1 = affine_map<(d0, d1) -> (0)>
module attributes {stable_mosaic.version = 14 : i64} {
  func.func @k(%arg0: i32, %arg1: i32, %arg2: memref<10000x128xf32, #tpu.memory_space<hbm>>, %arg3: memref<10000x128xf32, #tpu.memory_space<hbm>>, %arg4: memref<160000xi32, #tpu.memory_space<hbm>>, %arg5: memref<160000xi32, #tpu.memory_space<hbm>>, %arg6: memref<160000x128xf32, #tpu.memory_space<hbm>>, %arg7: memref<128xi32, #tpu.memory_space<vmem>>, %arg8: memref<128xi32, #tpu.memory_space<vmem>>, %arg9: memref<128x128xf32, #tpu.memory_space<vmem>>, %arg10: memref<128x128xf32, #tpu.memory_space<vmem>>, %arg11: memref<!tpu.dma_semaphore, #tpu.memory_space<semaphore_mem>>, %arg12: memref<!tpu.dma_semaphore, #tpu.memory_space<semaphore_mem>>) attributes {dimension_semantics = [#tpu.dimension_semantics<core_parallel>, #tpu.dimension_semantics<subcore_parallel>], iteration_bounds = array<i64: 2, 16>, scalar_prefetch = 0 : i64, scratch_operands = 6 : i64, tpu.core_type = #tpu.core_type<sc_vector_subcore>, window_params = [{transform_indices = #map}, {transform_indices = #map}, {transform_indices = #map1}, {transform_indices = #map1}, {transform_indices = #map}]} {
    %mul3A = arith.constant 2 : i32
    %mul3A_0 = arith.muli %arg1, %mul3A : i32
    %add3A = arith.addi %mul3A_0, %arg0 : i32
    %mul3A_1 = arith.constant 5000 : i32
    %mul3A_2 = arith.muli %add3A, %mul3A_1 : i32
    %scan3A = arith.constant 0 : i32
    %scan3A_3 = arith.constant 0 : i32
    %scan3A_4 = arith.constant 39 : i32
    %scan3A_5 = arith.addi %scan3A_3, %scan3A_4 : i32
    %scan3A_6 = arith.constant 1 : i32
    scf.for %scan3A_46 = %scan3A_3 to %scan3A_5 step %scan3A_6  : i32 {
      %mul3A_47 = arith.constant 128 : i32
      %mul3A_48 = arith.muli %scan3A_46, %mul3A_47 : i32
      %add3A_49 = arith.addi %mul3A_2, %mul3A_48 : i32
      %multiple_of3A_50 = tpu.assume_multiple %add3A_49, 8 : i32
      "tpu.region"() ({
        %run_scoped3A = tpu.sem_alloc : memref<!tpu.dma_semaphore, #tpu.memory_space<semaphore_mem>>
        %dma_start3A_69 = tpu.memref_slice %arg4[%multiple_of3A_50] : memref<160000xi32, #tpu.memory_space<hbm>> -> memref<128xi32, #tpu.memory_space<hbm>>
        %dma_start3A_70 = tpu.memref_slice %arg4[%multiple_of3A_50] : memref<160000xi32, #tpu.memory_space<hbm>> -> memref<128xi32, #tpu.memory_space<hbm>>
        tpu.enqueue_dma source(%dma_start3A_70 : memref<128xi32, #tpu.memory_space<hbm>>) target(%arg7 : memref<128xi32, #tpu.memory_space<vmem>>) target_semaphore(%run_scoped3A : memref<!tpu.dma_semaphore, #tpu.memory_space<semaphore_mem>>)
        %dma_wait3A_71 = tpu.memref_slice %arg4[%multiple_of3A_50] : memref<160000xi32, #tpu.memory_space<hbm>> -> memref<128xi32, #tpu.memory_space<hbm>>
        %dma_wait3A_72 = tpu.memref_slice %arg4[%multiple_of3A_50] : memref<160000xi32, #tpu.memory_space<hbm>> -> memref<128xi32, #tpu.memory_space<hbm>>
        tpu.wait_dma2 semaphore(%run_scoped3A : memref<!tpu.dma_semaphore, #tpu.memory_space<semaphore_mem>>) src(%dma_wait3A_72 : memref<128xi32, #tpu.memory_space<hbm>>) dst(%arg7 : memref<128xi32, #tpu.memory_space<vmem>>)
        tpu.yield
      }) : () -> ()
      "tpu.region"() ({
        %run_scoped3A = tpu.sem_alloc : memref<!tpu.dma_semaphore, #tpu.memory_space<semaphore_mem>>
        %dma_start3A_69 = tpu.memref_slice %arg5[%multiple_of3A_50] : memref<160000xi32, #tpu.memory_space<hbm>> -> memref<128xi32, #tpu.memory_space<hbm>>
        %dma_start3A_70 = tpu.memref_slice %arg5[%multiple_of3A_50] : memref<160000xi32, #tpu.memory_space<hbm>> -> memref<128xi32, #tpu.memory_space<hbm>>
        tpu.enqueue_dma source(%dma_start3A_70 : memref<128xi32, #tpu.memory_space<hbm>>) target(%arg8 : memref<128xi32, #tpu.memory_space<vmem>>) target_semaphore(%run_scoped3A : memref<!tpu.dma_semaphore, #tpu.memory_space<semaphore_mem>>)
        %dma_wait3A_71 = tpu.memref_slice %arg5[%multiple_of3A_50] : memref<160000xi32, #tpu.memory_space<hbm>> -> memref<128xi32, #tpu.memory_space<hbm>>
        %dma_wait3A_72 = tpu.memref_slice %arg5[%multiple_of3A_50] : memref<160000xi32, #tpu.memory_space<hbm>> -> memref<128xi32, #tpu.memory_space<hbm>>
        tpu.wait_dma2 semaphore(%run_scoped3A : memref<!tpu.dma_semaphore, #tpu.memory_space<semaphore_mem>>) src(%dma_wait3A_72 : memref<128xi32, #tpu.memory_space<hbm>>) dst(%arg8 : memref<128xi32, #tpu.memory_space<vmem>>)
        tpu.yield
      }) : () -> ()
      %dma_start3A_51 = arith.constant 0 : i32
      %dma_start3A_52 = arith.constant 0 : i32
      %dma_start3A_53 = tpu.memref_slice %arg2[%dma_start3A_51, %dma_start3A_52] : memref<10000x128xf32, #tpu.memory_space<hbm>> -> memref<10000x128xf32, #tpu.memory_space<hbm>>
      tpu.enqueue_indirect_dma source(%dma_start3A_53 : memref<10000x128xf32, #tpu.memory_space<hbm>>) target(%arg9 : memref<128x128xf32, #tpu.memory_space<vmem>>) offsets(%arg7 : memref<128xi32, #tpu.memory_space<vmem>>) semaphore(%arg11 : memref<!tpu.dma_semaphore, #tpu.memory_space<semaphore_mem>>)
      %dma_start3A_54 = arith.constant 0 : i32
      %dma_start3A_55 = arith.constant 0 : i32
      %dma_start3A_56 = tpu.memref_slice %arg3[%dma_start3A_54, %dma_start3A_55] : memref<10000x128xf32, #tpu.memory_space<hbm>> -> memref<10000x128xf32, #tpu.memory_space<hbm>>
      tpu.enqueue_indirect_dma source(%dma_start3A_56 : memref<10000x128xf32, #tpu.memory_space<hbm>>) target(%arg10 : memref<128x128xf32, #tpu.memory_space<vmem>>) offsets(%arg8 : memref<128xi32, #tpu.memory_space<vmem>>) semaphore(%arg12 : memref<!tpu.dma_semaphore, #tpu.memory_space<semaphore_mem>>)
      %dma_wait3A_57 = arith.constant 0 : i32
      %dma_wait3A_58 = arith.constant 0 : i32
      %dma_wait3A_59 = tpu.memref_slice %arg2[%dma_wait3A_57, %dma_wait3A_58] : memref<10000x128xf32, #tpu.memory_space<hbm>> -> memref<10000x128xf32, #tpu.memory_space<hbm>>
      tpu.wait_indirect_dma semaphore(%arg11 : memref<!tpu.dma_semaphore, #tpu.memory_space<semaphore_mem>>) src(%dma_wait3A_59 : memref<10000x128xf32, #tpu.memory_space<hbm>>) dst(%arg9 : memref<128x128xf32, #tpu.memory_space<vmem>>)
      %dma_wait3A_60 = arith.constant 0 : i32
      %dma_wait3A_61 = arith.constant 0 : i32
      %dma_wait3A_62 = tpu.memref_slice %arg3[%dma_wait3A_60, %dma_wait3A_61] : memref<10000x128xf32, #tpu.memory_space<hbm>> -> memref<10000x128xf32, #tpu.memory_space<hbm>>
      tpu.wait_indirect_dma semaphore(%arg12 : memref<!tpu.dma_semaphore, #tpu.memory_space<semaphore_mem>>) src(%dma_wait3A_62 : memref<10000x128xf32, #tpu.memory_space<hbm>>) dst(%arg10 : memref<128x128xf32, #tpu.memory_space<vmem>>)
      %scan3A_63 = arith.constant 0 : i32
      %scan3A_64 = arith.constant 0 : i32
      %scan3A_65 = arith.constant 128 : i32
      %scan3A_66 = arith.addi %scan3A_64, %scan3A_65 : i32
      %scan3A_67 = arith.constant 1 : i32
      scf.for %scan3A_69 = %scan3A_64 to %scan3A_66 step %scan3A_67  : i32 {
        %get3A = arith.index_cast %scan3A_69 : i32 to index
        %get3A_70 = arith.constant 0 : index
        %get3A_71 = tpu.vector_load %arg9[%get3A, %get3A_70] {strides = array<i32>} : memref<128x128xf32, #tpu.memory_space<vmem>>, vector<1x16xf32>,
        %get3A_72 = vector.shape_cast %get3A_71 : vector<1x16xf32> to vector<16xf32>
        %get3A_73 = arith.index_cast %scan3A_69 : i32 to index
        %get3A_74 = arith.constant 0 : index
        %get3A_75 = tpu.vector_load %arg10[%get3A_73, %get3A_74] {strides = array<i32>} : memref<128x128xf32, #tpu.memory_space<vmem>>, vector<1x16xf32>,
        %get3A_76 = vector.shape_cast %get3A_75 : vector<1x16xf32> to vector<16xf32>
        %add3A_77 = arith.addf %get3A_72, %get3A_76 : vector<16xf32>
        %swap3A = arith.index_cast %scan3A_69 : i32 to index
        %swap3A_78 = arith.constant 0 : index
        %swap3A_79 = tpu.vector_load %arg9[%swap3A, %swap3A_78] {strides = array<i32>} : memref<128x128xf32, #tpu.memory_space<vmem>>, vector<1x16xf32>,
        %swap3A_80 = vector.shape_cast %swap3A_79 : vector<1x16xf32> to vector<16xf32>
        %swap3A_81 = vector.shape_cast %add3A_77 : vector<16xf32> to vector<1x16xf32>
        tpu.vector_store %arg9[%swap3A, %swap3A_78], %swap3A_81 {strides = array<i32>} : memref<128x128xf32, #tpu.memory_space<vmem>>, vector<1x16xf32>,
        %get3A_82 = arith.index_cast %scan3A_69 : i32 to index
        %get3A_83 = arith.constant 16 : index
        %get3A_84 = tpu.vector_load %arg9[%get3A_82, %get3A_83] {strides = array<i32>} : memref<128x128xf32, #tpu.memory_space<vmem>>, vector<1x16xf32>,
        %get3A_85 = vector.shape_cast %get3A_84 : vector<1x16xf32> to vector<16xf32>
        %get3A_86 = arith.index_cast %scan3A_69 : i32 to index
        %get3A_87 = arith.constant 16 : index
        %get3A_88 = tpu.vector_load %arg10[%get3A_86, %get3A_87] {strides = array<i32>} : memref<128x128xf32, #tpu.memory_space<vmem>>, vector<1x16xf32>,
        %get3A_89 = vector.shape_cast %get3A_88 : vector<1x16xf32> to vector<16xf32>
        %add3A_90 = arith.addf %get3A_85, %get3A_89 : vector<16xf32>
        %swap3A_91 = arith.index_cast %scan3A_69 : i32 to index
        %swap3A_92 = arith.constant 16 : index
        %swap3A_93 = tpu.vector_load %arg9[%swap3A_91, %swap3A_92] {strides = array<i32>} : memref<128x128xf32, #tpu.memory_space<vmem>>, vector<1x16xf32>,
        %swap3A_94 = vector.shape_cast %swap3A_93 : vector<1x16xf32> to vector<16xf32>
        %swap3A_95 = vector.shape_cast %add3A_90 : vector<16xf32> to vector<1x16xf32>
        tpu.vector_store %arg9[%swap3A_91, %swap3A_92], %swap3A_95 {strides = array<i32>} : memref<128x128xf32, #tpu.memory_space<vmem>>, vector<1x16xf32>,
        %get3A_96 = arith.index_cast %scan3A_69 : i32 to index
        %get3A_97 = arith.constant 32 : index
        %get3A_98 = tpu.vector_load %arg9[%get3A_96, %get3A_97] {strides = array<i32>} : memref<128x128xf32, #tpu.memory_space<vmem>>, vector<1x16xf32>,
        %get3A_99 = vector.shape_cast %get3A_98 : vector<1x16xf32> to vector<16xf32>
        %get3A_100 = arith.index_cast %scan3A_69 : i32 to index
        %get3A_101 = arith.constant 32 : index
        %get3A_102 = tpu.vector_load %arg10[%get3A_100, %get3A_101] {strides = array<i32>} : memref<128x128xf32, #tpu.memory_space<vmem>>, vector<1x16xf32>,
        %get3A_103 = vector.shape_cast %get3A_102 : vector<1x16xf32> to vector<16xf32>
        %add3A_104 = arith.addf %get3A_99, %get3A_103 : vector<16xf32>
        %swap3A_105 = arith.index_cast %scan3A_69 : i32 to index
        %swap3A_106 = arith.constant 32 : index
        %swap3A_107 = tpu.vector_load %arg9[%swap3A_105, %swap3A_106] {strides = array<i32>} : memref<128x128xf32, #tpu.memory_space<vmem>>, vector<1x16xf32>,
        %swap3A_108 = vector.shape_cast %swap3A_107 : vector<1x16xf32> to vector<16xf32>
        %swap3A_109 = vector.shape_cast %add3A_104 : vector<16xf32> to vector<1x16xf32>
        tpu.vector_store %arg9[%swap3A_105, %swap3A_106], %swap3A_109 {strides = array<i32>} : memref<128x128xf32, #tpu.memory_space<vmem>>, vector<1x16xf32>,
        %get3A_110 = arith.index_cast %scan3A_69 : i32 to index
        %get3A_111 = arith.constant 48 : index
        %get3A_112 = tpu.vector_load %arg9[%get3A_110, %get3A_111] {strides = array<i32>} : memref<128x128xf32, #tpu.memory_space<vmem>>, vector<1x16xf32>,
        %get3A_113 = vector.shape_cast %get3A_112 : vector<1x16xf32> to vector<16xf32>
        %get3A_114 = arith.index_cast %scan3A_69 : i32 to index
        %get3A_115 = arith.constant 48 : index
        %get3A_116 = tpu.vector_load %arg10[%get3A_114, %get3A_115] {strides = array<i32>} : memref<128x128xf32, #tpu.memory_space<vmem>>, vector<1x16xf32>,
        %get3A_117 = vector.shape_cast %get3A_116 : vector<1x16xf32> to vector<16xf32>
        %add3A_118 = arith.addf %get3A_113, %get3A_117 : vector<16xf32>
        %swap3A_119 = arith.index_cast %scan3A_69 : i32 to index
        %swap3A_120 = arith.constant 48 : index
        %swap3A_121 = tpu.vector_load %arg9[%swap3A_119, %swap3A_120] {strides = array<i32>} : memref<128x128xf32, #tpu.memory_space<vmem>>, vector<1x16xf32>,
        %swap3A_122 = vector.shape_cast %swap3A_121 : vector<1x16xf32> to vector<16xf32>
        %swap3A_123 = vector.shape_cast %add3A_118 : vector<16xf32> to vector<1x16xf32>
        tpu.vector_store %arg9[%swap3A_119, %swap3A_120], %swap3A_123 {strides = array<i32>} : memref<128x128xf32, #tpu.memory_space<vmem>>, vector<1x16xf32>,
        %get3A_124 = arith.index_cast %scan3A_69 : i32 to index
        %get3A_125 = arith.constant 64 : index
        %get3A_126 = tpu.vector_load %arg9[%get3A_124, %get3A_125] {strides = array<i32>} : memref<128x128xf32, #tpu.memory_space<vmem>>, vector<1x16xf32>,
        %get3A_127 = vector.shape_cast %get3A_126 : vector<1x16xf32> to vector<16xf32>
        %get3A_128 = arith.index_cast %scan3A_69 : i32 to index
        %get3A_129 = arith.constant 64 : index
        %get3A_130 = tpu.vector_load %arg10[%get3A_128, %get3A_129] {strides = array<i32>} : memref<128x128xf32, #tpu.memory_space<vmem>>, vector<1x16xf32>,
        %get3A_131 = vector.shape_cast %get3A_130 : vector<1x16xf32> to vector<16xf32>
        %add3A_132 = arith.addf %get3A_127, %get3A_131 : vector<16xf32>
        %swap3A_133 = arith.index_cast %scan3A_69 : i32 to index
        %swap3A_134 = arith.constant 64 : index
        %swap3A_135 = tpu.vector_load %arg9[%swap3A_133, %swap3A_134] {strides = array<i32>} : memref<128x128xf32, #tpu.memory_space<vmem>>, vector<1x16xf32>,
        %swap3A_136 = vector.shape_cast %swap3A_135 : vector<1x16xf32> to vector<16xf32>
        %swap3A_137 = vector.shape_cast %add3A_132 : vector<16xf32> to vector<1x16xf32>
        tpu.vector_store %arg9[%swap3A_133, %swap3A_134], %swap3A_137 {strides = array<i32>} : memref<128x128xf32, #tpu.memory_space<vmem>>, vector<1x16xf32>,
        %get3A_138 = arith.index_cast %scan3A_69 : i32 to index
        %get3A_139 = arith.constant 80 : index
        %get3A_140 = tpu.vector_load %arg9[%get3A_138, %get3A_139] {strides = array<i32>} : memref<128x128xf32, #tpu.memory_space<vmem>>, vector<1x16xf32>,
        %get3A_141 = vector.shape_cast %get3A_140 : vector<1x16xf32> to vector<16xf32>
        %get3A_142 = arith.index_cast %scan3A_69 : i32 to index
        %get3A_143 = arith.constant 80 : index
        %get3A_144 = tpu.vector_load %arg10[%get3A_142, %get3A_143] {strides = array<i32>} : memref<128x128xf32, #tpu.memory_space<vmem>>, vector<1x16xf32>,
        %get3A_145 = vector.shape_cast %get3A_144 : vector<1x16xf32> to vector<16xf32>
        %add3A_146 = arith.addf %get3A_141, %get3A_145 : vector<16xf32>
        %swap3A_147 = arith.index_cast %scan3A_69 : i32 to index
        %swap3A_148 = arith.constant 80 : index
        %swap3A_149 = tpu.vector_load %arg9[%swap3A_147, %swap3A_148] {strides = array<i32>} : memref<128x128xf32, #tpu.memory_space<vmem>>, vector<1x16xf32>,
        %swap3A_150 = vector.shape_cast %swap3A_149 : vector<1x16xf32> to vector<16xf32>
        %swap3A_151 = vector.shape_cast %add3A_146 : vector<16xf32> to vector<1x16xf32>
        tpu.vector_store %arg9[%swap3A_147, %swap3A_148], %swap3A_151 {strides = array<i32>} : memref<128x128xf32, #tpu.memory_space<vmem>>, vector<1x16xf32>,
        %get3A_152 = arith.index_cast %scan3A_69 : i32 to index
        %get3A_153 = arith.constant 96 : index
        %get3A_154 = tpu.vector_load %arg9[%get3A_152, %get3A_153] {strides = array<i32>} : memref<128x128xf32, #tpu.memory_space<vmem>>, vector<1x16xf32>,
        %get3A_155 = vector.shape_cast %get3A_154 : vector<1x16xf32> to vector<16xf32>
        %get3A_156 = arith.index_cast %scan3A_69 : i32 to index
        %get3A_157 = arith.constant 96 : index
        %get3A_158 = tpu.vector_load %arg10[%get3A_156, %get3A_157] {strides = array<i32>} : memref<128x128xf32, #tpu.memory_space<vmem>>, vector<1x16xf32>,
        %get3A_159 = vector.shape_cast %get3A_158 : vector<1x16xf32> to vector<16xf32>
        %add3A_160 = arith.addf %get3A_155, %get3A_159 : vector<16xf32>
        %swap3A_161 = arith.index_cast %scan3A_69 : i32 to index
        %swap3A_162 = arith.constant 96 : index
        %swap3A_163 = tpu.vector_load %arg9[%swap3A_161, %swap3A_162] {strides = array<i32>} : memref<128x128xf32, #tpu.memory_space<vmem>>, vector<1x16xf32>,
        %swap3A_164 = vector.shape_cast %swap3A_163 : vector<1x16xf32> to vector<16xf32>
        %swap3A_165 = vector.shape_cast %add3A_160 : vector<16xf32> to vector<1x16xf32>
        tpu.vector_store %arg9[%swap3A_161, %swap3A_162], %swap3A_165 {strides = array<i32>} : memref<128x128xf32, #tpu.memory_space<vmem>>, vector<1x16xf32>,
        %get3A_166 = arith.index_cast %scan3A_69 : i32 to index
        %get3A_167 = arith.constant 112 : index
        %get3A_168 = tpu.vector_load %arg9[%get3A_166, %get3A_167] {strides = array<i32>} : memref<128x128xf32, #tpu.memory_space<vmem>>, vector<1x16xf32>,
        %get3A_169 = vector.shape_cast %get3A_168 : vector<1x16xf32> to vector<16xf32>
        %get3A_170 = arith.index_cast %scan3A_69 : i32 to index
        %get3A_171 = arith.constant 112 : index
        %get3A_172 = tpu.vector_load %arg10[%get3A_170, %get3A_171] {strides = array<i32>} : memref<128x128xf32, #tpu.memory_space<vmem>>, vector<1x16xf32>,
        %get3A_173 = vector.shape_cast %get3A_172 : vector<1x16xf32> to vector<16xf32>
        %add3A_174 = arith.addf %get3A_169, %get3A_173 : vector<16xf32>
        %swap3A_175 = arith.index_cast %scan3A_69 : i32 to index
        %swap3A_176 = arith.constant 112 : index
        %swap3A_177 = tpu.vector_load %arg9[%swap3A_175, %swap3A_176] {strides = array<i32>} : memref<128x128xf32, #tpu.memory_space<vmem>>, vector<1x16xf32>,
        %swap3A_178 = vector.shape_cast %swap3A_177 : vector<1x16xf32> to vector<16xf32>
        %swap3A_179 = vector.shape_cast %add3A_174 : vector<16xf32> to vector<1x16xf32>
        tpu.vector_store %arg9[%swap3A_175, %swap3A_176], %swap3A_179 {strides = array<i32>} : memref<128x128xf32, #tpu.memory_space<vmem>>, vector<1x16xf32>,
      }
      %scan3A_68 = arith.constant 128 : i32
      "tpu.region"() ({
        %run_scoped3A = tpu.sem_alloc : memref<!tpu.dma_semaphore, #tpu.memory_space<semaphore_mem>>
        %dma_start3A_69 = arith.constant 0 : i32
        %dma_start3A_70 = tpu.memref_slice %arg6[%multiple_of3A_50, %dma_start3A_69] : memref<160000x128xf32, #tpu.memory_space<hbm>> -> memref<128x128xf32, #tpu.memory_space<hbm>>
        %dma_start3A_71 = arith.constant 0 : i32
        %dma_start3A_72 = tpu.memref_slice %arg6[%multiple_of3A_50, %dma_start3A_71] : memref<160000x128xf32, #tpu.memory_space<hbm>> -> memref<128x128xf32, #tpu.memory_space<hbm>>
        tpu.enqueue_dma source(%arg9 : memref<128x128xf32, #tpu.memory_space<vmem>>) target(%dma_start3A_72 : memref<128x128xf32, #tpu.memory_space<hbm>>) target_semaphore(%run_scoped3A : memref<!tpu.dma_semaphore, #tpu.memory_space<semaphore_mem>>)
        %dma_wait3A_73 = arith.constant 0 : i32
        %dma_wait3A_74 = tpu.memref_slice %arg6[%multiple_of3A_50, %dma_wait3A_73] : memref<160000x128xf32, #tpu.memory_space<hbm>> -> memref<128x128xf32, #tpu.memory_space<hbm>>
        %dma_wait3A_75 = arith.constant 0 : i32
        %dma_wait3A_76 = tpu.memref_slice %arg6[%multiple_of3A_50, %dma_wait3A_75] : memref<160000x128xf32, #tpu.memory_space<hbm>> -> memref<128x128xf32, #tpu.memory_space<hbm>>
        tpu.wait_dma2 semaphore(%run_scoped3A : memref<!tpu.dma_semaphore, #tpu.memory_space<semaphore_mem>>) src(%arg9 : memref<128x128xf32, #tpu.memory_space<vmem>>) dst(%dma_wait3A_76 : memref<128x128xf32, #tpu.memory_space<hbm>>)
        tpu.yield
      }) : () -> ()
    }
    %scan3A_7 = arith.constant 39 : i32
    %add3A_8 = arith.constant 4992 : i32
    %add3A_9 = arith.addi %mul3A_2, %add3A_8 : i32
    %multiple_of3A = tpu.assume_multiple %add3A_9, 8 : i32
    "tpu.region"() ({
      %run_scoped3A = tpu.sem_alloc : memref<!tpu.dma_semaphore, #tpu.memory_space<semaphore_mem>>
      %dma_start3A_46 = arith.constant 0 : i32
      %dma_start3A_47 = tpu.memref_slice %arg7[%dma_start3A_46] : memref<128xi32, #tpu.memory_space<vmem>> -> memref<8xi32, #tpu.memory_space<vmem>>
      %dma_start3A_48 = tpu.memref_slice %arg4[%multiple_of3A] : memref<160000xi32, #tpu.memory_space<hbm>> -> memref<8xi32, #tpu.memory_space<hbm>>
      %dma_start3A_49 = arith.constant 0 : i32
      %dma_start3A_50 = tpu.memref_slice %arg7[%dma_start3A_49] : memref<128xi32, #tpu.memory_space<vmem>> -> memref<8xi32, #tpu.memory_space<vmem>>
      %dma_start3A_51 = tpu.memref_slice %arg4[%multiple_of3A] : memref<160000xi32, #tpu.memory_space<hbm>> -> memref<8xi32, #tpu.memory_space<hbm>>
      tpu.enqueue_dma source(%dma_start3A_51 : memref<8xi32, #tpu.memory_space<hbm>>) target(%dma_start3A_50 : memref<8xi32, #tpu.memory_space<vmem>>) target_semaphore(%run_scoped3A : memref<!tpu.dma_semaphore, #tpu.memory_space<semaphore_mem>>)
      %dma_wait3A_52 = arith.constant 0 : i32
      %dma_wait3A_53 = tpu.memref_slice %arg7[%dma_wait3A_52] : memref<128xi32, #tpu.memory_space<vmem>> -> memref<8xi32, #tpu.memory_space<vmem>>
      %dma_wait3A_54 = tpu.memref_slice %arg4[%multiple_of3A] : memref<160000xi32, #tpu.memory_space<hbm>> -> memref<8xi32, #tpu.memory_space<hbm>>
      %dma_wait3A_55 = arith.constant 0 : i32
      %dma_wait3A_56 = tpu.memref_slice %arg7[%dma_wait3A_55] : memref<128xi32, #tpu.memory_space<vmem>> -> memref<8xi32, #tpu.memory_space<vmem>>
      %dma_wait3A_57 = tpu.memref_slice %arg4[%multiple_of3A] : memref<160000xi32, #tpu.memory_space<hbm>> -> memref<8xi32, #tpu.memory_space<hbm>>
      tpu.wait_dma2 semaphore(%run_scoped3A : memref<!tpu.dma_semaphore, #tpu.memory_space<semaphore_mem>>) src(%dma_wait3A_57 : memref<8xi32, #tpu.memory_space<hbm>>) dst(%dma_wait3A_56 : memref<8xi32, #tpu.memory_space<vmem>>)
      tpu.yield
    }) : () -> ()
    "tpu.region"() ({
      %run_scoped3A = tpu.sem_alloc : memref<!tpu.dma_semaphore, #tpu.memory_space<semaphore_mem>>
      %dma_start3A_46 = arith.constant 0 : i32
      %dma_start3A_47 = tpu.memref_slice %arg8[%dma_start3A_46] : memref<128xi32, #tpu.memory_space<vmem>> -> memref<8xi32, #tpu.memory_space<vmem>>
      %dma_start3A_48 = tpu.memref_slice %arg5[%multiple_of3A] : memref<160000xi32, #tpu.memory_space<hbm>> -> memref<8xi32, #tpu.memory_space<hbm>>
      %dma_start3A_49 = arith.constant 0 : i32
      %dma_start3A_50 = tpu.memref_slice %arg8[%dma_start3A_49] : memref<128xi32, #tpu.memory_space<vmem>> -> memref<8xi32, #tpu.memory_space<vmem>>
      %dma_start3A_51 = tpu.memref_slice %arg5[%multiple_of3A] : memref<160000xi32, #tpu.memory_space<hbm>> -> memref<8xi32, #tpu.memory_space<hbm>>
      tpu.enqueue_dma source(%dma_start3A_51 : memref<8xi32, #tpu.memory_space<hbm>>) target(%dma_start3A_50 : memref<8xi32, #tpu.memory_space<vmem>>) target_semaphore(%run_scoped3A : memref<!tpu.dma_semaphore, #tpu.memory_space<semaphore_mem>>)
      %dma_wait3A_52 = arith.constant 0 : i32
      %dma_wait3A_53 = tpu.memref_slice %arg8[%dma_wait3A_52] : memref<128xi32, #tpu.memory_space<vmem>> -> memref<8xi32, #tpu.memory_space<vmem>>
      %dma_wait3A_54 = tpu.memref_slice %arg5[%multiple_of3A] : memref<160000xi32, #tpu.memory_space<hbm>> -> memref<8xi32, #tpu.memory_space<hbm>>
      %dma_wait3A_55 = arith.constant 0 : i32
      %dma_wait3A_56 = tpu.memref_slice %arg8[%dma_wait3A_55] : memref<128xi32, #tpu.memory_space<vmem>> -> memref<8xi32, #tpu.memory_space<vmem>>
      %dma_wait3A_57 = tpu.memref_slice %arg5[%multiple_of3A] : memref<160000xi32, #tpu.memory_space<hbm>> -> memref<8xi32, #tpu.memory_space<hbm>>
      tpu.wait_dma2 semaphore(%run_scoped3A : memref<!tpu.dma_semaphore, #tpu.memory_space<semaphore_mem>>) src(%dma_wait3A_57 : memref<8xi32, #tpu.memory_space<hbm>>) dst(%dma_wait3A_56 : memref<8xi32, #tpu.memory_space<vmem>>)
      tpu.yield
    }) : () -> ()
    %dma_start3A = arith.constant 0 : i32
    %dma_start3A_10 = arith.constant 0 : i32
    %dma_start3A_11 = tpu.memref_slice %arg9[%dma_start3A, %dma_start3A_10] : memref<128x128xf32, #tpu.memory_space<vmem>> -> memref<8x128xf32, #tpu.memory_space<vmem>>
    %dma_start3A_12 = arith.constant 0 : i32
    %dma_start3A_13 = tpu.memref_slice %arg7[%dma_start3A_12] : memref<128xi32, #tpu.memory_space<vmem>> -> memref<8xi32, #tpu.memory_space<vmem>>
    %dma_start3A_14 = arith.constant 0 : i32
    %dma_start3A_15 = arith.constant 0 : i32
    %dma_start3A_16 = tpu.memref_slice %arg2[%dma_start3A_14, %dma_start3A_15] : memref<10000x128xf32, #tpu.memory_space<hbm>> -> memref<10000x128xf32, #tpu.memory_space<hbm>>
    tpu.enqueue_indirect_dma source(%dma_start3A_16 : memref<10000x128xf32, #tpu.memory_space<hbm>>) target(%dma_start3A_11 : memref<8x128xf32, #tpu.memory_space<vmem>>) offsets(%dma_start3A_13 : memref<8xi32, #tpu.memory_space<vmem>>) semaphore(%arg11 : memref<!tpu.dma_semaphore, #tpu.memory_space<semaphore_mem>>)
    %dma_start3A_17 = arith.constant 0 : i32
    %dma_start3A_18 = arith.constant 0 : i32
    %dma_start3A_19 = tpu.memref_slice %arg10[%dma_start3A_17, %dma_start3A_18] : memref<128x128xf32, #tpu.memory_space<vmem>> -> memref<8x128xf32, #tpu.memory_space<vmem>>
    %dma_start3A_20 = arith.constant 0 : i32
    %dma_start3A_21 = tpu.memref_slice %arg8[%dma_start3A_20] : memref<128xi32, #tpu.memory_space<vmem>> -> memref<8xi32, #tpu.memory_space<vmem>>
    %dma_start3A_22 = arith.constant 0 : i32
    %dma_start3A_23 = arith.constant 0 : i32
    %dma_start3A_24 = tpu.memref_slice %arg3[%dma_start3A_22, %dma_start3A_23] : memref<10000x128xf32, #tpu.memory_space<hbm>> -> memref<10000x128xf32, #tpu.memory_space<hbm>>
    tpu.enqueue_indirect_dma source(%dma_start3A_24 : memref<10000x128xf32, #tpu.memory_space<hbm>>) target(%dma_start3A_19 : memref<8x128xf32, #tpu.memory_space<vmem>>) offsets(%dma_start3A_21 : memref<8xi32, #tpu.memory_space<vmem>>) semaphore(%arg12 : memref<!tpu.dma_semaphore, #tpu.memory_space<semaphore_mem>>)
    %dma_wait3A = arith.constant 0 : i32
    %dma_wait3A_25 = arith.constant 0 : i32
    %dma_wait3A_26 = tpu.memref_slice %arg9[%dma_wait3A, %dma_wait3A_25] : memref<128x128xf32, #tpu.memory_space<vmem>> -> memref<8x128xf32, #tpu.memory_space<vmem>>
    %dma_wait3A_27 = arith.constant 0 : i32
    %dma_wait3A_28 = tpu.memref_slice %arg7[%dma_wait3A_27] : memref<128xi32, #tpu.memory_space<vmem>> -> memref<8xi32, #tpu.memory_space<vmem>>
    %dma_wait3A_29 = arith.constant 0 : i32
    %dma_wait3A_30 = arith.constant 0 : i32
    %dma_wait3A_31 = tpu.memref_slice %arg2[%dma_wait3A_29, %dma_wait3A_30] : memref<10000x128xf32, #tpu.memory_space<hbm>> -> memref<10000x128xf32, #tpu.memory_space<hbm>>
    tpu.wait_indirect_dma semaphore(%arg11 : memref<!tpu.dma_semaphore, #tpu.memory_space<semaphore_mem>>) src(%dma_wait3A_31 : memref<10000x128xf32, #tpu.memory_space<hbm>>) dst(%dma_wait3A_26 : memref<8x128xf32, #tpu.memory_space<vmem>>)
    %dma_wait3A_32 = arith.constant 0 : i32
    %dma_wait3A_33 = arith.constant 0 : i32
    %dma_wait3A_34 = tpu.memref_slice %arg10[%dma_wait3A_32, %dma_wait3A_33] : memref<128x128xf32, #tpu.memory_space<vmem>> -> memref<8x128xf32, #tpu.memory_space<vmem>>
    %dma_wait3A_35 = arith.constant 0 : i32
    %dma_wait3A_36 = tpu.memref_slice %arg8[%dma_wait3A_35] : memref<128xi32, #tpu.memory_space<vmem>> -> memref<8xi32, #tpu.memory_space<vmem>>
    %dma_wait3A_37 = arith.constant 0 : i32
    %dma_wait3A_38 = arith.constant 0 : i32
    %dma_wait3A_39 = tpu.memref_slice %arg3[%dma_wait3A_37, %dma_wait3A_38] : memref<10000x128xf32, #tpu.memory_space<hbm>> -> memref<10000x128xf32, #tpu.memory_space<hbm>>
    tpu.wait_indirect_dma semaphore(%arg12 : memref<!tpu.dma_semaphore, #tpu.memory_space<semaphore_mem>>) src(%dma_wait3A_39 : memref<10000x128xf32, #tpu.memory_space<hbm>>) dst(%dma_wait3A_34 : memref<8x128xf32, #tpu.memory_space<vmem>>)
    %scan3A_40 = arith.constant 0 : i32
    %scan3A_41 = arith.constant 0 : i32
    %scan3A_42 = arith.constant 8 : i32
    %scan3A_43 = arith.addi %scan3A_41, %scan3A_42 : i32
    %scan3A_44 = arith.constant 1 : i32
    scf.for %scan3A_46 = %scan3A_41 to %scan3A_43 step %scan3A_44  : i32 {
      %get3A = arith.index_cast %scan3A_46 : i32 to index
      %get3A_47 = arith.constant 0 : index
      %get3A_48 = tpu.vector_load %arg9[%get3A, %get3A_47] {strides = array<i32>} : memref<128x128xf32, #tpu.memory_space<vmem>>, vector<1x16xf32>,
      %get3A_49 = vector.shape_cast %get3A_48 : vector<1x16xf32> to vector<16xf32>
      %get3A_50 = arith.index_cast %scan3A_46 : i32 to index
      %get3A_51 = arith.constant 0 : index
      %get3A_52 = tpu.vector_load %arg10[%get3A_50, %get3A_51] {strides = array<i32>} : memref<128x128xf32, #tpu.memory_space<vmem>>, vector<1x16xf32>,
      %get3A_53 = vector.shape_cast %get3A_52 : vector<1x16xf32> to vector<16xf32>
      %add3A_54 = arith.addf %get3A_49, %get3A_53 : vector<16xf32>
      %swap3A = arith.index_cast %scan3A_46 : i32 to index
      %swap3A_55 = arith.constant 0 : index
      %swap3A_56 = tpu.vector_load %arg9[%swap3A, %swap3A_55] {strides = array<i32>} : memref<128x128xf32, #tpu.memory_space<vmem>>, vector<1x16xf32>,
      %swap3A_57 = vector.shape_cast %swap3A_56 : vector<1x16xf32> to vector<16xf32>
      %swap3A_58 = vector.shape_cast %add3A_54 : vector<16xf32> to vector<1x16xf32>
      tpu.vector_store %arg9[%swap3A, %swap3A_55], %swap3A_58 {strides = array<i32>} : memref<128x128xf32, #tpu.memory_space<vmem>>, vector<1x16xf32>,
      %get3A_59 = arith.index_cast %scan3A_46 : i32 to index
      %get3A_60 = arith.constant 16 : index
      %get3A_61 = tpu.vector_load %arg9[%get3A_59, %get3A_60] {strides = array<i32>} : memref<128x128xf32, #tpu.memory_space<vmem>>, vector<1x16xf32>,
      %get3A_62 = vector.shape_cast %get3A_61 : vector<1x16xf32> to vector<16xf32>
      %get3A_63 = arith.index_cast %scan3A_46 : i32 to index
      %get3A_64 = arith.constant 16 : index
      %get3A_65 = tpu.vector_load %arg10[%get3A_63, %get3A_64] {strides = array<i32>} : memref<128x128xf32, #tpu.memory_space<vmem>>, vector<1x16xf32>,
      %get3A_66 = vector.shape_cast %get3A_65 : vector<1x16xf32> to vector<16xf32>
      %add3A_67 = arith.addf %get3A_62, %get3A_66 : vector<16xf32>
      %swap3A_68 = arith.index_cast %scan3A_46 : i32 to index
      %swap3A_69 = arith.constant 16 : index
      %swap3A_70 = tpu.vector_load %arg9[%swap3A_68, %swap3A_69] {strides = array<i32>} : memref<128x128xf32, #tpu.memory_space<vmem>>, vector<1x16xf32>,
      %swap3A_71 = vector.shape_cast %swap3A_70 : vector<1x16xf32> to vector<16xf32>
      %swap3A_72 = vector.shape_cast %add3A_67 : vector<16xf32> to vector<1x16xf32>
      tpu.vector_store %arg9[%swap3A_68, %swap3A_69], %swap3A_72 {strides = array<i32>} : memref<128x128xf32, #tpu.memory_space<vmem>>, vector<1x16xf32>,
      %get3A_73 = arith.index_cast %scan3A_46 : i32 to index
      %get3A_74 = arith.constant 32 : index
      %get3A_75 = tpu.vector_load %arg9[%get3A_73, %get3A_74] {strides = array<i32>} : memref<128x128xf32, #tpu.memory_space<vmem>>, vector<1x16xf32>,
      %get3A_76 = vector.shape_cast %get3A_75 : vector<1x16xf32> to vector<16xf32>
      %get3A_77 = arith.index_cast %scan3A_46 : i32 to index
      %get3A_78 = arith.constant 32 : index
      %get3A_79 = tpu.vector_load %arg10[%get3A_77, %get3A_78] {strides = array<i32>} : memref<128x128xf32, #tpu.memory_space<vmem>>, vector<1x16xf32>,
      %get3A_80 = vector.shape_cast %get3A_79 : vector<1x16xf32> to vector<16xf32>
      %add3A_81 = arith.addf %get3A_76, %get3A_80 : vector<16xf32>
      %swap3A_82 = arith.index_cast %scan3A_46 : i32 to index
      %swap3A_83 = arith.constant 32 : index
      %swap3A_84 = tpu.vector_load %arg9[%swap3A_82, %swap3A_83] {strides = array<i32>} : memref<128x128xf32, #tpu.memory_space<vmem>>, vector<1x16xf32>,
      %swap3A_85 = vector.shape_cast %swap3A_84 : vector<1x16xf32> to vector<16xf32>
      %swap3A_86 = vector.shape_cast %add3A_81 : vector<16xf32> to vector<1x16xf32>
      tpu.vector_store %arg9[%swap3A_82, %swap3A_83], %swap3A_86 {strides = array<i32>} : memref<128x128xf32, #tpu.memory_space<vmem>>, vector<1x16xf32>,
      %get3A_87 = arith.index_cast %scan3A_46 : i32 to index
      %get3A_88 = arith.constant 48 : index
      %get3A_89 = tpu.vector_load %arg9[%get3A_87, %get3A_88] {strides = array<i32>} : memref<128x128xf32, #tpu.memory_space<vmem>>, vector<1x16xf32>,
      %get3A_90 = vector.shape_cast %get3A_89 : vector<1x16xf32> to vector<16xf32>
      %get3A_91 = arith.index_cast %scan3A_46 : i32 to index
      %get3A_92 = arith.constant 48 : index
      %get3A_93 = tpu.vector_load %arg10[%get3A_91, %get3A_92] {strides = array<i32>} : memref<128x128xf32, #tpu.memory_space<vmem>>, vector<1x16xf32>,
      %get3A_94 = vector.shape_cast %get3A_93 : vector<1x16xf32> to vector<16xf32>
      %add3A_95 = arith.addf %get3A_90, %get3A_94 : vector<16xf32>
      %swap3A_96 = arith.index_cast %scan3A_46 : i32 to index
      %swap3A_97 = arith.constant 48 : index
      %swap3A_98 = tpu.vector_load %arg9[%swap3A_96, %swap3A_97] {strides = array<i32>} : memref<128x128xf32, #tpu.memory_space<vmem>>, vector<1x16xf32>,
      %swap3A_99 = vector.shape_cast %swap3A_98 : vector<1x16xf32> to vector<16xf32>
      %swap3A_100 = vector.shape_cast %add3A_95 : vector<16xf32> to vector<1x16xf32>
      tpu.vector_store %arg9[%swap3A_96, %swap3A_97], %swap3A_100 {strides = array<i32>} : memref<128x128xf32, #tpu.memory_space<vmem>>, vector<1x16xf32>,
      %get3A_101 = arith.index_cast %scan3A_46 : i32 to index
      %get3A_102 = arith.constant 64 : index
      %get3A_103 = tpu.vector_load %arg9[%get3A_101, %get3A_102] {strides = array<i32>} : memref<128x128xf32, #tpu.memory_space<vmem>>, vector<1x16xf32>,
      %get3A_104 = vector.shape_cast %get3A_103 : vector<1x16xf32> to vector<16xf32>
      %get3A_105 = arith.index_cast %scan3A_46 : i32 to index
      %get3A_106 = arith.constant 64 : index
      %get3A_107 = tpu.vector_load %arg10[%get3A_105, %get3A_106] {strides = array<i32>} : memref<128x128xf32, #tpu.memory_space<vmem>>, vector<1x16xf32>,
      %get3A_108 = vector.shape_cast %get3A_107 : vector<1x16xf32> to vector<16xf32>
      %add3A_109 = arith.addf %get3A_104, %get3A_108 : vector<16xf32>
      %swap3A_110 = arith.index_cast %scan3A_46 : i32 to index
      %swap3A_111 = arith.constant 64 : index
      %swap3A_112 = tpu.vector_load %arg9[%swap3A_110, %swap3A_111] {strides = array<i32>} : memref<128x128xf32, #tpu.memory_space<vmem>>, vector<1x16xf32>,
      %swap3A_113 = vector.shape_cast %swap3A_112 : vector<1x16xf32> to vector<16xf32>
      %swap3A_114 = vector.shape_cast %add3A_109 : vector<16xf32> to vector<1x16xf32>
      tpu.vector_store %arg9[%swap3A_110, %swap3A_111], %swap3A_114 {strides = array<i32>} : memref<128x128xf32, #tpu.memory_space<vmem>>, vector<1x16xf32>,
      %get3A_115 = arith.index_cast %scan3A_46 : i32 to index
      %get3A_116 = arith.constant 80 : index
      %get3A_117 = tpu.vector_load %arg9[%get3A_115, %get3A_116] {strides = array<i32>} : memref<128x128xf32, #tpu.memory_space<vmem>>, vector<1x16xf32>,
      %get3A_118 = vector.shape_cast %get3A_117 : vector<1x16xf32> to vector<16xf32>
      %get3A_119 = arith.index_cast %scan3A_46 : i32 to index
      %get3A_120 = arith.constant 80 : index
      %get3A_121 = tpu.vector_load %arg10[%get3A_119, %get3A_120] {strides = array<i32>} : memref<128x128xf32, #tpu.memory_space<vmem>>, vector<1x16xf32>,
      %get3A_122 = vector.shape_cast %get3A_121 : vector<1x16xf32> to vector<16xf32>
      %add3A_123 = arith.addf %get3A_118, %get3A_122 : vector<16xf32>
      %swap3A_124 = arith.index_cast %scan3A_46 : i32 to index
      %swap3A_125 = arith.constant 80 : index
      %swap3A_126 = tpu.vector_load %arg9[%swap3A_124, %swap3A_125] {strides = array<i32>} : memref<128x128xf32, #tpu.memory_space<vmem>>, vector<1x16xf32>,
      %swap3A_127 = vector.shape_cast %swap3A_126 : vector<1x16xf32> to vector<16xf32>
      %swap3A_128 = vector.shape_cast %add3A_123 : vector<16xf32> to vector<1x16xf32>
      tpu.vector_store %arg9[%swap3A_124, %swap3A_125], %swap3A_128 {strides = array<i32>} : memref<128x128xf32, #tpu.memory_space<vmem>>, vector<1x16xf32>,
      %get3A_129 = arith.index_cast %scan3A_46 : i32 to index
      %get3A_130 = arith.constant 96 : index
      %get3A_131 = tpu.vector_load %arg9[%get3A_129, %get3A_130] {strides = array<i32>} : memref<128x128xf32, #tpu.memory_space<vmem>>, vector<1x16xf32>,
      %get3A_132 = vector.shape_cast %get3A_131 : vector<1x16xf32> to vector<16xf32>
      %get3A_133 = arith.index_cast %scan3A_46 : i32 to index
      %get3A_134 = arith.constant 96 : index
      %get3A_135 = tpu.vector_load %arg10[%get3A_133, %get3A_134] {strides = array<i32>} : memref<128x128xf32, #tpu.memory_space<vmem>>, vector<1x16xf32>,
      %get3A_136 = vector.shape_cast %get3A_135 : vector<1x16xf32> to vector<16xf32>
      %add3A_137 = arith.addf %get3A_132, %get3A_136 : vector<16xf32>
      %swap3A_138 = arith.index_cast %scan3A_46 : i32 to index
      %swap3A_139 = arith.constant 96 : index
      %swap3A_140 = tpu.vector_load %arg9[%swap3A_138, %swap3A_139] {strides = array<i32>} : memref<128x128xf32, #tpu.memory_space<vmem>>, vector<1x16xf32>,
      %swap3A_141 = vector.shape_cast %swap3A_140 : vector<1x16xf32> to vector<16xf32>
      %swap3A_142 = vector.shape_cast %add3A_137 : vector<16xf32> to vector<1x16xf32>
      tpu.vector_store %arg9[%swap3A_138, %swap3A_139], %swap3A_142 {strides = array<i32>} : memref<128x128xf32, #tpu.memory_space<vmem>>, vector<1x16xf32>,
      %get3A_143 = arith.index_cast %scan3A_46 : i32 to index
      %get3A_144 = arith.constant 112 : index
      %get3A_145 = tpu.vector_load %arg9[%get3A_143, %get3A_144] {strides = array<i32>} : memref<128x128xf32, #tpu.memory_space<vmem>>, vector<1x16xf32>,
      %get3A_146 = vector.shape_cast %get3A_145 : vector<1x16xf32> to vector<16xf32>
      %get3A_147 = arith.index_cast %scan3A_46 : i32 to index
      %get3A_148 = arith.constant 112 : index
      %get3A_149 = tpu.vector_load %arg10[%get3A_147, %get3A_148] {strides = array<i32>} : memref<128x128xf32, #tpu.memory_space<vmem>>, vector<1x16xf32>,
      %get3A_150 = vector.shape_cast %get3A_149 : vector<1x16xf32> to vector<16xf32>
      %add3A_151 = arith.addf %get3A_146, %get3A_150 : vector<16xf32>
      %swap3A_152 = arith.index_cast %scan3A_46 : i32 to index
      %swap3A_153 = arith.constant 112 : index
      %swap3A_154 = tpu.vector_load %arg9[%swap3A_152, %swap3A_153] {strides = array<i32>} : memref<128x128xf32, #tpu.memory_space<vmem>>, vector<1x16xf32>,
      %swap3A_155 = vector.shape_cast %swap3A_154 : vector<1x16xf32> to vector<16xf32>
      %swap3A_156 = vector.shape_cast %add3A_151 : vector<16xf32> to vector<1x16xf32>
      tpu.vector_store %arg9[%swap3A_152, %swap3A_153], %swap3A_156 {strides = array<i32>} : memref<128x128xf32, #tpu.memory_space<vmem>>, vector<1x16xf32>,
    }
    %scan3A_45 = arith.constant 8 : i32
    "tpu.region"() ({
      %run_scoped3A = tpu.sem_alloc : memref<!tpu.dma_semaphore, #tpu.memory_space<semaphore_mem>>
      %dma_start3A_46 = arith.constant 0 : i32
      %dma_start3A_47 = arith.constant 0 : i32
      %dma_start3A_48 = tpu.memref_slice %arg9[%dma_start3A_46, %dma_start3A_47] : memref<128x128xf32, #tpu.memory_space<vmem>> -> memref<8x128xf32, #tpu.memory_space<vmem>>
      %dma_start3A_49 = arith.constant 0 : i32
      %dma_start3A_50 = tpu.memref_slice %arg6[%multiple_of3A, %dma_start3A_49] : memref<160000x128xf32, #tpu.memory_space<hbm>> -> memref<8x128xf32, #tpu.memory_space<hbm>>
      %dma_start3A_51 = arith.constant 0 : i32
      %dma_start3A_52 = tpu.memref_slice %arg6[%multiple_of3A, %dma_start3A_51] : memref<160000x128xf32, #tpu.memory_space<hbm>> -> memref<8x128xf32, #tpu.memory_space<hbm>>
      %dma_start3A_53 = arith.constant 0 : i32
      %dma_start3A_54 = arith.constant 0 : i32
      %dma_start3A_55 = tpu.memref_slice %arg9[%dma_start3A_53, %dma_start3A_54] : memref<128x128xf32, #tpu.memory_space<vmem>> -> memref<8x128xf32, #tpu.memory_space<vmem>>
      tpu.enqueue_dma source(%dma_start3A_55 : memref<8x128xf32, #tpu.memory_space<vmem>>) target(%dma_start3A_52 : memref<8x128xf32, #tpu.memory_space<hbm>>) target_semaphore(%run_scoped3A : memref<!tpu.dma_semaphore, #tpu.memory_space<semaphore_mem>>)
      %dma_wait3A_56 = arith.constant 0 : i32
      %dma_wait3A_57 = arith.constant 0 : i32
      %dma_wait3A_58 = tpu.memref_slice %arg9[%dma_wait3A_56, %dma_wait3A_57] : memref<128x128xf32, #tpu.memory_space<vmem>> -> memref<8x128xf32, #tpu.memory_space<vmem>>
      %dma_wait3A_59 = arith.constant 0 : i32
      %dma_wait3A_60 = tpu.memref_slice %arg6[%multiple_of3A, %dma_wait3A_59] : memref<160000x128xf32, #tpu.memory_space<hbm>> -> memref<8x128xf32, #tpu.memory_space<hbm>>
      %dma_wait3A_61 = arith.constant 0 : i32
      %dma_wait3A_62 = tpu.memref_slice %arg6[%multiple_of3A, %dma_wait3A_61] : memref<160000x128xf32, #tpu.memory_space<hbm>> -> memref<8x128xf32, #tpu.memory_space<hbm>>
      %dma_wait3A_63 = arith.constant 0 : i32
      %dma_wait3A_64 = arith.constant 0 : i32
      %dma_wait3A_65 = tpu.memref_slice %arg9[%dma_wait3A_63, %dma_wait3A_64] : memref<128x128xf32, #tpu.memory_space<vmem>> -> memref<8x128xf32, #tpu.memory_space<vmem>>
      tpu.wait_dma2 semaphore(%run_scoped3A : memref<!tpu.dma_semaphore, #tpu.memory_space<semaphore_mem>>) src(%dma_wait3A_65 : memref<8x128xf32, #tpu.memory_space<vmem>>) dst(%dma_wait3A_62 : memref<8x128xf32, #tpu.memory_space<hbm>>)
      tpu.yield
    }) : () -> ()
    return
  }
}

#map = affine_map<(d0, d1) -> (0, 0)>
#map1 = affine_map<(d0, d1) -> (0)>
module attributes {stable_mosaic.version = 14 : i64} {
  func.func @k(%arg0: i32, %arg1: i32, %arg2: memref<160000x128xf32, #tpu.memory_space<hbm>>, %arg3: memref<640000x128xf32, #tpu.memory_space<hbm>>, %arg4: memref<640000xi32, #tpu.memory_space<hbm>>, %arg5: memref<640000x128xf32, #tpu.memory_space<hbm>>, %arg6: memref<192xi32, #tpu.memory_space<vmem>>, %arg7: memref<192xi32, #tpu.memory_space<vmem>>, %arg8: memref<192x128xf32, #tpu.memory_space<vmem>>, %arg9: memref<192x128xf32, #tpu.memory_space<vmem>>, %arg10: memref<192x128xf32, #tpu.memory_space<vmem>>, %arg11: memref<192x128xf32, #tpu.memory_space<vmem>>, %arg12: memref<!tpu.dma_semaphore, #tpu.memory_space<semaphore_mem>>, %arg13: memref<!tpu.dma_semaphore, #tpu.memory_space<semaphore_mem>>, %arg14: memref<!tpu.dma_semaphore, #tpu.memory_space<semaphore_mem>>, %arg15: memref<!tpu.dma_semaphore, #tpu.memory_space<semaphore_mem>>, %arg16: memref<!tpu.dma_semaphore, #tpu.memory_space<semaphore_mem>>, %arg17: memref<!tpu.dma_semaphore, #tpu.memory_space<semaphore_mem>>) attributes {dimension_semantics = [#tpu.dimension_semantics<core_parallel>, #tpu.dimension_semantics<subcore_parallel>], iteration_bounds = array<i64: 2, 16>, scalar_prefetch = 0 : i64, scratch_operands = 12 : i64, tpu.core_type = #tpu.core_type<sc_vector_subcore>, window_params = [{transform_indices = #map}, {transform_indices = #map}, {transform_indices = #map1}, {transform_indices = #map}]} {
    %mul3A = arith.constant 2 : i32
    %mul3A_0 = arith.muli %arg1, %mul3A : i32
    %add3A = arith.addi %mul3A_0, %arg0 : i32
    %mul3A_1 = arith.constant 20000 : i32
    %mul3A_2 = arith.muli %add3A, %mul3A_1 : i32
    %multiple_of3A = tpu.assume_multiple %mul3A_2, 8 : i32
    %dma_start3A = arith.constant 0 : i32
    %dma_start3A_3 = tpu.memref_slice %arg3[%multiple_of3A, %dma_start3A] : memref<640000x128xf32, #tpu.memory_space<hbm>> -> memref<192x128xf32, #tpu.memory_space<hbm>>
    %dma_start3A_4 = arith.constant 0 : i32
    %dma_start3A_5 = tpu.memref_slice %arg3[%multiple_of3A, %dma_start3A_4] : memref<640000x128xf32, #tpu.memory_space<hbm>> -> memref<192x128xf32, #tpu.memory_space<hbm>>
    tpu.enqueue_dma source(%dma_start3A_5 : memref<192x128xf32, #tpu.memory_space<hbm>>) target(%arg9 : memref<192x128xf32, #tpu.memory_space<vmem>>) target_semaphore(%arg13 : memref<!tpu.dma_semaphore, #tpu.memory_space<semaphore_mem>>)
    "tpu.region"() ({
      %run_scoped3A = tpu.sem_alloc : memref<!tpu.dma_semaphore, #tpu.memory_space<semaphore_mem>>
      %dma_start3A_82 = tpu.memref_slice %arg4[%multiple_of3A] : memref<640000xi32, #tpu.memory_space<hbm>> -> memref<192xi32, #tpu.memory_space<hbm>>
      %dma_start3A_83 = tpu.memref_slice %arg4[%multiple_of3A] : memref<640000xi32, #tpu.memory_space<hbm>> -> memref<192xi32, #tpu.memory_space<hbm>>
      tpu.enqueue_dma source(%dma_start3A_83 : memref<192xi32, #tpu.memory_space<hbm>>) target(%arg6 : memref<192xi32, #tpu.memory_space<vmem>>) target_semaphore(%run_scoped3A : memref<!tpu.dma_semaphore, #tpu.memory_space<semaphore_mem>>)
      %dma_wait3A_84 = tpu.memref_slice %arg4[%multiple_of3A] : memref<640000xi32, #tpu.memory_space<hbm>> -> memref<192xi32, #tpu.memory_space<hbm>>
      %dma_wait3A_85 = tpu.memref_slice %arg4[%multiple_of3A] : memref<640000xi32, #tpu.memory_space<hbm>> -> memref<192xi32, #tpu.memory_space<hbm>>
      tpu.wait_dma2 semaphore(%run_scoped3A : memref<!tpu.dma_semaphore, #tpu.memory_space<semaphore_mem>>) src(%dma_wait3A_85 : memref<192xi32, #tpu.memory_space<hbm>>) dst(%arg6 : memref<192xi32, #tpu.memory_space<vmem>>)
      tpu.yield
    }) : () -> ()
    %dma_start3A_6 = arith.constant 0 : i32
    %dma_start3A_7 = arith.constant 0 : i32
    %dma_start3A_8 = tpu.memref_slice %arg2[%dma_start3A_6, %dma_start3A_7] : memref<160000x128xf32, #tpu.memory_space<hbm>> -> memref<160000x128xf32, #tpu.memory_space<hbm>>
    tpu.enqueue_indirect_dma source(%dma_start3A_8 : memref<160000x128xf32, #tpu.memory_space<hbm>>) target(%arg8 : memref<192x128xf32, #tpu.memory_space<vmem>>) offsets(%arg6 : memref<192xi32, #tpu.memory_space<vmem>>) semaphore(%arg12 : memref<!tpu.dma_semaphore, #tpu.memory_space<semaphore_mem>>)
    %add3A_9 = arith.constant 192 : i32
    %add3A_10 = arith.addi %mul3A_2, %add3A_9 : i32
    %multiple_of3A_11 = tpu.assume_multiple %add3A_10, 8 : i32
    %dma_start3A_12 = arith.constant 0 : i32
    %dma_start3A_13 = tpu.memref_slice %arg3[%multiple_of3A_11, %dma_start3A_12] : memref<640000x128xf32, #tpu.memory_space<hbm>> -> memref<192x128xf32, #tpu.memory_space<hbm>>
    %dma_start3A_14 = arith.constant 0 : i32
    %dma_start3A_15 = tpu.memref_slice %arg3[%multiple_of3A_11, %dma_start3A_14] : memref<640000x128xf32, #tpu.memory_space<hbm>> -> memref<192x128xf32, #tpu.memory_space<hbm>>
    tpu.enqueue_dma source(%dma_start3A_15 : memref<192x128xf32, #tpu.memory_space<hbm>>) target(%arg11 : memref<192x128xf32, #tpu.memory_space<vmem>>) target_semaphore(%arg16 : memref<!tpu.dma_semaphore, #tpu.memory_space<semaphore_mem>>)
    "tpu.region"() ({
      %run_scoped3A = tpu.sem_alloc : memref<!tpu.dma_semaphore, #tpu.memory_space<semaphore_mem>>
      %dma_start3A_82 = tpu.memref_slice %arg4[%multiple_of3A_11] : memref<640000xi32, #tpu.memory_space<hbm>> -> memref<192xi32, #tpu.memory_space<hbm>>
      %dma_start3A_83 = tpu.memref_slice %arg4[%multiple_of3A_11] : memref<640000xi32, #tpu.memory_space<hbm>> -> memref<192xi32, #tpu.memory_space<hbm>>
      tpu.enqueue_dma source(%dma_start3A_83 : memref<192xi32, #tpu.memory_space<hbm>>) target(%arg7 : memref<192xi32, #tpu.memory_space<vmem>>) target_semaphore(%run_scoped3A : memref<!tpu.dma_semaphore, #tpu.memory_space<semaphore_mem>>)
      %dma_wait3A_84 = tpu.memref_slice %arg4[%multiple_of3A_11] : memref<640000xi32, #tpu.memory_space<hbm>> -> memref<192xi32, #tpu.memory_space<hbm>>
      %dma_wait3A_85 = tpu.memref_slice %arg4[%multiple_of3A_11] : memref<640000xi32, #tpu.memory_space<hbm>> -> memref<192xi32, #tpu.memory_space<hbm>>
      tpu.wait_dma2 semaphore(%run_scoped3A : memref<!tpu.dma_semaphore, #tpu.memory_space<semaphore_mem>>) src(%dma_wait3A_85 : memref<192xi32, #tpu.memory_space<hbm>>) dst(%arg7 : memref<192xi32, #tpu.memory_space<vmem>>)
      tpu.yield
    }) : () -> ()
    %dma_start3A_16 = arith.constant 0 : i32
    %dma_start3A_17 = arith.constant 0 : i32
    %dma_start3A_18 = tpu.memref_slice %arg2[%dma_start3A_16, %dma_start3A_17] : memref<160000x128xf32, #tpu.memory_space<hbm>> -> memref<160000x128xf32, #tpu.memory_space<hbm>>
    tpu.enqueue_indirect_dma source(%dma_start3A_18 : memref<160000x128xf32, #tpu.memory_space<hbm>>) target(%arg10 : memref<192x128xf32, #tpu.memory_space<vmem>>) offsets(%arg7 : memref<192xi32, #tpu.memory_space<vmem>>) semaphore(%arg15 : memref<!tpu.dma_semaphore, #tpu.memory_space<semaphore_mem>>)
    %scan3A = arith.constant 0 : i32
    %scan3A_19 = arith.constant 0 : i32
    %scan3A_20 = arith.constant 52 : i32
    %scan3A_21 = arith.addi %scan3A_19, %scan3A_20 : i32
    %scan3A_22 = arith.constant 1 : i32
    scf.for %scan3A_82 = %scan3A_19 to %scan3A_21 step %scan3A_22  : i32 {
      %mul3A_83 = arith.constant 2 : i32
      %mul3A_84 = arith.muli %mul3A_83, %scan3A_82 : i32
      %mul3A_85 = arith.constant 192 : i32
      %mul3A_86 = arith.muli %mul3A_84, %mul3A_85 : i32
      %add3A_87 = arith.addi %mul3A_2, %mul3A_86 : i32
      %multiple_of3A_88 = tpu.assume_multiple %add3A_87, 8 : i32
      %mul3A_89 = arith.constant 2 : i32
      %mul3A_90 = arith.muli %mul3A_89, %scan3A_82 : i32
      %add3A_91 = arith.constant 1 : i32
      %add3A_92 = arith.addi %mul3A_90, %add3A_91 : i32
      %mul3A_93 = arith.constant 192 : i32
      %mul3A_94 = arith.muli %add3A_92, %mul3A_93 : i32
      %add3A_95 = arith.addi %mul3A_2, %mul3A_94 : i32
      %multiple_of3A_96 = tpu.assume_multiple %add3A_95, 8 : i32
      %dma_wait3A_97 = arith.constant 0 : i32
      %dma_wait3A_98 = arith.constant 0 : i32
      %dma_wait3A_99 = tpu.memref_slice %arg2[%dma_wait3A_97, %dma_wait3A_98] : memref<160000x128xf32, #tpu.memory_space<hbm>> -> memref<160000x128xf32, #tpu.memory_space<hbm>>
      tpu.wait_indirect_dma semaphore(%arg12 : memref<!tpu.dma_semaphore, #tpu.memory_space<semaphore_mem>>) src(%dma_wait3A_99 : memref<160000x128xf32, #tpu.memory_space<hbm>>) dst(%arg8 : memref<192x128xf32, #tpu.memory_space<vmem>>)
      %dma_wait3A_100 = arith.constant 0 : i32
      %dma_wait3A_101 = tpu.memref_slice %arg3[%multiple_of3A_88, %dma_wait3A_100] : memref<640000x128xf32, #tpu.memory_space<hbm>> -> memref<192x128xf32, #tpu.memory_space<hbm>>
      %dma_wait3A_102 = arith.constant 0 : i32
      %dma_wait3A_103 = tpu.memref_slice %arg3[%multiple_of3A_88, %dma_wait3A_102] : memref<640000x128xf32, #tpu.memory_space<hbm>> -> memref<192x128xf32, #tpu.memory_space<hbm>>
      tpu.wait_dma2 semaphore(%arg13 : memref<!tpu.dma_semaphore, #tpu.memory_space<semaphore_mem>>) src(%dma_wait3A_103 : memref<192x128xf32, #tpu.memory_space<hbm>>) dst(%arg9 : memref<192x128xf32, #tpu.memory_space<vmem>>)
      %scan3A_104 = arith.constant 0 : i32
      %scan3A_105 = arith.constant 0 : i32
      %scan3A_106 = arith.constant 192 : i32
      %scan3A_107 = arith.addi %scan3A_105, %scan3A_106 : i32
      %scan3A_108 = arith.constant 1 : i32
      scf.for %scan3A_138 = %scan3A_105 to %scan3A_107 step %scan3A_108  : i32 {
        %get3A = arith.index_cast %scan3A_138 : i32 to index
        %get3A_139 = arith.constant 0 : index
        %get3A_140 = tpu.vector_load %arg8[%get3A, %get3A_139] {strides = array<i32>} : memref<192x128xf32, #tpu.memory_space<vmem>>, vector<1x16xf32>,
        %get3A_141 = vector.shape_cast %get3A_140 : vector<1x16xf32> to vector<16xf32>
        %get3A_142 = arith.index_cast %scan3A_138 : i32 to index
        %get3A_143 = arith.constant 0 : index
        %get3A_144 = tpu.vector_load %arg9[%get3A_142, %get3A_143] {strides = array<i32>} : memref<192x128xf32, #tpu.memory_space<vmem>>, vector<1x16xf32>,
        %get3A_145 = vector.shape_cast %get3A_144 : vector<1x16xf32> to vector<16xf32>
        %add3A_146 = arith.addf %get3A_141, %get3A_145 : vector<16xf32>
        %max3A = arith.constant 0.000000e+00 : f32
        %max3A_147 = vector.broadcast %max3A : f32 to vector<16xf32>
        %max3A_148 = arith.maximumf %add3A_146, %max3A_147 : vector<16xf32>
        %swap3A = arith.index_cast %scan3A_138 : i32 to index
        %swap3A_149 = arith.constant 0 : index
        %swap3A_150 = tpu.vector_load %arg8[%swap3A, %swap3A_149] {strides = array<i32>} : memref<192x128xf32, #tpu.memory_space<vmem>>, vector<1x16xf32>,
        %swap3A_151 = vector.shape_cast %swap3A_150 : vector<1x16xf32> to vector<16xf32>
        %swap3A_152 = vector.shape_cast %max3A_148 : vector<16xf32> to vector<1x16xf32>
        tpu.vector_store %arg8[%swap3A, %swap3A_149], %swap3A_152 {strides = array<i32>} : memref<192x128xf32, #tpu.memory_space<vmem>>, vector<1x16xf32>,
        %get3A_153 = arith.index_cast %scan3A_138 : i32 to index
        %get3A_154 = arith.constant 16 : index
        %get3A_155 = tpu.vector_load %arg8[%get3A_153, %get3A_154] {strides = array<i32>} : memref<192x128xf32, #tpu.memory_space<vmem>>, vector<1x16xf32>,
        %get3A_156 = vector.shape_cast %get3A_155 : vector<1x16xf32> to vector<16xf32>
        %get3A_157 = arith.index_cast %scan3A_138 : i32 to index
        %get3A_158 = arith.constant 16 : index
        %get3A_159 = tpu.vector_load %arg9[%get3A_157, %get3A_158] {strides = array<i32>} : memref<192x128xf32, #tpu.memory_space<vmem>>, vector<1x16xf32>,
        %get3A_160 = vector.shape_cast %get3A_159 : vector<1x16xf32> to vector<16xf32>
        %add3A_161 = arith.addf %get3A_156, %get3A_160 : vector<16xf32>
        %max3A_162 = arith.constant 0.000000e+00 : f32
        %max3A_163 = vector.broadcast %max3A_162 : f32 to vector<16xf32>
        %max3A_164 = arith.maximumf %add3A_161, %max3A_163 : vector<16xf32>
        %swap3A_165 = arith.index_cast %scan3A_138 : i32 to index
        %swap3A_166 = arith.constant 16 : index
        %swap3A_167 = tpu.vector_load %arg8[%swap3A_165, %swap3A_166] {strides = array<i32>} : memref<192x128xf32, #tpu.memory_space<vmem>>, vector<1x16xf32>,
        %swap3A_168 = vector.shape_cast %swap3A_167 : vector<1x16xf32> to vector<16xf32>
        %swap3A_169 = vector.shape_cast %max3A_164 : vector<16xf32> to vector<1x16xf32>
        tpu.vector_store %arg8[%swap3A_165, %swap3A_166], %swap3A_169 {strides = array<i32>} : memref<192x128xf32, #tpu.memory_space<vmem>>, vector<1x16xf32>,
        %get3A_170 = arith.index_cast %scan3A_138 : i32 to index
        %get3A_171 = arith.constant 32 : index
        %get3A_172 = tpu.vector_load %arg8[%get3A_170, %get3A_171] {strides = array<i32>} : memref<192x128xf32, #tpu.memory_space<vmem>>, vector<1x16xf32>,
        %get3A_173 = vector.shape_cast %get3A_172 : vector<1x16xf32> to vector<16xf32>
        %get3A_174 = arith.index_cast %scan3A_138 : i32 to index
        %get3A_175 = arith.constant 32 : index
        %get3A_176 = tpu.vector_load %arg9[%get3A_174, %get3A_175] {strides = array<i32>} : memref<192x128xf32, #tpu.memory_space<vmem>>, vector<1x16xf32>,
        %get3A_177 = vector.shape_cast %get3A_176 : vector<1x16xf32> to vector<16xf32>
        %add3A_178 = arith.addf %get3A_173, %get3A_177 : vector<16xf32>
        %max3A_179 = arith.constant 0.000000e+00 : f32
        %max3A_180 = vector.broadcast %max3A_179 : f32 to vector<16xf32>
        %max3A_181 = arith.maximumf %add3A_178, %max3A_180 : vector<16xf32>
        %swap3A_182 = arith.index_cast %scan3A_138 : i32 to index
        %swap3A_183 = arith.constant 32 : index
        %swap3A_184 = tpu.vector_load %arg8[%swap3A_182, %swap3A_183] {strides = array<i32>} : memref<192x128xf32, #tpu.memory_space<vmem>>, vector<1x16xf32>,
        %swap3A_185 = vector.shape_cast %swap3A_184 : vector<1x16xf32> to vector<16xf32>
        %swap3A_186 = vector.shape_cast %max3A_181 : vector<16xf32> to vector<1x16xf32>
        tpu.vector_store %arg8[%swap3A_182, %swap3A_183], %swap3A_186 {strides = array<i32>} : memref<192x128xf32, #tpu.memory_space<vmem>>, vector<1x16xf32>,
        %get3A_187 = arith.index_cast %scan3A_138 : i32 to index
        %get3A_188 = arith.constant 48 : index
        %get3A_189 = tpu.vector_load %arg8[%get3A_187, %get3A_188] {strides = array<i32>} : memref<192x128xf32, #tpu.memory_space<vmem>>, vector<1x16xf32>,
        %get3A_190 = vector.shape_cast %get3A_189 : vector<1x16xf32> to vector<16xf32>
        %get3A_191 = arith.index_cast %scan3A_138 : i32 to index
        %get3A_192 = arith.constant 48 : index
        %get3A_193 = tpu.vector_load %arg9[%get3A_191, %get3A_192] {strides = array<i32>} : memref<192x128xf32, #tpu.memory_space<vmem>>, vector<1x16xf32>,
        %get3A_194 = vector.shape_cast %get3A_193 : vector<1x16xf32> to vector<16xf32>
        %add3A_195 = arith.addf %get3A_190, %get3A_194 : vector<16xf32>
        %max3A_196 = arith.constant 0.000000e+00 : f32
        %max3A_197 = vector.broadcast %max3A_196 : f32 to vector<16xf32>
        %max3A_198 = arith.maximumf %add3A_195, %max3A_197 : vector<16xf32>
        %swap3A_199 = arith.index_cast %scan3A_138 : i32 to index
        %swap3A_200 = arith.constant 48 : index
        %swap3A_201 = tpu.vector_load %arg8[%swap3A_199, %swap3A_200] {strides = array<i32>} : memref<192x128xf32, #tpu.memory_space<vmem>>, vector<1x16xf32>,
        %swap3A_202 = vector.shape_cast %swap3A_201 : vector<1x16xf32> to vector<16xf32>
        %swap3A_203 = vector.shape_cast %max3A_198 : vector<16xf32> to vector<1x16xf32>
        tpu.vector_store %arg8[%swap3A_199, %swap3A_200], %swap3A_203 {strides = array<i32>} : memref<192x128xf32, #tpu.memory_space<vmem>>, vector<1x16xf32>,
        %get3A_204 = arith.index_cast %scan3A_138 : i32 to index
        %get3A_205 = arith.constant 64 : index
        %get3A_206 = tpu.vector_load %arg8[%get3A_204, %get3A_205] {strides = array<i32>} : memref<192x128xf32, #tpu.memory_space<vmem>>, vector<1x16xf32>,
        %get3A_207 = vector.shape_cast %get3A_206 : vector<1x16xf32> to vector<16xf32>
        %get3A_208 = arith.index_cast %scan3A_138 : i32 to index
        %get3A_209 = arith.constant 64 : index
        %get3A_210 = tpu.vector_load %arg9[%get3A_208, %get3A_209] {strides = array<i32>} : memref<192x128xf32, #tpu.memory_space<vmem>>, vector<1x16xf32>,
        %get3A_211 = vector.shape_cast %get3A_210 : vector<1x16xf32> to vector<16xf32>
        %add3A_212 = arith.addf %get3A_207, %get3A_211 : vector<16xf32>
        %max3A_213 = arith.constant 0.000000e+00 : f32
        %max3A_214 = vector.broadcast %max3A_213 : f32 to vector<16xf32>
        %max3A_215 = arith.maximumf %add3A_212, %max3A_214 : vector<16xf32>
        %swap3A_216 = arith.index_cast %scan3A_138 : i32 to index
        %swap3A_217 = arith.constant 64 : index
        %swap3A_218 = tpu.vector_load %arg8[%swap3A_216, %swap3A_217] {strides = array<i32>} : memref<192x128xf32, #tpu.memory_space<vmem>>, vector<1x16xf32>,
        %swap3A_219 = vector.shape_cast %swap3A_218 : vector<1x16xf32> to vector<16xf32>
        %swap3A_220 = vector.shape_cast %max3A_215 : vector<16xf32> to vector<1x16xf32>
        tpu.vector_store %arg8[%swap3A_216, %swap3A_217], %swap3A_220 {strides = array<i32>} : memref<192x128xf32, #tpu.memory_space<vmem>>, vector<1x16xf32>,
        %get3A_221 = arith.index_cast %scan3A_138 : i32 to index
        %get3A_222 = arith.constant 80 : index
        %get3A_223 = tpu.vector_load %arg8[%get3A_221, %get3A_222] {strides = array<i32>} : memref<192x128xf32, #tpu.memory_space<vmem>>, vector<1x16xf32>,
        %get3A_224 = vector.shape_cast %get3A_223 : vector<1x16xf32> to vector<16xf32>
        %get3A_225 = arith.index_cast %scan3A_138 : i32 to index
        %get3A_226 = arith.constant 80 : index
        %get3A_227 = tpu.vector_load %arg9[%get3A_225, %get3A_226] {strides = array<i32>} : memref<192x128xf32, #tpu.memory_space<vmem>>, vector<1x16xf32>,
        %get3A_228 = vector.shape_cast %get3A_227 : vector<1x16xf32> to vector<16xf32>
        %add3A_229 = arith.addf %get3A_224, %get3A_228 : vector<16xf32>
        %max3A_230 = arith.constant 0.000000e+00 : f32
        %max3A_231 = vector.broadcast %max3A_230 : f32 to vector<16xf32>
        %max3A_232 = arith.maximumf %add3A_229, %max3A_231 : vector<16xf32>
        %swap3A_233 = arith.index_cast %scan3A_138 : i32 to index
        %swap3A_234 = arith.constant 80 : index
        %swap3A_235 = tpu.vector_load %arg8[%swap3A_233, %swap3A_234] {strides = array<i32>} : memref<192x128xf32, #tpu.memory_space<vmem>>, vector<1x16xf32>,
        %swap3A_236 = vector.shape_cast %swap3A_235 : vector<1x16xf32> to vector<16xf32>
        %swap3A_237 = vector.shape_cast %max3A_232 : vector<16xf32> to vector<1x16xf32>
        tpu.vector_store %arg8[%swap3A_233, %swap3A_234], %swap3A_237 {strides = array<i32>} : memref<192x128xf32, #tpu.memory_space<vmem>>, vector<1x16xf32>,
        %get3A_238 = arith.index_cast %scan3A_138 : i32 to index
        %get3A_239 = arith.constant 96 : index
        %get3A_240 = tpu.vector_load %arg8[%get3A_238, %get3A_239] {strides = array<i32>} : memref<192x128xf32, #tpu.memory_space<vmem>>, vector<1x16xf32>,
        %get3A_241 = vector.shape_cast %get3A_240 : vector<1x16xf32> to vector<16xf32>
        %get3A_242 = arith.index_cast %scan3A_138 : i32 to index
        %get3A_243 = arith.constant 96 : index
        %get3A_244 = tpu.vector_load %arg9[%get3A_242, %get3A_243] {strides = array<i32>} : memref<192x128xf32, #tpu.memory_space<vmem>>, vector<1x16xf32>,
        %get3A_245 = vector.shape_cast %get3A_244 : vector<1x16xf32> to vector<16xf32>
        %add3A_246 = arith.addf %get3A_241, %get3A_245 : vector<16xf32>
        %max3A_247 = arith.constant 0.000000e+00 : f32
        %max3A_248 = vector.broadcast %max3A_247 : f32 to vector<16xf32>
        %max3A_249 = arith.maximumf %add3A_246, %max3A_248 : vector<16xf32>
        %swap3A_250 = arith.index_cast %scan3A_138 : i32 to index
        %swap3A_251 = arith.constant 96 : index
        %swap3A_252 = tpu.vector_load %arg8[%swap3A_250, %swap3A_251] {strides = array<i32>} : memref<192x128xf32, #tpu.memory_space<vmem>>, vector<1x16xf32>,
        %swap3A_253 = vector.shape_cast %swap3A_252 : vector<1x16xf32> to vector<16xf32>
        %swap3A_254 = vector.shape_cast %max3A_249 : vector<16xf32> to vector<1x16xf32>
        tpu.vector_store %arg8[%swap3A_250, %swap3A_251], %swap3A_254 {strides = array<i32>} : memref<192x128xf32, #tpu.memory_space<vmem>>, vector<1x16xf32>,
        %get3A_255 = arith.index_cast %scan3A_138 : i32 to index
        %get3A_256 = arith.constant 112 : index
        %get3A_257 = tpu.vector_load %arg8[%get3A_255, %get3A_256] {strides = array<i32>} : memref<192x128xf32, #tpu.memory_space<vmem>>, vector<1x16xf32>,
        %get3A_258 = vector.shape_cast %get3A_257 : vector<1x16xf32> to vector<16xf32>
        %get3A_259 = arith.index_cast %scan3A_138 : i32 to index
        %get3A_260 = arith.constant 112 : index
        %get3A_261 = tpu.vector_load %arg9[%get3A_259, %get3A_260] {strides = array<i32>} : memref<192x128xf32, #tpu.memory_space<vmem>>, vector<1x16xf32>,
        %get3A_262 = vector.shape_cast %get3A_261 : vector<1x16xf32> to vector<16xf32>
        %add3A_263 = arith.addf %get3A_258, %get3A_262 : vector<16xf32>
        %max3A_264 = arith.constant 0.000000e+00 : f32
        %max3A_265 = vector.broadcast %max3A_264 : f32 to vector<16xf32>
        %max3A_266 = arith.maximumf %add3A_263, %max3A_265 : vector<16xf32>
        %swap3A_267 = arith.index_cast %scan3A_138 : i32 to index
        %swap3A_268 = arith.constant 112 : index
        %swap3A_269 = tpu.vector_load %arg8[%swap3A_267, %swap3A_268] {strides = array<i32>} : memref<192x128xf32, #tpu.memory_space<vmem>>, vector<1x16xf32>,
        %swap3A_270 = vector.shape_cast %swap3A_269 : vector<1x16xf32> to vector<16xf32>
        %swap3A_271 = vector.shape_cast %max3A_266 : vector<16xf32> to vector<1x16xf32>
        tpu.vector_store %arg8[%swap3A_267, %swap3A_268], %swap3A_271 {strides = array<i32>} : memref<192x128xf32, #tpu.memory_space<vmem>>, vector<1x16xf32>,
      }
      %scan3A_109 = arith.constant 192 : i32
      %dma_start3A_110 = arith.constant 0 : i32
      %dma_start3A_111 = tpu.memref_slice %arg5[%multiple_of3A_88, %dma_start3A_110] : memref<640000x128xf32, #tpu.memory_space<hbm>> -> memref<192x128xf32, #tpu.memory_space<hbm>>
      %dma_start3A_112 = arith.constant 0 : i32
      %dma_start3A_113 = tpu.memref_slice %arg5[%multiple_of3A_88, %dma_start3A_112] : memref<640000x128xf32, #tpu.memory_space<hbm>> -> memref<192x128xf32, #tpu.memory_space<hbm>>
      tpu.enqueue_dma source(%arg8 : memref<192x128xf32, #tpu.memory_space<vmem>>) target(%dma_start3A_113 : memref<192x128xf32, #tpu.memory_space<hbm>>) target_semaphore(%arg14 : memref<!tpu.dma_semaphore, #tpu.memory_space<semaphore_mem>>)
      %lt3A = arith.constant 51 : i32
      %lt3A_114 = arith.cmpi slt, %scan3A_82, %lt3A : i32
      %convert_element_type3A = arith.extui %lt3A_114 : i1 to i32
      %cond3A = arith.constant 0 : i32
      %cond3A_115 = arith.cmpi ne, %convert_element_type3A, %cond3A : i32
      scf.if %cond3A_115 {
        %dma_wait3A_138 = arith.constant 0 : i32
        %dma_wait3A_139 = tpu.memref_slice %arg5[%multiple_of3A_88, %dma_wait3A_138] : memref<640000x128xf32, #tpu.memory_space<hbm>> -> memref<192x128xf32, #tpu.memory_space<hbm>>
        %dma_wait3A_140 = arith.constant 0 : i32
        %dma_wait3A_141 = tpu.memref_slice %arg5[%multiple_of3A_88, %dma_wait3A_140] : memref<640000x128xf32, #tpu.memory_space<hbm>> -> memref<192x128xf32, #tpu.memory_space<hbm>>
        tpu.wait_dma2 semaphore(%arg14 : memref<!tpu.dma_semaphore, #tpu.memory_space<semaphore_mem>>) src(%arg8 : memref<192x128xf32, #tpu.memory_space<vmem>>) dst(%dma_wait3A_141 : memref<192x128xf32, #tpu.memory_space<hbm>>)
        %mul3A_142 = arith.constant 2 : i32
        %mul3A_143 = arith.muli %mul3A_142, %scan3A_82 : i32
        %add3A_144 = arith.constant 2 : i32
        %add3A_145 = arith.addi %mul3A_143, %add3A_144 : i32
        %mul3A_146 = arith.constant 192 : i32
        %mul3A_147 = arith.muli %add3A_145, %mul3A_146 : i32
        %add3A_148 = arith.addi %mul3A_2, %mul3A_147 : i32
        %multiple_of3A_149 = tpu.assume_multiple %add3A_148, 8 : i32
        %dma_start3A_150 = arith.constant 0 : i32
        %dma_start3A_151 = tpu.memref_slice %arg3[%multiple_of3A_149, %dma_start3A_150] : memref<640000x128xf32, #tpu.memory_space<hbm>> -> memref<192x128xf32, #tpu.memory_space<hbm>>
        %dma_start3A_152 = arith.constant 0 : i32
        %dma_start3A_153 = tpu.memref_slice %arg3[%multiple_of3A_149, %dma_start3A_152] : memref<640000x128xf32, #tpu.memory_space<hbm>> -> memref<192x128xf32, #tpu.memory_space<hbm>>
        tpu.enqueue_dma source(%dma_start3A_153 : memref<192x128xf32, #tpu.memory_space<hbm>>) target(%arg9 : memref<192x128xf32, #tpu.memory_space<vmem>>) target_semaphore(%arg13 : memref<!tpu.dma_semaphore, #tpu.memory_space<semaphore_mem>>)
        "tpu.region"() ({
          %run_scoped3A = tpu.sem_alloc : memref<!tpu.dma_semaphore, #tpu.memory_space<semaphore_mem>>
          %dma_start3A_157 = tpu.memref_slice %arg4[%multiple_of3A_149] : memref<640000xi32, #tpu.memory_space<hbm>> -> memref<192xi32, #tpu.memory_space<hbm>>
          %dma_start3A_158 = tpu.memref_slice %arg4[%multiple_of3A_149] : memref<640000xi32, #tpu.memory_space<hbm>> -> memref<192xi32, #tpu.memory_space<hbm>>
          tpu.enqueue_dma source(%dma_start3A_158 : memref<192xi32, #tpu.memory_space<hbm>>) target(%arg6 : memref<192xi32, #tpu.memory_space<vmem>>) target_semaphore(%run_scoped3A : memref<!tpu.dma_semaphore, #tpu.memory_space<semaphore_mem>>)
          %dma_wait3A_159 = tpu.memref_slice %arg4[%multiple_of3A_149] : memref<640000xi32, #tpu.memory_space<hbm>> -> memref<192xi32, #tpu.memory_space<hbm>>
          %dma_wait3A_160 = tpu.memref_slice %arg4[%multiple_of3A_149] : memref<640000xi32, #tpu.memory_space<hbm>> -> memref<192xi32, #tpu.memory_space<hbm>>
          tpu.wait_dma2 semaphore(%run_scoped3A : memref<!tpu.dma_semaphore, #tpu.memory_space<semaphore_mem>>) src(%dma_wait3A_160 : memref<192xi32, #tpu.memory_space<hbm>>) dst(%arg6 : memref<192xi32, #tpu.memory_space<vmem>>)
          tpu.yield
        }) : () -> ()
        %dma_start3A_154 = arith.constant 0 : i32
        %dma_start3A_155 = arith.constant 0 : i32
        %dma_start3A_156 = tpu.memref_slice %arg2[%dma_start3A_154, %dma_start3A_155] : memref<160000x128xf32, #tpu.memory_space<hbm>> -> memref<160000x128xf32, #tpu.memory_space<hbm>>
        tpu.enqueue_indirect_dma source(%dma_start3A_156 : memref<160000x128xf32, #tpu.memory_space<hbm>>) target(%arg8 : memref<192x128xf32, #tpu.memory_space<vmem>>) offsets(%arg6 : memref<192xi32, #tpu.memory_space<vmem>>) semaphore(%arg12 : memref<!tpu.dma_semaphore, #tpu.memory_space<semaphore_mem>>)
      } else {
      }
      %dma_wait3A_116 = arith.constant 0 : i32
      %dma_wait3A_117 = arith.constant 0 : i32
      %dma_wait3A_118 = tpu.memref_slice %arg2[%dma_wait3A_116, %dma_wait3A_117] : memref<160000x128xf32, #tpu.memory_space<hbm>> -> memref<160000x128xf32, #tpu.memory_space<hbm>>
      tpu.wait_indirect_dma semaphore(%arg15 : memref<!tpu.dma_semaphore, #tpu.memory_space<semaphore_mem>>) src(%dma_wait3A_118 : memref<160000x128xf32, #tpu.memory_space<hbm>>) dst(%arg10 : memref<192x128xf32, #tpu.memory_space<vmem>>)
      %dma_wait3A_119 = arith.constant 0 : i32
      %dma_wait3A_120 = tpu.memref_slice %arg3[%multiple_of3A_96, %dma_wait3A_119] : memref<640000x128xf32, #tpu.memory_space<hbm>> -> memref<192x128xf32, #tpu.memory_space<hbm>>
      %dma_wait3A_121 = arith.constant 0 : i32
      %dma_wait3A_122 = tpu.memref_slice %arg3[%multiple_of3A_96, %dma_wait3A_121] : memref<640000x128xf32, #tpu.memory_space<hbm>> -> memref<192x128xf32, #tpu.memory_space<hbm>>
      tpu.wait_dma2 semaphore(%arg16 : memref<!tpu.dma_semaphore, #tpu.memory_space<semaphore_mem>>) src(%dma_wait3A_122 : memref<192x128xf32, #tpu.memory_space<hbm>>) dst(%arg11 : memref<192x128xf32, #tpu.memory_space<vmem>>)
      %scan3A_123 = arith.constant 0 : i32
      %scan3A_124 = arith.constant 0 : i32
      %scan3A_125 = arith.constant 192 : i32
      %scan3A_126 = arith.addi %scan3A_124, %scan3A_125 : i32
      %scan3A_127 = arith.constant 1 : i32
      scf.for %scan3A_138 = %scan3A_124 to %scan3A_126 step %scan3A_127  : i32 {
        %get3A = arith.index_cast %scan3A_138 : i32 to index
        %get3A_139 = arith.constant 0 : index
        %get3A_140 = tpu.vector_load %arg10[%get3A, %get3A_139] {strides = array<i32>} : memref<192x128xf32, #tpu.memory_space<vmem>>, vector<1x16xf32>,
        %get3A_141 = vector.shape_cast %get3A_140 : vector<1x16xf32> to vector<16xf32>
        %get3A_142 = arith.index_cast %scan3A_138 : i32 to index
        %get3A_143 = arith.constant 0 : index
        %get3A_144 = tpu.vector_load %arg11[%get3A_142, %get3A_143] {strides = array<i32>} : memref<192x128xf32, #tpu.memory_space<vmem>>, vector<1x16xf32>,
        %get3A_145 = vector.shape_cast %get3A_144 : vector<1x16xf32> to vector<16xf32>
        %add3A_146 = arith.addf %get3A_141, %get3A_145 : vector<16xf32>
        %max3A = arith.constant 0.000000e+00 : f32
        %max3A_147 = vector.broadcast %max3A : f32 to vector<16xf32>
        %max3A_148 = arith.maximumf %add3A_146, %max3A_147 : vector<16xf32>
        %swap3A = arith.index_cast %scan3A_138 : i32 to index
        %swap3A_149 = arith.constant 0 : index
        %swap3A_150 = tpu.vector_load %arg10[%swap3A, %swap3A_149] {strides = array<i32>} : memref<192x128xf32, #tpu.memory_space<vmem>>, vector<1x16xf32>,
        %swap3A_151 = vector.shape_cast %swap3A_150 : vector<1x16xf32> to vector<16xf32>
        %swap3A_152 = vector.shape_cast %max3A_148 : vector<16xf32> to vector<1x16xf32>
        tpu.vector_store %arg10[%swap3A, %swap3A_149], %swap3A_152 {strides = array<i32>} : memref<192x128xf32, #tpu.memory_space<vmem>>, vector<1x16xf32>,
        %get3A_153 = arith.index_cast %scan3A_138 : i32 to index
        %get3A_154 = arith.constant 16 : index
        %get3A_155 = tpu.vector_load %arg10[%get3A_153, %get3A_154] {strides = array<i32>} : memref<192x128xf32, #tpu.memory_space<vmem>>, vector<1x16xf32>,
        %get3A_156 = vector.shape_cast %get3A_155 : vector<1x16xf32> to vector<16xf32>
        %get3A_157 = arith.index_cast %scan3A_138 : i32 to index
        %get3A_158 = arith.constant 16 : index
        %get3A_159 = tpu.vector_load %arg11[%get3A_157, %get3A_158] {strides = array<i32>} : memref<192x128xf32, #tpu.memory_space<vmem>>, vector<1x16xf32>,
        %get3A_160 = vector.shape_cast %get3A_159 : vector<1x16xf32> to vector<16xf32>
        %add3A_161 = arith.addf %get3A_156, %get3A_160 : vector<16xf32>
        %max3A_162 = arith.constant 0.000000e+00 : f32
        %max3A_163 = vector.broadcast %max3A_162 : f32 to vector<16xf32>
        %max3A_164 = arith.maximumf %add3A_161, %max3A_163 : vector<16xf32>
        %swap3A_165 = arith.index_cast %scan3A_138 : i32 to index
        %swap3A_166 = arith.constant 16 : index
        %swap3A_167 = tpu.vector_load %arg10[%swap3A_165, %swap3A_166] {strides = array<i32>} : memref<192x128xf32, #tpu.memory_space<vmem>>, vector<1x16xf32>,
        %swap3A_168 = vector.shape_cast %swap3A_167 : vector<1x16xf32> to vector<16xf32>
        %swap3A_169 = vector.shape_cast %max3A_164 : vector<16xf32> to vector<1x16xf32>
        tpu.vector_store %arg10[%swap3A_165, %swap3A_166], %swap3A_169 {strides = array<i32>} : memref<192x128xf32, #tpu.memory_space<vmem>>, vector<1x16xf32>,
        %get3A_170 = arith.index_cast %scan3A_138 : i32 to index
        %get3A_171 = arith.constant 32 : index
        %get3A_172 = tpu.vector_load %arg10[%get3A_170, %get3A_171] {strides = array<i32>} : memref<192x128xf32, #tpu.memory_space<vmem>>, vector<1x16xf32>,
        %get3A_173 = vector.shape_cast %get3A_172 : vector<1x16xf32> to vector<16xf32>
        %get3A_174 = arith.index_cast %scan3A_138 : i32 to index
        %get3A_175 = arith.constant 32 : index
        %get3A_176 = tpu.vector_load %arg11[%get3A_174, %get3A_175] {strides = array<i32>} : memref<192x128xf32, #tpu.memory_space<vmem>>, vector<1x16xf32>,
        %get3A_177 = vector.shape_cast %get3A_176 : vector<1x16xf32> to vector<16xf32>
        %add3A_178 = arith.addf %get3A_173, %get3A_177 : vector<16xf32>
        %max3A_179 = arith.constant 0.000000e+00 : f32
        %max3A_180 = vector.broadcast %max3A_179 : f32 to vector<16xf32>
        %max3A_181 = arith.maximumf %add3A_178, %max3A_180 : vector<16xf32>
        %swap3A_182 = arith.index_cast %scan3A_138 : i32 to index
        %swap3A_183 = arith.constant 32 : index
        %swap3A_184 = tpu.vector_load %arg10[%swap3A_182, %swap3A_183] {strides = array<i32>} : memref<192x128xf32, #tpu.memory_space<vmem>>, vector<1x16xf32>,
        %swap3A_185 = vector.shape_cast %swap3A_184 : vector<1x16xf32> to vector<16xf32>
        %swap3A_186 = vector.shape_cast %max3A_181 : vector<16xf32> to vector<1x16xf32>
        tpu.vector_store %arg10[%swap3A_182, %swap3A_183], %swap3A_186 {strides = array<i32>} : memref<192x128xf32, #tpu.memory_space<vmem>>, vector<1x16xf32>,
        %get3A_187 = arith.index_cast %scan3A_138 : i32 to index
        %get3A_188 = arith.constant 48 : index
        %get3A_189 = tpu.vector_load %arg10[%get3A_187, %get3A_188] {strides = array<i32>} : memref<192x128xf32, #tpu.memory_space<vmem>>, vector<1x16xf32>,
        %get3A_190 = vector.shape_cast %get3A_189 : vector<1x16xf32> to vector<16xf32>
        %get3A_191 = arith.index_cast %scan3A_138 : i32 to index
        %get3A_192 = arith.constant 48 : index
        %get3A_193 = tpu.vector_load %arg11[%get3A_191, %get3A_192] {strides = array<i32>} : memref<192x128xf32, #tpu.memory_space<vmem>>, vector<1x16xf32>,
        %get3A_194 = vector.shape_cast %get3A_193 : vector<1x16xf32> to vector<16xf32>
        %add3A_195 = arith.addf %get3A_190, %get3A_194 : vector<16xf32>
        %max3A_196 = arith.constant 0.000000e+00 : f32
        %max3A_197 = vector.broadcast %max3A_196 : f32 to vector<16xf32>
        %max3A_198 = arith.maximumf %add3A_195, %max3A_197 : vector<16xf32>
        %swap3A_199 = arith.index_cast %scan3A_138 : i32 to index
        %swap3A_200 = arith.constant 48 : index
        %swap3A_201 = tpu.vector_load %arg10[%swap3A_199, %swap3A_200] {strides = array<i32>} : memref<192x128xf32, #tpu.memory_space<vmem>>, vector<1x16xf32>,
        %swap3A_202 = vector.shape_cast %swap3A_201 : vector<1x16xf32> to vector<16xf32>
        %swap3A_203 = vector.shape_cast %max3A_198 : vector<16xf32> to vector<1x16xf32>
        tpu.vector_store %arg10[%swap3A_199, %swap3A_200], %swap3A_203 {strides = array<i32>} : memref<192x128xf32, #tpu.memory_space<vmem>>, vector<1x16xf32>,
        %get3A_204 = arith.index_cast %scan3A_138 : i32 to index
        %get3A_205 = arith.constant 64 : index
        %get3A_206 = tpu.vector_load %arg10[%get3A_204, %get3A_205] {strides = array<i32>} : memref<192x128xf32, #tpu.memory_space<vmem>>, vector<1x16xf32>,
        %get3A_207 = vector.shape_cast %get3A_206 : vector<1x16xf32> to vector<16xf32>
        %get3A_208 = arith.index_cast %scan3A_138 : i32 to index
        %get3A_209 = arith.constant 64 : index
        %get3A_210 = tpu.vector_load %arg11[%get3A_208, %get3A_209] {strides = array<i32>} : memref<192x128xf32, #tpu.memory_space<vmem>>, vector<1x16xf32>,
        %get3A_211 = vector.shape_cast %get3A_210 : vector<1x16xf32> to vector<16xf32>
        %add3A_212 = arith.addf %get3A_207, %get3A_211 : vector<16xf32>
        %max3A_213 = arith.constant 0.000000e+00 : f32
        %max3A_214 = vector.broadcast %max3A_213 : f32 to vector<16xf32>
        %max3A_215 = arith.maximumf %add3A_212, %max3A_214 : vector<16xf32>
        %swap3A_216 = arith.index_cast %scan3A_138 : i32 to index
        %swap3A_217 = arith.constant 64 : index
        %swap3A_218 = tpu.vector_load %arg10[%swap3A_216, %swap3A_217] {strides = array<i32>} : memref<192x128xf32, #tpu.memory_space<vmem>>, vector<1x16xf32>,
        %swap3A_219 = vector.shape_cast %swap3A_218 : vector<1x16xf32> to vector<16xf32>
        %swap3A_220 = vector.shape_cast %max3A_215 : vector<16xf32> to vector<1x16xf32>
        tpu.vector_store %arg10[%swap3A_216, %swap3A_217], %swap3A_220 {strides = array<i32>} : memref<192x128xf32, #tpu.memory_space<vmem>>, vector<1x16xf32>,
        %get3A_221 = arith.index_cast %scan3A_138 : i32 to index
        %get3A_222 = arith.constant 80 : index
        %get3A_223 = tpu.vector_load %arg10[%get3A_221, %get3A_222] {strides = array<i32>} : memref<192x128xf32, #tpu.memory_space<vmem>>, vector<1x16xf32>,
        %get3A_224 = vector.shape_cast %get3A_223 : vector<1x16xf32> to vector<16xf32>
        %get3A_225 = arith.index_cast %scan3A_138 : i32 to index
        %get3A_226 = arith.constant 80 : index
        %get3A_227 = tpu.vector_load %arg11[%get3A_225, %get3A_226] {strides = array<i32>} : memref<192x128xf32, #tpu.memory_space<vmem>>, vector<1x16xf32>,
        %get3A_228 = vector.shape_cast %get3A_227 : vector<1x16xf32> to vector<16xf32>
        %add3A_229 = arith.addf %get3A_224, %get3A_228 : vector<16xf32>
        %max3A_230 = arith.constant 0.000000e+00 : f32
        %max3A_231 = vector.broadcast %max3A_230 : f32 to vector<16xf32>
        %max3A_232 = arith.maximumf %add3A_229, %max3A_231 : vector<16xf32>
        %swap3A_233 = arith.index_cast %scan3A_138 : i32 to index
        %swap3A_234 = arith.constant 80 : index
        %swap3A_235 = tpu.vector_load %arg10[%swap3A_233, %swap3A_234] {strides = array<i32>} : memref<192x128xf32, #tpu.memory_space<vmem>>, vector<1x16xf32>,
        %swap3A_236 = vector.shape_cast %swap3A_235 : vector<1x16xf32> to vector<16xf32>
        %swap3A_237 = vector.shape_cast %max3A_232 : vector<16xf32> to vector<1x16xf32>
        tpu.vector_store %arg10[%swap3A_233, %swap3A_234], %swap3A_237 {strides = array<i32>} : memref<192x128xf32, #tpu.memory_space<vmem>>, vector<1x16xf32>,
        %get3A_238 = arith.index_cast %scan3A_138 : i32 to index
        %get3A_239 = arith.constant 96 : index
        %get3A_240 = tpu.vector_load %arg10[%get3A_238, %get3A_239] {strides = array<i32>} : memref<192x128xf32, #tpu.memory_space<vmem>>, vector<1x16xf32>,
        %get3A_241 = vector.shape_cast %get3A_240 : vector<1x16xf32> to vector<16xf32>
        %get3A_242 = arith.index_cast %scan3A_138 : i32 to index
        %get3A_243 = arith.constant 96 : index
        %get3A_244 = tpu.vector_load %arg11[%get3A_242, %get3A_243] {strides = array<i32>} : memref<192x128xf32, #tpu.memory_space<vmem>>, vector<1x16xf32>,
        %get3A_245 = vector.shape_cast %get3A_244 : vector<1x16xf32> to vector<16xf32>
        %add3A_246 = arith.addf %get3A_241, %get3A_245 : vector<16xf32>
        %max3A_247 = arith.constant 0.000000e+00 : f32
        %max3A_248 = vector.broadcast %max3A_247 : f32 to vector<16xf32>
        %max3A_249 = arith.maximumf %add3A_246, %max3A_248 : vector<16xf32>
        %swap3A_250 = arith.index_cast %scan3A_138 : i32 to index
        %swap3A_251 = arith.constant 96 : index
        %swap3A_252 = tpu.vector_load %arg10[%swap3A_250, %swap3A_251] {strides = array<i32>} : memref<192x128xf32, #tpu.memory_space<vmem>>, vector<1x16xf32>,
        %swap3A_253 = vector.shape_cast %swap3A_252 : vector<1x16xf32> to vector<16xf32>
        %swap3A_254 = vector.shape_cast %max3A_249 : vector<16xf32> to vector<1x16xf32>
        tpu.vector_store %arg10[%swap3A_250, %swap3A_251], %swap3A_254 {strides = array<i32>} : memref<192x128xf32, #tpu.memory_space<vmem>>, vector<1x16xf32>,
        %get3A_255 = arith.index_cast %scan3A_138 : i32 to index
        %get3A_256 = arith.constant 112 : index
        %get3A_257 = tpu.vector_load %arg10[%get3A_255, %get3A_256] {strides = array<i32>} : memref<192x128xf32, #tpu.memory_space<vmem>>, vector<1x16xf32>,
        %get3A_258 = vector.shape_cast %get3A_257 : vector<1x16xf32> to vector<16xf32>
        %get3A_259 = arith.index_cast %scan3A_138 : i32 to index
        %get3A_260 = arith.constant 112 : index
        %get3A_261 = tpu.vector_load %arg11[%get3A_259, %get3A_260] {strides = array<i32>} : memref<192x128xf32, #tpu.memory_space<vmem>>, vector<1x16xf32>,
        %get3A_262 = vector.shape_cast %get3A_261 : vector<1x16xf32> to vector<16xf32>
        %add3A_263 = arith.addf %get3A_258, %get3A_262 : vector<16xf32>
        %max3A_264 = arith.constant 0.000000e+00 : f32
        %max3A_265 = vector.broadcast %max3A_264 : f32 to vector<16xf32>
        %max3A_266 = arith.maximumf %add3A_263, %max3A_265 : vector<16xf32>
        %swap3A_267 = arith.index_cast %scan3A_138 : i32 to index
        %swap3A_268 = arith.constant 112 : index
        %swap3A_269 = tpu.vector_load %arg10[%swap3A_267, %swap3A_268] {strides = array<i32>} : memref<192x128xf32, #tpu.memory_space<vmem>>, vector<1x16xf32>,
        %swap3A_270 = vector.shape_cast %swap3A_269 : vector<1x16xf32> to vector<16xf32>
        %swap3A_271 = vector.shape_cast %max3A_266 : vector<16xf32> to vector<1x16xf32>
        tpu.vector_store %arg10[%swap3A_267, %swap3A_268], %swap3A_271 {strides = array<i32>} : memref<192x128xf32, #tpu.memory_space<vmem>>, vector<1x16xf32>,
      }
      %scan3A_128 = arith.constant 192 : i32
      %dma_start3A_129 = arith.constant 0 : i32
      %dma_start3A_130 = tpu.memref_slice %arg5[%multiple_of3A_96, %dma_start3A_129] : memref<640000x128xf32, #tpu.memory_space<hbm>> -> memref<192x128xf32, #tpu.memory_space<hbm>>
      %dma_start3A_131 = arith.constant 0 : i32
      %dma_start3A_132 = tpu.memref_slice %arg5[%multiple_of3A_96, %dma_start3A_131] : memref<640000x128xf32, #tpu.memory_space<hbm>> -> memref<192x128xf32, #tpu.memory_space<hbm>>
      tpu.enqueue_dma source(%arg10 : memref<192x128xf32, #tpu.memory_space<vmem>>) target(%dma_start3A_132 : memref<192x128xf32, #tpu.memory_space<hbm>>) target_semaphore(%arg17 : memref<!tpu.dma_semaphore, #tpu.memory_space<semaphore_mem>>)
      %lt3A_133 = arith.constant 51 : i32
      %lt3A_134 = arith.cmpi slt, %scan3A_82, %lt3A_133 : i32
      %convert_element_type3A_135 = arith.extui %lt3A_134 : i1 to i32
      %cond3A_136 = arith.constant 0 : i32
      %cond3A_137 = arith.cmpi ne, %convert_element_type3A_135, %cond3A_136 : i32
      scf.if %cond3A_137 {
        %dma_wait3A_138 = arith.constant 0 : i32
        %dma_wait3A_139 = tpu.memref_slice %arg5[%multiple_of3A_96, %dma_wait3A_138] : memref<640000x128xf32, #tpu.memory_space<hbm>> -> memref<192x128xf32, #tpu.memory_space<hbm>>
        %dma_wait3A_140 = arith.constant 0 : i32
        %dma_wait3A_141 = tpu.memref_slice %arg5[%multiple_of3A_96, %dma_wait3A_140] : memref<640000x128xf32, #tpu.memory_space<hbm>> -> memref<192x128xf32, #tpu.memory_space<hbm>>
        tpu.wait_dma2 semaphore(%arg17 : memref<!tpu.dma_semaphore, #tpu.memory_space<semaphore_mem>>) src(%arg10 : memref<192x128xf32, #tpu.memory_space<vmem>>) dst(%dma_wait3A_141 : memref<192x128xf32, #tpu.memory_space<hbm>>)
        %mul3A_142 = arith.constant 2 : i32
        %mul3A_143 = arith.muli %mul3A_142, %scan3A_82 : i32
        %add3A_144 = arith.constant 3 : i32
        %add3A_145 = arith.addi %mul3A_143, %add3A_144 : i32
        %mul3A_146 = arith.constant 192 : i32
        %mul3A_147 = arith.muli %add3A_145, %mul3A_146 : i32
        %add3A_148 = arith.addi %mul3A_2, %mul3A_147 : i32
        %multiple_of3A_149 = tpu.assume_multiple %add3A_148, 8 : i32
        %dma_start3A_150 = arith.constant 0 : i32
        %dma_start3A_151 = tpu.memref_slice %arg3[%multiple_of3A_149, %dma_start3A_150] : memref<640000x128xf32, #tpu.memory_space<hbm>> -> memref<192x128xf32, #tpu.memory_space<hbm>>
        %dma_start3A_152 = arith.constant 0 : i32
        %dma_start3A_153 = tpu.memref_slice %arg3[%multiple_of3A_149, %dma_start3A_152] : memref<640000x128xf32, #tpu.memory_space<hbm>> -> memref<192x128xf32, #tpu.memory_space<hbm>>
        tpu.enqueue_dma source(%dma_start3A_153 : memref<192x128xf32, #tpu.memory_space<hbm>>) target(%arg11 : memref<192x128xf32, #tpu.memory_space<vmem>>) target_semaphore(%arg16 : memref<!tpu.dma_semaphore, #tpu.memory_space<semaphore_mem>>)
        "tpu.region"() ({
          %run_scoped3A = tpu.sem_alloc : memref<!tpu.dma_semaphore, #tpu.memory_space<semaphore_mem>>
          %dma_start3A_157 = tpu.memref_slice %arg4[%multiple_of3A_149] : memref<640000xi32, #tpu.memory_space<hbm>> -> memref<192xi32, #tpu.memory_space<hbm>>
          %dma_start3A_158 = tpu.memref_slice %arg4[%multiple_of3A_149] : memref<640000xi32, #tpu.memory_space<hbm>> -> memref<192xi32, #tpu.memory_space<hbm>>
          tpu.enqueue_dma source(%dma_start3A_158 : memref<192xi32, #tpu.memory_space<hbm>>) target(%arg7 : memref<192xi32, #tpu.memory_space<vmem>>) target_semaphore(%run_scoped3A : memref<!tpu.dma_semaphore, #tpu.memory_space<semaphore_mem>>)
          %dma_wait3A_159 = tpu.memref_slice %arg4[%multiple_of3A_149] : memref<640000xi32, #tpu.memory_space<hbm>> -> memref<192xi32, #tpu.memory_space<hbm>>
          %dma_wait3A_160 = tpu.memref_slice %arg4[%multiple_of3A_149] : memref<640000xi32, #tpu.memory_space<hbm>> -> memref<192xi32, #tpu.memory_space<hbm>>
          tpu.wait_dma2 semaphore(%run_scoped3A : memref<!tpu.dma_semaphore, #tpu.memory_space<semaphore_mem>>) src(%dma_wait3A_160 : memref<192xi32, #tpu.memory_space<hbm>>) dst(%arg7 : memref<192xi32, #tpu.memory_space<vmem>>)
          tpu.yield
        }) : () -> ()
        %dma_start3A_154 = arith.constant 0 : i32
        %dma_start3A_155 = arith.constant 0 : i32
        %dma_start3A_156 = tpu.memref_slice %arg2[%dma_start3A_154, %dma_start3A_155] : memref<160000x128xf32, #tpu.memory_space<hbm>> -> memref<160000x128xf32, #tpu.memory_space<hbm>>
        tpu.enqueue_indirect_dma source(%dma_start3A_156 : memref<160000x128xf32, #tpu.memory_space<hbm>>) target(%arg10 : memref<192x128xf32, #tpu.memory_space<vmem>>) offsets(%arg7 : memref<192xi32, #tpu.memory_space<vmem>>) semaphore(%arg15 : memref<!tpu.dma_semaphore, #tpu.memory_space<semaphore_mem>>)
      } else {
      }
    }
    %scan3A_23 = arith.constant 52 : i32
    %add3A_24 = arith.constant 19584 : i32
    %add3A_25 = arith.addi %mul3A_2, %add3A_24 : i32
    %multiple_of3A_26 = tpu.assume_multiple %add3A_25, 8 : i32
    %add3A_27 = arith.constant 19776 : i32
    %add3A_28 = arith.addi %mul3A_2, %add3A_27 : i32
    %multiple_of3A_29 = tpu.assume_multiple %add3A_28, 8 : i32
    %dma_wait3A = arith.constant 0 : i32
    %dma_wait3A_30 = tpu.memref_slice %arg5[%multiple_of3A_26, %dma_wait3A] : memref<640000x128xf32, #tpu.memory_space<hbm>> -> memref<192x128xf32, #tpu.memory_space<hbm>>
    %dma_wait3A_31 = arith.constant 0 : i32
    %dma_wait3A_32 = tpu.memref_slice %arg5[%multiple_of3A_26, %dma_wait3A_31] : memref<640000x128xf32, #tpu.memory_space<hbm>> -> memref<192x128xf32, #tpu.memory_space<hbm>>
    tpu.wait_dma2 semaphore(%arg14 : memref<!tpu.dma_semaphore, #tpu.memory_space<semaphore_mem>>) src(%arg8 : memref<192x128xf32, #tpu.memory_space<vmem>>) dst(%dma_wait3A_32 : memref<192x128xf32, #tpu.memory_space<hbm>>)
    %dma_wait3A_33 = arith.constant 0 : i32
    %dma_wait3A_34 = tpu.memref_slice %arg5[%multiple_of3A_29, %dma_wait3A_33] : memref<640000x128xf32, #tpu.memory_space<hbm>> -> memref<192x128xf32, #tpu.memory_space<hbm>>
    %dma_wait3A_35 = arith.constant 0 : i32
    %dma_wait3A_36 = tpu.memref_slice %arg5[%multiple_of3A_29, %dma_wait3A_35] : memref<640000x128xf32, #tpu.memory_space<hbm>> -> memref<192x128xf32, #tpu.memory_space<hbm>>
    tpu.wait_dma2 semaphore(%arg17 : memref<!tpu.dma_semaphore, #tpu.memory_space<semaphore_mem>>) src(%arg10 : memref<192x128xf32, #tpu.memory_space<vmem>>) dst(%dma_wait3A_36 : memref<192x128xf32, #tpu.memory_space<hbm>>)
    %add3A_37 = arith.constant 19968 : i32
    %add3A_38 = arith.addi %mul3A_2, %add3A_37 : i32
    %multiple_of3A_39 = tpu.assume_multiple %add3A_38, 8 : i32
    "tpu.region"() ({
      %run_scoped3A = tpu.sem_alloc : memref<!tpu.dma_semaphore, #tpu.memory_space<semaphore_mem>>
      %dma_start3A_82 = arith.constant 0 : i32
      %dma_start3A_83 = tpu.memref_slice %arg6[%dma_start3A_82] : memref<192xi32, #tpu.memory_space<vmem>> -> memref<32xi32, #tpu.memory_space<vmem>>
      %dma_start3A_84 = tpu.memref_slice %arg4[%multiple_of3A_39] : memref<640000xi32, #tpu.memory_space<hbm>> -> memref<32xi32, #tpu.memory_space<hbm>>
      %dma_start3A_85 = arith.constant 0 : i32
      %dma_start3A_86 = tpu.memref_slice %arg6[%dma_start3A_85] : memref<192xi32, #tpu.memory_space<vmem>> -> memref<32xi32, #tpu.memory_space<vmem>>
      %dma_start3A_87 = tpu.memref_slice %arg4[%multiple_of3A_39] : memref<640000xi32, #tpu.memory_space<hbm>> -> memref<32xi32, #tpu.memory_space<hbm>>
      tpu.enqueue_dma source(%dma_start3A_87 : memref<32xi32, #tpu.memory_space<hbm>>) target(%dma_start3A_86 : memref<32xi32, #tpu.memory_space<vmem>>) target_semaphore(%run_scoped3A : memref<!tpu.dma_semaphore, #tpu.memory_space<semaphore_mem>>)
      %dma_wait3A_88 = arith.constant 0 : i32
      %dma_wait3A_89 = tpu.memref_slice %arg6[%dma_wait3A_88] : memref<192xi32, #tpu.memory_space<vmem>> -> memref<32xi32, #tpu.memory_space<vmem>>
      %dma_wait3A_90 = tpu.memref_slice %arg4[%multiple_of3A_39] : memref<640000xi32, #tpu.memory_space<hbm>> -> memref<32xi32, #tpu.memory_space<hbm>>
      %dma_wait3A_91 = arith.constant 0 : i32
      %dma_wait3A_92 = tpu.memref_slice %arg6[%dma_wait3A_91] : memref<192xi32, #tpu.memory_space<vmem>> -> memref<32xi32, #tpu.memory_space<vmem>>
      %dma_wait3A_93 = tpu.memref_slice %arg4[%multiple_of3A_39] : memref<640000xi32, #tpu.memory_space<hbm>> -> memref<32xi32, #tpu.memory_space<hbm>>
      tpu.wait_dma2 semaphore(%run_scoped3A : memref<!tpu.dma_semaphore, #tpu.memory_space<semaphore_mem>>) src(%dma_wait3A_93 : memref<32xi32, #tpu.memory_space<hbm>>) dst(%dma_wait3A_92 : memref<32xi32, #tpu.memory_space<vmem>>)
      tpu.yield
    }) : () -> ()
    %dma_start3A_40 = arith.constant 0 : i32
    %dma_start3A_41 = arith.constant 0 : i32
    %dma_start3A_42 = tpu.memref_slice %arg8[%dma_start3A_40, %dma_start3A_41] : memref<192x128xf32, #tpu.memory_space<vmem>> -> memref<32x128xf32, #tpu.memory_space<vmem>>
    %dma_start3A_43 = arith.constant 0 : i32
    %dma_start3A_44 = tpu.memref_slice %arg6[%dma_start3A_43] : memref<192xi32, #tpu.memory_space<vmem>> -> memref<32xi32, #tpu.memory_space<vmem>>
    %dma_start3A_45 = arith.constant 0 : i32
    %dma_start3A_46 = arith.constant 0 : i32
    %dma_start3A_47 = tpu.memref_slice %arg2[%dma_start3A_45, %dma_start3A_46] : memref<160000x128xf32, #tpu.memory_space<hbm>> -> memref<160000x128xf32, #tpu.memory_space<hbm>>
    tpu.enqueue_indirect_dma source(%dma_start3A_47 : memref<160000x128xf32, #tpu.memory_space<hbm>>) target(%dma_start3A_42 : memref<32x128xf32, #tpu.memory_space<vmem>>) offsets(%dma_start3A_44 : memref<32xi32, #tpu.memory_space<vmem>>) semaphore(%arg12 : memref<!tpu.dma_semaphore, #tpu.memory_space<semaphore_mem>>)
    %dma_start3A_48 = arith.constant 0 : i32
    %dma_start3A_49 = arith.constant 0 : i32
    %dma_start3A_50 = tpu.memref_slice %arg9[%dma_start3A_48, %dma_start3A_49] : memref<192x128xf32, #tpu.memory_space<vmem>> -> memref<32x128xf32, #tpu.memory_space<vmem>>
    %dma_start3A_51 = arith.constant 0 : i32
    %dma_start3A_52 = tpu.memref_slice %arg3[%multiple_of3A_39, %dma_start3A_51] : memref<640000x128xf32, #tpu.memory_space<hbm>> -> memref<32x128xf32, #tpu.memory_space<hbm>>
    %dma_start3A_53 = arith.constant 0 : i32
    %dma_start3A_54 = arith.constant 0 : i32
    %dma_start3A_55 = tpu.memref_slice %arg9[%dma_start3A_53, %dma_start3A_54] : memref<192x128xf32, #tpu.memory_space<vmem>> -> memref<32x128xf32, #tpu.memory_space<vmem>>
    %dma_start3A_56 = arith.constant 0 : i32
    %dma_start3A_57 = tpu.memref_slice %arg3[%multiple_of3A_39, %dma_start3A_56] : memref<640000x128xf32, #tpu.memory_space<hbm>> -> memref<32x128xf32, #tpu.memory_space<hbm>>
    tpu.enqueue_dma source(%dma_start3A_57 : memref<32x128xf32, #tpu.memory_space<hbm>>) target(%dma_start3A_55 : memref<32x128xf32, #tpu.memory_space<vmem>>) target_semaphore(%arg13 : memref<!tpu.dma_semaphore, #tpu.memory_space<semaphore_mem>>)
    %dma_wait3A_58 = arith.constant 0 : i32
    %dma_wait3A_59 = arith.constant 0 : i32
    %dma_wait3A_60 = tpu.memref_slice %arg8[%dma_wait3A_58, %dma_wait3A_59] : memref<192x128xf32, #tpu.memory_space<vmem>> -> memref<32x128xf32, #tpu.memory_space<vmem>>
    %dma_wait3A_61 = arith.constant 0 : i32
    %dma_wait3A_62 = tpu.memref_slice %arg6[%dma_wait3A_61] : memref<192xi32, #tpu.memory_space<vmem>> -> memref<32xi32, #tpu.memory_space<vmem>>
    %dma_wait3A_63 = arith.constant 0 : i32
    %dma_wait3A_64 = arith.constant 0 : i32
    %dma_wait3A_65 = tpu.memref_slice %arg2[%dma_wait3A_63, %dma_wait3A_64] : memref<160000x128xf32, #tpu.memory_space<hbm>> -> memref<160000x128xf32, #tpu.memory_space<hbm>>
    tpu.wait_indirect_dma semaphore(%arg12 : memref<!tpu.dma_semaphore, #tpu.memory_space<semaphore_mem>>) src(%dma_wait3A_65 : memref<160000x128xf32, #tpu.memory_space<hbm>>) dst(%dma_wait3A_60 : memref<32x128xf32, #tpu.memory_space<vmem>>)
    %dma_wait3A_66 = arith.constant 0 : i32
    %dma_wait3A_67 = arith.constant 0 : i32
    %dma_wait3A_68 = tpu.memref_slice %arg9[%dma_wait3A_66, %dma_wait3A_67] : memref<192x128xf32, #tpu.memory_space<vmem>> -> memref<32x128xf32, #tpu.memory_space<vmem>>
    %dma_wait3A_69 = arith.constant 0 : i32
    %dma_wait3A_70 = tpu.memref_slice %arg3[%multiple_of3A_39, %dma_wait3A_69] : memref<640000x128xf32, #tpu.memory_space<hbm>> -> memref<32x128xf32, #tpu.memory_space<hbm>>
    %dma_wait3A_71 = arith.constant 0 : i32
    %dma_wait3A_72 = arith.constant 0 : i32
    %dma_wait3A_73 = tpu.memref_slice %arg9[%dma_wait3A_71, %dma_wait3A_72] : memref<192x128xf32, #tpu.memory_space<vmem>> -> memref<32x128xf32, #tpu.memory_space<vmem>>
    %dma_wait3A_74 = arith.constant 0 : i32
    %dma_wait3A_75 = tpu.memref_slice %arg3[%multiple_of3A_39, %dma_wait3A_74] : memref<640000x128xf32, #tpu.memory_space<hbm>> -> memref<32x128xf32, #tpu.memory_space<hbm>>
    tpu.wait_dma2 semaphore(%arg13 : memref<!tpu.dma_semaphore, #tpu.memory_space<semaphore_mem>>) src(%dma_wait3A_75 : memref<32x128xf32, #tpu.memory_space<hbm>>) dst(%dma_wait3A_73 : memref<32x128xf32, #tpu.memory_space<vmem>>)
    %scan3A_76 = arith.constant 0 : i32
    %scan3A_77 = arith.constant 0 : i32
    %scan3A_78 = arith.constant 32 : i32
    %scan3A_79 = arith.addi %scan3A_77, %scan3A_78 : i32
    %scan3A_80 = arith.constant 1 : i32
    scf.for %scan3A_82 = %scan3A_77 to %scan3A_79 step %scan3A_80  : i32 {
      %get3A = arith.index_cast %scan3A_82 : i32 to index
      %get3A_83 = arith.constant 0 : index
      %get3A_84 = tpu.vector_load %arg8[%get3A, %get3A_83] {strides = array<i32>} : memref<192x128xf32, #tpu.memory_space<vmem>>, vector<1x16xf32>,
      %get3A_85 = vector.shape_cast %get3A_84 : vector<1x16xf32> to vector<16xf32>
      %get3A_86 = arith.index_cast %scan3A_82 : i32 to index
      %get3A_87 = arith.constant 0 : index
      %get3A_88 = tpu.vector_load %arg9[%get3A_86, %get3A_87] {strides = array<i32>} : memref<192x128xf32, #tpu.memory_space<vmem>>, vector<1x16xf32>,
      %get3A_89 = vector.shape_cast %get3A_88 : vector<1x16xf32> to vector<16xf32>
      %add3A_90 = arith.addf %get3A_85, %get3A_89 : vector<16xf32>
      %max3A = arith.constant 0.000000e+00 : f32
      %max3A_91 = vector.broadcast %max3A : f32 to vector<16xf32>
      %max3A_92 = arith.maximumf %add3A_90, %max3A_91 : vector<16xf32>
      %swap3A = arith.index_cast %scan3A_82 : i32 to index
      %swap3A_93 = arith.constant 0 : index
      %swap3A_94 = tpu.vector_load %arg8[%swap3A, %swap3A_93] {strides = array<i32>} : memref<192x128xf32, #tpu.memory_space<vmem>>, vector<1x16xf32>,
      %swap3A_95 = vector.shape_cast %swap3A_94 : vector<1x16xf32> to vector<16xf32>
      %swap3A_96 = vector.shape_cast %max3A_92 : vector<16xf32> to vector<1x16xf32>
      tpu.vector_store %arg8[%swap3A, %swap3A_93], %swap3A_96 {strides = array<i32>} : memref<192x128xf32, #tpu.memory_space<vmem>>, vector<1x16xf32>,
      %get3A_97 = arith.index_cast %scan3A_82 : i32 to index
      %get3A_98 = arith.constant 16 : index
      %get3A_99 = tpu.vector_load %arg8[%get3A_97, %get3A_98] {strides = array<i32>} : memref<192x128xf32, #tpu.memory_space<vmem>>, vector<1x16xf32>,
      %get3A_100 = vector.shape_cast %get3A_99 : vector<1x16xf32> to vector<16xf32>
      %get3A_101 = arith.index_cast %scan3A_82 : i32 to index
      %get3A_102 = arith.constant 16 : index
      %get3A_103 = tpu.vector_load %arg9[%get3A_101, %get3A_102] {strides = array<i32>} : memref<192x128xf32, #tpu.memory_space<vmem>>, vector<1x16xf32>,
      %get3A_104 = vector.shape_cast %get3A_103 : vector<1x16xf32> to vector<16xf32>
      %add3A_105 = arith.addf %get3A_100, %get3A_104 : vector<16xf32>
      %max3A_106 = arith.constant 0.000000e+00 : f32
      %max3A_107 = vector.broadcast %max3A_106 : f32 to vector<16xf32>
      %max3A_108 = arith.maximumf %add3A_105, %max3A_107 : vector<16xf32>
      %swap3A_109 = arith.index_cast %scan3A_82 : i32 to index
      %swap3A_110 = arith.constant 16 : index
      %swap3A_111 = tpu.vector_load %arg8[%swap3A_109, %swap3A_110] {strides = array<i32>} : memref<192x128xf32, #tpu.memory_space<vmem>>, vector<1x16xf32>,
      %swap3A_112 = vector.shape_cast %swap3A_111 : vector<1x16xf32> to vector<16xf32>
      %swap3A_113 = vector.shape_cast %max3A_108 : vector<16xf32> to vector<1x16xf32>
      tpu.vector_store %arg8[%swap3A_109, %swap3A_110], %swap3A_113 {strides = array<i32>} : memref<192x128xf32, #tpu.memory_space<vmem>>, vector<1x16xf32>,
      %get3A_114 = arith.index_cast %scan3A_82 : i32 to index
      %get3A_115 = arith.constant 32 : index
      %get3A_116 = tpu.vector_load %arg8[%get3A_114, %get3A_115] {strides = array<i32>} : memref<192x128xf32, #tpu.memory_space<vmem>>, vector<1x16xf32>,
      %get3A_117 = vector.shape_cast %get3A_116 : vector<1x16xf32> to vector<16xf32>
      %get3A_118 = arith.index_cast %scan3A_82 : i32 to index
      %get3A_119 = arith.constant 32 : index
      %get3A_120 = tpu.vector_load %arg9[%get3A_118, %get3A_119] {strides = array<i32>} : memref<192x128xf32, #tpu.memory_space<vmem>>, vector<1x16xf32>,
      %get3A_121 = vector.shape_cast %get3A_120 : vector<1x16xf32> to vector<16xf32>
      %add3A_122 = arith.addf %get3A_117, %get3A_121 : vector<16xf32>
      %max3A_123 = arith.constant 0.000000e+00 : f32
      %max3A_124 = vector.broadcast %max3A_123 : f32 to vector<16xf32>
      %max3A_125 = arith.maximumf %add3A_122, %max3A_124 : vector<16xf32>
      %swap3A_126 = arith.index_cast %scan3A_82 : i32 to index
      %swap3A_127 = arith.constant 32 : index
      %swap3A_128 = tpu.vector_load %arg8[%swap3A_126, %swap3A_127] {strides = array<i32>} : memref<192x128xf32, #tpu.memory_space<vmem>>, vector<1x16xf32>,
      %swap3A_129 = vector.shape_cast %swap3A_128 : vector<1x16xf32> to vector<16xf32>
      %swap3A_130 = vector.shape_cast %max3A_125 : vector<16xf32> to vector<1x16xf32>
      tpu.vector_store %arg8[%swap3A_126, %swap3A_127], %swap3A_130 {strides = array<i32>} : memref<192x128xf32, #tpu.memory_space<vmem>>, vector<1x16xf32>,
      %get3A_131 = arith.index_cast %scan3A_82 : i32 to index
      %get3A_132 = arith.constant 48 : index
      %get3A_133 = tpu.vector_load %arg8[%get3A_131, %get3A_132] {strides = array<i32>} : memref<192x128xf32, #tpu.memory_space<vmem>>, vector<1x16xf32>,
      %get3A_134 = vector.shape_cast %get3A_133 : vector<1x16xf32> to vector<16xf32>
      %get3A_135 = arith.index_cast %scan3A_82 : i32 to index
      %get3A_136 = arith.constant 48 : index
      %get3A_137 = tpu.vector_load %arg9[%get3A_135, %get3A_136] {strides = array<i32>} : memref<192x128xf32, #tpu.memory_space<vmem>>, vector<1x16xf32>,
      %get3A_138 = vector.shape_cast %get3A_137 : vector<1x16xf32> to vector<16xf32>
      %add3A_139 = arith.addf %get3A_134, %get3A_138 : vector<16xf32>
      %max3A_140 = arith.constant 0.000000e+00 : f32
      %max3A_141 = vector.broadcast %max3A_140 : f32 to vector<16xf32>
      %max3A_142 = arith.maximumf %add3A_139, %max3A_141 : vector<16xf32>
      %swap3A_143 = arith.index_cast %scan3A_82 : i32 to index
      %swap3A_144 = arith.constant 48 : index
      %swap3A_145 = tpu.vector_load %arg8[%swap3A_143, %swap3A_144] {strides = array<i32>} : memref<192x128xf32, #tpu.memory_space<vmem>>, vector<1x16xf32>,
      %swap3A_146 = vector.shape_cast %swap3A_145 : vector<1x16xf32> to vector<16xf32>
      %swap3A_147 = vector.shape_cast %max3A_142 : vector<16xf32> to vector<1x16xf32>
      tpu.vector_store %arg8[%swap3A_143, %swap3A_144], %swap3A_147 {strides = array<i32>} : memref<192x128xf32, #tpu.memory_space<vmem>>, vector<1x16xf32>,
      %get3A_148 = arith.index_cast %scan3A_82 : i32 to index
      %get3A_149 = arith.constant 64 : index
      %get3A_150 = tpu.vector_load %arg8[%get3A_148, %get3A_149] {strides = array<i32>} : memref<192x128xf32, #tpu.memory_space<vmem>>, vector<1x16xf32>,
      %get3A_151 = vector.shape_cast %get3A_150 : vector<1x16xf32> to vector<16xf32>
      %get3A_152 = arith.index_cast %scan3A_82 : i32 to index
      %get3A_153 = arith.constant 64 : index
      %get3A_154 = tpu.vector_load %arg9[%get3A_152, %get3A_153] {strides = array<i32>} : memref<192x128xf32, #tpu.memory_space<vmem>>, vector<1x16xf32>,
      %get3A_155 = vector.shape_cast %get3A_154 : vector<1x16xf32> to vector<16xf32>
      %add3A_156 = arith.addf %get3A_151, %get3A_155 : vector<16xf32>
      %max3A_157 = arith.constant 0.000000e+00 : f32
      %max3A_158 = vector.broadcast %max3A_157 : f32 to vector<16xf32>
      %max3A_159 = arith.maximumf %add3A_156, %max3A_158 : vector<16xf32>
      %swap3A_160 = arith.index_cast %scan3A_82 : i32 to index
      %swap3A_161 = arith.constant 64 : index
      %swap3A_162 = tpu.vector_load %arg8[%swap3A_160, %swap3A_161] {strides = array<i32>} : memref<192x128xf32, #tpu.memory_space<vmem>>, vector<1x16xf32>,
      %swap3A_163 = vector.shape_cast %swap3A_162 : vector<1x16xf32> to vector<16xf32>
      %swap3A_164 = vector.shape_cast %max3A_159 : vector<16xf32> to vector<1x16xf32>
      tpu.vector_store %arg8[%swap3A_160, %swap3A_161], %swap3A_164 {strides = array<i32>} : memref<192x128xf32, #tpu.memory_space<vmem>>, vector<1x16xf32>,
      %get3A_165 = arith.index_cast %scan3A_82 : i32 to index
      %get3A_166 = arith.constant 80 : index
      %get3A_167 = tpu.vector_load %arg8[%get3A_165, %get3A_166] {strides = array<i32>} : memref<192x128xf32, #tpu.memory_space<vmem>>, vector<1x16xf32>,
      %get3A_168 = vector.shape_cast %get3A_167 : vector<1x16xf32> to vector<16xf32>
      %get3A_169 = arith.index_cast %scan3A_82 : i32 to index
      %get3A_170 = arith.constant 80 : index
      %get3A_171 = tpu.vector_load %arg9[%get3A_169, %get3A_170] {strides = array<i32>} : memref<192x128xf32, #tpu.memory_space<vmem>>, vector<1x16xf32>,
      %get3A_172 = vector.shape_cast %get3A_171 : vector<1x16xf32> to vector<16xf32>
      %add3A_173 = arith.addf %get3A_168, %get3A_172 : vector<16xf32>
      %max3A_174 = arith.constant 0.000000e+00 : f32
      %max3A_175 = vector.broadcast %max3A_174 : f32 to vector<16xf32>
      %max3A_176 = arith.maximumf %add3A_173, %max3A_175 : vector<16xf32>
      %swap3A_177 = arith.index_cast %scan3A_82 : i32 to index
      %swap3A_178 = arith.constant 80 : index
      %swap3A_179 = tpu.vector_load %arg8[%swap3A_177, %swap3A_178] {strides = array<i32>} : memref<192x128xf32, #tpu.memory_space<vmem>>, vector<1x16xf32>,
      %swap3A_180 = vector.shape_cast %swap3A_179 : vector<1x16xf32> to vector<16xf32>
      %swap3A_181 = vector.shape_cast %max3A_176 : vector<16xf32> to vector<1x16xf32>
      tpu.vector_store %arg8[%swap3A_177, %swap3A_178], %swap3A_181 {strides = array<i32>} : memref<192x128xf32, #tpu.memory_space<vmem>>, vector<1x16xf32>,
      %get3A_182 = arith.index_cast %scan3A_82 : i32 to index
      %get3A_183 = arith.constant 96 : index
      %get3A_184 = tpu.vector_load %arg8[%get3A_182, %get3A_183] {strides = array<i32>} : memref<192x128xf32, #tpu.memory_space<vmem>>, vector<1x16xf32>,
      %get3A_185 = vector.shape_cast %get3A_184 : vector<1x16xf32> to vector<16xf32>
      %get3A_186 = arith.index_cast %scan3A_82 : i32 to index
      %get3A_187 = arith.constant 96 : index
      %get3A_188 = tpu.vector_load %arg9[%get3A_186, %get3A_187] {strides = array<i32>} : memref<192x128xf32, #tpu.memory_space<vmem>>, vector<1x16xf32>,
      %get3A_189 = vector.shape_cast %get3A_188 : vector<1x16xf32> to vector<16xf32>
      %add3A_190 = arith.addf %get3A_185, %get3A_189 : vector<16xf32>
      %max3A_191 = arith.constant 0.000000e+00 : f32
      %max3A_192 = vector.broadcast %max3A_191 : f32 to vector<16xf32>
      %max3A_193 = arith.maximumf %add3A_190, %max3A_192 : vector<16xf32>
      %swap3A_194 = arith.index_cast %scan3A_82 : i32 to index
      %swap3A_195 = arith.constant 96 : index
      %swap3A_196 = tpu.vector_load %arg8[%swap3A_194, %swap3A_195] {strides = array<i32>} : memref<192x128xf32, #tpu.memory_space<vmem>>, vector<1x16xf32>,
      %swap3A_197 = vector.shape_cast %swap3A_196 : vector<1x16xf32> to vector<16xf32>
      %swap3A_198 = vector.shape_cast %max3A_193 : vector<16xf32> to vector<1x16xf32>
      tpu.vector_store %arg8[%swap3A_194, %swap3A_195], %swap3A_198 {strides = array<i32>} : memref<192x128xf32, #tpu.memory_space<vmem>>, vector<1x16xf32>,
      %get3A_199 = arith.index_cast %scan3A_82 : i32 to index
      %get3A_200 = arith.constant 112 : index
      %get3A_201 = tpu.vector_load %arg8[%get3A_199, %get3A_200] {strides = array<i32>} : memref<192x128xf32, #tpu.memory_space<vmem>>, vector<1x16xf32>,
      %get3A_202 = vector.shape_cast %get3A_201 : vector<1x16xf32> to vector<16xf32>
      %get3A_203 = arith.index_cast %scan3A_82 : i32 to index
      %get3A_204 = arith.constant 112 : index
      %get3A_205 = tpu.vector_load %arg9[%get3A_203, %get3A_204] {strides = array<i32>} : memref<192x128xf32, #tpu.memory_space<vmem>>, vector<1x16xf32>,
      %get3A_206 = vector.shape_cast %get3A_205 : vector<1x16xf32> to vector<16xf32>
      %add3A_207 = arith.addf %get3A_202, %get3A_206 : vector<16xf32>
      %max3A_208 = arith.constant 0.000000e+00 : f32
      %max3A_209 = vector.broadcast %max3A_208 : f32 to vector<16xf32>
      %max3A_210 = arith.maximumf %add3A_207, %max3A_209 : vector<16xf32>
      %swap3A_211 = arith.index_cast %scan3A_82 : i32 to index
      %swap3A_212 = arith.constant 112 : index
      %swap3A_213 = tpu.vector_load %arg8[%swap3A_211, %swap3A_212] {strides = array<i32>} : memref<192x128xf32, #tpu.memory_space<vmem>>, vector<1x16xf32>,
      %swap3A_214 = vector.shape_cast %swap3A_213 : vector<1x16xf32> to vector<16xf32>
      %swap3A_215 = vector.shape_cast %max3A_210 : vector<16xf32> to vector<1x16xf32>
      tpu.vector_store %arg8[%swap3A_211, %swap3A_212], %swap3A_215 {strides = array<i32>} : memref<192x128xf32, #tpu.memory_space<vmem>>, vector<1x16xf32>,
    }
    %scan3A_81 = arith.constant 32 : i32
    "tpu.region"() ({
      %run_scoped3A = tpu.sem_alloc : memref<!tpu.dma_semaphore, #tpu.memory_space<semaphore_mem>>
      %dma_start3A_82 = arith.constant 0 : i32
      %dma_start3A_83 = arith.constant 0 : i32
      %dma_start3A_84 = tpu.memref_slice %arg8[%dma_start3A_82, %dma_start3A_83] : memref<192x128xf32, #tpu.memory_space<vmem>> -> memref<32x128xf32, #tpu.memory_space<vmem>>
      %dma_start3A_85 = arith.constant 0 : i32
      %dma_start3A_86 = tpu.memref_slice %arg5[%multiple_of3A_39, %dma_start3A_85] : memref<640000x128xf32, #tpu.memory_space<hbm>> -> memref<32x128xf32, #tpu.memory_space<hbm>>
      %dma_start3A_87 = arith.constant 0 : i32
      %dma_start3A_88 = tpu.memref_slice %arg5[%multiple_of3A_39, %dma_start3A_87] : memref<640000x128xf32, #tpu.memory_space<hbm>> -> memref<32x128xf32, #tpu.memory_space<hbm>>
      %dma_start3A_89 = arith.constant 0 : i32
      %dma_start3A_90 = arith.constant 0 : i32
      %dma_start3A_91 = tpu.memref_slice %arg8[%dma_start3A_89, %dma_start3A_90] : memref<192x128xf32, #tpu.memory_space<vmem>> -> memref<32x128xf32, #tpu.memory_space<vmem>>
      tpu.enqueue_dma source(%dma_start3A_91 : memref<32x128xf32, #tpu.memory_space<vmem>>) target(%dma_start3A_88 : memref<32x128xf32, #tpu.memory_space<hbm>>) target_semaphore(%run_scoped3A : memref<!tpu.dma_semaphore, #tpu.memory_space<semaphore_mem>>)
      %dma_wait3A_92 = arith.constant 0 : i32
      %dma_wait3A_93 = arith.constant 0 : i32
      %dma_wait3A_94 = tpu.memref_slice %arg8[%dma_wait3A_92, %dma_wait3A_93] : memref<192x128xf32, #tpu.memory_space<vmem>> -> memref<32x128xf32, #tpu.memory_space<vmem>>
      %dma_wait3A_95 = arith.constant 0 : i32
      %dma_wait3A_96 = tpu.memref_slice %arg5[%multiple_of3A_39, %dma_wait3A_95] : memref<640000x128xf32, #tpu.memory_space<hbm>> -> memref<32x128xf32, #tpu.memory_space<hbm>>
      %dma_wait3A_97 = arith.constant 0 : i32
      %dma_wait3A_98 = tpu.memref_slice %arg5[%multiple_of3A_39, %dma_wait3A_97] : memref<640000x128xf32, #tpu.memory_space<hbm>> -> memref<32x128xf32, #tpu.memory_space<hbm>>
      %dma_wait3A_99 = arith.constant 0 : i32
      %dma_wait3A_100 = arith.constant 0 : i32
      %dma_wait3A_101 = tpu.memref_slice %arg8[%dma_wait3A_99, %dma_wait3A_100] : memref<192x128xf32, #tpu.memory_space<vmem>> -> memref<32x128xf32, #tpu.memory_space<vmem>>
      tpu.wait_dma2 semaphore(%run_scoped3A : memref<!tpu.dma_semaphore, #tpu.memory_space<semaphore_mem>>) src(%dma_wait3A_101 : memref<32x128xf32, #tpu.memory_space<vmem>>) dst(%dma_wait3A_98 : memref<32x128xf32, #tpu.memory_space<hbm>>)
      tpu.yield
    }) : () -> ()
    return
  }
}

module attributes {stable_mosaic.version = 14 : i64} {
  func.func @_k1_body(%arg0: i32, %arg1: memref<1000x128xf32, #tpu.memory_space<vmem>>, %arg2: memref<128x128xf32, #tpu.memory_space<vmem>>, %arg3: memref<1x128xf32, #tpu.memory_space<vmem>>, %arg4: memref<128x128xf32, #tpu.memory_space<vmem>>, %arg5: memref<128x128xf32, #tpu.memory_space<vmem>>, %arg6: memref<1000x128xf32, #tpu.memory_space<vmem>>, %arg7: memref<1000x128xf32, #tpu.memory_space<vmem>>, %arg8: memref<1000x128xf32, #tpu.memory_space<vmem>>) attributes {dimension_semantics = [#tpu.dimension_semantics<arbitrary>], iteration_bounds = array<i64: 10>, scalar_prefetch = 0 : i64, scratch_operands = 0 : i64, tpu.core_type = #tpu.core_type<tc>, window_params = [{transform_indices = @transform_0, window_bounds = array<i64: 1000, 128>}, {pipeline_mode = #tpu.pipeline_mode<synchronous>, transform_indices = @transform_1, window_bounds = array<i64: 128, 128>}, {pipeline_mode = #tpu.pipeline_mode<synchronous>, transform_indices = @transform_2, window_bounds = array<i64: 1, 128>}, {pipeline_mode = #tpu.pipeline_mode<synchronous>, transform_indices = @transform_3, window_bounds = array<i64: 128, 128>}, {pipeline_mode = #tpu.pipeline_mode<synchronous>, transform_indices = @transform_4, window_bounds = array<i64: 128, 128>}, {transform_indices = @transform_5, window_bounds = array<i64: 1000, 128>}, {transform_indices = @transform_6, window_bounds = array<i64: 1000, 128>}, {transform_indices = @transform_7, window_bounds = array<i64: 1000, 128>}]} {
    %get3A = arith.constant 0 : index
    %get3A_0 = arith.constant 0 : index
    %get3A_1 = vector.load %arg1[%get3A, %get3A_0] : memref<1000x128xf32, #tpu.memory_space<vmem>>, vector<1000x128xf32>
    %get3A_2 = arith.constant 0 : index
    %get3A_3 = arith.constant 0 : index
    %get3A_4 = vector.load %arg2[%get3A_2, %get3A_3] : memref<128x128xf32, #tpu.memory_space<vmem>>, vector<128x128xf32>
    %dot_general3A = arith.constant dense<0.000000e+00> : vector<1000x128xf32>
    %dot_general3A_5 = tpu.matmul %get3A_1, %get3A_4, %dot_general3A {dimension_numbers = #tpu.dot_dimension_numbers<[1], [0], [0], [1], [0, 0, 1, 1], [], []>, transpose_lhs_hint = false} : vector<1000x128xf32>, vector<128x128xf32>, vector<1000x128xf32> -> vector<1000x128xf32>
    %get3A_6 = arith.constant 0 : index
    %get3A_7 = arith.constant 0 : index
    %get3A_8 = vector.load %arg3[%get3A_6, %get3A_7] : memref<1x128xf32, #tpu.memory_space<vmem>>, vector<1x128xf32>
    %add3A = vector.broadcast %get3A_8 : vector<1x128xf32> to vector<1000x128xf32>
    %add3A_9 = arith.addf %dot_general3A_5, %add3A : vector<1000x128xf32>
    %max3A = arith.constant 0.000000e+00 : f32
    %max3A_10 = vector.broadcast %max3A : f32 to vector<1000x128xf32>
    %max3A_11 = arith.maximumf %add3A_9, %max3A_10 : vector<1000x128xf32>
    %swap3A = arith.constant 0 : index
    %swap3A_12 = arith.constant 0 : index
    %swap3A_13 = vector.load %arg6[%swap3A, %swap3A_12] : memref<1000x128xf32, #tpu.memory_space<vmem>>, vector<1000x128xf32>
    tpu.vector_store %arg6[%swap3A, %swap3A_12], %max3A_11 {strides = array<i32>} : memref<1000x128xf32, #tpu.memory_space<vmem>>, vector<1000x128xf32>,
    %get3A_14 = arith.constant 0 : index
    %get3A_15 = arith.constant 0 : index
    %get3A_16 = vector.load %arg4[%get3A_14, %get3A_15] : memref<128x128xf32, #tpu.memory_space<vmem>>, vector<128x128xf32>
    %dot_general3A_17 = arith.constant dense<0.000000e+00> : vector<1000x128xf32>
    %dot_general3A_18 = tpu.matmul %max3A_11, %get3A_16, %dot_general3A_17 {dimension_numbers = #tpu.dot_dimension_numbers<[1], [0], [0], [1], [0, 0, 1, 1], [], []>, transpose_lhs_hint = false} : vector<1000x128xf32>, vector<128x128xf32>, vector<1000x128xf32> -> vector<1000x128xf32>
    %swap3A_19 = arith.constant 0 : index
    %swap3A_20 = arith.constant 0 : index
    %swap3A_21 = vector.load %arg7[%swap3A_19, %swap3A_20] : memref<1000x128xf32, #tpu.memory_space<vmem>>, vector<1000x128xf32>
    tpu.vector_store %arg7[%swap3A_19, %swap3A_20], %dot_general3A_18 {strides = array<i32>} : memref<1000x128xf32, #tpu.memory_space<vmem>>, vector<1000x128xf32>,
    %get3A_22 = arith.constant 0 : index
    %get3A_23 = arith.constant 0 : index
    %get3A_24 = vector.load %arg5[%get3A_22, %get3A_23] : memref<128x128xf32, #tpu.memory_space<vmem>>, vector<128x128xf32>
    %dot_general3A_25 = arith.constant dense<0.000000e+00> : vector<1000x128xf32>
    %dot_general3A_26 = tpu.matmul %max3A_11, %get3A_24, %dot_general3A_25 {dimension_numbers = #tpu.dot_dimension_numbers<[1], [0], [0], [1], [0, 0, 1, 1], [], []>, transpose_lhs_hint = false} : vector<1000x128xf32>, vector<128x128xf32>, vector<1000x128xf32> -> vector<1000x128xf32>
    %swap3A_27 = arith.constant 0 : index
    %swap3A_28 = arith.constant 0 : index
    %swap3A_29 = vector.load %arg8[%swap3A_27, %swap3A_28] : memref<1000x128xf32, #tpu.memory_space<vmem>>, vector<1000x128xf32>
    tpu.vector_store %arg8[%swap3A_27, %swap3A_28], %dot_general3A_26 {strides = array<i32>} : memref<1000x128xf32, #tpu.memory_space<vmem>>, vector<1000x128xf32>,
    return
  }
  func.func @transform_0(%arg0: i32) -> (i32, i32) {
    %c0_i32 = arith.constant 0 : i32
    %c0_i32_0 = arith.constant 0 : i32
    return %arg0, %c0_i32 : i32, i32
  }
  func.func @transform_1(%arg0: i32) -> (i32, i32) {
    %c0_i32 = arith.constant 0 : i32
    %c0_i32_0 = arith.constant 0 : i32
    %c0_i32_1 = arith.constant 0 : i32
    return %c0_i32, %c0_i32_0 : i32, i32
  }
  func.func @transform_2(%arg0: i32) -> (i32, i32) {
    %c0_i32 = arith.constant 0 : i32
    %c0_i32_0 = arith.constant 0 : i32
    %c0_i32_1 = arith.constant 0 : i32
    return %c0_i32, %c0_i32_0 : i32, i32
  }
  func.func @transform_3(%arg0: i32) -> (i32, i32) {
    %c0_i32 = arith.constant 0 : i32
    %c0_i32_0 = arith.constant 0 : i32
    %c0_i32_1 = arith.constant 0 : i32
    return %c0_i32, %c0_i32_0 : i32, i32
  }
  func.func @transform_4(%arg0: i32) -> (i32, i32) {
    %c0_i32 = arith.constant 0 : i32
    %c0_i32_0 = arith.constant 0 : i32
    %c0_i32_1 = arith.constant 0 : i32
    return %c0_i32, %c0_i32_0 : i32, i32
  }
  func.func @transform_5(%arg0: i32) -> (i32, i32) {
    %c0_i32 = arith.constant 0 : i32
    %c0_i32_0 = arith.constant 0 : i32
    return %arg0, %c0_i32 : i32, i32
  }
  func.func @transform_6(%arg0: i32) -> (i32, i32) {
    %c0_i32 = arith.constant 0 : i32
    %c0_i32_0 = arith.constant 0 : i32
    return %arg0, %c0_i32 : i32, i32
  }
  func.func @transform_7(%arg0: i32) -> (i32, i32) {
    %c0_i32 = arith.constant 0 : i32
    %c0_i32_0 = arith.constant 0 : i32
    return %arg0, %c0_i32 : i32, i32
  }
}

module attributes {stable_mosaic.version = 14 : i64} {
  func.func @_k4_body(%arg0: i32, %arg1: memref<4000x16xf32, #tpu.memory_space<vmem>>, %arg2: memref<16x128xf32, #tpu.memory_space<vmem>>, %arg3: memref<4000x128xf32, #tpu.memory_space<vmem>>) attributes {dimension_semantics = [#tpu.dimension_semantics<arbitrary>], iteration_bounds = array<i64: 160>, scalar_prefetch = 0 : i64, scratch_operands = 0 : i64, tpu.core_type = #tpu.core_type<tc>, window_params = [{transform_indices = @transform_0, window_bounds = array<i64: 4000, 16>}, {pipeline_mode = #tpu.pipeline_mode<synchronous>, transform_indices = @transform_1, window_bounds = array<i64: 16, 128>}, {transform_indices = @transform_2, window_bounds = array<i64: 4000, 128>}]} {
    %get3A = arith.constant 0 : index
    %get3A_0 = arith.constant 0 : index
    %get3A_1 = vector.load %arg1[%get3A, %get3A_0] : memref<4000x16xf32, #tpu.memory_space<vmem>>, vector<4000x16xf32>
    %get3A_2 = arith.constant 0 : index
    %get3A_3 = arith.constant 0 : index
    %get3A_4 = vector.load %arg2[%get3A_2, %get3A_3] : memref<16x128xf32, #tpu.memory_space<vmem>>, vector<16x128xf32>
    %dot_general3A = arith.constant dense<0.000000e+00> : vector<4000x128xf32>
    %dot_general3A_5 = tpu.matmul %get3A_1, %get3A_4, %dot_general3A {dimension_numbers = #tpu.dot_dimension_numbers<[1], [0], [0], [1], [0, 0, 1, 1], [], []>, transpose_lhs_hint = false} : vector<4000x16xf32>, vector<16x128xf32>, vector<4000x128xf32> -> vector<4000x128xf32>
    %swap3A = arith.constant 0 : index
    %swap3A_6 = arith.constant 0 : index
    %swap3A_7 = vector.load %arg3[%swap3A, %swap3A_6] : memref<4000x128xf32, #tpu.memory_space<vmem>>, vector<4000x128xf32>
    tpu.vector_store %arg3[%swap3A, %swap3A_6], %dot_general3A_5 {strides = array<i32>} : memref<4000x128xf32, #tpu.memory_space<vmem>>, vector<4000x128xf32>,
    return
  }
  func.func @transform_0(%arg0: i32) -> (i32, i32) {
    %c0_i32 = arith.constant 0 : i32
    %c0_i32_0 = arith.constant 0 : i32
    return %arg0, %c0_i32 : i32, i32
  }
  func.func @transform_1(%arg0: i32) -> (i32, i32) {
    %c0_i32 = arith.constant 0 : i32
    %c0_i32_0 = arith.constant 0 : i32
    %c0_i32_1 = arith.constant 0 : i32
    return %c0_i32, %c0_i32_0 : i32, i32
  }
  func.func @transform_2(%arg0: i32) -> (i32, i32) {
    %c0_i32 = arith.constant 0 : i32
    %c0_i32_0 = arith.constant 0 : i32
    return %arg0, %c0_i32 : i32, i32
  }
}

module attributes {stable_mosaic.version = 14 : i64} {
  func.func @_k3_body(%arg0: i32, %arg1: memref<2000x128xf32, #tpu.memory_space<vmem>>, %arg2: memref<2000x16xf32, #tpu.memory_space<vmem>>, %arg3: memref<16x128xf32, #tpu.memory_space<vmem>>, %arg4: memref<1x128xf32, #tpu.memory_space<vmem>>, %arg5: memref<128x128xf32, #tpu.memory_space<vmem>>, %arg6: memref<1x128xf32, #tpu.memory_space<vmem>>, %arg7: memref<128x128xf32, #tpu.memory_space<vmem>>, %arg8: memref<2000x128xf32, #tpu.memory_space<vmem>>, %arg9: memref<2000x128xf32, #tpu.memory_space<vmem>>) attributes {dimension_semantics = [#tpu.dimension_semantics<arbitrary>], iteration_bounds = array<i64: 80>, scalar_prefetch = 0 : i64, scratch_operands = 0 : i64, tpu.core_type = #tpu.core_type<tc>, window_params = [{transform_indices = @transform_0, window_bounds = array<i64: 2000, 128>}, {transform_indices = @transform_1, window_bounds = array<i64: 2000, 16>}, {pipeline_mode = #tpu.pipeline_mode<synchronous>, transform_indices = @transform_2, window_bounds = array<i64: 16, 128>}, {pipeline_mode = #tpu.pipeline_mode<synchronous>, transform_indices = @transform_3, window_bounds = array<i64: 1, 128>}, {pipeline_mode = #tpu.pipeline_mode<synchronous>, transform_indices = @transform_4, window_bounds = array<i64: 128, 128>}, {pipeline_mode = #tpu.pipeline_mode<synchronous>, transform_indices = @transform_5, window_bounds = array<i64: 1, 128>}, {pipeline_mode = #tpu.pipeline_mode<synchronous>, transform_indices = @transform_6, window_bounds = array<i64: 128, 128>}, {transform_indices = @transform_7, window_bounds = array<i64: 2000, 128>}, {transform_indices = @transform_8, window_bounds = array<i64: 2000, 128>}]} {
    %get3A = arith.constant 0 : index
    %get3A_0 = arith.constant 0 : index
    %get3A_1 = vector.load %arg1[%get3A, %get3A_0] : memref<2000x128xf32, #tpu.memory_space<vmem>>, vector<2000x128xf32>
    %get3A_2 = arith.constant 0 : index
    %get3A_3 = arith.constant 0 : index
    %get3A_4 = vector.load %arg2[%get3A_2, %get3A_3] : memref<2000x16xf32, #tpu.memory_space<vmem>>, vector<2000x16xf32>
    %max3A = arith.constant 0.000000e+00 : f32
    %max3A_5 = vector.broadcast %max3A : f32 to vector<2000x16xf32>
    %max3A_6 = arith.maximumf %get3A_4, %max3A_5 : vector<2000x16xf32>
    %get3A_7 = arith.constant 0 : index
    %get3A_8 = arith.constant 0 : index
    %get3A_9 = vector.load %arg3[%get3A_7, %get3A_8] : memref<16x128xf32, #tpu.memory_space<vmem>>, vector<16x128xf32>
    %dot_general3A = arith.constant dense<0.000000e+00> : vector<2000x128xf32>
    %dot_general3A_10 = tpu.matmul %max3A_6, %get3A_9, %dot_general3A {dimension_numbers = #tpu.dot_dimension_numbers<[1], [0], [0], [1], [0, 0, 1, 1], [], []>, transpose_lhs_hint = false} : vector<2000x16xf32>, vector<16x128xf32>, vector<2000x128xf32> -> vector<2000x128xf32>
    %add3A = arith.addf %get3A_1, %dot_general3A_10 : vector<2000x128xf32>
    %get3A_11 = arith.constant 0 : index
    %get3A_12 = arith.constant 0 : index
    %get3A_13 = vector.load %arg4[%get3A_11, %get3A_12] : memref<1x128xf32, #tpu.memory_space<vmem>>, vector<1x128xf32>
    %add3A_14 = vector.broadcast %get3A_13 : vector<1x128xf32> to vector<2000x128xf32>
    %add3A_15 = arith.addf %add3A, %add3A_14 : vector<2000x128xf32>
    %get3A_16 = arith.constant 0 : index
    %get3A_17 = arith.constant 0 : index
    %get3A_18 = vector.load %arg5[%get3A_16, %get3A_17] : memref<128x128xf32, #tpu.memory_space<vmem>>, vector<128x128xf32>
    %dot_general3A_19 = arith.constant dense<0.000000e+00> : vector<2000x128xf32>
    %dot_general3A_20 = tpu.matmul %add3A_15, %get3A_18, %dot_general3A_19 {dimension_numbers = #tpu.dot_dimension_numbers<[1], [0], [0], [1], [0, 0, 1, 1], [], []>, transpose_lhs_hint = false} : vector<2000x128xf32>, vector<128x128xf32>, vector<2000x128xf32> -> vector<2000x128xf32>
    %get3A_21 = arith.constant 0 : index
    %get3A_22 = arith.constant 0 : index
    %get3A_23 = vector.load %arg6[%get3A_21, %get3A_22] : memref<1x128xf32, #tpu.memory_space<vmem>>, vector<1x128xf32>
    %add3A_24 = vector.broadcast %get3A_23 : vector<1x128xf32> to vector<2000x128xf32>
    %add3A_25 = arith.addf %dot_general3A_20, %add3A_24 : vector<2000x128xf32>
    %max3A_26 = arith.constant 0.000000e+00 : f32
    %max3A_27 = vector.broadcast %max3A_26 : f32 to vector<2000x128xf32>
    %max3A_28 = arith.maximumf %add3A_25, %max3A_27 : vector<2000x128xf32>
    %swap3A = arith.constant 0 : index
    %swap3A_29 = arith.constant 0 : index
    %swap3A_30 = vector.load %arg8[%swap3A, %swap3A_29] : memref<2000x128xf32, #tpu.memory_space<vmem>>, vector<2000x128xf32>
    tpu.vector_store %arg8[%swap3A, %swap3A_29], %max3A_28 {strides = array<i32>} : memref<2000x128xf32, #tpu.memory_space<vmem>>, vector<2000x128xf32>,
    %get3A_31 = arith.constant 0 : index
    %get3A_32 = arith.constant 0 : index
    %get3A_33 = vector.load %arg7[%get3A_31, %get3A_32] : memref<128x128xf32, #tpu.memory_space<vmem>>, vector<128x128xf32>
    %dot_general3A_34 = arith.constant dense<0.000000e+00> : vector<2000x128xf32>
    %dot_general3A_35 = tpu.matmul %add3A_15, %get3A_33, %dot_general3A_34 {dimension_numbers = #tpu.dot_dimension_numbers<[1], [0], [0], [1], [0, 0, 1, 1], [], []>, transpose_lhs_hint = false} : vector<2000x128xf32>, vector<128x128xf32>, vector<2000x128xf32> -> vector<2000x128xf32>
    %swap3A_36 = arith.constant 0 : index
    %swap3A_37 = arith.constant 0 : index
    %swap3A_38 = vector.load %arg9[%swap3A_36, %swap3A_37] : memref<2000x128xf32, #tpu.memory_space<vmem>>, vector<2000x128xf32>
    tpu.vector_store %arg9[%swap3A_36, %swap3A_37], %dot_general3A_35 {strides = array<i32>} : memref<2000x128xf32, #tpu.memory_space<vmem>>, vector<2000x128xf32>,
    return
  }
  func.func @transform_0(%arg0: i32) -> (i32, i32) {
    %c0_i32 = arith.constant 0 : i32
    %c0_i32_0 = arith.constant 0 : i32
    return %arg0, %c0_i32 : i32, i32
  }
  func.func @transform_1(%arg0: i32) -> (i32, i32) {
    %c0_i32 = arith.constant 0 : i32
    %c0_i32_0 = arith.constant 0 : i32
    return %arg0, %c0_i32 : i32, i32
  }
  func.func @transform_2(%arg0: i32) -> (i32, i32) {
    %c0_i32 = arith.constant 0 : i32
    %c0_i32_0 = arith.constant 0 : i32
    %c0_i32_1 = arith.constant 0 : i32
    return %c0_i32, %c0_i32_0 : i32, i32
  }
  func.func @transform_3(%arg0: i32) -> (i32, i32) {
    %c0_i32 = arith.constant 0 : i32
    %c0_i32_0 = arith.constant 0 : i32
    %c0_i32_1 = arith.constant 0 : i32
    return %c0_i32, %c0_i32_0 : i32, i32
  }
  func.func @transform_4(%arg0: i32) -> (i32, i32) {
    %c0_i32 = arith.constant 0 : i32
    %c0_i32_0 = arith.constant 0 : i32
    %c0_i32_1 = arith.constant 0 : i32
    return %c0_i32, %c0_i32_0 : i32, i32
  }
  func.func @transform_5(%arg0: i32) -> (i32, i32) {
    %c0_i32 = arith.constant 0 : i32
    %c0_i32_0 = arith.constant 0 : i32
    %c0_i32_1 = arith.constant 0 : i32
    return %c0_i32, %c0_i32_0 : i32, i32
  }
  func.func @transform_6(%arg0: i32) -> (i32, i32) {
    %c0_i32 = arith.constant 0 : i32
    %c0_i32_0 = arith.constant 0 : i32
    %c0_i32_1 = arith.constant 0 : i32
    return %c0_i32, %c0_i32_0 : i32, i32
  }
  func.func @transform_7(%arg0: i32) -> (i32, i32) {
    %c0_i32 = arith.constant 0 : i32
    %c0_i32_0 = arith.constant 0 : i32
    return %arg0, %c0_i32 : i32, i32
  }
  func.func @transform_8(%arg0: i32) -> (i32, i32) {
    %c0_i32 = arith.constant 0 : i32
    %c0_i32_0 = arith.constant 0 : i32
    return %arg0, %c0_i32 : i32, i32
  }
}

module attributes {stable_mosaic.version = 14 : i64} {
  func.func @_k7_body(%arg0: i32, %arg1: memref<2000x128xf32, #tpu.memory_space<vmem>>, %arg2: memref<2000x128xf32, #tpu.memory_space<vmem>>, %arg3: memref<2000x16xf32, #tpu.memory_space<vmem>>, %arg4: memref<128x128xf32, #tpu.memory_space<vmem>>, %arg5: memref<1x128xf32, #tpu.memory_space<vmem>>, %arg6: memref<128x128xf32, #tpu.memory_space<vmem>>, %arg7: memref<1x128xf32, #tpu.memory_space<vmem>>, %arg8: memref<128x128xf32, #tpu.memory_space<vmem>>, %arg9: memref<1x128xf32, #tpu.memory_space<vmem>>, %arg10: memref<128x128xf32, #tpu.memory_space<vmem>>, %arg11: memref<1x128xf32, #tpu.memory_space<vmem>>, %arg12: memref<128x128xf32, #tpu.memory_space<vmem>>, %arg13: memref<1x128xf32, #tpu.memory_space<vmem>>, %arg14: memref<128x128xf32, #tpu.memory_space<vmem>>, %arg15: memref<1x128xf32, #tpu.memory_space<vmem>>, %arg16: memref<128x128xf32, #tpu.memory_space<vmem>>, %arg17: memref<1x128xf32, #tpu.memory_space<vmem>>, %arg18: memref<16x128xf32, #tpu.memory_space<vmem>>, %arg19: memref<1x128xf32, #tpu.memory_space<vmem>>, %arg20: memref<2000x128xf32, #tpu.memory_space<vmem>>) attributes {dimension_semantics = [#tpu.dimension_semantics<arbitrary>], iteration_bounds = array<i64: 80>, scalar_prefetch = 0 : i64, scratch_operands = 0 : i64, tpu.core_type = #tpu.core_type<tc>, window_params = [{transform_indices = @transform_0, window_bounds = array<i64: 2000, 128>}, {transform_indices = @transform_1, window_bounds = array<i64: 2000, 128>}, {transform_indices = @transform_2, window_bounds = array<i64: 2000, 16>}, {pipeline_mode = #tpu.pipeline_mode<synchronous>, transform_indices = @transform_3, window_bounds = array<i64: 128, 128>}, {pipeline_mode = #tpu.pipeline_mode<synchronous>, transform_indices = @transform_4, window_bounds = array<i64: 1, 128>}, {pipeline_mode = #tpu.pipeline_mode<synchronous>, transform_indices = @transform_5, window_bounds = array<i64: 128, 128>}, {pipeline_mode = #tpu.pipeline_mode<synchronous>, transform_indices = @transform_6, window_bounds = array<i64: 1, 128>}, {pipeline_mode = #tpu.pipeline_mode<synchronous>, transform_indices = @transform_7, window_bounds = array<i64: 128, 128>}, {pipeline_mode = #tpu.pipeline_mode<synchronous>, transform_indices = @transform_8, window_bounds = array<i64: 1, 128>}, {pipeline_mode = #tpu.pipeline_mode<synchronous>, transform_indices = @transform_9, window_bounds = array<i64: 128, 128>}, {pipeline_mode = #tpu.pipeline_mode<synchronous>, transform_indices = @transform_10, window_bounds = array<i64: 1, 128>}, {pipeline_mode = #tpu.pipeline_mode<synchronous>, transform_indices = @transform_11, window_bounds = array<i64: 128, 128>}, {pipeline_mode = #tpu.pipeline_mode<synchronous>, transform_indices = @transform_12, window_bounds = array<i64: 1, 128>}, {pipeline_mode = #tpu.pipeline_mode<synchronous>, transform_indices = @transform_13, window_bounds = array<i64: 128, 128>}, {pipeline_mode = #tpu.pipeline_mode<synchronous>, transform_indices = @transform_14, window_bounds = array<i64: 1, 128>}, {pipeline_mode = #tpu.pipeline_mode<synchronous>, transform_indices = @transform_15, window_bounds = array<i64: 128, 128>}, {pipeline_mode = #tpu.pipeline_mode<synchronous>, transform_indices = @transform_16, window_bounds = array<i64: 1, 128>}, {pipeline_mode = #tpu.pipeline_mode<synchronous>, transform_indices = @transform_17, window_bounds = array<i64: 16, 128>}, {pipeline_mode = #tpu.pipeline_mode<synchronous>, transform_indices = @transform_18, window_bounds = array<i64: 1, 128>}, {transform_indices = @transform_19, window_bounds = array<i64: 2000, 128>}]} {
    %get3A = arith.constant 0 : index
    %get3A_0 = arith.constant 0 : index
    %get3A_1 = vector.load %arg1[%get3A, %get3A_0] : memref<2000x128xf32, #tpu.memory_space<vmem>>, vector<2000x128xf32>
    %get3A_2 = arith.constant 0 : index
    %get3A_3 = arith.constant 0 : index
    %get3A_4 = vector.load %arg2[%get3A_2, %get3A_3] : memref<2000x128xf32, #tpu.memory_space<vmem>>, vector<2000x128xf32>
    %add3A = arith.addf %get3A_1, %get3A_4 : vector<2000x128xf32>
    %get3A_5 = arith.constant 0 : index
    %get3A_6 = arith.constant 0 : index
    %get3A_7 = vector.load %arg4[%get3A_5, %get3A_6] : memref<128x128xf32, #tpu.memory_space<vmem>>, vector<128x128xf32>
    %dot_general3A = arith.constant dense<0.000000e+00> : vector<2000x128xf32>
    %dot_general3A_8 = tpu.matmul %add3A, %get3A_7, %dot_general3A {dimension_numbers = #tpu.dot_dimension_numbers<[1], [0], [0], [1], [0, 0, 1, 1], [], []>, transpose_lhs_hint = false} : vector<2000x128xf32>, vector<128x128xf32>, vector<2000x128xf32> -> vector<2000x128xf32>
    %get3A_9 = arith.constant 0 : index
    %get3A_10 = arith.constant 0 : index
    %get3A_11 = vector.load %arg5[%get3A_9, %get3A_10] : memref<1x128xf32, #tpu.memory_space<vmem>>, vector<1x128xf32>
    %add3A_12 = vector.broadcast %get3A_11 : vector<1x128xf32> to vector<2000x128xf32>
    %add3A_13 = arith.addf %dot_general3A_8, %add3A_12 : vector<2000x128xf32>
    %max3A = arith.constant 0.000000e+00 : f32
    %max3A_14 = vector.broadcast %max3A : f32 to vector<2000x128xf32>
    %max3A_15 = arith.maximumf %add3A_13, %max3A_14 : vector<2000x128xf32>
    %get3A_16 = arith.constant 0 : index
    %get3A_17 = arith.constant 0 : index
    %get3A_18 = vector.load %arg6[%get3A_16, %get3A_17] : memref<128x128xf32, #tpu.memory_space<vmem>>, vector<128x128xf32>
    %dot_general3A_19 = arith.constant dense<0.000000e+00> : vector<2000x128xf32>
    %dot_general3A_20 = tpu.matmul %max3A_15, %get3A_18, %dot_general3A_19 {dimension_numbers = #tpu.dot_dimension_numbers<[1], [0], [0], [1], [0, 0, 1, 1], [], []>, transpose_lhs_hint = false} : vector<2000x128xf32>, vector<128x128xf32>, vector<2000x128xf32> -> vector<2000x128xf32>
    %get3A_21 = arith.constant 0 : index
    %get3A_22 = arith.constant 0 : index
    %get3A_23 = vector.load %arg7[%get3A_21, %get3A_22] : memref<1x128xf32, #tpu.memory_space<vmem>>, vector<1x128xf32>
    %add3A_24 = vector.broadcast %get3A_23 : vector<1x128xf32> to vector<2000x128xf32>
    %add3A_25 = arith.addf %dot_general3A_20, %add3A_24 : vector<2000x128xf32>
    %max3A_26 = arith.constant 0.000000e+00 : f32
    %max3A_27 = vector.broadcast %max3A_26 : f32 to vector<2000x128xf32>
    %max3A_28 = arith.maximumf %add3A_25, %max3A_27 : vector<2000x128xf32>
    %add3A_29 = arith.addf %add3A, %max3A_28 : vector<2000x128xf32>
    %get3A_30 = arith.constant 0 : index
    %get3A_31 = arith.constant 0 : index
    %get3A_32 = vector.load %arg8[%get3A_30, %get3A_31] : memref<128x128xf32, #tpu.memory_space<vmem>>, vector<128x128xf32>
    %dot_general3A_33 = arith.constant dense<0.000000e+00> : vector<2000x128xf32>
    %dot_general3A_34 = tpu.matmul %add3A_29, %get3A_32, %dot_general3A_33 {dimension_numbers = #tpu.dot_dimension_numbers<[1], [0], [0], [1], [0, 0, 1, 1], [], []>, transpose_lhs_hint = false} : vector<2000x128xf32>, vector<128x128xf32>, vector<2000x128xf32> -> vector<2000x128xf32>
    %get3A_35 = arith.constant 0 : index
    %get3A_36 = arith.constant 0 : index
    %get3A_37 = vector.load %arg9[%get3A_35, %get3A_36] : memref<1x128xf32, #tpu.memory_space<vmem>>, vector<1x128xf32>
    %add3A_38 = vector.broadcast %get3A_37 : vector<1x128xf32> to vector<2000x128xf32>
    %add3A_39 = arith.addf %dot_general3A_34, %add3A_38 : vector<2000x128xf32>
    %max3A_40 = arith.constant 0.000000e+00 : f32
    %max3A_41 = vector.broadcast %max3A_40 : f32 to vector<2000x128xf32>
    %max3A_42 = arith.maximumf %add3A_39, %max3A_41 : vector<2000x128xf32>
    %get3A_43 = arith.constant 0 : index
    %get3A_44 = arith.constant 0 : index
    %get3A_45 = vector.load %arg10[%get3A_43, %get3A_44] : memref<128x128xf32, #tpu.memory_space<vmem>>, vector<128x128xf32>
    %dot_general3A_46 = arith.constant dense<0.000000e+00> : vector<2000x128xf32>
    %dot_general3A_47 = tpu.matmul %max3A_42, %get3A_45, %dot_general3A_46 {dimension_numbers = #tpu.dot_dimension_numbers<[1], [0], [0], [1], [0, 0, 1, 1], [], []>, transpose_lhs_hint = false} : vector<2000x128xf32>, vector<128x128xf32>, vector<2000x128xf32> -> vector<2000x128xf32>
    %get3A_48 = arith.constant 0 : index
    %get3A_49 = arith.constant 0 : index
    %get3A_50 = vector.load %arg11[%get3A_48, %get3A_49] : memref<1x128xf32, #tpu.memory_space<vmem>>, vector<1x128xf32>
    %add3A_51 = vector.broadcast %get3A_50 : vector<1x128xf32> to vector<2000x128xf32>
    %add3A_52 = arith.addf %dot_general3A_47, %add3A_51 : vector<2000x128xf32>
    %max3A_53 = arith.constant 0.000000e+00 : f32
    %max3A_54 = vector.broadcast %max3A_53 : f32 to vector<2000x128xf32>
    %max3A_55 = arith.maximumf %add3A_52, %max3A_54 : vector<2000x128xf32>
    %get3A_56 = arith.constant 0 : index
    %get3A_57 = arith.constant 0 : index
    %get3A_58 = vector.load %arg12[%get3A_56, %get3A_57] : memref<128x128xf32, #tpu.memory_space<vmem>>, vector<128x128xf32>
    %dot_general3A_59 = arith.constant dense<0.000000e+00> : vector<2000x128xf32>
    %dot_general3A_60 = tpu.matmul %max3A_55, %get3A_58, %dot_general3A_59 {dimension_numbers = #tpu.dot_dimension_numbers<[1], [0], [0], [1], [0, 0, 1, 1], [], []>, transpose_lhs_hint = false} : vector<2000x128xf32>, vector<128x128xf32>, vector<2000x128xf32> -> vector<2000x128xf32>
    %get3A_61 = arith.constant 0 : index
    %get3A_62 = arith.constant 0 : index
    %get3A_63 = vector.load %arg13[%get3A_61, %get3A_62] : memref<1x128xf32, #tpu.memory_space<vmem>>, vector<1x128xf32>
    %add3A_64 = vector.broadcast %get3A_63 : vector<1x128xf32> to vector<2000x128xf32>
    %add3A_65 = arith.addf %dot_general3A_60, %add3A_64 : vector<2000x128xf32>
    %max3A_66 = arith.constant 0.000000e+00 : f32
    %max3A_67 = vector.broadcast %max3A_66 : f32 to vector<2000x128xf32>
    %max3A_68 = arith.maximumf %add3A_65, %max3A_67 : vector<2000x128xf32>
    %add3A_69 = arith.addf %max3A_42, %max3A_68 : vector<2000x128xf32>
    %get3A_70 = arith.constant 0 : index
    %get3A_71 = arith.constant 0 : index
    %get3A_72 = vector.load %arg14[%get3A_70, %get3A_71] : memref<128x128xf32, #tpu.memory_space<vmem>>, vector<128x128xf32>
    %dot_general3A_73 = arith.constant dense<0.000000e+00> : vector<2000x128xf32>
    %dot_general3A_74 = tpu.matmul %add3A_69, %get3A_72, %dot_general3A_73 {dimension_numbers = #tpu.dot_dimension_numbers<[1], [0], [0], [1], [0, 0, 1, 1], [], []>, transpose_lhs_hint = false} : vector<2000x128xf32>, vector<128x128xf32>, vector<2000x128xf32> -> vector<2000x128xf32>
    %get3A_75 = arith.constant 0 : index
    %get3A_76 = arith.constant 0 : index
    %get3A_77 = vector.load %arg15[%get3A_75, %get3A_76] : memref<1x128xf32, #tpu.memory_space<vmem>>, vector<1x128xf32>
    %add3A_78 = vector.broadcast %get3A_77 : vector<1x128xf32> to vector<2000x128xf32>
    %add3A_79 = arith.addf %dot_general3A_74, %add3A_78 : vector<2000x128xf32>
    %max3A_80 = arith.constant 0.000000e+00 : f32
    %max3A_81 = vector.broadcast %max3A_80 : f32 to vector<2000x128xf32>
    %max3A_82 = arith.maximumf %add3A_79, %max3A_81 : vector<2000x128xf32>
    %get3A_83 = arith.constant 0 : index
    %get3A_84 = arith.constant 0 : index
    %get3A_85 = vector.load %arg16[%get3A_83, %get3A_84] : memref<128x128xf32, #tpu.memory_space<vmem>>, vector<128x128xf32>
    %dot_general3A_86 = arith.constant dense<0.000000e+00> : vector<2000x128xf32>
    %dot_general3A_87 = tpu.matmul %max3A_82, %get3A_85, %dot_general3A_86 {dimension_numbers = #tpu.dot_dimension_numbers<[1], [0], [0], [1], [0, 0, 1, 1], [], []>, transpose_lhs_hint = false} : vector<2000x128xf32>, vector<128x128xf32>, vector<2000x128xf32> -> vector<2000x128xf32>
    %get3A_88 = arith.constant 0 : index
    %get3A_89 = arith.constant 0 : index
    %get3A_90 = vector.load %arg17[%get3A_88, %get3A_89] : memref<1x128xf32, #tpu.memory_space<vmem>>, vector<1x128xf32>
    %add3A_91 = vector.broadcast %get3A_90 : vector<1x128xf32> to vector<2000x128xf32>
    %add3A_92 = arith.addf %dot_general3A_87, %add3A_91 : vector<2000x128xf32>
    %max3A_93 = arith.constant 0.000000e+00 : f32
    %max3A_94 = vector.broadcast %max3A_93 : f32 to vector<2000x128xf32>
    %max3A_95 = arith.maximumf %add3A_92, %max3A_94 : vector<2000x128xf32>
    %add3A_96 = arith.addf %add3A_69, %max3A_95 : vector<2000x128xf32>
    %get3A_97 = arith.constant 0 : index
    %get3A_98 = arith.constant 0 : index
    %get3A_99 = vector.load %arg3[%get3A_97, %get3A_98] : memref<2000x16xf32, #tpu.memory_space<vmem>>, vector<2000x16xf32>
    %get3A_100 = arith.constant 0 : index
    %get3A_101 = arith.constant 0 : index
    %get3A_102 = vector.load %arg18[%get3A_100, %get3A_101] : memref<16x128xf32, #tpu.memory_space<vmem>>, vector<16x128xf32>
    %dot_general3A_103 = arith.constant dense<0.000000e+00> : vector<2000x128xf32>
    %dot_general3A_104 = tpu.matmul %get3A_99, %get3A_102, %dot_general3A_103 {dimension_numbers = #tpu.dot_dimension_numbers<[1], [0], [0], [1], [0, 0, 1, 1], [], []>, transpose_lhs_hint = false} : vector<2000x16xf32>, vector<16x128xf32>, vector<2000x128xf32> -> vector<2000x128xf32>
    %get3A_105 = arith.constant 0 : index
    %get3A_106 = arith.constant 0 : index
    %get3A_107 = vector.load %arg19[%get3A_105, %get3A_106] : memref<1x128xf32, #tpu.memory_space<vmem>>, vector<1x128xf32>
    %add3A_108 = vector.broadcast %get3A_107 : vector<1x128xf32> to vector<2000x128xf32>
    %add3A_109 = arith.addf %dot_general3A_104, %add3A_108 : vector<2000x128xf32>
    %mul3A = arith.mulf %add3A_109, %add3A_96 : vector<2000x128xf32>
    %swap3A = arith.constant 0 : index
    %swap3A_110 = arith.constant 0 : index
    %swap3A_111 = vector.load %arg20[%swap3A, %swap3A_110] : memref<2000x128xf32, #tpu.memory_space<vmem>>, vector<2000x128xf32>
    tpu.vector_store %arg20[%swap3A, %swap3A_110], %mul3A {strides = array<i32>} : memref<2000x128xf32, #tpu.memory_space<vmem>>, vector<2000x128xf32>,
    return
  }
  func.func @transform_0(%arg0: i32) -> (i32, i32) {
    %c0_i32 = arith.constant 0 : i32
    %c0_i32_0 = arith.constant 0 : i32
    return %arg0, %c0_i32 : i32, i32
  }
  func.func @transform_1(%arg0: i32) -> (i32, i32) {
    %c0_i32 = arith.constant 0 : i32
    %c0_i32_0 = arith.constant 0 : i32
    return %arg0, %c0_i32 : i32, i32
  }
  func.func @transform_2(%arg0: i32) -> (i32, i32) {
    %c0_i32 = arith.constant 0 : i32
    %c0_i32_0 = arith.constant 0 : i32
    return %arg0, %c0_i32 : i32, i32
  }
  func.func @transform_3(%arg0: i32) -> (i32, i32) {
    %c0_i32 = arith.constant 0 : i32
    %c0_i32_0 = arith.constant 0 : i32
    %c0_i32_1 = arith.constant 0 : i32
    return %c0_i32, %c0_i32_0 : i32, i32
  }
  func.func @transform_4(%arg0: i32) -> (i32, i32) {
    %c0_i32 = arith.constant 0 : i32
    %c0_i32_0 = arith.constant 0 : i32
    %c0_i32_1 = arith.constant 0 : i32
    return %c0_i32, %c0_i32_0 : i32, i32
  }
  func.func @transform_5(%arg0: i32) -> (i32, i32) {
    %c0_i32 = arith.constant 0 : i32
    %c0_i32_0 = arith.constant 0 : i32
    %c0_i32_1 = arith.constant 0 : i32
    return %c0_i32, %c0_i32_0 : i32, i32
  }
  func.func @transform_6(%arg0: i32) -> (i32, i32) {
    %c0_i32 = arith.constant 0 : i32
    %c0_i32_0 = arith.constant 0 : i32
    %c0_i32_1 = arith.constant 0 : i32
    return %c0_i32, %c0_i32_0 : i32, i32
  }
  func.func @transform_7(%arg0: i32) -> (i32, i32) {
    %c0_i32 = arith.constant 0 : i32
    %c0_i32_0 = arith.constant 0 : i32
    %c0_i32_1 = arith.constant 0 : i32
    return %c0_i32, %c0_i32_0 : i32, i32
  }
  func.func @transform_8(%arg0: i32) -> (i32, i32) {
    %c0_i32 = arith.constant 0 : i32
    %c0_i32_0 = arith.constant 0 : i32
    %c0_i32_1 = arith.constant 0 : i32
    return %c0_i32, %c0_i32_0 : i32, i32
  }
  func.func @transform_9(%arg0: i32) -> (i32, i32) {
    %c0_i32 = arith.constant 0 : i32
    %c0_i32_0 = arith.constant 0 : i32
    %c0_i32_1 = arith.constant 0 : i32
    return %c0_i32, %c0_i32_0 : i32, i32
  }
  func.func @transform_10(%arg0: i32) -> (i32, i32) {
    %c0_i32 = arith.constant 0 : i32
    %c0_i32_0 = arith.constant 0 : i32
    %c0_i32_1 = arith.constant 0 : i32
    return %c0_i32, %c0_i32_0 : i32, i32
  }
  func.func @transform_11(%arg0: i32) -> (i32, i32) {
    %c0_i32 = arith.constant 0 : i32
    %c0_i32_0 = arith.constant 0 : i32
    %c0_i32_1 = arith.constant 0 : i32
    return %c0_i32, %c0_i32_0 : i32, i32
  }
  func.func @transform_12(%arg0: i32) -> (i32, i32) {
    %c0_i32 = arith.constant 0 : i32
    %c0_i32_0 = arith.constant 0 : i32
    %c0_i32_1 = arith.constant 0 : i32
    return %c0_i32, %c0_i32_0 : i32, i32
  }
  func.func @transform_13(%arg0: i32) -> (i32, i32) {
    %c0_i32 = arith.constant 0 : i32
    %c0_i32_0 = arith.constant 0 : i32
    %c0_i32_1 = arith.constant 0 : i32
    return %c0_i32, %c0_i32_0 : i32, i32
  }
  func.func @transform_14(%arg0: i32) -> (i32, i32) {
    %c0_i32 = arith.constant 0 : i32
    %c0_i32_0 = arith.constant 0 : i32
    %c0_i32_1 = arith.constant 0 : i32
    return %c0_i32, %c0_i32_0 : i32, i32
  }
  func.func @transform_15(%arg0: i32) -> (i32, i32) {
    %c0_i32 = arith.constant 0 : i32
    %c0_i32_0 = arith.constant 0 : i32
    %c0_i32_1 = arith.constant 0 : i32
    return %c0_i32, %c0_i32_0 : i32, i32
  }
  func.func @transform_16(%arg0: i32) -> (i32, i32) {
    %c0_i32 = arith.constant 0 : i32
    %c0_i32_0 = arith.constant 0 : i32
    %c0_i32_1 = arith.constant 0 : i32
    return %c0_i32, %c0_i32_0 : i32, i32
  }
  func.func @transform_17(%arg0: i32) -> (i32, i32) {
    %c0_i32 = arith.constant 0 : i32
    %c0_i32_0 = arith.constant 0 : i32
    %c0_i32_1 = arith.constant 0 : i32
    return %c0_i32, %c0_i32_0 : i32, i32
  }
  func.func @transform_18(%arg0: i32) -> (i32, i32) {
    %c0_i32 = arith.constant 0 : i32
    %c0_i32_0 = arith.constant 0 : i32
    %c0_i32_1 = arith.constant 0 : i32
    return %c0_i32, %c0_i32_0 : i32, i32
  }
  func.func @transform_19(%arg0: i32) -> (i32, i32) {
    %c0_i32 = arith.constant 0 : i32
    %c0_i32_0 = arith.constant 0 : i32
    return %arg0, %c0_i32 : i32, i32
  }
}

module attributes {stable_mosaic.version = 14 : i64} {
  func.func @_k9_body(%arg0: i32, %arg1: memref<1000x128xf32, #tpu.memory_space<vmem>>, %arg2: memref<1000x128xf32, #tpu.memory_space<vmem>>, %arg3: memref<1000x128xf32, #tpu.memory_space<vmem>>, %arg4: memref<128x128xf32, #tpu.memory_space<vmem>>, %arg5: memref<1x128xf32, #tpu.memory_space<vmem>>, %arg6: memref<128x128xf32, #tpu.memory_space<vmem>>, %arg7: memref<1x2xf32, #tpu.memory_space<vmem>>, %arg8: memref<128x16xf32, #tpu.memory_space<vmem>>, %arg9: memref<1x16xf32, #tpu.memory_space<vmem>>, %arg10: memref<1000x16xf32, #tpu.memory_space<vmem>>) attributes {dimension_semantics = [#tpu.dimension_semantics<arbitrary>], iteration_bounds = array<i64: 10>, scalar_prefetch = 0 : i64, scratch_operands = 0 : i64, tpu.core_type = #tpu.core_type<tc>, window_params = [{transform_indices = @transform_0, window_bounds = array<i64: 1000, 128>}, {transform_indices = @transform_1, window_bounds = array<i64: 1000, 128>}, {transform_indices = @transform_2, window_bounds = array<i64: 1000, 128>}, {pipeline_mode = #tpu.pipeline_mode<synchronous>, transform_indices = @transform_3, window_bounds = array<i64: 128, 128>}, {pipeline_mode = #tpu.pipeline_mode<synchronous>, transform_indices = @transform_4, window_bounds = array<i64: 1, 128>}, {pipeline_mode = #tpu.pipeline_mode<synchronous>, transform_indices = @transform_5, window_bounds = array<i64: 128, 128>}, {pipeline_mode = #tpu.pipeline_mode<synchronous>, transform_indices = @transform_6, window_bounds = array<i64: 1, 2>}, {pipeline_mode = #tpu.pipeline_mode<synchronous>, transform_indices = @transform_7, window_bounds = array<i64: 128, 16>}, {pipeline_mode = #tpu.pipeline_mode<synchronous>, transform_indices = @transform_8, window_bounds = array<i64: 1, 16>}, {transform_indices = @transform_9, window_bounds = array<i64: 1000, 16>}]} {
    %get3A = arith.constant 0 : index
    %get3A_0 = arith.constant 0 : index
    %get3A_1 = vector.load %arg1[%get3A, %get3A_0] : memref<1000x128xf32, #tpu.memory_space<vmem>>, vector<1000x128xf32>
    %get3A_2 = arith.constant 0 : index
    %get3A_3 = arith.constant 0 : index
    %get3A_4 = vector.load %arg2[%get3A_2, %get3A_3] : memref<1000x128xf32, #tpu.memory_space<vmem>>, vector<1000x128xf32>
    %add3A = arith.addf %get3A_1, %get3A_4 : vector<1000x128xf32>
    %get3A_5 = arith.constant 0 : index
    %get3A_6 = arith.constant 0 : index
    %get3A_7 = vector.load %arg4[%get3A_5, %get3A_6] : memref<128x128xf32, #tpu.memory_space<vmem>>, vector<128x128xf32>
    %dot_general3A = arith.constant dense<0.000000e+00> : vector<1000x128xf32>
    %dot_general3A_8 = tpu.matmul %add3A, %get3A_7, %dot_general3A {dimension_numbers = #tpu.dot_dimension_numbers<[1], [0], [0], [1], [0, 0, 1, 1], [], []>, transpose_lhs_hint = false} : vector<1000x128xf32>, vector<128x128xf32>, vector<1000x128xf32> -> vector<1000x128xf32>
    %get3A_9 = arith.constant 0 : index
    %get3A_10 = arith.constant 0 : index
    %get3A_11 = vector.load %arg5[%get3A_9, %get3A_10] : memref<1x128xf32, #tpu.memory_space<vmem>>, vector<1x128xf32>
    %add3A_12 = vector.broadcast %get3A_11 : vector<1x128xf32> to vector<1000x128xf32>
    %add3A_13 = arith.addf %dot_general3A_8, %add3A_12 : vector<1000x128xf32>
    %max3A = arith.constant 0.000000e+00 : f32
    %max3A_14 = vector.broadcast %max3A : f32 to vector<1000x128xf32>
    %max3A_15 = arith.maximumf %add3A_13, %max3A_14 : vector<1000x128xf32>
    %get3A_16 = arith.constant 0 : index
    %get3A_17 = arith.constant 0 : index
    %get3A_18 = vector.load %arg4[%get3A_16, %get3A_17] : memref<128x128xf32, #tpu.memory_space<vmem>>, vector<128x128xf32>
    %dot_general3A_19 = arith.constant dense<0.000000e+00> : vector<1000x128xf32>
    %dot_general3A_20 = tpu.matmul %max3A_15, %get3A_18, %dot_general3A_19 {dimension_numbers = #tpu.dot_dimension_numbers<[1], [0], [0], [1], [0, 0, 1, 1], [], []>, transpose_lhs_hint = false} : vector<1000x128xf32>, vector<128x128xf32>, vector<1000x128xf32> -> vector<1000x128xf32>
    %get3A_21 = arith.constant 0 : index
    %get3A_22 = arith.constant 0 : index
    %get3A_23 = vector.load %arg5[%get3A_21, %get3A_22] : memref<1x128xf32, #tpu.memory_space<vmem>>, vector<1x128xf32>
    %add3A_24 = vector.broadcast %get3A_23 : vector<1x128xf32> to vector<1000x128xf32>
    %add3A_25 = arith.addf %dot_general3A_20, %add3A_24 : vector<1000x128xf32>
    %max3A_26 = arith.constant 0.000000e+00 : f32
    %max3A_27 = vector.broadcast %max3A_26 : f32 to vector<1000x128xf32>
    %max3A_28 = arith.maximumf %add3A_25, %max3A_27 : vector<1000x128xf32>
    %get3A_29 = arith.constant 0 : index
    %get3A_30 = arith.constant 0 : index
    %get3A_31 = vector.load %arg4[%get3A_29, %get3A_30] : memref<128x128xf32, #tpu.memory_space<vmem>>, vector<128x128xf32>
    %dot_general3A_32 = arith.constant dense<0.000000e+00> : vector<1000x128xf32>
    %dot_general3A_33 = tpu.matmul %max3A_28, %get3A_31, %dot_general3A_32 {dimension_numbers = #tpu.dot_dimension_numbers<[1], [0], [0], [1], [0, 0, 1, 1], [], []>, transpose_lhs_hint = false} : vector<1000x128xf32>, vector<128x128xf32>, vector<1000x128xf32> -> vector<1000x128xf32>
    %get3A_34 = arith.constant 0 : index
    %get3A_35 = arith.constant 0 : index
    %get3A_36 = vector.load %arg5[%get3A_34, %get3A_35] : memref<1x128xf32, #tpu.memory_space<vmem>>, vector<1x128xf32>
    %add3A_37 = vector.broadcast %get3A_36 : vector<1x128xf32> to vector<1000x128xf32>
    %add3A_38 = arith.addf %dot_general3A_33, %add3A_37 : vector<1000x128xf32>
    %max3A_39 = arith.constant 0.000000e+00 : f32
    %max3A_40 = vector.broadcast %max3A_39 : f32 to vector<1000x128xf32>
    %max3A_41 = arith.maximumf %add3A_38, %max3A_40 : vector<1000x128xf32>
    %get3A_42 = arith.constant 0 : index
    %get3A_43 = arith.constant 0 : index
    %get3A_44 = vector.load %arg6[%get3A_42, %get3A_43] : memref<128x128xf32, #tpu.memory_space<vmem>>, vector<128x128xf32>
    %dot_general3A_45 = arith.constant dense<0.000000e+00> : vector<1000x128xf32>
    %dot_general3A_46 = tpu.matmul %max3A_41, %get3A_44, %dot_general3A_45 {dimension_numbers = #tpu.dot_dimension_numbers<[1], [0], [0], [1], [0, 0, 1, 1], [], []>, transpose_lhs_hint = false} : vector<1000x128xf32>, vector<128x128xf32>, vector<1000x128xf32> -> vector<1000x128xf32>
    %get3A_47 = arith.constant 0 : index
    %get3A_48 = arith.constant 0 : index
    %get3A_49 = vector.load %arg7[%get3A_47, %get3A_48] : memref<1x2xf32, #tpu.memory_space<vmem>>, vector<1x1xf32>
    %get3A_50 = vector.extract %get3A_49[0, 0] : f32 from vector<1x1xf32>
    %get3A_51 = arith.constant 0 : index
    %get3A_52 = arith.constant 1 : index
    %get3A_53 = vector.load %arg7[%get3A_51, %get3A_52] : memref<1x2xf32, #tpu.memory_space<vmem>>, vector<1x1xf32>
    %get3A_54 = vector.extract %get3A_53[0, 0] : f32 from vector<1x1xf32>
    %get3A_55 = arith.constant 0 : index
    %get3A_56 = arith.constant 0 : index
    %get3A_57 = vector.load %arg3[%get3A_55, %get3A_56] : memref<1000x128xf32, #tpu.memory_space<vmem>>, vector<1000x128xf32>
    %mul3A = vector.broadcast %get3A_50 : f32 to vector<1000x128xf32>
    %mul3A_58 = arith.mulf %mul3A, %get3A_57 : vector<1000x128xf32>
    %mul3A_59 = vector.broadcast %get3A_54 : f32 to vector<1000x128xf32>
    %mul3A_60 = arith.mulf %mul3A_59, %dot_general3A_46 : vector<1000x128xf32>
    %add3A_61 = arith.addf %mul3A_58, %mul3A_60 : vector<1000x128xf32>
    %get3A_62 = arith.constant 0 : index
    %get3A_63 = arith.constant 0 : index
    %get3A_64 = vector.load %arg8[%get3A_62, %get3A_63] : memref<128x16xf32, #tpu.memory_space<vmem>>, vector<128x16xf32>
    %dot_general3A_65 = arith.constant dense<0.000000e+00> : vector<1000x16xf32>
    %dot_general3A_66 = tpu.matmul %add3A_61, %get3A_64, %dot_general3A_65 {dimension_numbers = #tpu.dot_dimension_numbers<[1], [0], [0], [1], [0, 0, 1, 1], [], []>, transpose_lhs_hint = false} : vector<1000x128xf32>, vector<128x16xf32>, vector<1000x16xf32> -> vector<1000x16xf32>
    %get3A_67 = arith.constant 0 : index
    %get3A_68 = arith.constant 0 : index
    %get3A_69 = vector.load %arg9[%get3A_67, %get3A_68] : memref<1x16xf32, #tpu.memory_space<vmem>>, vector<1x16xf32>
    %add3A_70 = vector.broadcast %get3A_69 : vector<1x16xf32> to vector<1000x16xf32>
    %add3A_71 = arith.addf %dot_general3A_66, %add3A_70 : vector<1000x16xf32>
    %reduce_max3A = arith.constant dense<0xFF800000> : vector<1000xf32>
    %reduce_max3A_72 = vector.multi_reduction <maximumf>, %add3A_71, %reduce_max3A [1] : vector<1000x16xf32> to vector<1000xf32>
    %broadcast_in_dim3A = vector.shape_cast %reduce_max3A_72 : vector<1000xf32> to vector<1000x1xf32>
    %sub3A = vector.broadcast %broadcast_in_dim3A : vector<1000x1xf32> to vector<1000x16xf32>
    %sub3A_73 = arith.subf %add3A_71, %sub3A : vector<1000x16xf32>
    %exp3A = math.exp %sub3A_73 : vector<1000x16xf32>
    %reduce_sum3A = arith.constant dense<0.000000e+00> : vector<1000xf32>
    %reduce_sum3A_74 = vector.multi_reduction <add>, %exp3A, %reduce_sum3A [1] : vector<1000x16xf32> to vector<1000xf32>
    %broadcast_in_dim3A_75 = vector.shape_cast %reduce_sum3A_74 : vector<1000xf32> to vector<1000x1xf32>
    %log3A = math.log %broadcast_in_dim3A_75 : vector<1000x1xf32>
    %sub3A_76 = vector.broadcast %log3A : vector<1000x1xf32> to vector<1000x16xf32>
    %sub3A_77 = arith.subf %sub3A_73, %sub3A_76 : vector<1000x16xf32>
    %swap3A = arith.constant 0 : index
    %swap3A_78 = arith.constant 0 : index
    %swap3A_79 = vector.load %arg10[%swap3A, %swap3A_78] : memref<1000x16xf32, #tpu.memory_space<vmem>>, vector<1000x16xf32>
    tpu.vector_store %arg10[%swap3A, %swap3A_78], %sub3A_77 {strides = array<i32>} : memref<1000x16xf32, #tpu.memory_space<vmem>>, vector<1000x16xf32>,
    return
  }
  func.func @transform_0(%arg0: i32) -> (i32, i32) {
    %c0_i32 = arith.constant 0 : i32
    %c0_i32_0 = arith.constant 0 : i32
    return %arg0, %c0_i32 : i32, i32
  }
  func.func @transform_1(%arg0: i32) -> (i32, i32) {
    %c0_i32 = arith.constant 0 : i32
    %c0_i32_0 = arith.constant 0 : i32
    return %arg0, %c0_i32 : i32, i32
  }
  func.func @transform_2(%arg0: i32) -> (i32, i32) {
    %c0_i32 = arith.constant 0 : i32
    %c0_i32_0 = arith.constant 0 : i32
    return %arg0, %c0_i32 : i32, i32
  }
  func.func @transform_3(%arg0: i32) -> (i32, i32) {
    %c0_i32 = arith.constant 0 : i32
    %c0_i32_0 = arith.constant 0 : i32
    %c0_i32_1 = arith.constant 0 : i32
    return %c0_i32, %c0_i32_0 : i32, i32
  }
  func.func @transform_4(%arg0: i32) -> (i32, i32) {
    %c0_i32 = arith.constant 0 : i32
    %c0_i32_0 = arith.constant 0 : i32
    %c0_i32_1 = arith.constant 0 : i32
    return %c0_i32, %c0_i32_0 : i32, i32
  }
  func.func @transform_5(%arg0: i32) -> (i32, i32) {
    %c0_i32 = arith.constant 0 : i32
    %c0_i32_0 = arith.constant 0 : i32
    %c0_i32_1 = arith.constant 0 : i32
    return %c0_i32, %c0_i32_0 : i32, i32
  }
  func.func @transform_6(%arg0: i32) -> (i32, i32) {
    %c0_i32 = arith.constant 0 : i32
    %c0_i32_0 = arith.constant 0 : i32
    %c0_i32_1 = arith.constant 0 : i32
    return %c0_i32, %c0_i32_0 : i32, i32
  }
  func.func @transform_7(%arg0: i32) -> (i32, i32) {
    %c0_i32 = arith.constant 0 : i32
    %c0_i32_0 = arith.constant 0 : i32
    %c0_i32_1 = arith.constant 0 : i32
    return %c0_i32, %c0_i32_0 : i32, i32
  }
  func.func @transform_8(%arg0: i32) -> (i32, i32) {
    %c0_i32 = arith.constant 0 : i32
    %c0_i32_0 = arith.constant 0 : i32
    %c0_i32_1 = arith.constant 0 : i32
    return %c0_i32, %c0_i32_0 : i32, i32
  }
  func.func @transform_9(%arg0: i32) -> (i32, i32) {
    %c0_i32 = arith.constant 0 : i32
    %c0_i32_0 = arith.constant 0 : i32
    return %arg0, %c0_i32 : i32, i32
  }
}

</mosaic_0001>

<sc_bundles>
// kernel: kernel.10.cloned.1.call-start
scs
__scs_entry_jumppad:
0x0: {  	(pc) =	sbr.rel $0x88, $3  }
0x1: {  	(tag) =	ssettag $0x0;
	lr =	simm.s32 $0x1  }
0x2: {  	[smem:$0x3F7F] =	sst lr;
	_ =	strace $0xD0000000  }
0x3: {  	_ = 	snop  }
0x4: {  	_ = 	snop  }
0x5: {  	_ = 	snop  }
0x6: {  	_ = 	snop  }
0x7: {  	_ = 	snop  }
__scs_overlays_trampoline_lowered:
0x8: {  	[smem:$0x3F8E] =	sst s0  }
0x9: {  	[smem:$0x3F8F] =	sst s1  }
0xa: {  	[smem:$0x3F90] =	sst s2  }
0xb: {  	[smem:$0x3F91] =	sst s3  }
0xc: {  	[smem:$0x3F92] =	sst s4  }
0xd: {  	[smem:$0x3F93] =	sst s5  }
0xe: {  	[smem:$0x3F94] =	sst s6  }
0xf: {  	[smem:$0x3F95] =	sst s7  }
0x10: {  	[smem:$0x3F96] =	sst s8  }
0x11: {  	[smem:$0x3F97] =	sst s9;
	s0 =	simm.s32 @!p0 $0x0  }
0x12: {  	s1 =	sld [smem:$0x3F7D];
	s0 =	simm.s32 @p0 $0x1  }
0x13: {  	[smem:$0x3F98] =	sst s0;
	s0 =	simm.s32 @!p1 $0x0  }
0x14: {  	s2 =	sld [smem:$0x3F7C];
	s0 =	simm.s32 @p1 $0x1  }
0x15: {  	[smem:$0x3F99] =	sst s0;
	s0 =	simm.s32 @!p2 $0x0  }
0x16: {  	s3 =	sld [smem:$0x3FDB];
	s0 =	simm.s32 @p2 $0x1  }
0x17: {  	s4 =	simm.s32 $0x1BF5;
	[smem:$0x3F9B] =	sst s0  }
0x18: {  	s0 =	sld [smem:$0x3F7E];
	_ =	swait.ge [sflag:s4], $0x0  }
0x19: {  	s7 =	sld [smem:$0x3F7F]  }
0x1a: {  	s8 =	sadd.s32 $0xFFFFE003, lr  }
0x1b: {  	s9 =	sadd.s32 $0xFFFFFEF7, lr;
	s5 =	simm.s32 $0xFFFFFFFF;
	p2 =	slt.u32 s8, $0xFFFFF086  }
0x1c: {  	p1 =	slt.u32 s9, $0xF7A;
	s5 =	simm.s32 @!p2 $0x0  }
0x1d: {  	s5 =	simm.s32 @p1 $0x1;
	p0 =	seq.s32 s7, s2  }
0x1e: {  	s7 =	smul.u32 @!p0 $0xF7A, s2;
	p2 =	seq.s32 @!p0 s5, $0x0  }
0x1f: {  	s9 =	smul.u32 $0xF7A, s1;
	s8 =	simm.s32 @!p0 $0x1BF5;
	p2 =	por !p2, p0  }
0x20: {  	[sflag:s8] =	ssyncset.s32 @!p0 $0xFFFFF086;
	s6 =	sadd.s32 @!p0 s3, s7;
	s7 =	simm.s32 @!p0 $0x108  }
0x21: {  	s3 =	sadd.s32 s3, s9;
	s6 =	sadd.s32 @!p0 $0x88, s6;
	s7 =	simm.s32 @p2 $0x1082  }
0x22: {  	[simem:s7], [sflag:s8] =	dma.local @!p0 [hbm:s6], $0xF7A  }
0x23: {  	s9 =	sor.u32 $0xD0000000, s2;
	s6 =	simm.s32 $0x108;
	_ =	swait.ge @!p0 [sflag:s8], $0x0  }
0x24: {  	s3 =	sadd.s32 $0x88, s3;
	s6 =	simm.s32 @!p1 $0x1082;
	[sflag:s4] =	ssyncset.s32 $0xFFFFF086  }
0x25: {  	[simem:s6], [sflag:s4] =	dma.local [hbm:s3], $0xF7A  }
0x26: {  	[smem:$0x3F7F] =	sst s1;
	(tag) =	ssettag s2;
	_ =	strace s9  }
0x27: {  	s1 =	sld [smem:$0x3F8F]  }
0x28: {  	s2 =	sld [smem:$0x3F90]  }
0x29: {  	s4 =	sld [smem:$0x3F92]  }
0x2a: {  	p0 =	seq.s32 s5, $0x0;
	s5 =	sld [smem:$0x3F93]  }
0x2b: {  	s6 =	sld [smem:$0x3F94]  }
0x2c: {  	s7 =	sld [smem:$0x3F95]  }
0x2d: {  	s3 =	simm.s32 $0x108;
	s8 =	sld [smem:$0x3F96]  }
0x2e: {  	s3 =	simm.s32 @!p0 $0x1082;
	s9 =	sld [smem:$0x3F97]  }
0x2f: {  	lr =	sadd.s32 s0, s3;
	s0 =	sld [smem:$0x3F8E]  }
0x30: {  	s3 =	sld [smem:$0x3F91]  }
0x31: {  	[smem:$0x3F9A] =	sst s10  }
0x32: {  	s10 =	sld [smem:$0x3F98];
	_ =	sdelay $0x3  }
0x33: {  	p0 =	seq.s32 s10, $0x1;
	s10 =	sld [smem:$0x3F9A];
	_ =	sdelay $0x3  }
0x34: {  	[smem:$0x3F9A] =	sst s10  }
0x35: {  	s10 =	sld [smem:$0x3F99];
	_ =	sdelay $0x3  }
0x36: {  	p1 =	seq.s32 s10, $0x1;
	s10 =	sld [smem:$0x3F9A];
	_ =	sdelay $0x3  }
0x37: {  	[smem:$0x3F9A] =	sst s10  }
0x38: {  	s10 =	sld [smem:$0x3F9B]  }
0x39: {  	_ = 	snop;
	(pc) =	sbr.ind lr, $3  }
0x3a: {  	_ = 	snop  }
0x3b: {  	_ = 	snop  }
0x3c: {  	p2 =	seq.s32 s10, $0x1;
	s10 =	sld [smem:$0x3F9A]  }
0x3d: {  	_ =	shalt  }
0x3e: {  	_ =	shalt  }
0x3f: {  	_ =	shalt  }
0x40: {  	_ =	shalt  }
0x41: {  	_ =	shalt  }
0x42: {  	_ =	shalt  }
0x43: {  	_ =	shalt  }
0x44: {  	_ =	shalt  }
0x45: {  	_ =	shalt  }
0x46: {  	_ =	shalt  }
0x47: {  	_ =	shalt  }
0x48: {  	_ =	shalt  }
0x49: {  	_ =	shalt  }
0x4a: {  	_ =	shalt  }
0x4b: {  	_ =	shalt  }
0x4c: {  	_ =	shalt  }
0x4d: {  	_ =	shalt  }
0x4e: {  	_ =	shalt  }
0x4f: {  	_ =	shalt  }
0x50: {  	_ =	shalt  }
0x51: {  	_ =	shalt  }
0x52: {  	_ =	shalt  }
0x53: {  	_ =	shalt  }
0x54: {  	_ =	shalt  }
0x55: {  	_ =	shalt  }
0x56: {  	_ =	shalt  }
0x57: {  	_ =	shalt  }
0x58: {  	_ =	shalt  }
0x59: {  	_ =	shalt  }
0x5a: {  	_ =	shalt  }
0x5b: {  	_ =	shalt  }
0x5c: {  	_ =	shalt  }
0x5d: {  	_ =	shalt  }
0x5e: {  	_ =	shalt  }
0x5f: {  	_ =	shalt  }
0x60: {  	_ =	shalt  }
0x61: {  	_ =	shalt  }
0x62: {  	_ =	shalt  }
0x63: {  	_ =	shalt  }
0x64: {  	_ =	shalt  }
0x65: {  	_ =	shalt  }
0x66: {  	_ =	shalt  }
0x67: {  	_ =	shalt  }
0x68: {  	_ =	shalt  }
0x69: {  	_ =	shalt  }
0x6a: {  	_ =	shalt  }
0x6b: {  	_ =	shalt  }
0x6c: {  	_ =	shalt  }
0x6d: {  	_ =	shalt  }
0x6e: {  	_ =	shalt  }
0x6f: {  	_ =	shalt  }
0x70: {  	_ =	shalt  }
0x71: {  	_ =	shalt  }
0x72: {  	_ =	shalt  }
0x73: {  	_ =	shalt  }
0x74: {  	_ =	shalt  }
0x75: {  	_ =	shalt  }
0x76: {  	_ =	shalt  }
0x77: {  	_ =	shalt  }
0x78: {  	_ =	shalt  }
0x79: {  	_ =	shalt  }
0x7a: {  	_ =	shalt  }
0x7b: {  	_ =	shalt  }
0x7c: {  	_ =	shalt  }
0x7d: {  	_ =	shalt  }
0x7e: {  	_ =	shalt  }
0x7f: {  	_ =	shalt  }
0x80: {  	_ =	shalt  }
0x81: {  	_ =	shalt  }
0x82: {  	_ =	shalt  }
0x83: {  	_ =	shalt  }
0x84: {  	_ =	shalt  }
0x85: {  	_ =	shalt  }
0x86: {  	_ =	shalt  }
0x87: {  	_ =	shalt  }
.Lfunc_end0:
.L_simem_size_0:
called_computation.1_lowered:
.L_overlay_start_0:
0x88: {  	s2 =	sld [smem:$0x3FD9]  }
0x89: {  	s3 =	sld [smem:$0x3FFE];
	_ =	sdelay $0x1  }
0x8a: {  	s1 =	srdreg.scid  }
0x8b: {  	s0 =	sand.u32 $0x1, s1  }
0x8c: {  	s17 =	sshll.u32 s0, $0xA;
	s2 =	sadd.s32 s3, s2  }
0x8d: {  	s2 =	sadd.s32 s2, s17  }
0x8e: {  	[smem:$0x3FA6] =	sst s2  }
0x8f: {  	_ = 	snop  }
0x90: {  	s2 =	sld [smem:$0x3FD0];
	(tm) =	ssettm $0x1  }
0x91: {  	s18 =	sld [smem:$0x3FFB];
	_ =	sdelay $0x3  }
0x92: {  	_ =	strace s18  }
0x93: {  	s3 =	sld [smem:$0x3FFC];
	_ =	sdelay $0x3  }
0x94: {  	_ =	strace s3  }
0x95: {  	s3 =	sld [smem:$0x3FFD];
	_ =	sdelay $0x3  }
0x96: {  	_ =	strace s3  }
0x97: {  	_ =	strace $0x8FFFFFFF  }
0x98: {  	s19 =	sld [smem:$0x3FDB];
	_ =	sdelay $0x1  }
0x99: {  	s4 =	simm.s32 $_scs_section_size  }
0x9a: {  	s5 =	simm.s32 $_size__tile_overlayer_lowered;
	s6 =	simm.s32 $_tile_overlayer_lowered  }
0x9b: {  	s22 =	simm.s32 $0x1BFF;
	s21 =	sshll.u32 s6, $0x1;
	s3 =	sadd.s32 s4, s19  }
0x9c: {  	s7 =	simm.s32 $0x0;
	s20 =	sshll.u32 s5, $0x1;
	s5 =	sadd.s32 s21, s3  }
0x9d: {  	[timem:s7], [sflag:s22] =	dma.local [hbm:s5], s20  }
0x9e: {  	_ =	swait.ge [sflag:s22], s20  }
0x9f: {  	s4 =	ssub.s32 $0x0, s20;
	[sflag:s22] =	ssyncset.done $0x0  }
0xa0: {  	[sflag:s22] =	ssyncadd.s32 s4;
	_ =	sdelay $0x1  }
0xa1: {  	s23 =	simm.s32 $0x1B8B  }
0xa2: {  	_ =	swait.ge [sflag:s23], $0x1  }
0xa3: {  	[sflag:s23] =	ssyncset.done $0x0  }
0xa4: {  	s25 =	simm.s32 $0x1B8E;
	s24 =	sld [smem:$0x3FFE];
	[sflag:s23] =	ssyncadd.s32 $0xFFFFFFFF  }
0xa5: {  	s26 =	simm.s32 $execute0_lowered;
	[smem:$0x3FD2] =	sst s25  }
0xa6: {  	s5 =	sshll.u32 s26, $0x1;
	_ =	strace $0x80000046;
	[dreg:$0x1] =	wrdreg $0xFFFFFFFF  }
0xa7: {  	s28 =	simm.s32 $_size_execute0_lowered;
	s3 =	sadd.s32 s3, s5;
	[dreg:$0x0] =	wrdreg $0x0  }
0xa8: {  	s5 =	sshll.u32 s28, $0x1;
	[dreg:$0x2] =	wrdreg s3  }
0xa9: {  	[dreg:$0x3] =	wrdreg s5  }
0xaa: {  	[dreg:$0x4] =	wrdreg $0xC0  }
0xab: {  	_ =	task [dreg:s7], $0x5FFFF  }
0xac: {  	[dreg:$0x1] =	wrdreg $0xFFFFFFFF  }
0xad: {  	[dreg:$0x0] =	wrdreg $0x60  }
0xae: {  	[dreg:$0x2] =	wrdreg s24  }
0xaf: {  	[dreg:$0x3] =	wrdreg s2  }
0xb0: {  	[dreg:$0x4] =	wrdreg $0x9  }
0xb1: {  	_ =	task.clear_ibuf [dreg:s7], $0x5FFFF;
	_ =	strace $0x90000046  }
0xb2: {  	s29 =	simm.s32 $0x9;
	_ =	strace $0x80000048  }
0xb3: {  	_ =	swait.ge [sflag:s29], $0x1  }
0xb4: {  	[sflag:s29] =	ssyncadd.s32 $0xFFFFFFFF  }
0xb5: {  	_ =	strace $0x90000048  }
0xb6: {  	_ =	sfence  }
0xb7: {  	s30 =	sld [smem:$0x0];
	_ =	sdelay $0x2  }
0xb8: {  	s31 =	sshll.u32 s1, $0xD;
	s1 =	sshrl.u32 s1, $0x2  }
0xb9: {  	s3 =	sand.u32 $0x4000, s31;
	s1 =	sadd.s32 s1, s30  }
0xba: {  	s0 =	sor.u32 s3, s0;
	s1 =	sshll.u32 s1, $0x11  }
0xbb: {  	s0 =	sor.u32 s1, s0  }
0xbc: {  	s0 =	sadd.s32 $0x8F2B, s0  }
0xbd: {  	[sflag:s0] =	ssyncadd.remote.s32 $0x1  }
0xbe: {  	_ =	sfence.sel $0xFFFF  }
0xbf: {  	[dreg:$0x0] =	wrdreg $0xFFFFFFFF;
	(pc) =	sbr.abs _section_cstart, $3  }
0xc0: {  	[dreg:$0x1] =	wrdreg $0xFFFFFFFF  }
0xc1: {  	_ =	task.clear_ibuf [dreg:s7], $0x2FFFF;
	_ =	strace $0x9FFFFFFF  }
0xc2: {  	(tm) =	ssettm $0x7FFFFFFF  }
0xc3: {  	_ =	shalt  }
tec
execute0_lowered:
.L_overlay_start_1:
0x0: {  	(tag) =	ssettag $0x1  }
0x1: {  	s8 =	rddreg [dreg:$0x0]  }
0x2: {  	s2 =	rddreg [dreg:$0x1]  }
0x3: {  	s0 =	rddreg [dreg:$0x2];
	s4 =	srdreg.scid  }
0x4: {  	s1 =	stileid.u32;
	s3 =	simm.s32 $0x0;
	s13 =	simm.s32 $0x3  }
0x5: {  	s14 =	simm.s32 $0x80;
	s15 =	simm.s32 $0x100;
	s16 =	simm.s32 $0x4100  }
0x6: {  	s17 =	simm.s32 $0x1;
	s18 =	simm.s32 $0x2;
	s19 =	simm.s32 $0x8  }
0x7: {  	s20 =	simm.s32 $0x0;
	s9 =	sand.u32 $0x1, s4;
	s30 =	sshll.u32 s1, $0x1  }
0x8: {  	[smem:$0x7FF] =	sst s3;
	s4 =	sadd.s32 $0x9E00, s8;
	s5 =	sor.u32 s9, s30  }
0x9: {  	s6 =	sadd.s32 $0x31000, s8;
	s9 =	ssub.s32 $0x2, s9;
	s5 =	smul.u32 $0x1388, s5  }
0xa: {  	s7 =	sadd.s32 $0x4E00, s8;
	s8 =	sadd.s32 $0x7F400, s8;
	s10 =	sshrl.u32 s9, $0x1  }
0xb: {  	_ =	strace $0x80000047;
	s12 =	ssub.s32 s9, s10;
	s11 =	sadd.s32 $0x1380, s5  }
0xc: {  	s12 =	smax.u32 s12, $0x1;
	s31 =	sshrl.u32 s11, $0x3;
	s11 =	sshll.u32 s11, $0x4  }
0xd: {  	s9 =	sadd.s32 s7, s31;
	s10 =	sadd.s32 s2, s31;
	s11 =	sadd.s32 s8, s11  }
.LBB2_1:
0xe: {  	s21 =	simm.s32 $0x0  }
.LBB2_2:
0xf: {  	s22 =	sshll.u32 s21, $0x7  }
0x10: {  	s22 =	sadd.s32 s5, s22  }
0x11: {  	s23 =	sshrl.u32 s22, $0x3  }
0x12: {  	s25 =	simm.s32 $0x0;
	s24 =	sadd.s32 s7, s23  }
0x13: {  	[tilespmem:s25], [sflag:$0x3] =	stream.linear.gather [hbm4b:s24+s25], $0x80, $0x38;
	[tilespmem:$0x8100] =	vst v63  }
0x14: {  	_ =	swait.ge [sflag:s13], $0x80  }
0x15: {  	[sflag:s13] =	ssyncset.done $0x0  }
0x16: {  	s23 =	sadd.s32 s2, s23;
	[sflag:s13] =	ssyncadd.s32 $0xFFFFFF80  }
0x17: {  	[tilespmem:s14], [sflag:$0x3] =	stream.linear.gather [hbm4b:s23+s25], $0x80, $0x38;
	[tilespmem:$0x8100] =	vst v63  }
0x18: {  	_ =	swait.ge [sflag:s13], $0x80  }
0x19: {  	[sflag:s13] =	ssyncset.done $0x0  }
0x1a: {  	[sflag:s13] =	ssyncadd.s32 $0xFFFFFF80  }
0x1b: {  	[tilespmem:s15], [sflag:$0x1] =	stream.indirect.gather [hbm4b:s4+s14], $0x80, s25, s14, $0xb8;
	[tilespmem:$0x8100] =	vst v63  }
0x1c: {  	_ = 	snop  }
0x1d: {  	[tilespmem:s16], [sflag:$0x2] =	stream.indirect.gather [hbm4b:s6+s14], $0x80, s14, s14, $0xb8;
	[tilespmem:$0x8100] =	vst v63  }
0x1e: {  	_ =	swait.ge [sflag:s17], $0x4000  }
0x1f: {  	[sflag:s17] =	ssyncset.done $0x0  }
0x20: {  	[sflag:s17] =	ssyncadd.s32 $0xFFFFC000  }
0x21: {  	_ =	swait.ge [sflag:s18], $0x4000  }
0x22: {  	[sflag:s18] =	ssyncset.done $0x0  }
0x23: {  	s23 =	simm.s32 $0x0;
	[sflag:s18] =	ssyncadd.s32 $0xFFFFC000  }
0x24: {  	v7 =	vld [tilespmem:s23+$0x4100]  }
0x25: {  	v11 =	vld [tilespmem:s23+$0x4110]  }
0x26: {  	v5 =	vld [tilespmem:s23+$0x4120]  }
0x27: {  	v4 =	vld [tilespmem:s23+$0x4130]  }
0x28: {  	v3 =	vld [tilespmem:s23+$0x4140]  }
0x29: {  	v2 =	vld [tilespmem:s23+$0x4150]  }
0x2a: {  	v1 =	vld [tilespmem:s23+$0x4160]  }
0x2b: {  	v0 =	vld [tilespmem:s23+$0x4170]  }
0x2c: {  	v12 =	vld [tilespmem:s23+$0x100]  }
0x2d: {  	v13 =	vld [tilespmem:s23+$0x110]  }
0x2e: {  	v10 =	vld [tilespmem:s23+$0x120]  }
0x2f: {  	v9 =	vld [tilespmem:s23+$0x130]  }
0x30: {  	v8 =	vld [tilespmem:s23+$0x140]  }
0x31: {  	v6 =	vld [tilespmem:s23+$0x150];
	v12 =	vadd.f32 v7, v12  }
0x32: {  	s24 =	simm.s32 $0x200;
	v11 =	vadd.f32 v11, v13;
	v7 =	vld [tilespmem:s23+$0x160]  }
.LBB2_3:
0x33: {  	s25 =	sshra.s32 s24, $0x2;
	p0 =	sne.s32 s24, $0xFE00;
	[tilespmem:s23+$0x100] =	vst v12;
	v5 =	vadd.f32 v5, v10;
	v10 =	vld [tilespmem:s23+$0x170]  }
0x34: {  	v12 =	vld [tilespmem:s25+$0x4100];
	[tilespmem:s23+$0x110] =	vst v11;
	v4 =	vadd.f32 v4, v9  }
0x35: {  	v11 =	vld [tilespmem:s25+$0x4110];
	[tilespmem:s23+$0x120] =	vst v5;
	v3 =	vadd.f32 v3, v8  }
0x36: {  	v5 =	vld [tilespmem:s25+$0x4120];
	[tilespmem:s23+$0x130] =	vst v4;
	v2 =	vadd.f32 v2, v6  }
0x37: {  	v4 =	vld [tilespmem:s25+$0x4130];
	[tilespmem:s23+$0x140] =	vst v3;
	v1 =	vadd.f32 v1, v7  }
0x38: {  	v3 =	vld [tilespmem:s25+$0x4140];
	[tilespmem:s23+$0x150] =	vst v2;
	v0 =	vadd.f32 v0, v10  }
0x39: {  	v2 =	vld [tilespmem:s25+$0x4150];
	[tilespmem:s23+$0x160] =	vst v1  }
0x3a: {  	v1 =	vld [tilespmem:s25+$0x4160];
	[tilespmem:s23+$0x170] =	vst v0;
	s23 =	smov.u32 s25  }
0x3b: {  	v0 =	vld [tilespmem:s23+$0x4170]  }
0x3c: {  	v6 =	vld [tilespmem:s23+$0x100]  }
0x3d: {  	v7 =	vld [tilespmem:s23+$0x110]  }
.Ltmp0:
0x3e: {  	v10 =	vld [tilespmem:s23+$0x120];
	(pc) =	sbr.rel @p0 .LBB2_3-.Ltmp0, $4  }
0x3f: {  	v9 =	vld [tilespmem:s23+$0x130]  }
0x40: {  	v8 =	vld [tilespmem:s23+$0x140]  }
0x41: {  	v12 =	vadd.f32 v12, v6;
	v6 =	vld [tilespmem:s23+$0x150]  }
0x42: {  	s24 =	sadd.s32 $0x200, s24;
	v11 =	vadd.f32 v11, v7;
	v7 =	vld [tilespmem:s23+$0x160]  }
0x43: {  	[tilespmem:s23+$0x100] =	vst v12;
	v5 =	vadd.f32 v5, v10;
	v63 =	vld [tilespmem:s23+$0x170]  }
0x44: {  	[tilespmem:s23+$0x110] =	vst v11;
	v4 =	vadd.f32 v4, v9  }
0x45: {  	[tilespmem:s23+$0x120] =	vst v5;
	v3 =	vadd.f32 v3, v8  }
0x46: {  	[tilespmem:s23+$0x130] =	vst v4;
	v2 =	vadd.f32 v2, v6  }
0x47: {  	[tilespmem:s23+$0x140] =	vst v3;
	v1 =	vadd.f32 v1, v7  }
0x48: {  	s21 =	sadd.s32 $0x1, s21;
	[tilespmem:s23+$0x150] =	vst v2;
	v0 =	vadd.f32 v0, v63  }
0x49: {  	s22 =	sshll.u32 s22, $0x4;
	p0 =	sne.s32 s21, $0x27;
	[tilespmem:s23+$0x160] =	vst v1  }
.Ltmp1:
0x4a: {  	s22 =	sadd.s32 s8, s22;
	[tilespmem:s23+$0x170] =	vst v0;
	(pc) =	sbr.rel @p0 .LBB2_2-.Ltmp1, $4  }
0x4b: {  	[hbm4b:s22+s3] =	stream.linear.scatter [tilespmem:s15], [sflag:$0x3], $0x4000, $0x38;
	[tilespmem:$0x8100] =	vst v63  }
0x4c: {  	_ =	swait.ge [sflag:s13], $0x4000  }
0x4d: {  	[sflag:s13] =	ssyncset.done $0x0  }
0x4e: {  	[sflag:s13] =	ssyncadd.s32 $0xFFFFC000  }
0x4f: {  	[tilespmem:s3], [sflag:$0x3] =	stream.linear.gather [hbm4b:s9+s3], $0x8, $0x38;
	[tilespmem:$0x8100] =	vst v63  }
0x50: {  	_ =	swait.ge [sflag:s13], $0x8  }
0x51: {  	[sflag:s13] =	ssyncset.done $0x0  }
0x52: {  	[sflag:s13] =	ssyncadd.s32 $0xFFFFFFF8  }
0x53: {  	[tilespmem:s14], [sflag:$0x3] =	stream.linear.gather [hbm4b:s10+s3], $0x8, $0x38;
	[tilespmem:$0x8100] =	vst v63  }
0x54: {  	_ =	swait.ge [sflag:s13], $0x8  }
0x55: {  	[sflag:s13] =	ssyncset.done $0x0  }
0x56: {  	[sflag:s13] =	ssyncadd.s32 $0xFFFFFFF8  }
0x57: {  	[tilespmem:s15], [sflag:$0x1] =	stream.indirect.gather [hbm4b:s4+s19], $0x80, s3, s19, $0xb8;
	[tilespmem:$0x8100] =	vst v63  }
0x58: {  	_ = 	snop  }
0x59: {  	[tilespmem:s16], [sflag:$0x2] =	stream.indirect.gather [hbm4b:s6+s19], $0x80, s14, s19, $0xb8;
	[tilespmem:$0x8100] =	vst v63  }
0x5a: {  	_ =	swait.ge [sflag:s17], $0x400  }
0x5b: {  	[sflag:s17] =	ssyncset.done $0x0  }
0x5c: {  	[sflag:s17] =	ssyncadd.s32 $0xFFFFFC00  }
0x5d: {  	_ =	swait.ge [sflag:s18], $0x400  }
0x5e: {  	[sflag:s18] =	ssyncset.done $0x0  }
0x5f: {  	[sflag:s18] =	ssyncadd.s32 $0xFFFFFC00  }
0x60: {  	v0 =	vld [tilespmem:$0x100]  }
0x61: {  	v1 =	vld [tilespmem:$0x4100]  }
0x62: {  	v2 =	vld [tilespmem:$0x110]  }
0x63: {  	v3 =	vld [tilespmem:$0x4110]  }
0x64: {  	v4 =	vld [tilespmem:$0x120]  }
0x65: {  	v5 =	vld [tilespmem:$0x4120]  }
0x66: {  	v6 =	vld [tilespmem:$0x130]  }
0x67: {  	v7 =	vld [tilespmem:$0x4130]  }
0x68: {  	v8 =	vld [tilespmem:$0x140]  }
0x69: {  	v9 =	vld [tilespmem:$0x4140]  }
0x6a: {  	v10 =	vld [tilespmem:$0x150]  }
0x6b: {  	v11 =	vld [tilespmem:$0x4150]  }
0x6c: {  	v12 =	vld [tilespmem:$0x160]  }
0x6d: {  	v13 =	vld [tilespmem:$0x4160]  }
0x6e: {  	v14 =	vld [tilespmem:$0x170]  }
0x6f: {  	v15 =	vld [tilespmem:$0x4170]  }
0x70: {  	v16 =	vld [tilespmem:$0x180]  }
0x71: {  	v17 =	vld [tilespmem:$0x4180]  }
0x72: {  	v18 =	vld [tilespmem:$0x190]  }
0x73: {  	v19 =	vld [tilespmem:$0x4190]  }
0x74: {  	v20 =	vld [tilespmem:$0x1A0]  }
0x75: {  	v21 =	vld [tilespmem:$0x41A0]  }
0x76: {  	v22 =	vld [tilespmem:$0x1B0]  }
0x77: {  	v23 =	vld [tilespmem:$0x41B0]  }
0x78: {  	v24 =	vld [tilespmem:$0x1C0]  }
0x79: {  	v25 =	vld [tilespmem:$0x41C0]  }
0x7a: {  	v26 =	vld [tilespmem:$0x1D0]  }
0x7b: {  	v27 =	vld [tilespmem:$0x41D0]  }
0x7c: {  	v28 =	vld [tilespmem:$0x1E0]  }
0x7d: {  	v29 =	vld [tilespmem:$0x41E0]  }
0x7e: {  	v30 =	vld [tilespmem:$0x1F0]  }
0x7f: {  	v31 =	vld [tilespmem:$0x41F0]  }
0x80: {  	v32 =	vld [tilespmem:$0x200]  }
0x81: {  	v33 =	vld [tilespmem:$0x4200]  }
0x82: {  	v34 =	vld [tilespmem:$0x210]  }
0x83: {  	v35 =	vld [tilespmem:$0x4210]  }
0x84: {  	v36 =	vld [tilespmem:$0x220]  }
0x85: {  	v37 =	vld [tilespmem:$0x4220]  }
0x86: {  	v38 =	vld [tilespmem:$0x230]  }
0x87: {  	v39 =	vld [tilespmem:$0x4230]  }
0x88: {  	v40 =	vld [tilespmem:$0x240]  }
0x89: {  	v41 =	vld [tilespmem:$0x4240]  }
0x8a: {  	v42 =	vld [tilespmem:$0x250]  }
0x8b: {  	v43 =	vld [tilespmem:$0x4250]  }
0x8c: {  	v44 =	vld [tilespmem:$0x260]  }
0x8d: {  	v45 =	vld [tilespmem:$0x4260]  }
0x8e: {  	v46 =	vld [tilespmem:$0x270]  }
0x8f: {  	v47 =	vld [tilespmem:$0x4270]  }
0x90: {  	v48 =	vld [tilespmem:$0x280]  }
0x91: {  	v49 =	vld [tilespmem:$0x4280]  }
0x92: {  	v50 =	vld [tilespmem:$0x290]  }
0x93: {  	v51 =	vld [tilespmem:$0x4290]  }
0x94: {  	v52 =	vld [tilespmem:$0x2A0]  }
0x95: {  	v53 =	vld [tilespmem:$0x42A0]  }
0x96: {  	v54 =	vld [tilespmem:$0x2B0]  }
0x97: {  	v55 =	vld [tilespmem:$0x42B0]  }
0x98: {  	v56 =	vld [tilespmem:$0x2C0]  }
0x99: {  	v57 =	vld [tilespmem:$0x42C0]  }
0x9a: {  	v58 =	vld [tilespmem:$0x2D0]  }
0x9b: {  	v62 =	vld [tilespmem:$0x2F0]  }
0x9c: {  	v59 =	vld [tilespmem:$0x42D0]  }
0x9d: {  	v60 =	vld [tilespmem:$0x2E0]  }
0x9e: {  	v61 =	vld [tilespmem:$0x42E0]  }
0x9f: {  	v63 =	vld [tilespmem:$0x42F0]  }
0xa0: {  	[tilespmem:$0x1FFA0] =	vst v62;
	v62 =	vld [tilespmem:$0x300]  }
0xa1: {  	v0 =	vadd.f32 v1, v0;
	v1 =	vld [tilespmem:$0x4320]  }
0xa2: {  	v2 =	vadd.f32 v3, v2;
	v3 =	vld [tilespmem:$0x330]  }
0xa3: {  	v9 =	vadd.f32 v9, v8;
	v8 =	vld [tilespmem:$0x4350]  }
0xa4: {  	v13 =	vadd.f32 v13, v12;
	v12 =	vld [tilespmem:$0x4370]  }
0xa5: {  	v15 =	vadd.f32 v15, v14;
	v14 =	vld [tilespmem:$0x4380]  }
0xa6: {  	v17 =	vadd.f32 v17, v16;
	v16 =	vld [tilespmem:$0x4390]  }
0xa7: {  	v19 =	vadd.f32 v19, v18;
	v18 =	vld [tilespmem:$0x43A0]  }
0xa8: {  	v23 =	vadd.f32 v23, v22;
	v22 =	vld [tilespmem:$0x43C0];
	[tilespmem:$0x100] =	vst v0  }
0xa9: {  	v25 =	vadd.f32 v25, v24;
	v24 =	vld [tilespmem:$0x43D0];
	[tilespmem:$0x110] =	vst v2  }
0xaa: {  	v21 =	vadd.f32 v21, v20;
	v27 =	vadd.f32 v27, v26;
	v26 =	vld [tilespmem:$0x43E0];
	[tilespmem:$0x140] =	vst v9  }
0xab: {  	v31 =	vadd.f32 v31, v30;
	v30 =	vadd.f32 v45, v44;
	v45 =	vld [tilespmem:$0x4430];
	[tilespmem:$0x160] =	vst v13  }
0xac: {  	v33 =	vadd.f32 v33, v32;
	v32 =	vadd.f32 v49, v48;
	v49 =	vld [tilespmem:$0x4440];
	[tilespmem:$0x170] =	vst v15  }
0xad: {  	v35 =	vadd.f32 v35, v34;
	v34 =	vadd.f32 v53, v52;
	v53 =	vld [tilespmem:$0x4450];
	[tilespmem:$0x180] =	vst v17  }
0xae: {  	v37 =	vadd.f32 v37, v36;
	v36 =	vadd.f32 v57, v56;
	v57 =	vld [tilespmem:$0x4460];
	[tilespmem:$0x190] =	vst v19  }
0xaf: {  	v0 =	vadd.f32 v5, v4;
	v4 =	vld [tilespmem:$0x4330];
	[tilespmem:$0x1A0] =	vst v21  }
0xb0: {  	v5 =	vld [tilespmem:$0x340];
	[tilespmem:$0x1B0] =	vst v23  }
0xb1: {  	v29 =	vadd.f32 v29, v28;
	v9 =	vld [tilespmem:$0x360];
	[tilespmem:$0x1C0] =	vst v25  }
0xb2: {  	v13 =	vld [tilespmem:$0x380];
	[tilespmem:$0x1D0] =	vst v27  }
0xb3: {  	v15 =	vld [tilespmem:$0x390];
	[tilespmem:$0x1E0] =	vst v29  }
0xb4: {  	v17 =	vld [tilespmem:$0x3A0];
	[tilespmem:$0x1F0] =	vst v31  }
0xb5: {  	v19 =	vld [tilespmem:$0x3B0];
	[tilespmem:$0x200] =	vst v33  }
0xb6: {  	v28 =	vadd.f32 v41, v40;
	[tilespmem:$0x210] =	vst v35;
	v21 =	vld [tilespmem:$0x3C0]  }
0xb7: {  	[tilespmem:$0x220] =	vst v37;
	v23 =	vld [tilespmem:$0x3D0]  }
0xb8: {  	[tilespmem:$0x240] =	vst v28;
	v25 =	vld [tilespmem:$0x3E0]  }
0xb9: {  	[tilespmem:$0x260] =	vst v30;
	v28 =	vld [tilespmem:$0x43F0]  }
0xba: {  	[tilespmem:$0x280] =	vst v32;
	v30 =	vld [tilespmem:$0x4400]  }
0xbb: {  	[tilespmem:$0x2A0] =	vst v34;
	v32 =	vld [tilespmem:$0x4410]  }
0xbc: {  	v27 =	vadd.f32 v39, v38;
	[tilespmem:$0x2C0] =	vst v36;
	v39 =	vld [tilespmem:$0x1FFA0]  }
0xbd: {  	v34 =	vld [tilespmem:$0x4420];
	[tilespmem:$0x120] =	vst v0  }
0xbe: {  	v29 =	vadd.f32 v43, v42;
	v31 =	vadd.f32 v47, v46;
	v47 =	vld [tilespmem:$0x440];
	[tilespmem:$0x230] =	vst v27  }
0xbf: {  	[tilespmem:$0x1FFB0] =	vst v62;
	v62 =	vld [tilespmem:$0x4300]  }
0xc0: {  	v33 =	vadd.f32 v51, v50;
	v51 =	vld [tilespmem:$0x450];
	[tilespmem:$0x250] =	vst v29  }
0xc1: {  	v35 =	vadd.f32 v55, v54;
	v55 =	vld [tilespmem:$0x460];
	[tilespmem:$0x270] =	vst v31  }
0xc2: {  	v37 =	vadd.f32 v59, v58;
	v59 =	vld [tilespmem:$0x470];
	[tilespmem:$0x290] =	vst v33  }
0xc3: {  	v38 =	vadd.f32 v61, v60;
	v61 =	vld [tilespmem:$0x4470];
	[tilespmem:$0x2B0] =	vst v35  }
0xc4: {  	[tilespmem:$0x1FFC0] =	vst v62;
	v62 =	vld [tilespmem:$0x310]  }
0xc5: {  	v27 =	vld [tilespmem:$0x3F0];
	[tilespmem:$0x2D0] =	vst v37;
	v2 =	vadd.f32 v63, v39  }
0xc6: {  	v29 =	vld [tilespmem:$0x400];
	[tilespmem:$0x2E0] =	vst v38;
	v46 =	vadd.f32 v4, v3  }
0xc7: {  	v31 =	vld [tilespmem:$0x410];
	[tilespmem:$0x2F0] =	vst v2  }
0xc8: {  	v33 =	vld [tilespmem:$0x420];
	v56 =	vadd.f32 v14, v13;
	[tilespmem:$0x330] =	vst v46  }
0xc9: {  	v58 =	vadd.f32 v16, v15;
	[tilespmem:$0x1FFD0] =	vst v62;
	v62 =	vld [tilespmem:$0x4310]  }
0xca: {  	v35 =	vld [tilespmem:$0x430];
	v60 =	vadd.f32 v18, v17;
	[tilespmem:$0x380] =	vst v56  }
0xcb: {  	v37 =	vld [tilespmem:$0x4A0];
	v21 =	vadd.f32 v22, v21;
	[tilespmem:$0x390] =	vst v58  }
0xcc: {  	v40 =	vld [tilespmem:$0x1FFB0];
	[tilespmem:$0x3A0] =	vst v60  }
0xcd: {  	v23 =	vadd.f32 v24, v23;
	[tilespmem:$0x3C0] =	vst v21;
	v41 =	vld [tilespmem:$0x1FFC0]  }
0xce: {  	v25 =	vadd.f32 v26, v25;
	[tilespmem:$0x1FFE0] =	vst v62;
	v62 =	vld [tilespmem:$0x320]  }
0xcf: {  	[tilespmem:$0x3D0] =	vst v23;
	v36 =	vadd.f32 v28, v27;
	v42 =	vld [tilespmem:$0x1FFD0]  }
0xd0: {  	[tilespmem:$0x3E0] =	vst v25;
	v38 =	vadd.f32 v30, v29;
	v43 =	vld [tilespmem:$0x1FFE0]  }
0xd1: {  	v63 =	vld [tilespmem:$0x480];
	[tilespmem:$0x3F0] =	vst v36  }
0xd2: {  	v22 =	vld [tilespmem:$0x4480];
	[tilespmem:$0x400] =	vst v38;
	v0 =	vadd.f32 v41, v40  }
0xd3: {  	v40 =	vadd.f32 v32, v31;
	[tilespmem:$0x1FFF0] =	vst v62;
	v62 =	vadd.f32 v7, v6;
	v6 =	vld [tilespmem:$0x4340]  }
0xd4: {  	[tilespmem:$0x300] =	vst v0;
	v7 =	vld [tilespmem:$0x350]  }
0xd5: {  	[tilespmem:$0x410] =	vst v40;
	v2 =	vadd.f32 v43, v42;
	v44 =	vld [tilespmem:$0x1FFF0]  }
0xd6: {  	v24 =	vld [tilespmem:$0x490];
	v42 =	vadd.f32 v34, v33;
	[tilespmem:$0x130] =	vst v62  }
0xd7: {  	v26 =	vld [tilespmem:$0x4490];
	v62 =	vadd.f32 v11, v10;
	[tilespmem:$0x310] =	vst v2  }
0xd8: {  	v39 =	vld [tilespmem:$0x44A0];
	[tilespmem:$0x420] =	vst v42;
	v48 =	vadd.f32 v6, v5  }
0xd9: {  	v46 =	vld [tilespmem:$0x44C0];
	[tilespmem:$0x150] =	vst v62;
	v50 =	vadd.f32 v8, v7  }
0xda: {  	v56 =	vld [tilespmem:$0x4F0];
	v0 =	vadd.f32 v1, v44;
	[tilespmem:$0x340] =	vst v48  }
0xdb: {  	v58 =	vld [tilespmem:$0x44F0];
	v1 =	vadd.f32 v45, v35;
	[tilespmem:$0x350] =	vst v50  }
0xdc: {  	v41 =	vld [tilespmem:$0x4B0];
	v45 =	vadd.f32 v49, v47;
	[tilespmem:$0x320] =	vst v0  }
0xdd: {  	v10 =	vld [tilespmem:$0x4360];
	v47 =	vadd.f32 v53, v51;
	[tilespmem:$0x430] =	vst v1  }
0xde: {  	v11 =	vld [tilespmem:$0x370];
	v49 =	vadd.f32 v57, v55;
	[tilespmem:$0x440] =	vst v45  }
0xdf: {  	v43 =	vld [tilespmem:$0x44B0];
	v51 =	vadd.f32 v61, v59;
	[tilespmem:$0x450] =	vst v47  }
0xe0: {  	v62 =	vld [tilespmem:$0x43B0];
	v53 =	vadd.f32 v22, v63;
	[tilespmem:$0x460] =	vst v49  }
0xe1: {  	v44 =	vld [tilespmem:$0x4C0];
	v55 =	vadd.f32 v26, v24;
	[tilespmem:$0x470] =	vst v51  }
0xe2: {  	v52 =	vadd.f32 v10, v9;
	v48 =	vld [tilespmem:$0x4D0];
	[tilespmem:$0x480] =	vst v53  }
0xe3: {  	v54 =	vadd.f32 v12, v11;
	v50 =	vld [tilespmem:$0x44D0];
	[tilespmem:$0x490] =	vst v55  }
0xe4: {  	v57 =	vadd.f32 v39, v37;
	[tilespmem:$0x360] =	vst v52;
	v52 =	vld [tilespmem:$0x4E0]  }
0xe5: {  	v59 =	vadd.f32 v43, v41;
	[tilespmem:$0x370] =	vst v54;
	v54 =	vld [tilespmem:$0x44E0]  }
0xe6: {  	v63 =	vadd.f32 v58, v56;
	[tilespmem:$0x4A0] =	vst v57  }
0xe7: {  	[tilespmem:$0x4B0] =	vst v59;
	v62 =	vadd.f32 v62, v19  }
0xe8: {  	[tilespmem:$0x4F0] =	vst v63;
	v60 =	vadd.f32 v46, v44  }
0xe9: {  	[tilespmem:$0x3B0] =	vst v62;
	v61 =	vadd.f32 v50, v48  }
0xea: {  	s20 =	sadd.s32 $0x1, s20;
	[tilespmem:$0x4C0] =	vst v60;
	v62 =	vadd.f32 v54, v52  }
0xeb: {  	p0 =	sne.s32 s20, s12;
	[tilespmem:$0x4D0] =	vst v61  }
.Ltmp2:
0xec: {  	[tilespmem:$0x4E0] =	vst v62;
	(pc) =	sbr.rel @p0 .LBB2_1-.Ltmp2, $4  }
0xed: {  	[hbm4b:s11+s3] =	stream.linear.scatter [tilespmem:s15], [sflag:$0x3], $0x400, $0x38;
	[tilespmem:$0x8100] =	vst v63  }
0xee: {  	_ =	swait.ge [sflag:s13], $0x400  }
0xef: {  	[sflag:s13] =	ssyncset.done $0x0  }
0xf0: {  	[sflag:s13] =	ssyncadd.s32 $0xFFFFFC00  }
0xf1: {  	_ =	sfence.sel $0x180000  }
0xf2: {  	[bflag:$0x0] =	sbarrier.arrive $0xFFFF  }
0xf3: {  	p0 =	sne.s32 s1, $0x0;
	_ =	strace $0x90000047  }
0xf4: {  	s0 =	sadd.s32 @!p0 $0x100000, s0;
	[bflag:$0x2] =	sbarrier.arrive $0xFFFF  }
0xf5: {  	[sflag:s0] =	ssyncadd.tile.s32 @!p0 $0x1;
	_ =	shalt  }
.Lfunc_end2:
_tile_overlayer_lowered:
.L_overlay_start_2:
0xf6: {  	(tag) =	ssettag $0x2  }
0xf7: {  	s0 =	rddreg [dreg:$0x0];
	s2 =	stileid.u32  }
0xf8: {  	s1 =	rddreg [dreg:$0x1];
	p0 =	sne.s32 s2, $0x0  }
0xf9: {  	s3 =	rddreg [dreg:$0x2];
	[bflag:$0x3] =	sbarrier.arrive $0xFFFF;
	s2 =	simm.s32 @!p0 $0x1C03  }
0xfa: {  	[timem:s3], [sflag:s2] =	dma.local @!p0 [hbm:s0], s1  }
0xfb: {  	s0 =	simm.s32 @!p0 $0x3  }
0xfc: {  	_ =	swait.ge @!p0 [sflag:s0], s1  }
0xfd: {  	s1 =	ssub.s32 @!p0 $0x0, s1;
	[sflag:s0] =	ssyncset.done @!p0 $0x0  }
0xfe: {  	[sflag:s0] =	ssyncadd.s32 @!p0 s1  }
0xff: {  	[bflag:$0x3] =	sbarrier.arrive $0xFFFF  }
0x100: {  	_ =	shalt  }

// kernel: kernel.13.cloned.1.call-start
scs
__scs_entry_jumppad:
0x0: {  	(pc) =	sbr.rel $0x88, $3  }
0x1: {  	(tag) =	ssettag $0x0;
	lr =	simm.s32 $0x1  }
0x2: {  	[smem:$0x3F7F] =	sst lr;
	_ =	strace $0xD0000000  }
0x3: {  	_ = 	snop  }
0x4: {  	_ = 	snop  }
0x5: {  	_ = 	snop  }
0x6: {  	_ = 	snop  }
0x7: {  	_ = 	snop  }
__scs_overlays_trampoline_lowered:
0x8: {  	[smem:$0x3F8E] =	sst s0  }
0x9: {  	[smem:$0x3F8F] =	sst s1  }
0xa: {  	[smem:$0x3F90] =	sst s2  }
0xb: {  	[smem:$0x3F91] =	sst s3  }
0xc: {  	[smem:$0x3F92] =	sst s4  }
0xd: {  	[smem:$0x3F93] =	sst s5  }
0xe: {  	[smem:$0x3F94] =	sst s6  }
0xf: {  	[smem:$0x3F95] =	sst s7  }
0x10: {  	[smem:$0x3F96] =	sst s8  }
0x11: {  	[smem:$0x3F97] =	sst s9;
	s0 =	simm.s32 @!p0 $0x0  }
0x12: {  	s1 =	sld [smem:$0x3F7D];
	s0 =	simm.s32 @p0 $0x1  }
0x13: {  	[smem:$0x3F98] =	sst s0;
	s0 =	simm.s32 @!p1 $0x0  }
0x14: {  	s2 =	sld [smem:$0x3F7C];
	s0 =	simm.s32 @p1 $0x1  }
0x15: {  	[smem:$0x3F99] =	sst s0;
	s0 =	simm.s32 @!p2 $0x0  }
0x16: {  	s3 =	sld [smem:$0x3FDB];
	s0 =	simm.s32 @p2 $0x1  }
0x17: {  	s4 =	simm.s32 $0x1BF5;
	[smem:$0x3F9B] =	sst s0  }
0x18: {  	s0 =	sld [smem:$0x3F7E];
	_ =	swait.ge [sflag:s4], $0x0  }
0x19: {  	s7 =	sld [smem:$0x3F7F]  }
0x1a: {  	s8 =	sadd.s32 $0xFFFFE003, lr  }
0x1b: {  	s9 =	sadd.s32 $0xFFFFFEF7, lr;
	s5 =	simm.s32 $0xFFFFFFFF;
	p2 =	slt.u32 s8, $0xFFFFF086  }
0x1c: {  	p1 =	slt.u32 s9, $0xF7A;
	s5 =	simm.s32 @!p2 $0x0  }
0x1d: {  	s5 =	simm.s32 @p1 $0x1;
	p0 =	seq.s32 s7, s2  }
0x1e: {  	s7 =	smul.u32 @!p0 $0xF7A, s2;
	p2 =	seq.s32 @!p0 s5, $0x0  }
0x1f: {  	s9 =	smul.u32 $0xF7A, s1;
	s8 =	simm.s32 @!p0 $0x1BF5;
	p2 =	por !p2, p0  }
0x20: {  	[sflag:s8] =	ssyncset.s32 @!p0 $0xFFFFF086;
	s6 =	sadd.s32 @!p0 s3, s7;
	s7 =	simm.s32 @!p0 $0x108  }
0x21: {  	s3 =	sadd.s32 s3, s9;
	s6 =	sadd.s32 @!p0 $0x88, s6;
	s7 =	simm.s32 @p2 $0x1082  }
0x22: {  	[simem:s7], [sflag:s8] =	dma.local @!p0 [hbm:s6], $0xF7A  }
0x23: {  	s9 =	sor.u32 $0xD0000000, s2;
	s6 =	simm.s32 $0x108;
	_ =	swait.ge @!p0 [sflag:s8], $0x0  }
0x24: {  	s3 =	sadd.s32 $0x88, s3;
	s6 =	simm.s32 @!p1 $0x1082;
	[sflag:s4] =	ssyncset.s32 $0xFFFFF086  }
0x25: {  	[simem:s6], [sflag:s4] =	dma.local [hbm:s3], $0xF7A  }
0x26: {  	[smem:$0x3F7F] =	sst s1;
	(tag) =	ssettag s2;
	_ =	strace s9  }
0x27: {  	s1 =	sld [smem:$0x3F8F]  }
0x28: {  	s2 =	sld [smem:$0x3F90]  }
0x29: {  	s4 =	sld [smem:$0x3F92]  }
0x2a: {  	p0 =	seq.s32 s5, $0x0;
	s5 =	sld [smem:$0x3F93]  }
0x2b: {  	s6 =	sld [smem:$0x3F94]  }
0x2c: {  	s7 =	sld [smem:$0x3F95]  }
0x2d: {  	s3 =	simm.s32 $0x108;
	s8 =	sld [smem:$0x3F96]  }
0x2e: {  	s3 =	simm.s32 @!p0 $0x1082;
	s9 =	sld [smem:$0x3F97]  }
0x2f: {  	lr =	sadd.s32 s0, s3;
	s0 =	sld [smem:$0x3F8E]  }
0x30: {  	s3 =	sld [smem:$0x3F91]  }
0x31: {  	[smem:$0x3F9A] =	sst s10  }
0x32: {  	s10 =	sld [smem:$0x3F98];
	_ =	sdelay $0x3  }
0x33: {  	p0 =	seq.s32 s10, $0x1;
	s10 =	sld [smem:$0x3F9A];
	_ =	sdelay $0x3  }
0x34: {  	[smem:$0x3F9A] =	sst s10  }
0x35: {  	s10 =	sld [smem:$0x3F99];
	_ =	sdelay $0x3  }
0x36: {  	p1 =	seq.s32 s10, $0x1;
	s10 =	sld [smem:$0x3F9A];
	_ =	sdelay $0x3  }
0x37: {  	[smem:$0x3F9A] =	sst s10  }
0x38: {  	s10 =	sld [smem:$0x3F9B]  }
0x39: {  	_ = 	snop;
	(pc) =	sbr.ind lr, $3  }
0x3a: {  	_ = 	snop  }
0x3b: {  	_ = 	snop  }
0x3c: {  	p2 =	seq.s32 s10, $0x1;
	s10 =	sld [smem:$0x3F9A]  }
0x3d: {  	_ =	shalt  }
0x3e: {  	_ =	shalt  }
0x3f: {  	_ =	shalt  }
0x40: {  	_ =	shalt  }
0x41: {  	_ =	shalt  }
0x42: {  	_ =	shalt  }
0x43: {  	_ =	shalt  }
0x44: {  	_ =	shalt  }
0x45: {  	_ =	shalt  }
0x46: {  	_ =	shalt  }
0x47: {  	_ =	shalt  }
0x48: {  	_ =	shalt  }
0x49: {  	_ =	shalt  }
0x4a: {  	_ =	shalt  }
0x4b: {  	_ =	shalt  }
0x4c: {  	_ =	shalt  }
0x4d: {  	_ =	shalt  }
0x4e: {  	_ =	shalt  }
0x4f: {  	_ =	shalt  }
0x50: {  	_ =	shalt  }
0x51: {  	_ =	shalt  }
0x52: {  	_ =	shalt  }
0x53: {  	_ =	shalt  }
0x54: {  	_ =	shalt  }
0x55: {  	_ =	shalt  }
0x56: {  	_ =	shalt  }
0x57: {  	_ =	shalt  }
0x58: {  	_ =	shalt  }
0x59: {  	_ =	shalt  }
0x5a: {  	_ =	shalt  }
0x5b: {  	_ =	shalt  }
0x5c: {  	_ =	shalt  }
0x5d: {  	_ =	shalt  }
0x5e: {  	_ =	shalt  }
0x5f: {  	_ =	shalt  }
0x60: {  	_ =	shalt  }
0x61: {  	_ =	shalt  }
0x62: {  	_ =	shalt  }
0x63: {  	_ =	shalt  }
0x64: {  	_ =	shalt  }
0x65: {  	_ =	shalt  }
0x66: {  	_ =	shalt  }
0x67: {  	_ =	shalt  }
0x68: {  	_ =	shalt  }
0x69: {  	_ =	shalt  }
0x6a: {  	_ =	shalt  }
0x6b: {  	_ =	shalt  }
0x6c: {  	_ =	shalt  }
0x6d: {  	_ =	shalt  }
0x6e: {  	_ =	shalt  }
0x6f: {  	_ =	shalt  }
0x70: {  	_ =	shalt  }
0x71: {  	_ =	shalt  }
0x72: {  	_ =	shalt  }
0x73: {  	_ =	shalt  }
0x74: {  	_ =	shalt  }
0x75: {  	_ =	shalt  }
0x76: {  	_ =	shalt  }
0x77: {  	_ =	shalt  }
0x78: {  	_ =	shalt  }
0x79: {  	_ =	shalt  }
0x7a: {  	_ =	shalt  }
0x7b: {  	_ =	shalt  }
0x7c: {  	_ =	shalt  }
0x7d: {  	_ =	shalt  }
0x7e: {  	_ =	shalt  }
0x7f: {  	_ =	shalt  }
0x80: {  	_ =	shalt  }
0x81: {  	_ =	shalt  }
0x82: {  	_ =	shalt  }
0x83: {  	_ =	shalt  }
0x84: {  	_ =	shalt  }
0x85: {  	_ =	shalt  }
0x86: {  	_ =	shalt  }
0x87: {  	_ =	shalt  }
.Lfunc_end0:
.L_simem_size_0:
called_computation.2_lowered:
.L_overlay_start_0:
0x88: {  	s2 =	sld [smem:$0x3FD9]  }
0x89: {  	s3 =	sld [smem:$0x3FFE];
	_ =	sdelay $0x1  }
0x8a: {  	s1 =	srdreg.scid  }
0x8b: {  	s0 =	sand.u32 $0x1, s1  }
0x8c: {  	s16 =	sshll.u32 s0, $0xA;
	s2 =	sadd.s32 s3, s2  }
0x8d: {  	s2 =	sadd.s32 s2, s16  }
0x8e: {  	[smem:$0x3FA6] =	sst s2  }
0x8f: {  	_ = 	snop  }
0x90: {  	(tm) =	ssettm $0x1  }
0x91: {  	s17 =	sld [smem:$0x3FFB];
	_ =	sdelay $0x3  }
0x92: {  	_ =	strace s17  }
0x93: {  	s2 =	sld [smem:$0x3FFC];
	_ =	sdelay $0x3  }
0x94: {  	_ =	strace s2  }
0x95: {  	s2 =	sld [smem:$0x3FFD];
	_ =	sdelay $0x3  }
0x96: {  	_ =	strace s2  }
0x97: {  	_ =	strace $0x8FFFFFFF  }
0x98: {  	s18 =	sld [smem:$0x3FDB];
	_ =	sdelay $0x1  }
0x99: {  	s19 =	simm.s32 $_scs_section_size  }
0x9a: {  	s4 =	simm.s32 $_size__tile_overlayer_lowered;
	s5 =	simm.s32 $_tile_overlayer_lowered  }
0x9b: {  	s22 =	simm.s32 $0x1BFF;
	s21 =	sshll.u32 s5, $0x1;
	s2 =	sadd.s32 s19, s18  }
0x9c: {  	s6 =	simm.s32 $0x0;
	s20 =	sshll.u32 s4, $0x1;
	s4 =	sadd.s32 s21, s2  }
0x9d: {  	[timem:s6], [sflag:s22] =	dma.local [hbm:s4], s20  }
0x9e: {  	_ =	swait.ge [sflag:s22], s20  }
0x9f: {  	s3 =	ssub.s32 $0x0, s20;
	[sflag:s22] =	ssyncset.done $0x0  }
0xa0: {  	[sflag:s22] =	ssyncadd.s32 s3;
	_ =	sdelay $0x1  }
0xa1: {  	s23 =	simm.s32 $0x1B8B  }
0xa2: {  	_ =	swait.ge [sflag:s23], $0x1  }
0xa3: {  	[sflag:s23] =	ssyncset.done $0x0  }
0xa4: {  	s25 =	simm.s32 $0x1B8E;
	s24 =	sld [smem:$0x3FFE];
	[sflag:s23] =	ssyncadd.s32 $0xFFFFFFFF  }
0xa5: {  	s26 =	simm.s32 $execute0_lowered;
	[smem:$0x3FD2] =	sst s25  }
0xa6: {  	s4 =	sshll.u32 s26, $0x1;
	_ =	strace $0x80000049;
	[dreg:$0x1] =	wrdreg $0xFFFFFFFF  }
0xa7: {  	s28 =	simm.s32 $_size_execute0_lowered;
	s2 =	sadd.s32 s2, s4;
	[dreg:$0x0] =	wrdreg $0x0  }
0xa8: {  	s4 =	sshll.u32 s28, $0x1;
	[dreg:$0x2] =	wrdreg s2  }
0xa9: {  	[dreg:$0x3] =	wrdreg s4  }
0xaa: {  	[dreg:$0x4] =	wrdreg $0xC0  }
0xab: {  	_ =	task [dreg:s6], $0x5FFFF  }
0xac: {  	[dreg:$0x1] =	wrdreg $0xFFFFFFFF  }
0xad: {  	[dreg:$0x0] =	wrdreg $0x60  }
0xae: {  	[dreg:$0x2] =	wrdreg s24  }
0xaf: {  	[dreg:$0x3] =	wrdreg $0x9  }
0xb0: {  	_ =	task.clear_ibuf [dreg:s6], $0x4FFFF;
	_ =	strace $0x90000049  }
0xb1: {  	s29 =	simm.s32 $0x9;
	_ =	strace $0x8000004B  }
0xb2: {  	_ =	swait.ge [sflag:s29], $0x1  }
0xb3: {  	[sflag:s29] =	ssyncadd.s32 $0xFFFFFFFF  }
0xb4: {  	_ =	strace $0x9000004B  }
0xb5: {  	_ =	sfence  }
0xb6: {  	s30 =	sld [smem:$0x0];
	_ =	sdelay $0x2  }
0xb7: {  	s31 =	sshll.u32 s1, $0xD;
	s1 =	sshrl.u32 s1, $0x2  }
0xb8: {  	s3 =	sand.u32 $0x4000, s31;
	s1 =	sadd.s32 s1, s30  }
0xb9: {  	s0 =	sor.u32 s3, s0;
	s1 =	sshll.u32 s1, $0x11  }
0xba: {  	s0 =	sor.u32 s1, s0  }
0xbb: {  	s0 =	sadd.s32 $0x8F2B, s0  }
0xbc: {  	[sflag:s0] =	ssyncadd.remote.s32 $0x1  }
0xbd: {  	_ =	sfence.sel $0xFFFF  }
0xbe: {  	[dreg:$0x0] =	wrdreg $0xFFFFFFFF;
	(pc) =	sbr.abs _section_cstart, $3  }
0xbf: {  	[dreg:$0x1] =	wrdreg $0xFFFFFFFF  }
0xc0: {  	_ =	task.clear_ibuf [dreg:s6], $0x2FFFF;
	_ =	strace $0x9FFFFFFF  }
0xc1: {  	(tm) =	ssettm $0x7FFFFFFF  }
tec
execute0_lowered:
.L_overlay_start_1:
0x0: {  	(tag) =	ssettag $0x1  }
0x1: {  	s0 =	rddreg [dreg:$0x0];
	s2 =	simm.s32 $0x0;
	s1 =	srdreg.scid  }
0x2: {  	s3 =	stileid.u32;
	s12 =	simm.s32 $0x6200;
	s28 =	simm.s32 $0x2  }
0x3: {  	s29 =	simm.s32 $0x4;
	s30 =	simm.s32 $0x5;
	s31 =	simm.s32 $0x3  }
0x4: {  	[smem:$0x7FF] =	sst s2;
	s1 =	sand.u32 $0x1, s1;
	s5 =	sshll.u32 s3, $0x1  }
0x5: {  	s3 =	sadd.s32 $0x589200, s0;
	s4 =	sadd.s32 $0xF25E00, s0;
	s8 =	sor.u32 s1, s5  }
0x6: {  	s7 =	sadd.s32 $0x18E9E00, s0;
	s1 =	ssub.s32 $0x2, s1;
	s6 =	smul.u32 $0x4E20, s8  }
0x7: {  	_ =	strace $0x8000004A;
	s20 =	sshrl.u32 s1, $0x1;
	s9 =	smul.u32 $0x4E200, s8  }
0x8: {  	s5 =	sadd.s32 $0x575800, s0;
	s0 =	ssub.s32 s1, s20;
	s20 =	simm.s32 $0x7  }
0x9: {  	s21 =	sshrl.u32 s6, $0x3;
	s8 =	sadd.s32 $0xC0, s6;
	s9 =	sadd.s32 s4, s9  }
0xa: {  	s24 =	sadd.s32 $0x4E00, s6;
	s13 =	sadd.s32 $0x180, s6;
	s14 =	sadd.s32 $0x240, s6  }
0xb: {  	s18 =	smax.u32 s0, $0x1;
	s0 =	simm.s32 $0x6;
	[dreg:$0x2] =	wrdreg s9  }
0xc: {  	s1 =	sadd.s32 s5, s21;
	s22 =	sshll.u32 s8, $0x4;
	s23 =	sshrl.u32 s8, $0x3  }
0xd: {  	s25 =	sshrl.u32 s24, $0x3;
	s26 =	sshll.u32 s24, $0x4;
	s21 =	simm.s32 $0xC0  }
0xe: {  	s24 =	simm.s32 $0x100;
	[dreg:$0x3] =	wrdreg s1;
	s1 =	sadd.s32 s4, s22  }
0xf: {  	s16 =	sadd.s32 s4, s26;
	s17 =	sadd.s32 s7, s26;
	s22 =	simm.s32 $0x200  }
0x10: {  	s26 =	simm.s32 $0x1;
	[dreg:$0x4] =	wrdreg s1;
	s1 =	sadd.s32 s5, s23  }
0x11: {  	s23 =	simm.s32 $0x12200;
	[dreg:$0x5] =	wrdreg s1;
	s1 =	sadd.s32 s5, s25  }
0x12: {  	s25 =	simm.s32 $0xC200;
	[dreg:$0x6] =	wrdreg s1;
	s1 =	simm.s32 $0x0  }
.LBB2_1:
0x13: {  	s9 =	rddreg [dreg:$0x2]  }
0x14: {  	[tilespmem:s12], [sflag:$0x2] =	stream.linear.gather [hbm4b:s9+s2], $0x6000, $0x38;
	[tilespmem:$0x18200] =	vst v63  }
0x15: {  	s12 =	rddreg [dreg:$0x3]  }
0x16: {  	[tilespmem:s2], [sflag:$0x7] =	stream.linear.gather [hbm4b:s12+s2], $0xC0, $0x38;
	[tilespmem:$0x18200] =	vst v63  }
0x17: {  	_ =	swait.ge [sflag:s20], $0xC0  }
0x18: {  	[sflag:s20] =	ssyncset.done $0x0  }
0x19: {  	[sflag:s20] =	ssyncadd.s32 $0xFFFFFF40  }
0x1a: {  	[tilespmem:s22], [sflag:$0x1] =	stream.indirect.gather [hbm4b:s3+s21], $0x80, s2, s21, $0xb8;
	[tilespmem:$0x18200] =	vst v63  }
0x1b: {  	s15 =	rddreg [dreg:$0x4]  }
0x1c: {  	[tilespmem:s23], [sflag:$0x5] =	stream.linear.gather [hbm4b:s15+s2], $0x6000, $0x38;
	[tilespmem:$0x18200] =	vst v63  }
0x1d: {  	s19 =	rddreg [dreg:$0x5]  }
0x1e: {  	[tilespmem:s24], [sflag:$0x7] =	stream.linear.gather [hbm4b:s19+s2], $0xC0, $0x38;
	[tilespmem:$0x18200] =	vst v63  }
0x1f: {  	_ =	swait.ge [sflag:s20], $0xC0  }
0x20: {  	[sflag:s20] =	ssyncset.done $0x0  }
0x21: {  	s9 =	simm.s32 $0x0;
	[sflag:s20] =	ssyncadd.s32 $0xFFFFFF40  }
0x22: {  	[tilespmem:s25], [sflag:$0x4] =	stream.indirect.gather [hbm4b:s3+s21], $0x80, s24, s21, $0xb8;
	[tilespmem:$0x18200] =	vst v63  }
.LBB2_2:
0x23: {  	_ =	swait.ge [sflag:s26], $0x6000  }
0x24: {  	[sflag:s26] =	ssyncset.done $0x0  }
0x25: {  	[sflag:s26] =	ssyncadd.s32 $0xFFFFA000  }
0x26: {  	_ =	swait.ge [sflag:s28], $0x6000  }
0x27: {  	[sflag:s28] =	ssyncset.done $0x0  }
0x28: {  	s11 =	simm.s32 $0x0;
	[sflag:s28] =	ssyncadd.s32 $0xFFFFA000  }
0x29: {  	v6 =	vld [tilespmem:s11+$0x6200]  }
0x2a: {  	v11 =	vld [tilespmem:s11+$0x6210]  }
0x2b: {  	v5 =	vld [tilespmem:s11+$0x6220]  }
0x2c: {  	v4 =	vld [tilespmem:s11+$0x6230]  }
0x2d: {  	v3 =	vld [tilespmem:s11+$0x6240]  }
0x2e: {  	v2 =	vld [tilespmem:s11+$0x6250]  }
0x2f: {  	v1 =	vld [tilespmem:s11+$0x6260]  }
0x30: {  	v0 =	vld [tilespmem:s11+$0x6270]  }
0x31: {  	v12 =	vld [tilespmem:s11+$0x200]  }
0x32: {  	v13 =	vld [tilespmem:s11+$0x210]  }
0x33: {  	v10 =	vld [tilespmem:s11+$0x220]  }
0x34: {  	v9 =	vld [tilespmem:s11+$0x230]  }
0x35: {  	v8 =	vld [tilespmem:s11+$0x240]  }
0x36: {  	v7 =	vld [tilespmem:s11+$0x250];
	v12 =	vadd.f32 v6, v12  }
0x37: {  	s10 =	simm.s32 $0x200;
	v11 =	vadd.f32 v11, v13;
	v6 =	vld [tilespmem:s11+$0x260]  }
.LBB2_3:
0x38: {  	s12 =	sshra.s32 s10, $0x2;
	p0 =	sne.s32 s10, $0x17E00;
	v12 =	vmax.f32 v12, $0.0e+00;
	v5 =	vadd.f32 v5, v10;
	v10 =	vld [tilespmem:s11+$0x270]  }
0x39: {  	v13 =	vld [tilespmem:s12+$0x6200];
	[tilespmem:s11+$0x200] =	vst v12;
	v11 =	vmax.f32 v11, $0.0e+00;
	v4 =	vadd.f32 v4, v9  }
0x3a: {  	v14 =	vld [tilespmem:s12+$0x6210];
	[tilespmem:s11+$0x210] =	vst v11;
	v9 =	vmax.f32 v5, $0.0e+00;
	v3 =	vadd.f32 v3, v8  }
0x3b: {  	v5 =	vld [tilespmem:s12+$0x6220];
	[tilespmem:s11+$0x220] =	vst v9;
	v8 =	vmax.f32 v4, $0.0e+00;
	v2 =	vadd.f32 v2, v7  }
0x3c: {  	v4 =	vld [tilespmem:s12+$0x6230];
	[tilespmem:s11+$0x230] =	vst v8;
	v7 =	vmax.f32 v3, $0.0e+00;
	v1 =	vadd.f32 v1, v6  }
0x3d: {  	v3 =	vld [tilespmem:s12+$0x6240];
	[tilespmem:s11+$0x240] =	vst v7;
	v6 =	vmax.f32 v2, $0.0e+00;
	v0 =	vadd.f32 v0, v10  }
0x3e: {  	v2 =	vld [tilespmem:s12+$0x6250];
	[tilespmem:s11+$0x250] =	vst v6;
	v6 =	vmax.f32 v1, $0.0e+00  }
0x3f: {  	v1 =	vld [tilespmem:s12+$0x6260];
	[tilespmem:s11+$0x260] =	vst v6;
	v6 =	vmax.f32 v0, $0.0e+00  }
0x40: {  	v0 =	vld [tilespmem:s12+$0x6270];
	[tilespmem:s11+$0x270] =	vst v6;
	s11 =	smov.u32 s12  }
0x41: {  	v6 =	vld [tilespmem:s11+$0x200]  }
0x42: {  	v11 =	vld [tilespmem:s11+$0x210]  }
.Ltmp0:
0x43: {  	v10 =	vld [tilespmem:s11+$0x220];
	(pc) =	sbr.rel @p0 .LBB2_3-.Ltmp0, $4  }
0x44: {  	v9 =	vld [tilespmem:s11+$0x230]  }
0x45: {  	v8 =	vld [tilespmem:s11+$0x240]  }
0x46: {  	v12 =	vadd.f32 v13, v6;
	v7 =	vld [tilespmem:s11+$0x250]  }
0x47: {  	s10 =	sadd.s32 $0x200, s10;
	v11 =	vadd.f32 v14, v11;
	v6 =	vld [tilespmem:s11+$0x260]  }
0x48: {  	v12 =	vmax.f32 v12, $0.0e+00;
	v5 =	vadd.f32 v5, v10;
	v10 =	vld [tilespmem:s11+$0x270]  }
0x49: {  	[tilespmem:s11+$0x200] =	vst v12;
	v11 =	vmax.f32 v11, $0.0e+00;
	v4 =	vadd.f32 v4, v9  }
0x4a: {  	[tilespmem:s11+$0x210] =	vst v11;
	v5 =	vmax.f32 v5, $0.0e+00;
	v3 =	vadd.f32 v3, v8  }
0x4b: {  	[tilespmem:s11+$0x220] =	vst v5;
	v4 =	vmax.f32 v4, $0.0e+00;
	v2 =	vadd.f32 v2, v7  }
0x4c: {  	s10 =	smul.u32 $0x180, s9;
	[tilespmem:s11+$0x230] =	vst v4;
	v3 =	vmax.f32 v3, $0.0e+00;
	v1 =	vadd.f32 v1, v6  }
0x4d: {  	[tilespmem:s11+$0x240] =	vst v3;
	v2 =	vmax.f32 v2, $0.0e+00;
	v0 =	vadd.f32 v0, v10  }
0x4e: {  	s12 =	sadd.s32 s6, s10;
	[tilespmem:s11+$0x250] =	vst v2;
	v1 =	vmax.f32 v1, $0.0e+00  }
0x4f: {  	p0 =	seq.s32 s9, $0x33;
	s12 =	sshll.u32 s12, $0x4;
	[tilespmem:s11+$0x260] =	vst v1;
	v0 =	vmax.f32 v0, $0.0e+00  }
0x50: {  	s19 =	sadd.s32 s7, s12;
	[tilespmem:s11+$0x270] =	vst v0;
	s11 =	simm.s32 @!p0 $0x3  }
0x51: {  	[hbm4b:s19+s2] =	stream.linear.scatter [tilespmem:s22], [sflag:$0x3], $0x6000, $0x38;
	[tilespmem:$0x18200] =	vst v63  }
0x52: {  	_ =	swait.ge @!p0 [sflag:s11], $0x6000  }
0x53: {  	s12 =	sadd.s32 @!p0 s10, s13;
	[sflag:s11] =	ssyncset.done @!p0 $0x0  }
0x54: {  	[sflag:s11] =	ssyncadd.s32 @!p0 $0xFFFFA000;
	s11 =	sshll.u32 @!p0 s12, $0x4  }
0x55: {  	s15 =	simm.s32 @!p0 $0x6200;
	s19 =	simm.s32 @!p0 $0x0;
	s11 =	sadd.s32 @!p0 s4, s11  }
0x56: {  	[tilespmem:s15], [sflag:$0x2] =	stream.linear.gather @!p0 [hbm4b:s11+s19], $0x6000, $0x38;
	[tilespmem:$0x18200] =	vst v63  }
0x57: {  	s11 =	sshrl.u32 @!p0 s12, $0x3  }
0x58: {  	s11 =	sadd.s32 @!p0 s5, s11  }
0x59: {  	[tilespmem:s19], [sflag:$0x7] =	stream.linear.gather @!p0 [hbm4b:s11+s19], $0xC0, $0x38;
	[tilespmem:$0x18200] =	vst v63  }
0x5a: {  	s11 =	simm.s32 @!p0 $0x7  }
0x5b: {  	_ =	swait.ge @!p0 [sflag:s11], $0xC0  }
0x5c: {  	[sflag:s11] =	ssyncset.done @!p0 $0x0  }
0x5d: {  	s12 =	simm.s32 @!p0 $0x200;
	[sflag:s11] =	ssyncadd.s32 @!p0 $0xFFFFFF40;
	s11 =	simm.s32 @!p0 $0xC0  }
0x5e: {  	[tilespmem:s12], [sflag:$0x1] =	stream.indirect.gather @!p0 [hbm4b:s3+s11], $0x80, s19, s11, $0xb8;
	[tilespmem:$0x18200] =	vst v63  }
0x5f: {  	_ =	swait.ge [sflag:s29], $0x6000  }
0x60: {  	[sflag:s29] =	ssyncset.done $0x0  }
0x61: {  	[sflag:s29] =	ssyncadd.s32 $0xFFFFA000  }
0x62: {  	_ =	swait.ge [sflag:s30], $0x6000  }
0x63: {  	[sflag:s30] =	ssyncset.done $0x0  }
0x64: {  	s11 =	simm.s32 $0x0;
	[sflag:s30] =	ssyncadd.s32 $0xFFFFA000  }
0x65: {  	v6 =	vld [tilespmem:s11+$0x12200]  }
0x66: {  	v11 =	vld [tilespmem:s11+$0x12210]  }
0x67: {  	v5 =	vld [tilespmem:s11+$0x12220]  }
0x68: {  	v4 =	vld [tilespmem:s11+$0x12230]  }
0x69: {  	v3 =	vld [tilespmem:s11+$0x12240]  }
0x6a: {  	v2 =	vld [tilespmem:s11+$0x12250]  }
0x6b: {  	v1 =	vld [tilespmem:s11+$0x12260]  }
0x6c: {  	v0 =	vld [tilespmem:s11+$0x12270]  }
0x6d: {  	v12 =	vld [tilespmem:s11+$0xC200]  }
0x6e: {  	v13 =	vld [tilespmem:s11+$0xC210]  }
0x6f: {  	v10 =	vld [tilespmem:s11+$0xC220]  }
0x70: {  	v9 =	vld [tilespmem:s11+$0xC230]  }
0x71: {  	v8 =	vld [tilespmem:s11+$0xC240]  }
0x72: {  	v7 =	vld [tilespmem:s11+$0xC250];
	v12 =	vadd.f32 v6, v12  }
0x73: {  	s12 =	sadd.s32 s10, s8;
	s19 =	simm.s32 $0x200;
	v11 =	vadd.f32 v11, v13;
	v6 =	vld [tilespmem:s11+$0xC260]  }
.LBB2_5:
0x74: {  	s15 =	sshra.s32 s19, $0x2;
	p1 =	sne.s32 s19, $0x17E00;
	v12 =	vmax.f32 v12, $0.0e+00;
	v5 =	vadd.f32 v5, v10;
	v10 =	vld [tilespmem:s11+$0xC270]  }
0x75: {  	v13 =	vld [tilespmem:s15+$0x12200];
	[tilespmem:s11+$0xC200] =	vst v12;
	v11 =	vmax.f32 v11, $0.0e+00;
	v4 =	vadd.f32 v4, v9  }
0x76: {  	v14 =	vld [tilespmem:s15+$0x12210];
	[tilespmem:s11+$0xC210] =	vst v11;
	v9 =	vmax.f32 v5, $0.0e+00;
	v3 =	vadd.f32 v3, v8  }
0x77: {  	v5 =	vld [tilespmem:s15+$0x12220];
	[tilespmem:s11+$0xC220] =	vst v9;
	v8 =	vmax.f32 v4, $0.0e+00;
	v2 =	vadd.f32 v2, v7  }
0x78: {  	v4 =	vld [tilespmem:s15+$0x12230];
	[tilespmem:s11+$0xC230] =	vst v8;
	v7 =	vmax.f32 v3, $0.0e+00;
	v1 =	vadd.f32 v1, v6  }
0x79: {  	v3 =	vld [tilespmem:s15+$0x12240];
	[tilespmem:s11+$0xC240] =	vst v7;
	v6 =	vmax.f32 v2, $0.0e+00;
	v0 =	vadd.f32 v0, v10  }
0x7a: {  	v2 =	vld [tilespmem:s15+$0x12250];
	[tilespmem:s11+$0xC250] =	vst v6;
	v6 =	vmax.f32 v1, $0.0e+00  }
0x7b: {  	v1 =	vld [tilespmem:s15+$0x12260];
	[tilespmem:s11+$0xC260] =	vst v6;
	v6 =	vmax.f32 v0, $0.0e+00  }
0x7c: {  	v0 =	vld [tilespmem:s15+$0x12270];
	[tilespmem:s11+$0xC270] =	vst v6;
	s11 =	smov.u32 s15  }
0x7d: {  	v6 =	vld [tilespmem:s11+$0xC200]  }
0x7e: {  	v11 =	vld [tilespmem:s11+$0xC210]  }
.Ltmp1:
0x7f: {  	v10 =	vld [tilespmem:s11+$0xC220];
	(pc) =	sbr.rel @p1 .LBB2_5-.Ltmp1, $4  }
0x80: {  	v9 =	vld [tilespmem:s11+$0xC230]  }
0x81: {  	v8 =	vld [tilespmem:s11+$0xC240]  }
0x82: {  	v12 =	vadd.f32 v13, v6;
	v7 =	vld [tilespmem:s11+$0xC250]  }
0x83: {  	s19 =	sadd.s32 $0x200, s19;
	v11 =	vadd.f32 v14, v11;
	v6 =	vld [tilespmem:s11+$0xC260]  }
0x84: {  	v12 =	vmax.f32 v12, $0.0e+00;
	v5 =	vadd.f32 v5, v10;
	v63 =	vld [tilespmem:s11+$0xC270]  }
0x85: {  	[tilespmem:s11+$0xC200] =	vst v12;
	v11 =	vmax.f32 v11, $0.0e+00;
	v4 =	vadd.f32 v4, v9  }
0x86: {  	[tilespmem:s11+$0xC210] =	vst v11;
	v5 =	vmax.f32 v5, $0.0e+00;
	v3 =	vadd.f32 v3, v8  }
0x87: {  	[tilespmem:s11+$0xC220] =	vst v5;
	v4 =	vmax.f32 v4, $0.0e+00;
	v2 =	vadd.f32 v2, v7  }
0x88: {  	[tilespmem:s11+$0xC230] =	vst v4;
	v3 =	vmax.f32 v3, $0.0e+00;
	v1 =	vadd.f32 v1, v6  }
.Ltmp2:
0x89: {  	[tilespmem:s11+$0xC240] =	vst v3;
	v2 =	vmax.f32 v2, $0.0e+00;
	v0 =	vadd.f32 v0, v63;
	(pc) =	sbr.rel @p0 .LBB2_8-.Ltmp2, $4  }
0x8a: {  	[tilespmem:s11+$0xC250] =	vst v2;
	v1 =	vmax.f32 v1, $0.0e+00  }
0x8b: {  	s12 =	sshll.u32 s12, $0x4;
	[tilespmem:s11+$0xC260] =	vst v1;
	v0 =	vmax.f32 v0, $0.0e+00  }
0x8c: {  	s19 =	sadd.s32 s7, s12;
	[tilespmem:s11+$0xC270] =	vst v0  }
0x8d: {  	[hbm4b:s19+s2] =	stream.linear.scatter [tilespmem:s25], [sflag:$0x6], $0x6000, $0x38;
	[tilespmem:$0x18200] =	vst v63  }
0x8e: {  	_ =	swait.ge [sflag:s0], $0x6000;
	s10 =	sadd.s32 s10, s14  }
0x8f: {  	[sflag:s0] =	ssyncset.done $0x0;
	s11 =	sshll.u32 s10, $0x4  }
0x90: {  	s10 =	sshrl.u32 s10, $0x3;
	[sflag:s0] =	ssyncadd.s32 $0xFFFFA000;
	s11 =	sadd.s32 s4, s11  }
0x91: {  	[tilespmem:s23], [sflag:$0x5] =	stream.linear.gather [hbm4b:s11+s2], $0x6000, $0x38;
	[tilespmem:$0x18200] =	vst v63  }
0x92: {  	s10 =	sadd.s32 s5, s10  }
0x93: {  	[tilespmem:s24], [sflag:$0x7] =	stream.linear.gather [hbm4b:s10+s2], $0xC0, $0x38;
	[tilespmem:$0x18200] =	vst v63  }
.Ltmp3:
0x94: {  	_ = 	snop;
	(pc) =	sbr.rel .LBB2_2-.Ltmp3, $4  }
0x95: {  	_ =	swait.ge [sflag:s20], $0xC0  }
0x96: {  	[sflag:s20] =	ssyncset.done $0x0  }
0x97: {  	s9 =	sadd.s32 $0x1, s9;
	[sflag:s20] =	ssyncadd.s32 $0xFFFFFF40  }
0x98: {  	[tilespmem:s25], [sflag:$0x4] =	stream.indirect.gather [hbm4b:s3+s21], $0x80, s24, s21, $0xb8;
	[tilespmem:$0x18200] =	vst v63  }
.LBB2_8:
0x99: {  	_ =	swait.ge [sflag:s31], $0x6000  }
0x9a: {  	[sflag:s31] =	ssyncset.done $0x0  }
0x9b: {  	[sflag:s31] =	ssyncadd.s32 $0xFFFFA000  }
0x9c: {  	_ =	swait.ge [sflag:s0], $0x6000  }
0x9d: {  	[sflag:s0] =	ssyncset.done $0x0  }
0x9e: {  	s9 =	simm.s32 $0x0;
	s10 =	rddreg [dreg:$0x6];
	[sflag:s0] =	ssyncadd.s32 $0xFFFFA000  }
0x9f: {  	[tilespmem:s9], [sflag:$0x7] =	stream.linear.gather [hbm4b:s10+s9], $0x20, $0x38;
	[tilespmem:$0x18200] =	vst v63  }
0xa0: {  	_ =	swait.ge [sflag:s20], $0x20  }
0xa1: {  	[sflag:s20] =	ssyncset.done $0x0  }
0xa2: {  	s19 =	simm.s32 $0x20;
	[sflag:s20] =	ssyncadd.s32 $0xFFFFFFE0  }
0xa3: {  	[tilespmem:s22], [sflag:$0x1] =	stream.indirect.gather [hbm4b:s3+s19], $0x80, s9, s19, $0xb8;
	[tilespmem:$0x18200] =	vst v63  }
0xa4: {  	s12 =	simm.s32 $0x6200  }
0xa5: {  	[tilespmem:s12], [sflag:$0x2] =	stream.linear.gather [hbm4b:s16+s9], $0x1000, $0x38;
	[tilespmem:$0x18200] =	vst v63  }
0xa6: {  	_ =	swait.ge [sflag:s26], $0x1000  }
0xa7: {  	[sflag:s26] =	ssyncset.done $0x0  }
0xa8: {  	[sflag:s26] =	ssyncadd.s32 $0xFFFFF000  }
0xa9: {  	_ =	swait.ge [sflag:s28], $0x1000  }
0xaa: {  	[sflag:s28] =	ssyncset.done $0x0  }
0xab: {  	s9 =	simm.s32 $0x0;
	[sflag:s28] =	ssyncadd.s32 $0xFFFFF000  }
0xac: {  	v6 =	vld [tilespmem:s9+$0x6200]  }
0xad: {  	v11 =	vld [tilespmem:s9+$0x6210]  }
0xae: {  	v5 =	vld [tilespmem:s9+$0x6220]  }
0xaf: {  	v4 =	vld [tilespmem:s9+$0x6230]  }
0xb0: {  	v3 =	vld [tilespmem:s9+$0x6240]  }
0xb1: {  	v2 =	vld [tilespmem:s9+$0x6250]  }
0xb2: {  	v1 =	vld [tilespmem:s9+$0x6260]  }
0xb3: {  	v0 =	vld [tilespmem:s9+$0x6270]  }
0xb4: {  	v12 =	vld [tilespmem:s9+$0x200]  }
0xb5: {  	v13 =	vld [tilespmem:s9+$0x210]  }
0xb6: {  	v10 =	vld [tilespmem:s9+$0x220]  }
0xb7: {  	v9 =	vld [tilespmem:s9+$0x230]  }
0xb8: {  	v8 =	vld [tilespmem:s9+$0x240]  }
0xb9: {  	v7 =	vld [tilespmem:s9+$0x250];
	v12 =	vadd.f32 v6, v12  }
0xba: {  	s10 =	simm.s32 $0x200;
	v11 =	vadd.f32 v11, v13;
	v6 =	vld [tilespmem:s9+$0x260]  }
.LBB2_9:
0xbb: {  	s11 =	sshra.s32 s10, $0x2;
	p0 =	sne.s32 s10, $0x3E00;
	v12 =	vmax.f32 v12, $0.0e+00;
	v5 =	vadd.f32 v5, v10;
	v10 =	vld [tilespmem:s9+$0x270]  }
0xbc: {  	v13 =	vld [tilespmem:s11+$0x6200];
	[tilespmem:s9+$0x200] =	vst v12;
	v11 =	vmax.f32 v11, $0.0e+00;
	v4 =	vadd.f32 v4, v9  }
0xbd: {  	v14 =	vld [tilespmem:s11+$0x6210];
	[tilespmem:s9+$0x210] =	vst v11;
	v9 =	vmax.f32 v5, $0.0e+00;
	v3 =	vadd.f32 v3, v8  }
0xbe: {  	v5 =	vld [tilespmem:s11+$0x6220];
	[tilespmem:s9+$0x220] =	vst v9;
	v8 =	vmax.f32 v4, $0.0e+00;
	v2 =	vadd.f32 v2, v7  }
0xbf: {  	v4 =	vld [tilespmem:s11+$0x6230];
	[tilespmem:s9+$0x230] =	vst v8;
	v7 =	vmax.f32 v3, $0.0e+00;
	v1 =	vadd.f32 v1, v6  }
0xc0: {  	v3 =	vld [tilespmem:s11+$0x6240];
	[tilespmem:s9+$0x240] =	vst v7;
	v6 =	vmax.f32 v2, $0.0e+00;
	v0 =	vadd.f32 v0, v10  }
0xc1: {  	v2 =	vld [tilespmem:s11+$0x6250];
	[tilespmem:s9+$0x250] =	vst v6;
	v6 =	vmax.f32 v1, $0.0e+00  }
0xc2: {  	v1 =	vld [tilespmem:s11+$0x6260];
	[tilespmem:s9+$0x260] =	vst v6;
	v6 =	vmax.f32 v0, $0.0e+00  }
0xc3: {  	v0 =	vld [tilespmem:s11+$0x6270];
	[tilespmem:s9+$0x270] =	vst v6;
	s9 =	smov.u32 s11  }
0xc4: {  	v6 =	vld [tilespmem:s9+$0x200]  }
0xc5: {  	v11 =	vld [tilespmem:s9+$0x210]  }
.Ltmp4:
0xc6: {  	v10 =	vld [tilespmem:s9+$0x220];
	(pc) =	sbr.rel @p0 .LBB2_9-.Ltmp4, $4  }
0xc7: {  	v9 =	vld [tilespmem:s9+$0x230]  }
0xc8: {  	v8 =	vld [tilespmem:s9+$0x240]  }
0xc9: {  	v12 =	vadd.f32 v13, v6;
	v7 =	vld [tilespmem:s9+$0x250]  }
0xca: {  	s10 =	sadd.s32 $0x200, s10;
	v11 =	vadd.f32 v14, v11;
	v6 =	vld [tilespmem:s9+$0x260]  }
0xcb: {  	v12 =	vmax.f32 v12, $0.0e+00;
	v5 =	vadd.f32 v5, v10;
	v63 =	vld [tilespmem:s9+$0x270]  }
0xcc: {  	[tilespmem:s9+$0x200] =	vst v12;
	v11 =	vmax.f32 v11, $0.0e+00;
	v4 =	vadd.f32 v4, v9  }
0xcd: {  	[tilespmem:s9+$0x210] =	vst v11;
	v5 =	vmax.f32 v5, $0.0e+00;
	v3 =	vadd.f32 v3, v8  }
0xce: {  	[tilespmem:s9+$0x220] =	vst v5;
	v4 =	vmax.f32 v4, $0.0e+00;
	v2 =	vadd.f32 v2, v7  }
0xcf: {  	[tilespmem:s9+$0x230] =	vst v4;
	v3 =	vmax.f32 v3, $0.0e+00;
	v1 =	vadd.f32 v1, v6  }
0xd0: {  	[tilespmem:s9+$0x240] =	vst v3;
	v2 =	vmax.f32 v2, $0.0e+00;
	v0 =	vadd.f32 v0, v63  }
0xd1: {  	s1 =	sadd.s32 $0x1, s1;
	[tilespmem:s9+$0x250] =	vst v2;
	v1 =	vmax.f32 v1, $0.0e+00  }
0xd2: {  	p0 =	sne.s32 s1, s18;
	[tilespmem:s9+$0x260] =	vst v1;
	v0 =	vmax.f32 v0, $0.0e+00  }
.Ltmp5:
0xd3: {  	[tilespmem:s9+$0x270] =	vst v0;
	(pc) =	sbr.rel @p0 .LBB2_1-.Ltmp5, $4  }
0xd4: {  	[hbm4b:s17+s2] =	stream.linear.scatter [tilespmem:s22], [sflag:$0x7], $0x1000, $0x38;
	[tilespmem:$0x18200] =	vst v63  }
0xd5: {  	_ =	swait.ge [sflag:s20], $0x1000  }
0xd6: {  	[sflag:s20] =	ssyncset.done $0x0  }
0xd7: {  	[sflag:s20] =	ssyncadd.s32 $0xFFFFF000  }
0xd8: {  	_ =	sfence.sel $0x180000  }
0xd9: {  	[bflag:$0x0] =	sbarrier.arrive $0xFFFF  }
0xda: {  	_ =	strace $0x9000004A  }
0xdb: {  	s0 =	stileid.u32;
	[bflag:$0x2] =	sbarrier.arrive $0xFFFF  }
0xdc: {  	p0 =	sne.s32 s0, $0x0;
	s0 =	rddreg [dreg:$0x1]  }
0xdd: {  	s0 =	sadd.s32 @!p0 $0x100000, s0  }
0xde: {  	[sflag:s0] =	ssyncadd.tile.s32 @!p0 $0x1;
	_ =	shalt  }
.Lfunc_end2:
_tile_overlayer_lowered:
.L_overlay_start_2:
0xdf: {  	(tag) =	ssettag $0x2  }
0xe0: {  	s0 =	rddreg [dreg:$0x0];
	s2 =	stileid.u32  }
0xe1: {  	s1 =	rddreg [dreg:$0x1];
	p0 =	sne.s32 s2, $0x0  }
0xe2: {  	s3 =	rddreg [dreg:$0x2];
	[bflag:$0x3] =	sbarrier.arrive $0xFFFF;
	s2 =	simm.s32 @!p0 $0x1C07  }
0xe3: {  	[timem:s3], [sflag:s2] =	dma.local @!p0 [hbm:s0], s1  }
0xe4: {  	s0 =	simm.s32 @!p0 $0x7  }
0xe5: {  	_ =	swait.ge @!p0 [sflag:s0], s1  }
0xe6: {  	s1 =	ssub.s32 @!p0 $0x0, s1;
	[sflag:s0] =	ssyncset.done @!p0 $0x0  }
0xe7: {  	[sflag:s0] =	ssyncadd.s32 @!p0 s1  }
0xe8: {  	[bflag:$0x3] =	sbarrier.arrive $0xFFFF  }
0xe9: {  	_ =	shalt  }

// kernel: kernel.16.cloned.1.call-start
scs
__scs_entry_jumppad:
0x0: {  	(pc) =	sbr.rel $0x88, $3  }
0x1: {  	(tag) =	ssettag $0x0;
	lr =	simm.s32 $0x1  }
0x2: {  	[smem:$0x3F7F] =	sst lr;
	_ =	strace $0xD0000000  }
0x3: {  	_ = 	snop  }
0x4: {  	_ = 	snop  }
0x5: {  	_ = 	snop  }
0x6: {  	_ = 	snop  }
0x7: {  	_ = 	snop  }
__scs_overlays_trampoline_lowered:
0x8: {  	[smem:$0x3F8E] =	sst s0  }
0x9: {  	[smem:$0x3F8F] =	sst s1  }
0xa: {  	[smem:$0x3F90] =	sst s2  }
0xb: {  	[smem:$0x3F91] =	sst s3  }
0xc: {  	[smem:$0x3F92] =	sst s4  }
0xd: {  	[smem:$0x3F93] =	sst s5  }
0xe: {  	[smem:$0x3F94] =	sst s6  }
0xf: {  	[smem:$0x3F95] =	sst s7  }
0x10: {  	[smem:$0x3F96] =	sst s8  }
0x11: {  	[smem:$0x3F97] =	sst s9;
	s0 =	simm.s32 @!p0 $0x0  }
0x12: {  	s1 =	sld [smem:$0x3F7D];
	s0 =	simm.s32 @p0 $0x1  }
0x13: {  	[smem:$0x3F98] =	sst s0;
	s0 =	simm.s32 @!p1 $0x0  }
0x14: {  	s2 =	sld [smem:$0x3F7C];
	s0 =	simm.s32 @p1 $0x1  }
0x15: {  	[smem:$0x3F99] =	sst s0;
	s0 =	simm.s32 @!p2 $0x0  }
0x16: {  	s3 =	sld [smem:$0x3FDB];
	s0 =	simm.s32 @p2 $0x1  }
0x17: {  	s4 =	simm.s32 $0x1BF5;
	[smem:$0x3F9B] =	sst s0  }
0x18: {  	s0 =	sld [smem:$0x3F7E];
	_ =	swait.ge [sflag:s4], $0x0  }
0x19: {  	s7 =	sld [smem:$0x3F7F]  }
0x1a: {  	s8 =	sadd.s32 $0xFFFFE003, lr  }
0x1b: {  	s9 =	sadd.s32 $0xFFFFFEF7, lr;
	s5 =	simm.s32 $0xFFFFFFFF;
	p2 =	slt.u32 s8, $0xFFFFF086  }
0x1c: {  	p1 =	slt.u32 s9, $0xF7A;
	s5 =	simm.s32 @!p2 $0x0  }
0x1d: {  	s5 =	simm.s32 @p1 $0x1;
	p0 =	seq.s32 s7, s2  }
0x1e: {  	s7 =	smul.u32 @!p0 $0xF7A, s2;
	p2 =	seq.s32 @!p0 s5, $0x0  }
0x1f: {  	s9 =	smul.u32 $0xF7A, s1;
	s8 =	simm.s32 @!p0 $0x1BF5;
	p2 =	por !p2, p0  }
0x20: {  	[sflag:s8] =	ssyncset.s32 @!p0 $0xFFFFF086;
	s6 =	sadd.s32 @!p0 s3, s7;
	s7 =	simm.s32 @!p0 $0x108  }
0x21: {  	s3 =	sadd.s32 s3, s9;
	s6 =	sadd.s32 @!p0 $0x88, s6;
	s7 =	simm.s32 @p2 $0x1082  }
0x22: {  	[simem:s7], [sflag:s8] =	dma.local @!p0 [hbm:s6], $0xF7A  }
0x23: {  	s9 =	sor.u32 $0xD0000000, s2;
	s6 =	simm.s32 $0x108;
	_ =	swait.ge @!p0 [sflag:s8], $0x0  }
0x24: {  	s3 =	sadd.s32 $0x88, s3;
	s6 =	simm.s32 @!p1 $0x1082;
	[sflag:s4] =	ssyncset.s32 $0xFFFFF086  }
0x25: {  	[simem:s6], [sflag:s4] =	dma.local [hbm:s3], $0xF7A  }
0x26: {  	[smem:$0x3F7F] =	sst s1;
	(tag) =	ssettag s2;
	_ =	strace s9  }
0x27: {  	s1 =	sld [smem:$0x3F8F]  }
0x28: {  	s2 =	sld [smem:$0x3F90]  }
0x29: {  	s4 =	sld [smem:$0x3F92]  }
0x2a: {  	p0 =	seq.s32 s5, $0x0;
	s5 =	sld [smem:$0x3F93]  }
0x2b: {  	s6 =	sld [smem:$0x3F94]  }
0x2c: {  	s7 =	sld [smem:$0x3F95]  }
0x2d: {  	s3 =	simm.s32 $0x108;
	s8 =	sld [smem:$0x3F96]  }
0x2e: {  	s3 =	simm.s32 @!p0 $0x1082;
	s9 =	sld [smem:$0x3F97]  }
0x2f: {  	lr =	sadd.s32 s0, s3;
	s0 =	sld [smem:$0x3F8E]  }
0x30: {  	s3 =	sld [smem:$0x3F91]  }
0x31: {  	[smem:$0x3F9A] =	sst s10  }
0x32: {  	s10 =	sld [smem:$0x3F98];
	_ =	sdelay $0x3  }
0x33: {  	p0 =	seq.s32 s10, $0x1;
	s10 =	sld [smem:$0x3F9A];
	_ =	sdelay $0x3  }
0x34: {  	[smem:$0x3F9A] =	sst s10  }
0x35: {  	s10 =	sld [smem:$0x3F99];
	_ =	sdelay $0x3  }
0x36: {  	p1 =	seq.s32 s10, $0x1;
	s10 =	sld [smem:$0x3F9A];
	_ =	sdelay $0x3  }
0x37: {  	[smem:$0x3F9A] =	sst s10  }
0x38: {  	s10 =	sld [smem:$0x3F9B]  }
0x39: {  	_ = 	snop;
	(pc) =	sbr.ind lr, $3  }
0x3a: {  	_ = 	snop  }
0x3b: {  	_ = 	snop  }
0x3c: {  	p2 =	seq.s32 s10, $0x1;
	s10 =	sld [smem:$0x3F9A]  }
0x3d: {  	_ =	shalt  }
0x3e: {  	_ =	shalt  }
0x3f: {  	_ =	shalt  }
0x40: {  	_ =	shalt  }
0x41: {  	_ =	shalt  }
0x42: {  	_ =	shalt  }
0x43: {  	_ =	shalt  }
0x44: {  	_ =	shalt  }
0x45: {  	_ =	shalt  }
0x46: {  	_ =	shalt  }
0x47: {  	_ =	shalt  }
0x48: {  	_ =	shalt  }
0x49: {  	_ =	shalt  }
0x4a: {  	_ =	shalt  }
0x4b: {  	_ =	shalt  }
0x4c: {  	_ =	shalt  }
0x4d: {  	_ =	shalt  }
0x4e: {  	_ =	shalt  }
0x4f: {  	_ =	shalt  }
0x50: {  	_ =	shalt  }
0x51: {  	_ =	shalt  }
0x52: {  	_ =	shalt  }
0x53: {  	_ =	shalt  }
0x54: {  	_ =	shalt  }
0x55: {  	_ =	shalt  }
0x56: {  	_ =	shalt  }
0x57: {  	_ =	shalt  }
0x58: {  	_ =	shalt  }
0x59: {  	_ =	shalt  }
0x5a: {  	_ =	shalt  }
0x5b: {  	_ =	shalt  }
0x5c: {  	_ =	shalt  }
0x5d: {  	_ =	shalt  }
0x5e: {  	_ =	shalt  }
0x5f: {  	_ =	shalt  }
0x60: {  	_ =	shalt  }
0x61: {  	_ =	shalt  }
0x62: {  	_ =	shalt  }
0x63: {  	_ =	shalt  }
0x64: {  	_ =	shalt  }
0x65: {  	_ =	shalt  }
0x66: {  	_ =	shalt  }
0x67: {  	_ =	shalt  }
0x68: {  	_ =	shalt  }
0x69: {  	_ =	shalt  }
0x6a: {  	_ =	shalt  }
0x6b: {  	_ =	shalt  }
0x6c: {  	_ =	shalt  }
0x6d: {  	_ =	shalt  }
0x6e: {  	_ =	shalt  }
0x6f: {  	_ =	shalt  }
0x70: {  	_ =	shalt  }
0x71: {  	_ =	shalt  }
0x72: {  	_ =	shalt  }
0x73: {  	_ =	shalt  }
0x74: {  	_ =	shalt  }
0x75: {  	_ =	shalt  }
0x76: {  	_ =	shalt  }
0x77: {  	_ =	shalt  }
0x78: {  	_ =	shalt  }
0x79: {  	_ =	shalt  }
0x7a: {  	_ =	shalt  }
0x7b: {  	_ =	shalt  }
0x7c: {  	_ =	shalt  }
0x7d: {  	_ =	shalt  }
0x7e: {  	_ =	shalt  }
0x7f: {  	_ =	shalt  }
0x80: {  	_ =	shalt  }
0x81: {  	_ =	shalt  }
0x82: {  	_ =	shalt  }
0x83: {  	_ =	shalt  }
0x84: {  	_ =	shalt  }
0x85: {  	_ =	shalt  }
0x86: {  	_ =	shalt  }
0x87: {  	_ =	shalt  }
.Lfunc_end0:
.L_simem_size_0:
called_computation.3_lowered:
.L_overlay_start_0:
0x88: {  	s2 =	sld [smem:$0x3FD9]  }
0x89: {  	s3 =	sld [smem:$0x3FFE];
	_ =	sdelay $0x1  }
0x8a: {  	s1 =	srdreg.scid  }
0x8b: {  	s0 =	sand.u32 $0x1, s1  }
0x8c: {  	s17 =	sshll.u32 s0, $0xA;
	s2 =	sadd.s32 s3, s2  }
0x8d: {  	s2 =	sadd.s32 s2, s17  }
0x8e: {  	[smem:$0x3FA6] =	sst s2  }
0x8f: {  	_ = 	snop  }
0x90: {  	s2 =	sld [smem:$0x3FD0];
	(tm) =	ssettm $0x1  }
0x91: {  	s18 =	sld [smem:$0x3FFB];
	_ =	sdelay $0x3  }
0x92: {  	_ =	strace s18  }
0x93: {  	s3 =	sld [smem:$0x3FFC];
	_ =	sdelay $0x3  }
0x94: {  	_ =	strace s3  }
0x95: {  	s3 =	sld [smem:$0x3FFD];
	_ =	sdelay $0x3  }
0x96: {  	_ =	strace s3  }
0x97: {  	_ =	strace $0x8FFFFFFF  }
0x98: {  	s19 =	sld [smem:$0x3FDB];
	_ =	sdelay $0x1  }
0x99: {  	s4 =	simm.s32 $_scs_section_size  }
0x9a: {  	s5 =	simm.s32 $_size__tile_overlayer_lowered;
	s6 =	simm.s32 $_tile_overlayer_lowered  }
0x9b: {  	s22 =	simm.s32 $0x1BFF;
	s21 =	sshll.u32 s6, $0x1;
	s3 =	sadd.s32 s4, s19  }
0x9c: {  	s7 =	simm.s32 $0x0;
	s20 =	sshll.u32 s5, $0x1;
	s5 =	sadd.s32 s21, s3  }
0x9d: {  	[timem:s7], [sflag:s22] =	dma.local [hbm:s5], s20  }
0x9e: {  	_ =	swait.ge [sflag:s22], s20  }
0x9f: {  	s4 =	ssub.s32 $0x0, s20;
	[sflag:s22] =	ssyncset.done $0x0  }
0xa0: {  	[sflag:s22] =	ssyncadd.s32 s4;
	_ =	sdelay $0x1  }
0xa1: {  	s23 =	simm.s32 $0x1B8B  }
0xa2: {  	_ =	swait.ge [sflag:s23], $0x1  }
0xa3: {  	[sflag:s23] =	ssyncset.done $0x0  }
0xa4: {  	s25 =	simm.s32 $0x1B8E;
	s24 =	sld [smem:$0x3FFE];
	[sflag:s23] =	ssyncadd.s32 $0xFFFFFFFF  }
0xa5: {  	s26 =	simm.s32 $execute0_lowered;
	[smem:$0x3FD2] =	sst s25  }
0xa6: {  	s5 =	sshll.u32 s26, $0x1;
	_ =	strace $0x8000004F;
	[dreg:$0x1] =	wrdreg $0xFFFFFFFF  }
0xa7: {  	s28 =	simm.s32 $_size_execute0_lowered;
	s3 =	sadd.s32 s3, s5;
	[dreg:$0x0] =	wrdreg $0x0  }
0xa8: {  	s5 =	sshll.u32 s28, $0x1;
	[dreg:$0x2] =	wrdreg s3  }
0xa9: {  	[dreg:$0x3] =	wrdreg s5  }
0xaa: {  	[dreg:$0x4] =	wrdreg $0xC0  }
0xab: {  	_ =	task [dreg:s7], $0x5FFFF  }
0xac: {  	[dreg:$0x1] =	wrdreg $0xFFFFFFFF  }
0xad: {  	[dreg:$0x0] =	wrdreg $0x60  }
0xae: {  	[dreg:$0x2] =	wrdreg s24  }
0xaf: {  	[dreg:$0x3] =	wrdreg s2  }
0xb0: {  	[dreg:$0x4] =	wrdreg $0x80800  }
0xb1: {  	[dreg:$0x5] =	wrdreg $0x9  }
0xb2: {  	_ =	task.clear_ibuf [dreg:s7], $0x6FFFF;
	_ =	strace $0x9000004F  }
0xb3: {  	s29 =	simm.s32 $0x9;
	_ =	strace $0x80000051  }
0xb4: {  	_ =	swait.ge [sflag:s29], $0x1  }
0xb5: {  	[sflag:s29] =	ssyncadd.s32 $0xFFFFFFFF  }
0xb6: {  	_ =	strace $0x90000051  }
0xb7: {  	_ =	sfence  }
0xb8: {  	s30 =	sld [smem:$0x0];
	_ =	sdelay $0x2  }
0xb9: {  	s31 =	sshll.u32 s1, $0xD;
	s1 =	sshrl.u32 s1, $0x2  }
0xba: {  	s3 =	sand.u32 $0x4000, s31;
	s1 =	sadd.s32 s1, s30  }
0xbb: {  	s0 =	sor.u32 s3, s0;
	s1 =	sshll.u32 s1, $0x11  }
0xbc: {  	s0 =	sor.u32 s1, s0  }
0xbd: {  	s0 =	sadd.s32 $0x8F2B, s0  }
0xbe: {  	[sflag:s0] =	ssyncadd.remote.s32 $0x1  }
0xbf: {  	_ =	sfence.sel $0xFFFF  }
0xc0: {  	[dreg:$0x0] =	wrdreg $0xFFFFFFFF;
	(pc) =	sbr.abs _section_cstart, $3  }
0xc1: {  	[dreg:$0x1] =	wrdreg $0xFFFFFFFF  }
0xc2: {  	_ =	task.clear_ibuf [dreg:s7], $0x2FFFF;
	_ =	strace $0x9FFFFFFF  }
0xc3: {  	(tm) =	ssettm $0x7FFFFFFF  }
tec
execute0_lowered:
.L_overlay_start_1:
0x0: {  	(tag) =	ssettag $0x1  }
0x1: {  	s4 =	rddreg [dreg:$0x0]  }
0x2: {  	s15 =	rddreg [dreg:$0x1]  }
0x3: {  	s2 =	rddreg [dreg:$0x2];
	s1 =	stileid.u32  }
0x4: {  	s0 =	rddreg [dreg:$0x3];
	s8 =	smul.u32 $0x13C00, s1  }
0x5: {  	s5 =	srdreg.scid;
	s3 =	simm.s32 $0x0;
	s30 =	smul.u32 $0x4F000, s1  }
0x6: {  	s19 =	simm.s32 $0x8;
	s22 =	simm.s32 $0x0;
	s31 =	smul.u32 $0x4E200, s1  }
0x7: {  	s12 =	sand.u32 $0x1, s5;
	[smem:$0x7FF] =	sst s3;
	s14 =	smul.u32 $0x27100, s1  }
0x8: {  	s13 =	sadd.s32 $0x561E00, s4;
	s9 =	sadd.s32 $0x4E00, s4;
	s16 =	smul.u32 $0x2710, s1  }
0x9: {  	s26 =	sshll.u32 s1, $0x1;
	s20 =	sadd.s32 $0x128400, s2;
	s7 =	smul.u32 $0x138800, s12  }
0xa: {  	p0 =	seq.s32 s1, $0xF;
	s5 =	sor.u32 s12, s26;
	s17 =	smul.u32 $0x1388, s12  }
0xb: {  	_ =	strace $0x80000050;
	s6 =	ssub.s32 $0x2, s12;
	s18 =	smul.u32 $0x13880, s12  }
0xc: {  	s20 =	sshrl.u32 @p0 s20, $0x3;
	s5 =	smul.u32 $0x1388, s5;
	s28 =	sshrl.u32 s6, $0x1  }
0xd: {  	s14 =	sadd.s32 s14, s13;
	s11 =	ssub.s32 s6, s28;
	s29 =	sadd.s32 s8, s7  }
0xe: {  	s7 =	sshrl.u32 s7, $0x3;
	s8 =	sshrl.u32 s30, $0x2;
	s16 =	sadd.s32 s17, s16  }
0xf: {  	s14 =	sadd.s32 s18, s14;
	s17 =	simm.s32 $0x1;
	s18 =	simm.s32 $0x80  }
0x10: {  	s5 =	sadd.s32 $0x1380, s5;
	s6 =	sshrl.u32 s29, $0x3;
	s7 =	sadd.s32 s9, s7  }
0x11: {  	s21 =	sadd.s32 s8, s2;
	s8 =	smax.u32 s11, $0x1;
	s16 =	sshrl.u32 s16, $0x3  }
0x12: {  	s10 =	sshrl.u32 s5, $0x3;
	s5 =	sshll.u32 s5, $0x4;
	s6 =	sadd.s32 s9, s6  }
0x13: {  	s7 =	sadd.s32 $0x25080, s7;
	s9 =	sshrl.u32 s31, $0x2;
	s21 =	sshrl.u32 @!p0 s21, $0x3  }
0x14: {  	s4 =	sadd.s32 s15, s10;
	s5 =	sadd.s32 s13, s5;
	s9 =	sadd.s32 s9, s2  }
0x15: {  	s15 =	sadd.s32 s16, s15;
	s16 =	simm.s32 $0x4080;
	s10 =	sadd.s32 $0x3E80, s9  }
0x16: {  	v0 =	vimm.f32 $0.0e+00;
	s11 =	sadd.s32 $0x7D00, s9;
	s12 =	sadd.s32 $0xBB80, s9;
	s13 =	sadd.s32 $0xFA00, s9  }
.LBB2_1:
0x17: {  	s23 =	simm.s32 $0x0;
	s24 =	simm.s32 $0x200  }
.LBB2_2:
0x18: {  	p1 =	sne.s32 s24, $0xF800;
	[tilespmem:s23+$0x40F0] =	vst v0  }
0x19: {  	[tilespmem:s23+$0x4080] =	vst v0  }
0x1a: {  	[tilespmem:s23+$0x4090] =	vst v0  }
.Ltmp0:
0x1b: {  	[tilespmem:s23+$0x40A0] =	vst v0;
	(pc) =	sbr.rel @p1 .LBB2_2-.Ltmp0, $4  }
0x1c: {  	[tilespmem:s23+$0x40B0] =	vst v0  }
0x1d: {  	[tilespmem:s23+$0x40C0] =	vst v0  }
0x1e: {  	[tilespmem:s23+$0x40D0] =	vst v0  }
0x1f: {  	[tilespmem:s23+$0x40E0] =	vst v0;
	s23 =	sshra.s32 s24, $0x2;
	s24 =	sadd.s32 $0x200, s24  }
0x20: {  	[tilespmem:s23+$0x40F0] =	vst v0  }
0x21: {  	[tilespmem:s23+$0x4080] =	vst v0  }
0x22: {  	[tilespmem:s23+$0x4090] =	vst v0  }
0x23: {  	[tilespmem:s23+$0x40A0] =	vst v0  }
0x24: {  	[tilespmem:s23+$0x40B0] =	vst v0  }
0x25: {  	[tilespmem:s23+$0x40C0] =	vst v0  }
0x26: {  	[tilespmem:s23+$0x40D0] =	vst v0  }
0x27: {  	[tilespmem:s23+$0x40E0] =	vst v0  }
0x28: {  	[spmem:s9] =	stream.linear.scatter [tilespmem:s16], [sflag:$0x1], $0x3E80, $0x38;
	[tilespmem:$0x1B900] =	vst v63  }
0x29: {  	_ =	swait.ge [sflag:s17], $0x3E80  }
0x2a: {  	[sflag:s17] =	ssyncset.done $0x0  }
0x2b: {  	[sflag:s17] =	ssyncadd.s32 $0xFFFFC180  }
0x2c: {  	[spmem:s10] =	stream.linear.scatter [tilespmem:s16], [sflag:$0x1], $0x3E80, $0x38;
	[tilespmem:$0x1B900] =	vst v63  }
0x2d: {  	_ =	swait.ge [sflag:s17], $0x3E80  }
0x2e: {  	[sflag:s17] =	ssyncset.done $0x0  }
0x2f: {  	[sflag:s17] =	ssyncadd.s32 $0xFFFFC180  }
0x30: {  	[spmem:s11] =	stream.linear.scatter [tilespmem:s16], [sflag:$0x1], $0x3E80, $0x38;
	[tilespmem:$0x1B900] =	vst v63  }
0x31: {  	_ =	swait.ge [sflag:s17], $0x3E80  }
0x32: {  	[sflag:s17] =	ssyncset.done $0x0  }
0x33: {  	[sflag:s17] =	ssyncadd.s32 $0xFFFFC180  }
0x34: {  	[spmem:s12] =	stream.linear.scatter [tilespmem:s16], [sflag:$0x1], $0x3E80, $0x38;
	[tilespmem:$0x1B900] =	vst v63  }
0x35: {  	_ =	swait.ge [sflag:s17], $0x3E80  }
0x36: {  	[sflag:s17] =	ssyncset.done $0x0  }
0x37: {  	[sflag:s17] =	ssyncadd.s32 $0xFFFFC180  }
0x38: {  	[spmem:s13] =	stream.linear.scatter [tilespmem:s16], [sflag:$0x1], $0x3E80, $0x38;
	[tilespmem:$0x1B900] =	vst v63  }
0x39: {  	_ =	swait.ge [sflag:s17], $0x3E80  }
0x3a: {  	[sflag:s17] =	ssyncset.done $0x0  }
0x3b: {  	[sflag:s17] =	ssyncadd.s32 $0xFFFFC180  }
0x3c: {  	s31 =	sadd.s32 $0x0, s15;
	[bflag:$0x0] =	sbarrier.arrive $0xFFFF  }
0x3d: {  	[tilespmem:s3], [sflag:$0x1] =	stream.linear.gather [hbm4b:s31+s3], $0x80, $0x38;
	[tilespmem:$0x1B900] =	vst v63  }
0x3e: {  	_ =	swait.ge [sflag:s17], $0x80  }
0x3f: {  	[sflag:s17] =	ssyncset.done $0x0  }
0x40: {  	[sflag:s17] =	ssyncadd.s32 $0xFFFFFF80  }
0x41: {  	[tilespmem:s18], [sflag:$0x1] =	stream.linear.gather [hbm4b:s14+s3], $0x4000, $0x38;
	[tilespmem:$0x1B900] =	vst v63  }
0x42: {  	_ =	swait.ge [sflag:s17], $0x4000  }
0x43: {  	[sflag:s17] =	ssyncset.done $0x0  }
0x44: {  	[sflag:s17] =	ssyncadd.s32 $0xFFFFC000  }
0x45: {  	[spmem:s2] =	stream.indirect.scatter.add.f32 [tilespmem:s18], [sflag:$0x1], $0x80, s3, s18, $0xb8;
	[tilespmem:$0x1B900] =	vst v63  }
0x46: {  	s24 =	simm.s32 $0x10;
	_ =	swait.ge [sflag:s17], $0x4000  }
0x47: {  	s25 =	simm.s32 $0x20;
	s23 =	sadd.s32 $0x800, s14;
	[sflag:s17] =	ssyncset.done $0x0  }
.LBB2_4:
0x48: {  	s26 =	sadd.s32 s24, s15  }
0x49: {  	[sflag:s17] =	ssyncadd.s32 $0xFFFFC000;
	s24 =	smov.u32 s25;
	s28 =	sadd.s32 $0x10, s25  }
0x4a: {  	[tilespmem:s3], [sflag:$0x1] =	stream.linear.gather [hbm4b:s26+s3], $0x80, $0x38;
	[tilespmem:$0x1B900] =	vst v63  }
0x4b: {  	p1 =	sne.s32 s25, $0x260;
	_ =	swait.ge [sflag:s17], $0x80  }
0x4c: {  	[sflag:s17] =	ssyncset.done $0x0  }
0x4d: {  	[sflag:s17] =	ssyncadd.s32 $0xFFFFFF80  }
0x4e: {  	[tilespmem:s18], [sflag:$0x1] =	stream.linear.gather [hbm4b:s23+s3], $0x4000, $0x38;
	[tilespmem:$0x1B900] =	vst v63  }
0x4f: {  	_ =	swait.ge [sflag:s17], $0x4000  }
.Ltmp1:
0x50: {  	[sflag:s17] =	ssyncset.done $0x0;
	(pc) =	sbr.rel @p1 .LBB2_4-.Ltmp1, $4  }
0x51: {  	[sflag:s17] =	ssyncadd.s32 $0xFFFFC000  }
0x52: {  	[spmem:s2] =	stream.indirect.scatter.add.f32 [tilespmem:s18], [sflag:$0x1], $0x80, s3, s18, $0xb8;
	[tilespmem:$0x1B900] =	vst v63  }
0x53: {  	_ =	swait.ge [sflag:s17], $0x4000  }
0x54: {  	s25 =	smov.u32 s28;
	s23 =	sadd.s32 $0x800, s23;
	[sflag:s17] =	ssyncset.done $0x0  }
0x55: {  	s24 =	sadd.s32 s24, s15;
	[sflag:s17] =	ssyncadd.s32 $0xFFFFC000  }
0x56: {  	[tilespmem:s3], [sflag:$0x1] =	stream.linear.gather [hbm4b:s24+s3], $0x80, $0x38;
	[tilespmem:$0x1B900] =	vst v63  }
0x57: {  	_ =	swait.ge [sflag:s17], $0x80  }
0x58: {  	[sflag:s17] =	ssyncset.done $0x0  }
0x59: {  	[sflag:s17] =	ssyncadd.s32 $0xFFFFFF80  }
0x5a: {  	[tilespmem:s18], [sflag:$0x1] =	stream.linear.gather [hbm4b:s23+s3], $0x4000, $0x38;
	[tilespmem:$0x1B900] =	vst v63  }
0x5b: {  	_ =	swait.ge [sflag:s17], $0x4000  }
0x5c: {  	[sflag:s17] =	ssyncset.done $0x0  }
0x5d: {  	[sflag:s17] =	ssyncadd.s32 $0xFFFFC000  }
0x5e: {  	[spmem:s2] =	stream.indirect.scatter.add.f32 [tilespmem:s18], [sflag:$0x1], $0x80, s3, s18, $0xb8;
	[tilespmem:$0x1B900] =	vst v63  }
0x5f: {  	_ =	swait.ge [sflag:s17], $0x4000  }
0x60: {  	[sflag:s17] =	ssyncset.done $0x0  }
0x61: {  	[sflag:s17] =	ssyncadd.s32 $0xFFFFC000  }
0x62: {  	[tilespmem:s3], [sflag:$0x1] =	stream.linear.gather [hbm4b:s4+s3], $0x8, $0x38;
	[tilespmem:$0x1B900] =	vst v63  }
0x63: {  	_ =	swait.ge [sflag:s17], $0x8  }
0x64: {  	[sflag:s17] =	ssyncset.done $0x0  }
0x65: {  	[sflag:s17] =	ssyncadd.s32 $0xFFFFFFF8  }
0x66: {  	[tilespmem:s18], [sflag:$0x1] =	stream.linear.gather [hbm4b:s5+s3], $0x400, $0x38;
	[tilespmem:$0x1B900] =	vst v63  }
0x67: {  	_ =	swait.ge [sflag:s17], $0x400  }
0x68: {  	[sflag:s17] =	ssyncset.done $0x0  }
0x69: {  	[sflag:s17] =	ssyncadd.s32 $0xFFFFFC00  }
0x6a: {  	[spmem:s2] =	stream.indirect.scatter.add.f32 [tilespmem:s18], [sflag:$0x1], $0x80, s3, s19, $0xb8;
	[tilespmem:$0x1B900] =	vst v63  }
0x6b: {  	_ =	swait.ge [sflag:s17], $0x400  }
0x6c: {  	[sflag:s17] =	ssyncset.done $0x0  }
0x6d: {  	[sflag:s17] =	ssyncadd.s32 $0xFFFFFC00  }
0x6e: {  	s23 =	simm.s32 @p0 $0x1FC1;
	[bflag:$0x0] =	sbarrier.arrive $0xFFFF  }
0x6f: {  	[hbm:s7], [sflag:s23] =	dma.local @p0 [spmem:s20], $0x2080  }
0x70: {  	s23 =	simm.s32 @p0 $0x1  }
0x71: {  	_ =	swait.ge @p0 [sflag:s23], $0x2080  }
0x72: {  	s22 =	sadd.s32 $0x1, s22;
	s24 =	sshll.u32 @!p0 s1, $0x6;
	[sflag:s23] =	ssyncset.done @p0 $0x0  }
0x73: {  	p1 =	sne.s32 s22, s8;
	[sflag:s23] =	ssyncadd.s32 @p0 $0xFFFFDF80;
	s23 =	sor.u32 @!p0 $0x1C01, s24  }
0x74: {  	[hbm:s6], [sflag:s23] =	dma.local @!p0 [spmem:s21], $0x2780  }
.Ltmp2:
0x75: {  	_ = 	snop;
	(pc) =	sbr.rel @p1 .LBB2_1-.Ltmp2, $4  }
0x76: {  	s23 =	simm.s32 @!p0 $0x1  }
0x77: {  	_ =	swait.ge @!p0 [sflag:s23], $0x2780  }
0x78: {  	[sflag:s23] =	ssyncset.done @!p0 $0x0  }
0x79: {  	[sflag:s23] =	ssyncadd.s32 @!p0 $0xFFFFD880  }
0x7a: {  	_ =	sfence.sel $0x180000  }
0x7b: {  	[bflag:$0x0] =	sbarrier.arrive $0xFFFF  }
0x7c: {  	p0 =	sne.s32 s1, $0x0;
	_ =	strace $0x90000050  }
0x7d: {  	s0 =	sadd.s32 @!p0 $0x100000, s0;
	[bflag:$0x2] =	sbarrier.arrive $0xFFFF  }
0x7e: {  	[sflag:s0] =	ssyncadd.tile.s32 @!p0 $0x1;
	_ =	shalt  }
.Lfunc_end2:
_tile_overlayer_lowered:
.L_overlay_start_2:
0x7f: {  	(tag) =	ssettag $0x2  }
0x80: {  	s0 =	rddreg [dreg:$0x0];
	s2 =	stileid.u32  }
0x81: {  	s1 =	rddreg [dreg:$0x1];
	p0 =	sne.s32 s2, $0x0  }
0x82: {  	s3 =	rddreg [dreg:$0x2];
	[bflag:$0x3] =	sbarrier.arrive $0xFFFF;
	s2 =	simm.s32 @!p0 $0x1C01  }
0x83: {  	[timem:s3], [sflag:s2] =	dma.local @!p0 [hbm:s0], s1  }
0x84: {  	s0 =	simm.s32 @!p0 $0x1  }
0x85: {  	_ =	swait.ge @!p0 [sflag:s0], s1  }
0x86: {  	s1 =	ssub.s32 @!p0 $0x0, s1;
	[sflag:s0] =	ssyncset.done @!p0 $0x0  }
0x87: {  	[sflag:s0] =	ssyncadd.s32 @!p0 s1  }
0x88: {  	[bflag:$0x3] =	sbarrier.arrive $0xFFFF  }
0x89: {  	_ =	shalt  }

// kernel: scatter_offload_async_start
scs
__scs_entry_jumppad:
0x0: {  	(pc) =	sbr.rel $0x88, $3  }
0x1: {  	(tag) =	ssettag $0x0;
	lr =	simm.s32 $0x1  }
0x2: {  	[smem:$0x3F7F] =	sst lr;
	_ =	strace $0xD0000000  }
0x3: {  	_ = 	snop  }
0x4: {  	_ = 	snop  }
0x5: {  	_ = 	snop  }
0x6: {  	_ = 	snop  }
0x7: {  	_ = 	snop  }
__scs_overlays_trampoline_lowered:
0x8: {  	[smem:$0x3F8E] =	sst s0  }
0x9: {  	[smem:$0x3F8F] =	sst s1  }
0xa: {  	[smem:$0x3F90] =	sst s2  }
0xb: {  	[smem:$0x3F91] =	sst s3  }
0xc: {  	[smem:$0x3F92] =	sst s4  }
0xd: {  	[smem:$0x3F93] =	sst s5  }
0xe: {  	[smem:$0x3F94] =	sst s6  }
0xf: {  	[smem:$0x3F95] =	sst s7  }
0x10: {  	[smem:$0x3F96] =	sst s8  }
0x11: {  	[smem:$0x3F97] =	sst s9;
	s0 =	simm.s32 @!p0 $0x0  }
0x12: {  	s1 =	sld [smem:$0x3F7D];
	s0 =	simm.s32 @p0 $0x1  }
0x13: {  	[smem:$0x3F98] =	sst s0;
	s0 =	simm.s32 @!p1 $0x0  }
0x14: {  	s2 =	sld [smem:$0x3F7C];
	s0 =	simm.s32 @p1 $0x1  }
0x15: {  	[smem:$0x3F99] =	sst s0;
	s0 =	simm.s32 @!p2 $0x0  }
0x16: {  	s3 =	sld [smem:$0x3FDB];
	s0 =	simm.s32 @p2 $0x1  }
0x17: {  	s4 =	simm.s32 $0x1BF5;
	[smem:$0x3F9B] =	sst s0  }
0x18: {  	s0 =	sld [smem:$0x3F7E];
	_ =	swait.ge [sflag:s4], $0x0  }
0x19: {  	s7 =	sld [smem:$0x3F7F]  }
0x1a: {  	s8 =	sadd.s32 $0xFFFFE003, lr  }
0x1b: {  	s9 =	sadd.s32 $0xFFFFFEF7, lr;
	s5 =	simm.s32 $0xFFFFFFFF;
	p2 =	slt.u32 s8, $0xFFFFF086  }
0x1c: {  	p1 =	slt.u32 s9, $0xF7A;
	s5 =	simm.s32 @!p2 $0x0  }
0x1d: {  	s5 =	simm.s32 @p1 $0x1;
	p0 =	seq.s32 s7, s2  }
0x1e: {  	s7 =	smul.u32 @!p0 $0xF7A, s2;
	p2 =	seq.s32 @!p0 s5, $0x0  }
0x1f: {  	s9 =	smul.u32 $0xF7A, s1;
	s8 =	simm.s32 @!p0 $0x1BF5;
	p2 =	por !p2, p0  }
0x20: {  	[sflag:s8] =	ssyncset.s32 @!p0 $0xFFFFF086;
	s6 =	sadd.s32 @!p0 s3, s7;
	s7 =	simm.s32 @!p0 $0x108  }
0x21: {  	s3 =	sadd.s32 s3, s9;
	s6 =	sadd.s32 @!p0 $0x88, s6;
	s7 =	simm.s32 @p2 $0x1082  }
0x22: {  	[simem:s7], [sflag:s8] =	dma.local @!p0 [hbm:s6], $0xF7A  }
0x23: {  	s9 =	sor.u32 $0xD0000000, s2;
	s6 =	simm.s32 $0x108;
	_ =	swait.ge @!p0 [sflag:s8], $0x0  }
0x24: {  	s3 =	sadd.s32 $0x88, s3;
	s6 =	simm.s32 @!p1 $0x1082;
	[sflag:s4] =	ssyncset.s32 $0xFFFFF086  }
0x25: {  	[simem:s6], [sflag:s4] =	dma.local [hbm:s3], $0xF7A  }
0x26: {  	[smem:$0x3F7F] =	sst s1;
	(tag) =	ssettag s2;
	_ =	strace s9  }
0x27: {  	s1 =	sld [smem:$0x3F8F]  }
0x28: {  	s2 =	sld [smem:$0x3F90]  }
0x29: {  	s4 =	sld [smem:$0x3F92]  }
0x2a: {  	p0 =	seq.s32 s5, $0x0;
	s5 =	sld [smem:$0x3F93]  }
0x2b: {  	s6 =	sld [smem:$0x3F94]  }
0x2c: {  	s7 =	sld [smem:$0x3F95]  }
0x2d: {  	s3 =	simm.s32 $0x108;
	s8 =	sld [smem:$0x3F96]  }
0x2e: {  	s3 =	simm.s32 @!p0 $0x1082;
	s9 =	sld [smem:$0x3F97]  }
0x2f: {  	lr =	sadd.s32 s0, s3;
	s0 =	sld [smem:$0x3F8E]  }
0x30: {  	s3 =	sld [smem:$0x3F91]  }
0x31: {  	[smem:$0x3F9A] =	sst s10  }
0x32: {  	s10 =	sld [smem:$0x3F98];
	_ =	sdelay $0x3  }
0x33: {  	p0 =	seq.s32 s10, $0x1;
	s10 =	sld [smem:$0x3F9A];
	_ =	sdelay $0x3  }
0x34: {  	[smem:$0x3F9A] =	sst s10  }
0x35: {  	s10 =	sld [smem:$0x3F99];
	_ =	sdelay $0x3  }
0x36: {  	p1 =	seq.s32 s10, $0x1;
	s10 =	sld [smem:$0x3F9A];
	_ =	sdelay $0x3  }
0x37: {  	[smem:$0x3F9A] =	sst s10  }
0x38: {  	s10 =	sld [smem:$0x3F9B]  }
0x39: {  	_ = 	snop;
	(pc) =	sbr.ind lr, $3  }
0x3a: {  	_ = 	snop  }
0x3b: {  	_ = 	snop  }
0x3c: {  	p2 =	seq.s32 s10, $0x1;
	s10 =	sld [smem:$0x3F9A]  }
0x3d: {  	_ =	shalt  }
0x3e: {  	_ =	shalt  }
0x3f: {  	_ =	shalt  }
0x40: {  	_ =	shalt  }
0x41: {  	_ =	shalt  }
0x42: {  	_ =	shalt  }
0x43: {  	_ =	shalt  }
0x44: {  	_ =	shalt  }
0x45: {  	_ =	shalt  }
0x46: {  	_ =	shalt  }
0x47: {  	_ =	shalt  }
0x48: {  	_ =	shalt  }
0x49: {  	_ =	shalt  }
0x4a: {  	_ =	shalt  }
0x4b: {  	_ =	shalt  }
0x4c: {  	_ =	shalt  }
0x4d: {  	_ =	shalt  }
0x4e: {  	_ =	shalt  }
0x4f: {  	_ =	shalt  }
0x50: {  	_ =	shalt  }
0x51: {  	_ =	shalt  }
0x52: {  	_ =	shalt  }
0x53: {  	_ =	shalt  }
0x54: {  	_ =	shalt  }
0x55: {  	_ =	shalt  }
0x56: {  	_ =	shalt  }
0x57: {  	_ =	shalt  }
0x58: {  	_ =	shalt  }
0x59: {  	_ =	shalt  }
0x5a: {  	_ =	shalt  }
0x5b: {  	_ =	shalt  }
0x5c: {  	_ =	shalt  }
0x5d: {  	_ =	shalt  }
0x5e: {  	_ =	shalt  }
0x5f: {  	_ =	shalt  }
0x60: {  	_ =	shalt  }
0x61: {  	_ =	shalt  }
0x62: {  	_ =	shalt  }
0x63: {  	_ =	shalt  }
0x64: {  	_ =	shalt  }
0x65: {  	_ =	shalt  }
0x66: {  	_ =	shalt  }
0x67: {  	_ =	shalt  }
0x68: {  	_ =	shalt  }
0x69: {  	_ =	shalt  }
0x6a: {  	_ =	shalt  }
0x6b: {  	_ =	shalt  }
0x6c: {  	_ =	shalt  }
0x6d: {  	_ =	shalt  }
0x6e: {  	_ =	shalt  }
0x6f: {  	_ =	shalt  }
0x70: {  	_ =	shalt  }
0x71: {  	_ =	shalt  }
0x72: {  	_ =	shalt  }
0x73: {  	_ =	shalt  }
0x74: {  	_ =	shalt  }
0x75: {  	_ =	shalt  }
0x76: {  	_ =	shalt  }
0x77: {  	_ =	shalt  }
0x78: {  	_ =	shalt  }
0x79: {  	_ =	shalt  }
0x7a: {  	_ =	shalt  }
0x7b: {  	_ =	shalt  }
0x7c: {  	_ =	shalt  }
0x7d: {  	_ =	shalt  }
0x7e: {  	_ =	shalt  }
0x7f: {  	_ =	shalt  }
0x80: {  	_ =	shalt  }
0x81: {  	_ =	shalt  }
0x82: {  	_ =	shalt  }
0x83: {  	_ =	shalt  }
0x84: {  	_ =	shalt  }
0x85: {  	_ =	shalt  }
0x86: {  	_ =	shalt  }
0x87: {  	_ =	shalt  }
.Lfunc_end0:
.L_simem_size_0:
called_computation_lowered:
.L_overlay_start_0:
0x88: {  	s2 =	sld [smem:$0x3FD9]  }
0x89: {  	s3 =	sld [smem:$0x3FFE];
	_ =	sdelay $0x1  }
0x8a: {  	s1 =	srdreg.scid  }
0x8b: {  	s0 =	sand.u32 $0x1, s1  }
0x8c: {  	s15 =	sshll.u32 s0, $0xA;
	s2 =	sadd.s32 s3, s2  }
0x8d: {  	s2 =	sadd.s32 s2, s15  }
0x8e: {  	[smem:$0x3FA6] =	sst s2  }
0x8f: {  	_ = 	snop  }
0x90: {  	(tm) =	ssettm $0x1  }
0x91: {  	s16 =	sld [smem:$0x3FFB];
	_ =	sdelay $0x3  }
0x92: {  	_ =	strace s16  }
0x93: {  	s2 =	sld [smem:$0x3FFC];
	_ =	sdelay $0x3  }
0x94: {  	_ =	strace s2  }
0x95: {  	s2 =	sld [smem:$0x3FFD];
	_ =	sdelay $0x3  }
0x96: {  	_ =	strace s2  }
0x97: {  	_ =	strace $0x8FFFFFFF  }
0x98: {  	s17 =	sld [smem:$0x3FDB];
	_ =	sdelay $0x1  }
0x99: {  	s18 =	simm.s32 $_scs_section_size  }
0x9a: {  	s4 =	simm.s32 $_size__tile_overlayer_lowered;
	s5 =	simm.s32 $_tile_overlayer_lowered  }
0x9b: {  	s21 =	simm.s32 $0x1BFF;
	s20 =	sshll.u32 s5, $0x1;
	s2 =	sadd.s32 s18, s17  }
0x9c: {  	s6 =	simm.s32 $0x0;
	s19 =	sshll.u32 s4, $0x1;
	s4 =	sadd.s32 s20, s2  }
0x9d: {  	[timem:s6], [sflag:s21] =	dma.local [hbm:s4], s19  }
0x9e: {  	_ =	swait.ge [sflag:s21], s19  }
0x9f: {  	s3 =	ssub.s32 $0x0, s19;
	[sflag:s21] =	ssyncset.done $0x0  }
0xa0: {  	[sflag:s21] =	ssyncadd.s32 s3;
	_ =	sdelay $0x1  }
0xa1: {  	s22 =	simm.s32 $0x1B8B  }
0xa2: {  	_ =	swait.ge [sflag:s22], $0x1  }
0xa3: {  	[sflag:s22] =	ssyncset.done $0x0  }
0xa4: {  	s23 =	sld [smem:$0x3FFE];
	[sflag:s22] =	ssyncadd.s32 $0xFFFFFFFF  }
0xa5: {  	s25 =	simm.s32 $0x1B8E;
	s24 =	sld [smem:$0x0]  }
0xa6: {  	s26 =	simm.s32 $execute0_lowered;
	[smem:$0x3FD2] =	sst s25  }
0xa7: {  	s5 =	sshll.u32 s26, $0x1;
	_ =	strace $0x8000004C;
	[dreg:$0x1] =	wrdreg $0xFFFFFFFF  }
0xa8: {  	s28 =	simm.s32 $_size_execute0_lowered;
	s2 =	sadd.s32 s2, s5;
	[dreg:$0x0] =	wrdreg $0x0  }
0xa9: {  	s5 =	sshll.u32 s28, $0x1;
	[dreg:$0x2] =	wrdreg s2  }
0xaa: {  	[dreg:$0x3] =	wrdreg s5  }
0xab: {  	[dreg:$0x4] =	wrdreg $0xC0  }
0xac: {  	_ =	task [dreg:s6], $0x5FFFF  }
0xad: {  	[dreg:$0x1] =	wrdreg $0xFFFFFFFF  }
0xae: {  	[dreg:$0x0] =	wrdreg $0x60  }
0xaf: {  	[dreg:$0x2] =	wrdreg s23  }
0xb0: {  	[dreg:$0x3] =	wrdreg s1  }
0xb1: {  	[dreg:$0x4] =	wrdreg s24  }
0xb2: {  	[dreg:$0x5] =	wrdreg $0x9  }
0xb3: {  	_ =	task.clear_ibuf [dreg:s6], $0x6FFFF;
	_ =	strace $0x9000004C  }
0xb4: {  	s29 =	simm.s32 $0x9;
	_ =	strace $0x8000004E  }
0xb5: {  	_ =	swait.ge [sflag:s29], $0x1  }
0xb6: {  	[sflag:s29] =	ssyncadd.s32 $0xFFFFFFFF  }
0xb7: {  	_ =	strace $0x9000004E  }
0xb8: {  	_ =	sfence  }
0xb9: {  	s30 =	sld [smem:$0x0];
	_ =	sdelay $0x2  }
0xba: {  	s31 =	sshll.u32 s1, $0xD;
	s1 =	sshrl.u32 s1, $0x2  }
0xbb: {  	s3 =	sand.u32 $0x4000, s31;
	s1 =	sadd.s32 s1, s30  }
0xbc: {  	s0 =	sor.u32 s3, s0;
	s1 =	sshll.u32 s1, $0x11  }
0xbd: {  	s0 =	sor.u32 s1, s0  }
0xbe: {  	s0 =	sadd.s32 $0x8F2B, s0  }
0xbf: {  	[sflag:s0] =	ssyncadd.remote.s32 $0x1  }
0xc0: {  	_ =	sfence.sel $0xFFFF  }
0xc1: {  	[dreg:$0x0] =	wrdreg $0xFFFFFFFF;
	(pc) =	sbr.abs _section_cstart, $3  }
0xc2: {  	[dreg:$0x1] =	wrdreg $0xFFFFFFFF  }
0xc3: {  	_ =	task.clear_ibuf [dreg:s6], $0x2FFFF;
	_ =	strace $0x9FFFFFFF  }
0xc4: {  	(tm) =	ssettm $0x7FFFFFFF  }
0xc5: {  	_ =	shalt  }
tec
execute0_lowered:
.L_overlay_start_1:
0x0: {  	(tag) =	ssettag $0x1  }
0x1: {  	s2 =	rddreg [dreg:$0x0]  }
0x2: {  	s3 =	rddreg [dreg:$0x1];
	_ =	strace $0x8000004D;
	s0 =	simm.s32 $0x1  }
0x3: {  	v0 =	vimm.s32 $0x0;
	[sflag:s0] =	ssyncpa.u1 $0x0;
	s0 =	simm.s32 $0x108  }
0x4: {  	[tilespmem:s0+$0x70] =	vst v0  }
0x5: {  	[tilespmem:s0+$0x60] =	vst v0  }
0x6: {  	[tilespmem:s0+$0x50] =	vst v0  }
0x7: {  	[tilespmem:s0+$0x40] =	vst v0  }
0x8: {  	s1 =	sadd.s32 $0x7F400, s2;
	[tilespmem:s0+$0x30] =	vst v0  }
0x9: {  	s15 =	sadd.s32 $0x561E00, s2;
	s6 =	sadd.s32 $0x18E9E00, s2;
	[tilespmem:s0+$0x20] =	vst v0  }
0xa: {  	s14 =	sadd.s32 $0x4E00, s2;
	s5 =	sand.u32 $0x1, s3;
	s3 =	simm.s32 $0x40;
	[tilespmem:s0+$0x10] =	vst v0  }
.LBB2_1:
0xb: {  	s3 =	sadd.s32 $0x40, s3;
	[tilespmem:s0+$0x0] =	vst v0;
	s0 =	sadd.s32 $0x80, s0  }
0xc: {  	p0 =	slt.u32 s3, $0x3C40;
	[tilespmem:s0+$0x70] =	vst v0  }
0xd: {  	[tilespmem:s0+$0x60] =	vst v0  }
.Ltmp0:
0xe: {  	[tilespmem:s0+$0x50] =	vst v0;
	(pc) =	sbr.rel @p0 .LBB2_1-.Ltmp0, $4  }
0xf: {  	[tilespmem:s0+$0x40] =	vst v0  }
0x10: {  	[tilespmem:s0+$0x30] =	vst v0  }
0x11: {  	[tilespmem:s0+$0x20] =	vst v0  }
0x12: {  	[tilespmem:s0+$0x10] =	vst v0  }
0x13: {  	s9 =	stileid.u32  }
0x14: {  	s2 =	smul.u32 $0x53, s9  }
0x15: {  	s3 =	smin.u32 s9, $0x6  }
0x16: {  	s2 =	sadd.s32 s3, s2  }
0x17: {  	p0 =	slt.u32 s9, $0x6;
	s7 =	smul.u32 $0xF0, s2;
	s2 =	simm.s32 $0x4EC0  }
0x18: {  	s2 =	simm.s32 @!p0 $0x4DD0  }
0x19: {  	s2 =	sadd.s32 s2, s7  }
0x1a: {  	s8 =	smin.u32 s2, $0x4E200  }
0x1b: {  	s2 =	ssub.s32 s8, s7  }
0x1c: {  	p0 =	sgt.s32 s2, $0x0  }
0x1d: {  	s29 =	simm.s32 $0x2;
	s10 =	simm.s32 $0x9;
	s2 =	simm.s32 @!p0 $0x0  }
0x1e: {  	s4 =	simm.s32 $0xA;
	s11 =	simm.s32 $0xB;
	s28 =	smulhi.u32 $0x88888889, s2  }
0x1f: {  	[dreg:$0x4] =	wrdreg s5;
	s31 =	smul.u32 $0x9C40, s5;
	s12 =	simm.s32 $0x1  }
0x20: {  	s22 =	simm.s32 $0x0;
	s18 =	simm.s32 $0xC;
	s30 =	sshrl.u32 s28, $0x7  }
0x21: {  	s20 =	simm.s32 $0x0;
	s21 =	simm.s32 $0x0;
	s3 =	smul.u32 $0xF0, s30  }
.Ltmp1:
0x22: {  	[tilespmem:s0+$0x0] =	vst v0;
	v0 =	vimm.s32 $0xFFFFFFFF;
	[sflag:s29] =	ssyncpa.u1 $0x0;
	s16 =	sshll.u32 s9, $0x8;
	(pc) =	sbr.rel .LBB2_3-.Ltmp1, $4  }
0x23: {  	[tilespmem:$0xF208] =	vst v0;
	[sflag:s10] =	ssyncpa.u1 $0x0;
	p0 =	sne.s32 s2, s3;
	s2 =	simm.s32 $0x1  }
0x24: {  	s14 =	sadd.s32 s31, s14;
	[sflag:s4] =	ssyncpa.u1 $0x0;
	s2 =	simm.s32 @!p0 $0x0  }
0x25: {  	s15 =	sadd.s32 s31, s15;
	[sflag:s11] =	ssyncpa.u1 $0x0;
	s13 =	sadd.s32 s2, s30  }
0x26: {  	v0 =	vlaneseq.u32;
	s19 =	smov.u32 s7;
	p0 =	por $0x0, $0x0;
	s17 =	sadd.s32 $0x1, s13  }
.LBB2_18:
0x27: {  	s0 =	sshrl.u32 s31, $0x2  }
.LBB2_20:
0x28: {  	_ =	swait.ge [sflag:s18], s0  }
0x29: {  	s31 =	ssub.s32 $0x0, s0;
	v1 =	vmov s24;
	vm0 =	veq.s32 v0, $0x0;
	[sflag:s18] =	ssyncset.done $0x0  }
0x2a: {  	vm15 =	veq.s32 v0, $0x2;
	v1 =	vsel vm0, s30, v1;
	[sflag:s18] =	ssyncadd.s32 s31  }
0x2b: {  	v1 =	vsel vm15, s22, v1;
	[sflag:s18] =	ssyncpa.u1 $0x1  }
0x2c: {  	[tilespmem:$0xF208] =	vst v1  }
.LBB2_21:
0x2d: {  	s0 =	sadd.s32 $0xF0, s19  }
0x2e: {  	s2 =	smov.u32 s7;
	p1 =	slt.s32 s0, s8  }
0x2f: {  	s2 =	smov.u32 @p1 s0;
	p1 =	sne.s32 s21, s17  }
.Ltmp2:
0x30: {  	_ = 	snop;
	(pc) =	sbr.rel @!p1 .LBB2_22-.Ltmp2, $3  }
0x31: {  	_ =	sdelay $0x1  }
0x32: {  	s22 =	smov.u32 s20;
	s31 =	sadd.s32 $0x1, s21;
	s20 =	smov.u32 s19  }
0x33: {  	p0 =	por !p0, !p0;
	s21 =	smov.u32 s31;
	s19 =	smov.u32 s2  }
.LBB2_3:
0x34: {  	p1 =	sge.u32 s21, s13  }
0x35: {  	s0 =	smulhi.u32 @!p1 $0xAAAAAAAB, s21  }
0x36: {  	s2 =	smov.u32 s19;
	p2 =	sgt.s32 @!p1 s19, $0x4E110  }
0x37: {  	s3 =	sshra.s32 @!p1 s19, $0x1F;
	p2 =	por !p2, p1;
	s0 =	sshrl.u32 @!p1 s0, $0x1  }
0x38: {  	s3 =	sand.u32 @!p1 s3, s19;
	s2 =	simm.s32 @p2 $0x4E110;
	s0 =	smul.u32 @!p1 $0x3, s0  }
0x39: {  	s2 =	ssub.s32 @!p1 s2, s3  }
0x3a: {  	s2 =	sadd.s32 @!p1 $0xFFFB1EF0, s2;
	s0 =	ssub.s32 @!p1 s21, s0  }
0x3b: {  	s3 =	sshll.u32 @!p1 s2, $0x2;
	p2 =	sgt.s32 @!p1 s2, $0xEF;
	s0 =	smul.u32 @!p1 $0x3C0, s0  }
0x3c: {  	s4 =	sand.u32 @!p1 $0x7, s19;
	s2 =	ssub.s32 @!p1 $0x3C0, s3;
	p2 =	por !p2, p1  }
0x3d: {  	s3 =	sshrl.u32 @!p1 s19, $0x3;
	s2 =	sshrl.u32 @!p1 s2, $0x2;
	s0 =	sshrl.u32 @!p1 s0, $0x2  }
0x3e: {  	s3 =	sadd.s32 @!p1 s3, s14;
	s2 =	simm.s32 @!p2 $0x0;
	s0 =	sadd.s32 @!p1 $0x10248, s0  }
0x3f: {  	[tilespmem:s0], [sflag:$0xA] =	stream.linear.gather @!p1 [hbm4b:s3+s4], s2, $0x38;
	[tilespmem:$0x1F6F8] =	vst v63  }
0x40: {  	s0 =	sadd.s32 $0xFFFFFFFF, s21  }
0x41: {  	p1 =	sge.u32 s0, s13  }
0x42: {  	p2 =	sgt.s32 @!p1 s20, $0x4E110  }
0x43: {  	s2 =	smov.u32 s20;
	s3 =	sshra.s32 @!p1 s20, $0x1F;
	p2 =	por !p2, p1  }
0x44: {  	s3 =	sand.u32 @!p1 s3, s20;
	s2 =	simm.s32 @p2 $0x4E110  }
0x45: {  	s2 =	ssub.s32 @!p1 s2, s3  }
0x46: {  	s2 =	sadd.s32 @!p1 $0xFFFB1EF0, s2  }
0x47: {  	s4 =	sand.u32 @!p1 $0x1, s0;
	s3 =	sshll.u32 @!p1 s2, $0x2  }
0x48: {  	p2 =	sgt.s32 @!p1 s2, $0xEF;
	s2 =	ssub.s32 @!p1 $0x3C0, s3;
	s3 =	smulhi.u32 @!p1 $0xAAAAAAAB, s0  }
0x49: {  	s23 =	smul.u32 @!p1 $0x3C0, s4;
	p2 =	por !p2, p1;
	s2 =	sshrl.u32 @!p1 s2, $0x2  }
0x4a: {  	s5 =	simm.s32 @!p1 $0xA;
	s2 =	simm.s32 @!p2 $0x0;
	s3 =	sshrl.u32 @!p1 s3, $0x1  }
0x4b: {  	s23 =	sshrl.u32 @!p1 s23, $0x2;
	_ =	swait.ge @!p1 [sflag:s5], s2;
	s3 =	smul.u32 @!p1 $0x3, s3  }
0x4c: {  	s23 =	sadd.s32 @!p1 $0x10518, s23;
	s24 =	ssub.s32 @!p1 $0x0, s2;
	[sflag:s5] =	ssyncset.done @!p1 $0x0  }
0x4d: {  	[sflag:s5] =	ssyncadd.s32 @!p1 s24;
	s5 =	sshrl.u32 @!p1 s20, $0x3;
	s0 =	ssub.s32 @!p1 s0, s3  }
0x4e: {  	s24 =	sand.u32 @!p1 $0x7, s20;
	s5 =	sadd.s32 @!p1 s5, s15;
	s0 =	smul.u32 @!p1 $0x3C0, s0  }
0x4f: {  	[tilespmem:s23], [sflag:$0xB] =	stream.linear.gather @!p1 [hbm4b:s5+s24], s2, $0x38;
	[tilespmem:$0x1F6F8] =	vst v63  }
0x50: {  	s3 =	ssub.s32 @!p1 $0x4E200, s20;
	s2 =	smul.u32 @!p1 $0x1E000, s4  }
0x51: {  	p2 =	slt.s32 @!p1 s3, $0xF0  }
0x52: {  	p2 =	por !p2, p1;
	s0 =	sshrl.u32 @!p1 s0, $0x2;
	s2 =	sshrl.u32 @!p1 s2, $0x2  }
0x53: {  	s3 =	simm.s32 @p2 $0xF0;
	s0 =	sadd.s32 @!p1 $0x10248, s0;
	s2 =	sor.u32 @!p1 $0x106F8, s2  }
0x54: {  	[tilespmem:s2], [sflag:$0x9] =	stream.indirect.gather @!p1 [hbm4b:s6+s3], $0x80, s0, s3, $0xb8;
	[tilespmem:$0x1F6F8] =	vst v63  }
0x55: {  	p1 =	slt.u32 s21, $0x2  }
.Ltmp3:
0x56: {  	_ = 	snop;
	(pc) =	sbr.rel @p1 .LBB2_21-.Ltmp3, $1  }
0x57: {  	_ =	sdelay $0x3  }
0x58: {  	p1 =	sgt.s32 s22, $0x4E110  }
0x59: {  	s0 =	smov.u32 s22;
	s2 =	sshra.s32 s22, $0x1F;
	s3 =	ssub.s32 $0x4E200, s22  }
0x5a: {  	s0 =	simm.s32 @!p1 $0x4E110;
	s2 =	sand.u32 s2, s22;
	p1 =	slt.s32 s3, $0xF0  }
0x5b: {  	s0 =	ssub.s32 s0, s2;
	s3 =	simm.s32 @!p1 $0xF0  }
0x5c: {  	s0 =	sadd.s32 $0xFFFB1EF0, s0;
	s25 =	sshll.u32 s3, $0x7  }
0x5d: {  	s26 =	sshll.u32 s0, $0x2;
	s2 =	sand.u32 $0x3FFFFF80, s25  }
0x5e: {  	p1 =	sgt.s32 s0, $0xEF;
	s29 =	ssub.s32 $0x3C0, s26;
	_ =	swait.ge [sflag:s10], s2  }
0x5f: {  	s2 =	ssub.s32 $0x0, s2;
	[sflag:s10] =	ssyncset.done $0x0;
	s0 =	sshrl.u32 s29, $0x2  }
0x60: {  	[sflag:s10] =	ssyncadd.s32 s2;
	s0 =	simm.s32 @p1 $0x0  }
0x61: {  	_ =	swait.ge [sflag:s11], s0  }
0x62: {  	s0 =	ssub.s32 $0x0, s0;
	[sflag:s11] =	ssyncset.done $0x0  }
0x63: {  	[sflag:s11] =	ssyncadd.s32 s0  }
0x64: {  	v1 =	vld [tilespmem:$0xF208];
	_ =	sdelay $0x4  }
0x65: {  	(v2sf) =	vpush v1, $0x0  }
0x66: {  	(v2sf) =	vpush v1, $0x1  }
0x67: {  	(v2sf) =	vpush v1, $0x2;
	_ =	sdelay $0x3  }
0x68: {  	s0 =	sadd.s32 $0xF0, s22  }
0x69: {  	s2 =	ssub.s32 $0x9C400, s22;
	p1 =	slt.s32 s8, s0  }
0x6a: {  	s0 =	smov.u32 @p1 s8;
	p1 =	sgt.s32 s2, $0x0  }
0x6b: {  	s26 =	ssub.s32 s0, s22;
	s2 =	simm.s32 @!p1 $0x0  }
0x6c: {  	p1 =	slt.s32 s2, s26  }
0x6d: {  	s26 =	smov.u32 @p1 s2  }
0x6e: {  	s25 =	simm.s32 $0x1;
	p1 =	slt.s32 s26, $0x1  }
.Ltmp4:
0x6f: {  	s25 =	simm.s32 @!p0 $0x0;
	(pc) =	sbr.rel @p1 .LBB2_8-.Ltmp4, $4  }
0x70: {  	s31 =	smul.u32 $0x3C0, s25  }
0x71: {  	s28 =	spop (v2sf)  }
0x72: {  	s0 =	sshrl.u32 s31, $0x2;
	s30 =	spop (v2sf)  }
0x73: {  	s23 =	sadd.s32 $0x10518, s0;
	s22 =	spop (v2sf)  }
0x74: {  	s0 =	smin.u32 s26, $0x10  }
0x75: {  	v1 =	vmov s0  }
0x76: {  	p2 =	sgt.s32 s26, $0x10;
	vm1 =	vgt.u32 v1, v0  }
.Ltmp5:
0x77: {  	_ = 	snop;
	(pc) =	sbr.rel @!p2 .LBB2_7-.Ltmp5, $2  }
0x78: {  	_ =	sdelay $0x2  }
0x79: {  	s4 =	simm.s32 $0x10;
	s24 =	sadd.s32 $0xFFFFFFF0, s26;
	s0 =	smov.u32 s23;
	vm0 =	vmmov vm1  }
.LBB2_6:
0x7a: {  	s2 =	smin.u32 s24, $0x10;
	s4 =	sadd.s32 $0x10, s4;
	v1 =	vld.msk [tilespmem:s0+$0x0 ss:$0x1], vm1  }
0x7b: {  	v2 =	vmov s2;
	p2 =	slt.s32 s4, s26  }
0x7c: {  	vm1 =	vgt.u32 v2, v0  }
.Ltmp6:
0x7d: {  	(pc) =	sbr.rel @p2 .LBB2_6-.Ltmp6, $3  }
0x7e: {  	_ =	sdelay $0x1  }
0x7f: {  	v1 =	vshll.u32 v1, $0x4  }
0x80: {  	s24 =	sadd.s32 $0xFFFFFFF0, s24;
	[tilespmem:s0+$0x0] =	vst.msk vm0, v1;
	s0 =	sadd.s32 $0x10, s0;
	vm0 =	vmmov vm1  }
.LBB2_7:
0x81: {  	_ =	sdelay $0x4  }
0x82: {  	v1 =	vld.msk [tilespmem:s0+$0x0 ss:$0x1], vm1;
	_ =	sdelay $0x4  }
0x83: {  	v1 =	vshll.u32 v1, $0x4  }
0x84: {  	[tilespmem:s0+$0x0] =	vst.msk vm0, v1  }
.LBB2_8:
0x85: {  	s0 =	sand.u32 $0x1, s21  }
0x86: {  	s0 =	smul.u32 $0xF0, s0  }
0x87: {  	p2 =	sne.s32 s30, $0xFFFFFFFF  }
0x88: {  	v1 =	vld.msk @!p2 [tilespmem:s0+$0x10518], $0x1;
	_ =	sdelay $0x4  }
0x89: {  	(v2sf) =	vpush @!p2 v1, $0x0;
	_ =	sdelay $0xc  }
.Ltmp7:
0x8a: {  	_ = 	snop;
	(pc) =	sbr.rel @p1 .LBB2_19-.Ltmp7, $4  }
0x8b: {  	_ = 	snop  }
0x8c: {  	s29 =	spop @!p2 (v2sf)  }
0x8d: {  	s22 =	simm.s32 @!p2 $0x0;
	s24 =	smov.u32 s29  }
0x8e: {  	[sflag:s18] =	ssyncpa.u1 $0x0;
	s29 =	smov.u32 @p2 s28;
	s24 =	smov.u32 @p2 s30  }
0x8f: {  	v1 =	vld.msk [tilespmem:s23+$0x0], $0x1;
	_ =	sdelay $0x4  }
0x90: {  	(v2sf) =	vpush v1, $0x0;
	_ =	sdelay $0xe  }
0x91: {  	s2 =	smul.u32 $0x1E000, s25;
	s0 =	spop (v2sf)  }
0x92: {  	s26 =	ssub.s32 $0x0, s26;
	p1 =	seq.s32 s29, s0  }
0x93: {  	s30 =	sadd.s32 $0x1, s26;
	s2 =	sshrl.u32 s2, $0x2;
	p2 =	sgt.s32 @!p1 s29, $0x0  }
0x94: {  	s25 =	sor.u32 $0x10738, s2;
	s2 =	smov.u32 s29;
	p2 =	por !p2, p1  }
0x95: {  	s2 =	simm.s32 @p2 $0x0;
	p2 =	seq.s32 s30, $0x0  }
.Ltmp8:
0x96: {  	_ = 	snop;
	(pc) =	sbr.rel @p2 .LBB2_11-.Ltmp8, $4  }
0x97: {  	_ = 	snop  }
0x98: {  	s28 =	simm.s32 $0x0;
	s31 =	sadd.s32 $0x1, s23;
	s2 =	smin.u32 @!p1 s2, $0x270FF0  }
0x99: {  	s4 =	simm.s32 @!p1 $0x1;
	s5 =	simm.s32 @!p1 $0x7988;
	s3 =	sand.u32 @!p1 $0x3FFFF8, s2  }
0x9a: {  	s4 =	smov.u32 @p1 s28;
	s2 =	sand.u32 @!p1 $0x7, s2;
	s3 =	sadd.s32 @!p1 s1, s3  }
.LBB2_10:
0x9b: {  	s9 =	smov.u32 s4  }
0x9c: {  	[tilespmem:s5], [sflag:$0x2] =	stream.linear.gather @!p1 [hbm4b:s3+s2], $0x80, $0x38;
	[tilespmem:$0x1F6F8] =	vst v63  }
0x9d: {  	s30 =	sadd.s32 $0x1, s30;
	s2 =	smov.u32 s0;
	v1 =	vld.msk [tilespmem:s31+$0x0], $0x1  }
0x9e: {  	p2 =	seq.s32 s30, $0x0;
	_ =	sdelay $0x3  }
0x9f: {  	(v2sf) =	vpush v1, $0x0;
	_ =	sdelay $0xe  }
0xa0: {  	s0 =	spop (v2sf)  }
0xa1: {  	p1 =	seq.s32 s2, s0  }
0xa2: {  	p3 =	sgt.s32 @!p1 s2, $0x0;
	s3 =	sshll.u32 @!p1 s4, $0x9;
	s4 =	sadd.s32 @!p1 $0x1, s4  }
.Ltmp9:
0xa3: {  	p3 =	por !p3, p1;
	s3 =	sshra.s32 @!p1 s3, $0x2;
	(pc) =	sbr.rel @!p2 .LBB2_10-.Ltmp9, $4  }
0xa4: {  	s4 =	smov.u32 @p1 s9;
	s2 =	simm.s32 @p3 $0x0;
	s5 =	sadd.s32 @!p1 $0x7988, s3  }
0xa5: {  	s2 =	smin.u32 @!p1 s2, $0x270FF0  }
0xa6: {  	s3 =	sand.u32 @!p1 $0x3FFFF8, s2;
	s2 =	sand.u32 @!p1 $0x7, s2  }
0xa7: {  	s31 =	sadd.s32 $0x1, s31;
	s3 =	sadd.s32 @!p1 s1, s3  }
.LBB2_11:
0xa8: {  	[tilespmem:s5], [sflag:$0x2] =	stream.linear.gather @!p1 [hbm4b:s3+s2], $0x80, $0x38;
	[tilespmem:$0x1F6F8] =	vst v63  }
.Ltmp10:
0xa9: {  	s0 =	sshll.u32 s4, $0x7;
	(pc) =	sbr.rel .LBB2_12-.Ltmp10, $4  }
0xaa: {  	s30 =	simm.s32 $0x2;
	s0 =	sand.u32 $0x3FFFFF80, s0  }
0xab: {  	_ =	swait.ge [sflag:s30], s0  }
0xac: {  	s0 =	ssub.s32 $0x0, s0;
	[sflag:s30] =	ssyncset.done $0x0  }
0xad: {  	s31 =	simm.s32 $0x0;
	[sflag:s30] =	ssyncadd.s32 s0  }
.LBB2_13:
0xae: {  	v1 =	vld [tilespmem:s25+$0xFFFFFFC0];
	_ =	sdelay $0x3  }
0xaf: {  	s0 =	sshra.s32 s0, $0x2  }
0xb0: {  	[tilespmem:s0+$0x108] =	vst.add.f32.msk $0xffff, v1  }
0xb1: {  	v1 =	vld [tilespmem:s25+$0xFFFFFFD0];
	_ =	sdelay $0x4  }
0xb2: {  	[tilespmem:s0+$0x118] =	vst.add.f32.msk $0xffff, v1  }
0xb3: {  	v1 =	vld [tilespmem:s25+$0xFFFFFFE0];
	_ =	sdelay $0x4  }
0xb4: {  	[tilespmem:s0+$0x128] =	vst.add.f32.msk $0xffff, v1  }
0xb5: {  	v1 =	vld [tilespmem:s25+$0xFFFFFFF0];
	_ =	sdelay $0x4  }
0xb6: {  	[tilespmem:s0+$0x138] =	vst.add.f32.msk $0xffff, v1  }
0xb7: {  	v1 =	vld [tilespmem:s25+$0x0];
	_ =	sdelay $0x4  }
0xb8: {  	[tilespmem:s0+$0x148] =	vst.add.f32.msk $0xffff, v1  }
0xb9: {  	v1 =	vld [tilespmem:s25+$0x10];
	_ =	sdelay $0x4  }
0xba: {  	[tilespmem:s0+$0x158] =	vst.add.f32.msk $0xffff, v1  }
0xbb: {  	v1 =	vld [tilespmem:s25+$0x20];
	_ =	sdelay $0x4  }
0xbc: {  	[tilespmem:s0+$0x168] =	vst.add.f32.msk $0xffff, v1  }
0xbd: {  	v1 =	vld [tilespmem:s25+$0x30];
	_ =	sdelay $0x4  }
0xbe: {  	[tilespmem:s0+$0x178] =	vst.add.f32.msk $0xffff, v1  }
.LBB2_17:
0xbf: {  	s26 =	sadd.s32 $0x1, s26  }
0xc0: {  	p1 =	seq.s32 s26, $0x0  }
.Ltmp11:
0xc1: {  	_ = 	snop;
	(pc) =	sbr.rel @p1 .LBB2_18-.Ltmp11, $2  }
0xc2: {  	_ =	sdelay $0x2  }
0xc3: {  	s23 =	sadd.s32 $0x1, s23;
	s25 =	sadd.s32 $0x80, s25;
	s29 =	smov.u32 s30  }
.LBB2_12:
0xc4: {  	v1 =	vld.msk [tilespmem:s23+$0x0], $0x1;
	_ =	sdelay $0x4  }
0xc5: {  	(v2sf) =	vpush v1, $0x0;
	_ =	sdelay $0xe  }
0xc6: {  	s30 =	spop (v2sf)  }
0xc7: {  	p1 =	sne.s32 s29, s30  }
.Ltmp12:
0xc8: {  	_ = 	snop;
	(pc) =	sbr.rel @!p1 .LBB2_13-.Ltmp12, $2  }
0xc9: {  	_ =	sdelay $0x2  }
0xca: {  	s0 =	sshll.u32 s22, $0x9  }
0xcb: {  	p1 =	seq.s32 s29, s24  }
.Ltmp13:
0xcc: {  	_ = 	snop;
	(pc) =	sbr.rel @!p1 .LBB2_15-.Ltmp13, $1  }
0xcd: {  	_ =	sdelay $0x3  }
0xce: {  	s0 =	sshra.s32 s0, $0x2  }
.Ltmp14:
0xcf: {  	s0 =	sadd.s32 $0x108, s0;
	(pc) =	sbr.rel .LBB2_16-.Ltmp14, $4  }
0xd0: {  	[spmem:s16] =	stream.linear.scatter [tilespmem:s0], [sflag:$0x1], $0x80, $0x38;
	[tilespmem:$0x1F6F8] =	vst v63  }
0xd1: {  	_ =	swait.ge [sflag:s12], $0x80  }
0xd2: {  	[sflag:s12] =	ssyncset.done $0x0  }
0xd3: {  	[sflag:s12] =	ssyncadd.s32 $0xFFFFFF80  }
.LBB2_15:
0xd4: {  	s2 =	sshll.u32 s28, $0x9  }
0xd5: {  	s2 =	sshra.s32 s2, $0x2  }
0xd6: {  	v1 =	vld [tilespmem:s2+$0x7988];
	_ =	sdelay $0x3  }
0xd7: {  	s0 =	sshra.s32 s0, $0x2  }
0xd8: {  	[tilespmem:s0+$0x108] =	vst.add.f32.msk $0xffff, v1  }
0xd9: {  	v1 =	vld [tilespmem:s2+$0x7998];
	_ =	sdelay $0x4  }
0xda: {  	[tilespmem:s0+$0x118] =	vst.add.f32.msk $0xffff, v1  }
0xdb: {  	v1 =	vld [tilespmem:s2+$0x79A8];
	_ =	sdelay $0x4  }
0xdc: {  	[tilespmem:s0+$0x128] =	vst.add.f32.msk $0xffff, v1  }
0xdd: {  	v1 =	vld [tilespmem:s2+$0x79B8];
	_ =	sdelay $0x4  }
0xde: {  	[tilespmem:s0+$0x138] =	vst.add.f32.msk $0xffff, v1  }
0xdf: {  	v1 =	vld [tilespmem:s2+$0x79C8];
	_ =	sdelay $0x4  }
0xe0: {  	[tilespmem:s0+$0x148] =	vst.add.f32.msk $0xffff, v1  }
0xe1: {  	v1 =	vld [tilespmem:s2+$0x79D8];
	_ =	sdelay $0x4  }
0xe2: {  	[tilespmem:s0+$0x158] =	vst.add.f32.msk $0xffff, v1  }
0xe3: {  	v1 =	vld [tilespmem:s2+$0x79E8];
	_ =	sdelay $0x4  }
0xe4: {  	[tilespmem:s0+$0x168] =	vst.add.f32.msk $0xffff, v1  }
0xe5: {  	v1 =	vld [tilespmem:s2+$0x79F8];
	_ =	sdelay $0x2  }
0xe6: {  	p1 =	sgt.u32 s29, $0x270FF0  }
0xe7: {  	s2 =	sand.u32 @!p1 $0x3FFFF8, s29  }
0xe8: {  	s3 =	sadd.s32 $0x108, s0;
	[tilespmem:s0+$0x178] =	vst.add.f32.msk $0xffff, v1;
	s0 =	sadd.s32 @!p1 s1, s2;
	s2 =	sand.u32 @!p1 $0x7, s29  }
0xe9: {  	[hbm4b:s0+s2] =	stream.linear.scatter @!p1 [tilespmem:s3], [sflag:$0xC], $0x80, $0x38;
	[tilespmem:$0x1F6F8] =	vst v63  }
0xea: {  	s0 =	simm.s32 $0x0  }
0xeb: {  	s0 =	simm.s32 @!p1 $0x200  }
0xec: {  	s31 =	sadd.s32 s0, s31  }
.LBB2_16:
0xed: {  	s0 =	sadd.s32 $0x1, s22  }
0xee: {  	s2 =	smulhi.u32 $0x88888889, s0;
	_ =	sdelay $0x1  }
0xef: {  	v1 =	vld [tilespmem:s25+$0xFFFFFFC0];
	s2 =	sshrl.u32 s2, $0x7  }
0xf0: {  	s2 =	smul.u32 $0xF0, s2;
	_ =	sdelay $0x1  }
0xf1: {  	s22 =	ssub.s32 s0, s2  }
0xf2: {  	s0 =	sshll.u32 s22, $0x7  }
0xf3: {  	[tilespmem:s0+$0x108] =	vst v1  }
0xf4: {  	v1 =	vld [tilespmem:s25+$0xFFFFFFD0];
	_ =	sdelay $0x4  }
0xf5: {  	[tilespmem:s0+$0x118] =	vst v1  }
0xf6: {  	v1 =	vld [tilespmem:s25+$0xFFFFFFE0];
	_ =	sdelay $0x4  }
0xf7: {  	[tilespmem:s0+$0x128] =	vst v1  }
0xf8: {  	v1 =	vld [tilespmem:s25+$0xFFFFFFF0];
	_ =	sdelay $0x4  }
0xf9: {  	[tilespmem:s0+$0x138] =	vst v1  }
0xfa: {  	v1 =	vld [tilespmem:s25+$0x0];
	_ =	sdelay $0x4  }
0xfb: {  	[tilespmem:s0+$0x148] =	vst v1  }
0xfc: {  	v1 =	vld [tilespmem:s25+$0x10];
	_ =	sdelay $0x4  }
0xfd: {  	[tilespmem:s0+$0x158] =	vst v1  }
0xfe: {  	v1 =	vld [tilespmem:s25+$0x20];
	_ =	sdelay $0x4  }
0xff: {  	[tilespmem:s0+$0x168] =	vst v1  }
0x100: {  	v1 =	vld [tilespmem:s25+$0x30]  }
.Ltmp15:
0x101: {  	_ = 	snop;
	(pc) =	sbr.rel .LBB2_17-.Ltmp15, $2  }
0x102: {  	_ =	sdelay $0x2  }
0x103: {  	s28 =	sadd.s32 $0x1, s28;
	[tilespmem:s0+$0x178] =	vst v1  }
.LBB2_19:
.Ltmp16:
0x104: {  	(pc) =	sbr.rel .LBB2_20-.Ltmp16, $4  }
0x105: {  	_ = 	snop  }
0x106: {  	s0 =	simm.s32 $0x2  }
0x107: {  	_ =	swait.ge [sflag:s0], $0x0  }
0x108: {  	s30 =	smov.u32 s29;
	[sflag:s0] =	ssyncset.done $0x0;
	s0 =	simm.s32 $0x0  }
.LBB2_22:
0x109: {  	_ =	sfence.sel $0x180000  }
0x10a: {  	s0 =	simm.s32 $0x9;
	[bflag:$0x0] =	sbarrier.arrive $0xFFFF  }
0x10b: {  	s24 =	simm.s32 $0xA;
	[sflag:s0] =	ssyncpa.u1 $0x1  }
0x10c: {  	s25 =	simm.s32 $0xB;
	[sflag:s24] =	ssyncpa.u1 $0x1  }
0x10d: {  	s26 =	simm.s32 $0x2;
	[sflag:s25] =	ssyncpa.u1 $0x1  }
0x10e: {  	[sflag:s26] =	ssyncpa.u1 $0x1  }
0x10f: {  	v0 =	vld [tilespmem:$0xF208];
	_ =	sdelay $0x4  }
0x110: {  	(v2sf) =	vpush v0, $0x0  }
0x111: {  	(v2sf) =	vpush v0, $0x1;
	_ =	sdelay $0x1  }
0x112: {  	(v2sf) =	vpush v0, $0x2;
	_ =	sdelay $0xb  }
0x113: {  	s0 =	spop (v2sf)  }
0x114: {  	s2 =	spop (v2sf)  }
0x115: {  	s3 =	smov.u32 s0;
	p0 =	sne.s32 s0, s2  }
0x116: {  	s4 =	spop (v2sf);
	s3 =	simm.s32 @!p0 $0xFFFFFFFF  }
0x117: {  	v2 =	vimm.s32 $0x1;
	v3 =	vlaneseq.u32;
	p0 =	seq.s32 s4, $0xFFFFFFFF;
	v1 =	vmov s3  }
0x118: {  	s16 =	stileid.u32;
	v0 =	vperm.xlane v0, v2;
	p1 =	sne.s32 @!p0 s0, s2;
	v1 =	vperm.xlane v1, v3  }
0x119: {  	vm0 =	vcmask $0x3F04;
	s6 =	simm.s32 $0xF208;
	s0 =	simm.s32 @!p0 $0x1;
	p1 =	por !p1, p0  }
0x11a: {  	s3 =	sshll.u32 s16, $0x1;
	s2 =	sshll.u32 @!p0 s4, $0x9;
	s0 =	simm.s32 @p1 $0x0;
	v0 =	vsel vm0, v1, v0  }
0x11b: {  	s5 =	sor.u32 $0x1000, s3;
	s2 =	sshra.s32 @!p0 s2, $0x2;
	s0 =	sor.u32 @!p0 s0, s3;
	[tilespmem:$0xF208] =	vst v0  }
0x11c: {  	[spmem:s5] =	stream.linear.scatter [tilespmem:s6], [sflag:$0x1], $0x2, $0x38;
	[tilespmem:$0x1F6F8] =	vst v63  }
0x11d: {  	s2 =	sadd.s32 @!p0 $0x108, s2;
	s0 =	sshll.u32 @!p0 s0, $0x7  }
0x11e: {  	[spmem:s0] =	stream.linear.scatter @!p0 [tilespmem:s2], [sflag:$0x1], $0x80, $0x38;
	[tilespmem:$0x1F6F8] =	vst v63  }
0x11f: {  	s0 =	simm.s32 @!p0 $0x82  }
0x120: {  	s28 =	simm.s32 $0x1;
	s0 =	simm.s32 @p0 $0x2  }
0x121: {  	_ =	swait.ge [sflag:s28], s0  }
0x122: {  	s0 =	ssub.s32 $0x0, s0;
	[sflag:s28] =	ssyncset.done $0x0  }
0x123: {  	p0 =	sne.s32 s16, $0x0;
	[sflag:s28] =	ssyncadd.s32 s0  }
.Ltmp17:
0x124: {  	_ =	sfence.stream.spmem;
	(pc) =	sbr.rel @p0 .LBB2_39-.Ltmp17, $4  }
0x125: {  	s29 =	simm.s32 $0x3;
	[bflag:$0x0] =	sbarrier.arrive $0xFFFF  }
0x126: {  	s30 =	simm.s32 $0x4;
	[sflag:s29] =	ssyncpa.u1 $0x1  }
0x127: {  	s31 =	simm.s32 $0x3C;
	[sflag:s30] =	ssyncpa.u1 $0x1  }
0x128: {  	s15 =	rddreg [dreg:$0x4];
	[sflag:s31] =	ssyncpa.u1 $0x1  }
0x129: {  	_ =	sfence.stream.spmem;
	s0 =	simm.s32 $0x5  }
0x12a: {  	s2 =	simm.s32 $0x1000;
	s3 =	simm.s32 $0xF218;
	[sflag:s0] =	ssyncpa.u1 $0x0  }
0x12b: {  	[tilespmem:s3], [sflag:$0x5] =	stream.linear.gather [spmem:s2], $0x20, $0x38;
	[tilespmem:$0x1F6F8] =	vst v63  }
0x12c: {  	s26 =	simm.s32 $0x0;
	s28 =	simm.s32 $0xF238  }
0x12d: {  	[tilespmem:s28], [sflag:$0x5] =	stream.linear.gather [spmem:s26], $0x1000, $0x38;
	[tilespmem:$0x1F6F8] =	vst v63  }
0x12e: {  	_ =	swait.ge [sflag:s0], $0x1020  }
0x12f: {  	[sflag:s0] =	ssyncset.done $0x0  }
0x130: {  	s29 =	simm.s32 $0x0;
	[sflag:s0] =	ssyncadd.s32 $0xFFFFEFE0  }
0x131: {  	v0 =	vld.msk [tilespmem:s29+$0xF218], $0x1;
	_ =	sdelay $0x1  }
0x132: {  	s30 =	simm.s32 $0x1  }
0x133: {  	v1 =	vld.msk [tilespmem:s30+$0xF218], $0x1;
	_ =	sdelay $0x1  }
0x134: {  	(v2sf) =	vpush v0, $0x0;
	_ =	sdelay $0x2  }
0x135: {  	(v2sf) =	vpush v1, $0x0;
	_ =	sdelay $0x2  }
0x136: {  	s31 =	simm.s32 $0x2  }
0x137: {  	v0 =	vld.msk [tilespmem:s31+$0xF218], $0x1;
	_ =	sdelay $0x2  }
0x138: {  	s4 =	simm.s32 $0xFFFFFFFF;
	s5 =	simm.s32 $0xFFFFFFFF;
	s0 =	simm.s32 $0xC  }
.LBB2_24:
0x139: {  	s2 =	smov.u32 s5;
	s3 =	smov.u32 s4  }
0x13a: {  	s4 =	sshra.s32 s0, $0x2;
	p1 =	sne.s32 s0, $0x7C;
	s0 =	sadd.s32 $0x4, s0;
	(v2sf) =	vpush v0, $0x0  }
0x13b: {  	v0 =	vld.msk [tilespmem:s4+$0xF218], $0x1  }
.Ltmp18:
0x13c: {  	(pc) =	sbr.rel @p1 .LBB2_24-.Ltmp18, $4  }
0x13d: {  	s5 =	spop (v2sf)  }
0x13e: {  	p2 =	sne.s32 s3, $0xFFFFFFFF;
	s4 =	smov.u32 s5  }
0x13f: {  	p3 =	seq.s32 s5, $0xFFFFFFFF;
	s4 =	smov.u32 @p2 s3  }
0x140: {  	s5 =	smov.u32 @p3 s2;
	s4 =	smov.u32 @p3 s3  }
0x141: {  	(v2sf) =	vpush v0, $0x0;
	_ =	sdelay $0x8  }
0x142: {  	s0 =	spop (v2sf)  }
0x143: {  	p1 =	sne.s32 s4, $0xFFFFFFFF;
	s2 =	smov.u32 s0  }
0x144: {  	s9 =	simm.s32 $0x6;
	p2 =	seq.s32 s0, $0xFFFFFFFF;
	s2 =	smov.u32 @p1 s4  }
0x145: {  	s6 =	simm.s32 $0x0;
	s2 =	smov.u32 @p2 s4;
	s3 =	spop (v2sf)  }
0x146: {  	s0 =	smov.u32 @p2 s5;
	p1 =	sne.s32 s2, $0xFFFFFFFF;
	s4 =	smov.u32 s3  }
.Ltmp19:
0x147: {  	p2 =	seq.s32 s3, $0xFFFFFFFF;
	s4 =	smov.u32 @p1 s2;
	(pc) =	sbr.rel .LBB2_26-.Ltmp19, $4  }
0x148: {  	s10 =	simm.s32 $0xF188;
	s4 =	smov.u32 @p2 s2;
	s7 =	spop (v2sf)  }
0x149: {  	s11 =	simm.s32 $0x0;
	p1 =	sne.s32 s4, $0xFFFFFFFF;
	s8 =	smov.u32 s7  }
0x14a: {  	s3 =	smov.u32 @p2 s0;
	p2 =	seq.s32 s7, $0xFFFFFFFF;
	s8 =	smov.u32 @p1 s4  }
0x14b: {  	[sflag:s9] =	ssyncpa.u1 $0x0;
	s7 =	smov.u32 @p2 s3;
	s8 =	smov.u32 @p2 s4  }
.LBB2_32:
0x14c: {  	p1 =	sgt.u32 s12, $0x270FF0  }
0x14d: {  	p2 =	seq.s32 @!p1 s12, s8  }
0x14e: {  	p1 =	por p1, p2  }
0x14f: {  	p2 =	sne.s32 @!p1 s12, s7  }
0x150: {  	p1 =	por p1, !p2  }
0x151: {  	s0 =	sshll.u32 @p1 s11, $0x9  }
0x152: {  	s0 =	sand.u32 @!p1 $0x3FFFF8, s12  }
0x153: {  	s2 =	sand.u32 @!p1 $0x7, s12;
	s0 =	sadd.s32 @!p1 s1, s0  }
0x154: {  	[tilespmem:s10], [sflag:$0x6] =	stream.linear.gather @!p1 [hbm4b:s0+s2], $0x80, $0x38;
	[tilespmem:$0x1F6F8] =	vst v63  }
0x155: {  	_ =	swait.ge @!p1 [sflag:s9], $0x80  }
0x156: {  	[sflag:s9] =	ssyncset.done @!p1 $0x0  }
0x157: {  	[sflag:s9] =	ssyncadd.s32 @!p1 $0xFFFFFF80  }
0x158: {  	v1 =	vld @!p1 [tilespmem:$0xF188];
	_ =	sdelay $0x2  }
0x159: {  	s0 =	sshll.u32 @!p1 s11, $0x9  }
0x15a: {  	s2 =	sshrl.u32 @!p1 s0, $0x2  }
0x15b: {  	[tilespmem:s2+$0xF238] =	vst.add.f32.msk @!p1 $0xffff, v1  }
0x15c: {  	v1 =	vld @!p1 [tilespmem:$0xF198];
	_ =	sdelay $0x4  }
0x15d: {  	[tilespmem:s2+$0xF248] =	vst.add.f32.msk @!p1 $0xffff, v1  }
0x15e: {  	v1 =	vld @!p1 [tilespmem:$0xF1A8];
	_ =	sdelay $0x4  }
0x15f: {  	[tilespmem:s2+$0xF258] =	vst.add.f32.msk @!p1 $0xffff, v1  }
0x160: {  	v1 =	vld @!p1 [tilespmem:$0xF1B8];
	_ =	sdelay $0x4  }
0x161: {  	[tilespmem:s2+$0xF268] =	vst.add.f32.msk @!p1 $0xffff, v1  }
0x162: {  	v1 =	vld @!p1 [tilespmem:$0xF1C8];
	_ =	sdelay $0x4  }
0x163: {  	[tilespmem:s2+$0xF278] =	vst.add.f32.msk @!p1 $0xffff, v1  }
0x164: {  	v1 =	vld @!p1 [tilespmem:$0xF1D8];
	_ =	sdelay $0x4  }
0x165: {  	[tilespmem:s2+$0xF288] =	vst.add.f32.msk @!p1 $0xffff, v1  }
0x166: {  	v1 =	vld @!p1 [tilespmem:$0xF1E8];
	_ =	sdelay $0x4  }
0x167: {  	[tilespmem:s2+$0xF298] =	vst.add.f32.msk @!p1 $0xffff, v1  }
0x168: {  	v1 =	vld @!p1 [tilespmem:$0xF1F8];
	_ =	sdelay $0x4  }
0x169: {  	[tilespmem:s2+$0xF2A8] =	vst.add.f32.msk @!p1 $0xffff, v1  }
0x16a: {  	s0 =	sshrl.u32 s0, $0x2;
	[tilespmem:s6+$0xF218] =	vst.msk $0x1, v0  }
0x16b: {  	v0 =	vld [tilespmem:s0+$0xF238];
	_ =	sdelay $0x2  }
0x16c: {  	s31 =	sshll.u32 s6, $0x9  }
0x16d: {  	s2 =	sshra.s32 s31, $0x2  }
0x16e: {  	[tilespmem:s2+$0xF238] =	vst v0  }
0x16f: {  	v0 =	vld [tilespmem:s0+$0xF248];
	_ =	sdelay $0x4  }
0x170: {  	[tilespmem:s2+$0xF248] =	vst v0  }
0x171: {  	v0 =	vld [tilespmem:s0+$0xF258];
	_ =	sdelay $0x4  }
0x172: {  	[tilespmem:s2+$0xF258] =	vst v0  }
0x173: {  	v0 =	vld [tilespmem:s0+$0xF268];
	_ =	sdelay $0x4  }
0x174: {  	[tilespmem:s2+$0xF268] =	vst v0  }
0x175: {  	v0 =	vld [tilespmem:s0+$0xF278];
	_ =	sdelay $0x4  }
0x176: {  	[tilespmem:s2+$0xF278] =	vst v0  }
0x177: {  	v0 =	vld [tilespmem:s0+$0xF288];
	_ =	sdelay $0x4  }
0x178: {  	[tilespmem:s2+$0xF288] =	vst v0  }
0x179: {  	v0 =	vld [tilespmem:s0+$0xF298];
	_ =	sdelay $0x4  }
0x17a: {  	[tilespmem:s2+$0xF298] =	vst v0  }
0x17b: {  	v0 =	vld [tilespmem:s0+$0xF2A8];
	_ =	sdelay $0x4  }
0x17c: {  	s6 =	sadd.s32 $0x1, s6;
	[tilespmem:s2+$0xF2A8] =	vst v0  }
.LBB2_33:
0x17d: {  	s11 =	sadd.s32 $0x1, s11  }
0x17e: {  	p1 =	sne.s32 s11, $0x20  }
.Ltmp20:
0x17f: {  	_ = 	snop;
	(pc) =	sbr.rel @!p1 .LBB2_34-.Ltmp20, $1  }
0x180: {  	_ =	sdelay $0x3  }
.LBB2_26:
0x181: {  	v0 =	vld.msk [tilespmem:s11+$0xF218], $0x1;
	_ =	sdelay $0x4  }
0x182: {  	(v2sf) =	vpush v0, $0x0;
	_ =	sdelay $0xe  }
0x183: {  	s12 =	spop (v2sf)  }
0x184: {  	p1 =	seq.s32 s12, $0xFFFFFFFF  }
.Ltmp21:
0x185: {  	_ = 	snop;
	(pc) =	sbr.rel @p1 .LBB2_33-.Ltmp21, $1  }
0x186: {  	_ =	sdelay $0x3  }
0x187: {  	p1 =	slt.s32 s6, $0x1  }
.Ltmp22:
0x188: {  	_ = 	snop;
	(pc) =	sbr.rel @p1 .LBB2_32-.Ltmp22, $1  }
0x189: {  	_ =	sdelay $0x3  }
0x18a: {  	s13 =	simm.s32 $0xF218;
	p1 =	por $0x0, $0x0  }
0x18b: {  	v1 =	vld.msk @!p1 [tilespmem:s13+$0x0], $0x1;
	_ =	sdelay $0x4  }
0x18c: {  	(v2sf) =	vpush @!p1 v1, $0x0;
	_ =	sdelay $0xd  }
0x18d: {  	p3 =	sne.s32 s6, $0x1  }
.Ltmp23:
0x18e: {  	s0 =	spop @!p1 (v2sf);
	(pc) =	sbr.rel @!p3 .LBB2_30-.Ltmp23, $4  }
0x18f: {  	p2 =	seq.s32 @!p1 s12, s0  }
0x190: {  	s14 =	simm.s32 $0x0;
	p2 =	por !p2, p1  }
0x191: {  	s2 =	simm.s32 $0xFFFFFFFF;
	s14 =	simm.s32 @p2 $0xFFFFFFFF  }
0x192: {  	s0 =	simm.s32 $0x1;
	s14 =	smov.u32 @p1 s2  }
.LBB2_29:
0x193: {  	s2 =	smov.u32 s14;
	p1 =	sne.s32 s14, $0xFFFFFFFF  }
0x194: {  	s13 =	sadd.s32 $0x1, s13;
	s14 =	smov.u32 s0;
	s0 =	sadd.s32 $0x1, s0  }
0x195: {  	p2 =	sne.s32 s6, s0;
	v1 =	vld.msk @!p1 [tilespmem:s13+$0x0], $0x1;
	_ =	sdelay $0x4  }
0x196: {  	(v2sf) =	vpush @!p1 v1, $0x0;
	_ =	sdelay $0xe  }
.Ltmp24:
0x197: {  	s3 =	spop @!p1 (v2sf);
	(pc) =	sbr.rel @p2 .LBB2_29-.Ltmp24, $4  }
0x198: {  	p3 =	seq.s32 @!p1 s12, s3  }
0x199: {  	p3 =	por !p3, p1  }
0x19a: {  	s14 =	simm.s32 @p3 $0xFFFFFFFF  }
0x19b: {  	s14 =	smov.u32 @p1 s2  }
.LBB2_30:
0x19c: {  	p1 =	seq.s32 s14, $0xFFFFFFFF  }
.Ltmp25:
0x19d: {  	_ = 	snop;
	(pc) =	sbr.rel @p1 .LBB2_32-.Ltmp25, $1  }
0x19e: {  	_ =	sdelay $0x3  }
0x19f: {  	s0 =	sshll.u32 s11, $0x7  }
0x1a0: {  	s0 =	sand.u32 $0x3FFFFF80, s0  }
0x1a1: {  	v0 =	vld [tilespmem:s0+$0xF238];
	_ =	sdelay $0x2  }
0x1a2: {  	s2 =	sshll.u32 s14, $0x9  }
0x1a3: {  	s2 =	sshra.s32 s2, $0x2  }
0x1a4: {  	[tilespmem:s2+$0xF238] =	vst.add.f32.msk $0xffff, v0  }
0x1a5: {  	v0 =	vld [tilespmem:s0+$0xF248];
	_ =	sdelay $0x4  }
0x1a6: {  	[tilespmem:s2+$0xF248] =	vst.add.f32.msk $0xffff, v0  }
0x1a7: {  	v0 =	vld [tilespmem:s0+$0xF258];
	_ =	sdelay $0x4  }
0x1a8: {  	[tilespmem:s2+$0xF258] =	vst.add.f32.msk $0xffff, v0  }
0x1a9: {  	v0 =	vld [tilespmem:s0+$0xF268];
	_ =	sdelay $0x4  }
0x1aa: {  	[tilespmem:s2+$0xF268] =	vst.add.f32.msk $0xffff, v0  }
0x1ab: {  	v0 =	vld [tilespmem:s0+$0xF278];
	_ =	sdelay $0x4  }
0x1ac: {  	[tilespmem:s2+$0xF278] =	vst.add.f32.msk $0xffff, v0  }
0x1ad: {  	v0 =	vld [tilespmem:s0+$0xF288];
	_ =	sdelay $0x4  }
0x1ae: {  	[tilespmem:s2+$0xF288] =	vst.add.f32.msk $0xffff, v0  }
0x1af: {  	v0 =	vld [tilespmem:s0+$0xF298];
	_ =	sdelay $0x4  }
0x1b0: {  	[tilespmem:s2+$0xF298] =	vst.add.f32.msk $0xffff, v0  }
0x1b1: {  	v0 =	vld [tilespmem:s0+$0xF2A8]  }
.Ltmp26:
0x1b2: {  	_ = 	snop;
	(pc) =	sbr.rel .LBB2_33-.Ltmp26, $2  }
0x1b3: {  	_ =	sdelay $0x2  }
0x1b4: {  	[tilespmem:s2+$0xF2A8] =	vst.add.f32.msk $0xffff, v0  }
.LBB2_34:
0x1b5: {  	s0 =	simm.s32 $0x6;
	p1 =	seq.s32 s6, $0x0  }
0x1b6: {  	[sflag:s0] =	ssyncpa.u1 $0x1;
	v0 =	vimm.s32 @p1 $0xFFFFFFFF  }
0x1b7: {  	s9 =	sadd.s32 $0xFFFFFFFF, s6;
	[tilespmem:$0x10238] =	vst @p1 v0  }
0x1b8: {  	v0 =	vld.msk @!p1 [tilespmem:s9+$0xF218], $0x1;
	_ =	sdelay $0x1  }
0x1b9: {  	v1 =	vld.msk @!p1 [tilespmem:$0xF218], $0x1;
	_ =	sdelay $0x2  }
0x1ba: {  	p2 =	seq.s32 @!p1 s9, $0x0;
	v0 =	vbroadcast @!p1 v0, $0x0  }
0x1bb: {  	vm0 =	vmmov @!p1 $0x1;
	p2 =	por !p2, p1  }
0x1bc: {  	v1 =	vnsel @!p1 vm0, $0xFFFFFFFF, v1;
	vm0 =	vcmask @!p1 $0x308;
	v0 =	vpsel !p2, $0xFFFFFFFF, v0  }
0x1bd: {  	p2 =	sne.s32 @!p1 s8, s7;
	v0 =	vsel @!p1 vm0, v1, v0  }
0x1be: {  	s0 =	simm.s32 @!p1 $0xF238;
	s2 =	simm.s32 @!p1 $0x0;
	p3 =	por !p2, p1;
	[tilespmem:$0x10238] =	vst @!p1 v0  }
0x1bf: {  	[spmem:s2] =	stream.linear.scatter @!p1 [tilespmem:s0], [sflag:$0x1], $0x80, $0x38;
	[tilespmem:$0x1F6F8] =	vst v63  }
0x1c0: {  	s0 =	sshll.u32 @!p3 s9, $0x9  }
0x1c1: {  	s0 =	sshra.s32 @!p3 s0, $0x2  }
0x1c2: {  	s2 =	simm.s32 @!p3 $0x80;
	s0 =	sadd.s32 @!p3 $0xF238, s0  }
0x1c3: {  	[spmem:s2] =	stream.linear.scatter @!p3 [tilespmem:s0], [sflag:$0x1], $0x80, $0x38;
	[tilespmem:$0x1F6F8] =	vst v63  }
0x1c4: {  	s0 =	simm.s32 @!p3 $0x1  }
0x1c5: {  	_ =	swait.ge @!p3 [sflag:s0], $0x100  }
0x1c6: {  	p1 =	por p2, p1;
	[sflag:s0] =	ssyncset.done @!p3 $0x0  }
0x1c7: {  	[sflag:s0] =	ssyncadd.s32 @!p3 $0xFFFFFF00;
	s0 =	simm.s32 @!p1 $0x1  }
0x1c8: {  	_ =	swait.ge @!p1 [sflag:s0], $0x80  }
0x1c9: {  	s29 =	simm.s32 $0x10238;
	[sflag:s0] =	ssyncset.done @!p1 $0x0  }
0x1ca: {  	s30 =	simm.s32 $0x1000;
	s31 =	simm.s32 $0x1;
	[sflag:s0] =	ssyncadd.s32 @!p1 $0xFFFFFF80  }
0x1cb: {  	[spmem:s30] =	stream.linear.scatter [tilespmem:s29], [sflag:$0x1], $0x10, $0x38;
	[tilespmem:$0x1F6F8] =	vst v63  }
0x1cc: {  	_ =	swait.ge [sflag:s31], $0x10  }
0x1cd: {  	[sflag:s31] =	ssyncset.done $0x0  }
0x1ce: {  	p1 =	seq.s32 s15, $0x0;
	s8 =	rddreg [dreg:$0x1];
	[sflag:s31] =	ssyncadd.s32 $0xFFFFFFF0  }
0x1cf: {  	s2 =	sshll.u32 @p1 s8, $0xE;
	s7 =	rddreg [dreg:$0x2]  }
0x1d0: {  	s0 =	sadd.s32 @p1 $0x15C3C, s2;
	s2 =	sshll.u32 @p1 s7, $0x11  }
0x1d1: {  	_ =	sfence.stream.spmem;
	s0 =	sor.u32 @p1 s2, s0  }
0x1d2: {  	[sflag:s0] =	ssyncadd.remote.s32 @p1 $0x1;
	s0 =	simm.s32 @p1 $0x4  }
0x1d3: {  	s3 =	simm.s32 @!p1 $0x3C;
	s2 =	sand.u32 $0xFFFFFFFE, s8;
	_ =	swait.ge @p1 [sflag:s0], $0x22  }
0x1d4: {  	s4 =	simm.s32 @!p1 $0x0;
	s2 =	sadd.s32 @!p1 $0x4, s2;
	[sflag:s0] =	ssyncset.done @p1 $0x0  }
0x1d5: {  	s5 =	simm.s32 @!p1 $0x100;
	[sflag:s0] =	ssyncadd.s32 @p1 $0xFFFFFFDE;
	s0 =	sshll.u32 @!p1 s2, $0x1A  }
0x1d6: {  	s2 =	sshll.u32 @!p1 s2, $0xD;
	s0 =	sor.u32 @!p1 s0, s7;
	_ =	swait.eq @!p1 [sflag:s3], $0x1  }
0x1d7: {  	s2 =	sor.u32 @!p1 $0x1C04, s2;
	s3 =	simm.s32 @!p1 $0x1C03;
	s0 =	sor.u32 @!p1 $0x80004000, s0  }
0x1d8: {  	[spmem:s5], [sflag:s2] =	dma.general @!p1 [spmem:s4], [sflag:s3], length:$0x20, [dreg:$0x0], stride_count:$0x0, ici_dest:s0, dma_misc:DstOpCode:WRITE  }
0x1d9: {  	p2 =	slt.s32 s9, $0x2;
	s4 =	simm.s32 @!p1 $0x200;
	s5 =	simm.s32 @!p1 $0x202  }
0x1da: {  	[spmem:s5], [sflag:s2] =	dma.general @!p1 [spmem:s4], [sflag:s3], length:$0x2, [dreg:$0x0], stride_count:$0x0, ici_dest:s0, dma_misc:DstOpCode:WRITE  }
.Ltmp27:
0x1db: {  	s0 =	simm.s32 @!p1 $0x3;
	(pc) =	sbr.rel @p2 .LBB2_38-.Ltmp27, $4  }
0x1dc: {  	s2 =	sshll.u32 @!p1 s8, $0xE;
	_ =	swait.ge @!p1 [sflag:s0], $0x22  }
0x1dd: {  	s3 =	sshll.u32 @!p1 s7, $0x11;
	s2 =	sadd.s32 @!p1 $0x11C3C, s2;
	[sflag:s0] =	ssyncset.done @!p1 $0x0  }
0x1de: {  	[sflag:s0] =	ssyncadd.s32 @!p1 $0xFFFFFFDE;
	s0 =	sor.u32 @!p1 s3, s2  }
0x1df: {  	[sflag:s0] =	ssyncadd.remote.s32 @!p1 $0xFFFFFFFF;
	s0 =	simm.s32 $0x0  }
0x1e0: {  	s0 =	simm.s32 $0xF219  }
0x1e1: {  	v0 =	vld.msk [tilespmem:s0+$0x0], $0x1;
	_ =	sdelay $0x4  }
0x1e2: {  	(v2sf) =	vpush v0, $0x0;
	_ =	sdelay $0xb  }
0x1e3: {  	s31 =	sadd.s32 $0xFFFFFFFE, s6  }
0x1e4: {  	s0 =	sadd.s32 $0xFFFFFFFF, s31  }
0x1e5: {  	p2 =	sne.s32 s0, $0x0  }
.Ltmp28:
0x1e6: {  	s2 =	spop (v2sf);
	(pc) =	sbr.rel @!p2 .LBB2_37-.Ltmp28, $4  }
0x1e7: {  	s4 =	simm.s32 $0xF2B8;
	s7 =	simm.s32 $0x0;
	p1 =	sgt.u32 s2, $0x270FF0  }
0x1e8: {  	s5 =	simm.s32 $0x0;
	s6 =	simm.s32 $0xF21A;
	s3 =	sand.u32 @!p1 $0x3FFFF8, s2  }
0x1e9: {  	s2 =	sand.u32 @!p1 $0x7, s2;
	s7 =	simm.s32 @!p1 $0x200;
	s3 =	sadd.s32 @!p1 s1, s3  }
0x1ea: {  	[hbm4b:s3+s2] =	stream.linear.scatter @!p1 [tilespmem:s4], [sflag:$0x5], $0x80, $0x38;
	[tilespmem:$0x1F6F8] =	vst v63  }
.LBB2_36:
0x1eb: {  	v0 =	vld.msk [tilespmem:s6+$0x0], $0x1;
	s0 =	sadd.s32 $0xFFFFFFFF, s0;
	s5 =	sadd.s32 s5, s7  }
0x1ec: {  	p1 =	sne.s32 s0, $0x0;
	_ =	sdelay $0x3  }
0x1ed: {  	(v2sf) =	vpush v0, $0x0;
	_ =	sdelay $0xe  }
.Ltmp29:
0x1ee: {  	s2 =	spop (v2sf);
	(pc) =	sbr.rel @p1 .LBB2_36-.Ltmp29, $4  }
0x1ef: {  	s7 =	simm.s32 $0x0;
	p2 =	sgt.u32 s2, $0x270FF0  }
0x1f0: {  	s4 =	sadd.s32 $0x80, s4;
	s7 =	simm.s32 @!p2 $0x200;
	s3 =	sand.u32 @!p2 $0x3FFFF8, s2  }
0x1f1: {  	s6 =	sadd.s32 $0x1, s6;
	s2 =	sand.u32 @!p2 $0x7, s2;
	s3 =	sadd.s32 @!p2 s1, s3  }
0x1f2: {  	[hbm4b:s3+s2] =	stream.linear.scatter @!p2 [tilespmem:s4], [sflag:$0x5], $0x80, $0x38;
	[tilespmem:$0x1F6F8] =	vst v63  }
.LBB2_37:
0x1f3: {  	s0 =	sadd.s32 s5, s7  }
0x1f4: {  	s0 =	sshrl.u32 s0, $0x2  }
.LBB2_38:
0x1f5: {  	s2 =	simm.s32 $0x5  }
0x1f6: {  	_ =	swait.ge [sflag:s2], s0  }
0x1f7: {  	s31 =	ssub.s32 $0x0, s0;
	[sflag:s2] =	ssyncset.done $0x0  }
0x1f8: {  	[sflag:s2] =	ssyncadd.s32 s31  }
0x1f9: {  	[sflag:s2] =	ssyncpa.u1 $0x1  }
.LBB2_39:
0x1fa: {  	s0 =	sor.u32 s15, s16  }
0x1fb: {  	p1 =	sne.s32 s0, $0x0  }
.Ltmp30:
0x1fc: {  	_ = 	snop;
	(pc) =	sbr.rel @p1 .LBB2_54-.Ltmp30, $3  }
0x1fd: {  	_ =	sdelay $0x1  }
0x1fe: {  	[bflag:$0x0] =	sbarrier.arrive $0xFFFF  }
0x1ff: {  	_ =	sfence  }
0x200: {  	s0 =	simm.s32 $0x7  }
0x201: {  	s2 =	simm.s32 $0x1000;
	s3 =	simm.s32 $0xF218;
	[sflag:s0] =	ssyncpa.u1 $0x0  }
0x202: {  	[tilespmem:s3], [sflag:$0x7] =	stream.linear.gather [spmem:s2], $0x20, $0x38;
	[tilespmem:$0x1F6F8] =	vst v63  }
0x203: {  	s30 =	simm.s32 $0xF238;
	s2 =	simm.s32 $0x0  }
0x204: {  	[tilespmem:s30], [sflag:$0x7] =	stream.linear.gather [spmem:s2], $0x1000, $0x38;
	[tilespmem:$0x1F6F8] =	vst v63  }
.Ltmp31:
0x205: {  	_ = 	snop;
	(pc) =	sbr.rel .LBB2_41-.Ltmp31, $4  }
0x206: {  	_ =	swait.ge [sflag:s0], $0x1020  }
0x207: {  	[sflag:s0] =	ssyncset.done $0x0  }
0x208: {  	s31 =	simm.s32 $0x8;
	[sflag:s0] =	ssyncadd.s32 $0xFFFFEFE0  }
0x209: {  	s3 =	simm.s32 $0x0;
	[sflag:s31] =	ssyncpa.u1 $0x0  }
.LBB2_47:
0x20a: {  	p1 =	slt.u32 s4, $0x270FF1  }
0x20b: {  	s0 =	sand.u32 @p1 $0x3FFFF8, s4  }
0x20c: {  	s4 =	sand.u32 @p1 $0x7, s4;
	s5 =	simm.s32 @p1 $0xF188;
	s0 =	sadd.s32 @p1 s1, s0  }
0x20d: {  	[tilespmem:s5], [sflag:$0x8] =	stream.linear.gather @p1 [hbm4b:s0+s4], $0x80, $0x38;
	[tilespmem:$0x1F6F8] =	vst v63  }
0x20e: {  	s0 =	simm.s32 @p1 $0x8  }
0x20f: {  	_ =	swait.ge @p1 [sflag:s0], $0x80  }
0x210: {  	[sflag:s0] =	ssyncset.done @p1 $0x0  }
0x211: {  	[sflag:s0] =	ssyncadd.s32 @p1 $0xFFFFFF80  }
0x212: {  	v1 =	vld @p1 [tilespmem:$0xF188];
	_ =	sdelay $0x2  }
0x213: {  	s0 =	sshll.u32 @p1 s3, $0x9  }
0x214: {  	s4 =	sshrl.u32 @p1 s0, $0x2  }
0x215: {  	[tilespmem:s4+$0xF238] =	vst.add.f32.msk @p1 $0xffff, v1  }
0x216: {  	v1 =	vld @p1 [tilespmem:$0xF198];
	_ =	sdelay $0x4  }
0x217: {  	[tilespmem:s4+$0xF248] =	vst.add.f32.msk @p1 $0xffff, v1  }
0x218: {  	v1 =	vld @p1 [tilespmem:$0xF1A8];
	_ =	sdelay $0x4  }
0x219: {  	[tilespmem:s4+$0xF258] =	vst.add.f32.msk @p1 $0xffff, v1  }
0x21a: {  	v1 =	vld @p1 [tilespmem:$0xF1B8];
	_ =	sdelay $0x4  }
0x21b: {  	[tilespmem:s4+$0xF268] =	vst.add.f32.msk @p1 $0xffff, v1  }
0x21c: {  	v1 =	vld @p1 [tilespmem:$0xF1C8];
	_ =	sdelay $0x4  }
0x21d: {  	[tilespmem:s4+$0xF278] =	vst.add.f32.msk @p1 $0xffff, v1  }
0x21e: {  	v1 =	vld @p1 [tilespmem:$0xF1D8];
	_ =	sdelay $0x4  }
0x21f: {  	[tilespmem:s4+$0xF288] =	vst.add.f32.msk @p1 $0xffff, v1  }
0x220: {  	v1 =	vld @p1 [tilespmem:$0xF1E8];
	_ =	sdelay $0x4  }
0x221: {  	[tilespmem:s4+$0xF298] =	vst.add.f32.msk @p1 $0xffff, v1  }
0x222: {  	v1 =	vld @p1 [tilespmem:$0xF1F8];
	_ =	sdelay $0x3  }
0x223: {  	s5 =	sshll.u32 @!p1 s3, $0x9  }
0x224: {  	s5 =	smov.u32 @p1 s0;
	[tilespmem:s4+$0xF2A8] =	vst.add.f32.msk @p1 $0xffff, v1  }
0x225: {  	s0 =	sshrl.u32 s5, $0x2;
	[tilespmem:s2+$0xF218] =	vst.msk $0x1, v0  }
0x226: {  	v0 =	vld [tilespmem:s0+$0xF238];
	_ =	sdelay $0x2  }
0x227: {  	s31 =	sshll.u32 s2, $0x9  }
0x228: {  	s4 =	sshra.s32 s31, $0x2  }
0x229: {  	[tilespmem:s4+$0xF238] =	vst v0  }
0x22a: {  	v0 =	vld [tilespmem:s0+$0xF248];
	_ =	sdelay $0x4  }
0x22b: {  	[tilespmem:s4+$0xF248] =	vst v0  }
0x22c: {  	v0 =	vld [tilespmem:s0+$0xF258];
	_ =	sdelay $0x4  }
0x22d: {  	[tilespmem:s4+$0xF258] =	vst v0  }
0x22e: {  	v0 =	vld [tilespmem:s0+$0xF268];
	_ =	sdelay $0x4  }
0x22f: {  	[tilespmem:s4+$0xF268] =	vst v0  }
0x230: {  	v0 =	vld [tilespmem:s0+$0xF278];
	_ =	sdelay $0x4  }
0x231: {  	[tilespmem:s4+$0xF278] =	vst v0  }
0x232: {  	v0 =	vld [tilespmem:s0+$0xF288];
	_ =	sdelay $0x4  }
0x233: {  	[tilespmem:s4+$0xF288] =	vst v0  }
0x234: {  	v0 =	vld [tilespmem:s0+$0xF298];
	_ =	sdelay $0x4  }
0x235: {  	[tilespmem:s4+$0xF298] =	vst v0  }
0x236: {  	v0 =	vld [tilespmem:s0+$0xF2A8];
	_ =	sdelay $0x4  }
0x237: {  	s2 =	sadd.s32 $0x1, s2;
	[tilespmem:s4+$0xF2A8] =	vst v0  }
.LBB2_48:
0x238: {  	s3 =	sadd.s32 $0x1, s3  }
0x239: {  	p1 =	sne.s32 s3, $0x20  }
.Ltmp32:
0x23a: {  	_ = 	snop;
	(pc) =	sbr.rel @!p1 .LBB2_49-.Ltmp32, $1  }
0x23b: {  	_ =	sdelay $0x3  }
.LBB2_41:
0x23c: {  	v0 =	vld.msk [tilespmem:s3+$0xF218], $0x1;
	_ =	sdelay $0x4  }
0x23d: {  	(v2sf) =	vpush v0, $0x0;
	_ =	sdelay $0xe  }
0x23e: {  	s4 =	spop (v2sf)  }
0x23f: {  	p1 =	seq.s32 s4, $0xFFFFFFFF  }
.Ltmp33:
0x240: {  	_ = 	snop;
	(pc) =	sbr.rel @p1 .LBB2_48-.Ltmp33, $1  }
0x241: {  	_ =	sdelay $0x3  }
0x242: {  	p1 =	slt.s32 s2, $0x1  }
.Ltmp34:
0x243: {  	_ = 	snop;
	(pc) =	sbr.rel @p1 .LBB2_47-.Ltmp34, $1  }
0x244: {  	_ =	sdelay $0x3  }
0x245: {  	s5 =	simm.s32 $0xF218;
	p1 =	por $0x0, $0x0  }
0x246: {  	v1 =	vld.msk @!p1 [tilespmem:s5+$0x0], $0x1;
	_ =	sdelay $0x4  }
0x247: {  	(v2sf) =	vpush @!p1 v1, $0x0;
	_ =	sdelay $0xd  }
0x248: {  	p3 =	sne.s32 s2, $0x1  }
.Ltmp35:
0x249: {  	s0 =	spop @!p1 (v2sf);
	(pc) =	sbr.rel @!p3 .LBB2_45-.Ltmp35, $4  }
0x24a: {  	p2 =	seq.s32 @!p1 s4, s0  }
0x24b: {  	s6 =	simm.s32 $0x0;
	p2 =	por !p2, p1  }
0x24c: {  	s7 =	simm.s32 $0xFFFFFFFF;
	s6 =	simm.s32 @p2 $0xFFFFFFFF  }
0x24d: {  	s0 =	simm.s32 $0x1;
	s6 =	smov.u32 @p1 s7  }
.LBB2_44:
0x24e: {  	s7 =	smov.u32 s6;
	p1 =	sne.s32 s6, $0xFFFFFFFF  }
0x24f: {  	s5 =	sadd.s32 $0x1, s5;
	s6 =	smov.u32 s0;
	s0 =	sadd.s32 $0x1, s0  }
0x250: {  	p2 =	sne.s32 s2, s0;
	v1 =	vld.msk @!p1 [tilespmem:s5+$0x0], $0x1;
	_ =	sdelay $0x4  }
0x251: {  	(v2sf) =	vpush @!p1 v1, $0x0;
	_ =	sdelay $0xe  }
.Ltmp36:
0x252: {  	s8 =	spop @!p1 (v2sf);
	(pc) =	sbr.rel @p2 .LBB2_44-.Ltmp36, $4  }
0x253: {  	p3 =	seq.s32 @!p1 s4, s8  }
0x254: {  	p3 =	por !p3, p1  }
0x255: {  	s6 =	simm.s32 @p3 $0xFFFFFFFF  }
0x256: {  	s6 =	smov.u32 @p1 s7  }
.LBB2_45:
0x257: {  	p1 =	seq.s32 s6, $0xFFFFFFFF  }
.Ltmp37:
0x258: {  	_ = 	snop;
	(pc) =	sbr.rel @p1 .LBB2_47-.Ltmp37, $1  }
0x259: {  	_ =	sdelay $0x3  }
0x25a: {  	s0 =	sshll.u32 s3, $0x7  }
0x25b: {  	s0 =	sand.u32 $0x3FFFFF80, s0  }
0x25c: {  	v0 =	vld [tilespmem:s0+$0xF238];
	_ =	sdelay $0x2  }
0x25d: {  	s4 =	sshll.u32 s6, $0x9  }
0x25e: {  	s4 =	sshra.s32 s4, $0x2  }
0x25f: {  	[tilespmem:s4+$0xF238] =	vst.add.f32.msk $0xffff, v0  }
0x260: {  	v0 =	vld [tilespmem:s0+$0xF248];
	_ =	sdelay $0x4  }
0x261: {  	[tilespmem:s4+$0xF248] =	vst.add.f32.msk $0xffff, v0  }
0x262: {  	v0 =	vld [tilespmem:s0+$0xF258];
	_ =	sdelay $0x4  }
0x263: {  	[tilespmem:s4+$0xF258] =	vst.add.f32.msk $0xffff, v0  }
0x264: {  	v0 =	vld [tilespmem:s0+$0xF268];
	_ =	sdelay $0x4  }
0x265: {  	[tilespmem:s4+$0xF268] =	vst.add.f32.msk $0xffff, v0  }
0x266: {  	v0 =	vld [tilespmem:s0+$0xF278];
	_ =	sdelay $0x4  }
0x267: {  	[tilespmem:s4+$0xF278] =	vst.add.f32.msk $0xffff, v0  }
0x268: {  	v0 =	vld [tilespmem:s0+$0xF288];
	_ =	sdelay $0x4  }
0x269: {  	[tilespmem:s4+$0xF288] =	vst.add.f32.msk $0xffff, v0  }
0x26a: {  	v0 =	vld [tilespmem:s0+$0xF298];
	_ =	sdelay $0x4  }
0x26b: {  	[tilespmem:s4+$0xF298] =	vst.add.f32.msk $0xffff, v0  }
0x26c: {  	v0 =	vld [tilespmem:s0+$0xF2A8]  }
.Ltmp38:
0x26d: {  	_ = 	snop;
	(pc) =	sbr.rel .LBB2_48-.Ltmp38, $2  }
0x26e: {  	_ =	sdelay $0x2  }
0x26f: {  	[tilespmem:s4+$0xF2A8] =	vst.add.f32.msk $0xffff, v0  }
.LBB2_49:
0x270: {  	p1 =	slt.s32 s2, $0x1  }
.Ltmp39:
0x271: {  	_ = 	snop;
	(pc) =	sbr.rel @p1 .LBB2_53-.Ltmp39, $3  }
0x272: {  	_ =	sdelay $0x1  }
0x273: {  	s0 =	simm.s32 $0x8  }
0x274: {  	s3 =	simm.s32 $0x0;
	[sflag:s0] =	ssyncpa.u1 $0x1  }
0x275: {  	s0 =	simm.s32 $0xF218  }
0x276: {  	v0 =	vld.msk [tilespmem:s0+$0x0], $0x1;
	_ =	sdelay $0x4  }
0x277: {  	(v2sf) =	vpush v0, $0x0;
	_ =	sdelay $0xe  }
0x278: {  	s0 =	sadd.s32 $0xFFFFFFFF, s2;
	s5 =	spop (v2sf)  }
0x279: {  	p2 =	sne.s32 s0, $0x0;
	p1 =	sgt.u32 s5, $0x270FF0  }
.Ltmp40:
0x27a: {  	s6 =	sand.u32 @!p1 $0x3FFFF8, s5;
	(pc) =	sbr.rel @!p2 .LBB2_52-.Ltmp40, $4  }
0x27b: {  	s4 =	simm.s32 $0xF238;
	s5 =	sand.u32 @!p1 $0x7, s5;
	s2 =	sadd.s32 @!p1 s1, s6  }
0x27c: {  	[hbm4b:s2+s5] =	stream.linear.scatter @!p1 [tilespmem:s4], [sflag:$0x7], $0x80, $0x38;
	[tilespmem:$0x1F6F8] =	vst v63  }
0x27d: {  	s5 =	simm.s32 $0x0  }
0x27e: {  	s2 =	simm.s32 $0xF219;
	s5 =	simm.s32 @!p1 $0x200  }
.LBB2_51:
0x27f: {  	v0 =	vld.msk [tilespmem:s2+$0x0], $0x1;
	s0 =	sadd.s32 $0xFFFFFFFF, s0;
	s3 =	sadd.s32 s3, s5  }
0x280: {  	p1 =	sne.s32 s0, $0x0;
	_ =	sdelay $0x3  }
0x281: {  	(v2sf) =	vpush v0, $0x0;
	_ =	sdelay $0xe  }
.Ltmp41:
0x282: {  	s6 =	spop (v2sf);
	(pc) =	sbr.rel @p1 .LBB2_51-.Ltmp41, $4  }
0x283: {  	s5 =	simm.s32 $0x0;
	p2 =	sgt.u32 s6, $0x270FF0  }
0x284: {  	s4 =	sadd.s32 $0x80, s4;
	s5 =	simm.s32 @!p2 $0x200;
	s7 =	sand.u32 @!p2 $0x3FFFF8, s6  }
0x285: {  	s2 =	sadd.s32 $0x1, s2;
	s6 =	sand.u32 @!p2 $0x7, s6;
	s7 =	sadd.s32 @!p2 s1, s7  }
0x286: {  	[hbm4b:s7+s6] =	stream.linear.scatter @!p2 [tilespmem:s4], [sflag:$0x7], $0x80, $0x38;
	[tilespmem:$0x1F6F8] =	vst v63  }
.LBB2_52:
0x287: {  	s0 =	sadd.s32 s3, s5  }
0x288: {  	s3 =	sshrl.u32 s0, $0x2  }
.LBB2_53:
0x289: {  	s0 =	simm.s32 $0x7  }
0x28a: {  	_ =	swait.ge [sflag:s0], s3  }
0x28b: {  	s1 =	ssub.s32 $0x0, s3;
	[sflag:s0] =	ssyncset.done $0x0  }
0x28c: {  	[sflag:s0] =	ssyncadd.s32 s1  }
0x28d: {  	[sflag:s0] =	ssyncpa.u1 $0x1  }
.LBB2_54:
0x28e: {  	_ =	sfence;
	s0 =	simm.s32 $0x1  }
0x28f: {  	[sflag:s0] =	ssyncpa.u1 $0x1  }
0x290: {  	_ =	strace $0x9000004D  }
0x291: {  	[bflag:$0x2] =	sbarrier.arrive $0xFFFF  }
0x292: {  	s0 =	rddreg [dreg:$0x3]  }
0x293: {  	s0 =	sadd.s32 @!p0 $0x100000, s0  }
0x294: {  	[sflag:s0] =	ssyncadd.tile.s32 @!p0 $0x1;
	_ =	shalt  }
.Lfunc_end2:
_tile_overlayer_lowered:
.L_overlay_start_2:
0x295: {  	(tag) =	ssettag $0x2  }
0x296: {  	s0 =	rddreg [dreg:$0x0];
	s2 =	stileid.u32  }
0x297: {  	s1 =	rddreg [dreg:$0x1];
	p0 =	sne.s32 s2, $0x0  }
0x298: {  	s3 =	rddreg [dreg:$0x2];
	[bflag:$0x3] =	sbarrier.arrive $0xFFFF;
	s2 =	simm.s32 @!p0 $0x1C01  }
0x299: {  	[timem:s3], [sflag:s2] =	dma.local @!p0 [hbm:s0], s1  }
0x29a: {  	s0 =	simm.s32 @!p0 $0x1  }
0x29b: {  	_ =	swait.ge @!p0 [sflag:s0], s1  }
0x29c: {  	s1 =	ssub.s32 @!p0 $0x0, s1;
	[sflag:s0] =	ssyncset.done @!p0 $0x0  }
0x29d: {  	[sflag:s0] =	ssyncadd.s32 @!p0 s1  }
0x29e: {  	[bflag:$0x3] =	sbarrier.arrive $0xFFFF  }
0x29f: {  	_ =	shalt  }

</sc_bundles>
